<compile_context>
chip_gen: v7x
topology: tpu7x:2x2x1
jax: 0.10.2.dev20260603
libtpu: 0.0.44.dev20260713+nightly
codegen_flags: <defaults>
</compile_context>

<pallas_src>
import functools

import jax
import jax.numpy as jnp
from jax import lax
from jax.experimental import pallas as pl
from jax.experimental.pallas import tpu as pltpu
from jax.experimental.pallas import tpu_sc as plsc

N = 10000
E = 160000
D = 256
H = 256
DE = 128
G = 8
DU = 128

NC = 2
NS = 16
NW = NC * NS
L = 16

N_PAD = 10240
E_PAD = 163840
EW = E // NW
EWP = E_PAD // NW
ET = E_PAD // NS


def _mesh():
    return plsc.VectorSubcoreMesh(core_axis_name="c", subcore_axis_name="s")


def _wid():
    return lax.axis_index("s") * NC + lax.axis_index("c")


def _tc_pre_body(x_ref, b_ref, wrc_ref, wu_ref, u_ref, be1_ref,
                 prow_ref, pcol_ref, xn_ref):
    x = x_ref[...]
    b = b_ref[0, 0, :]
    mask = (b[:, None] == lax.broadcasted_iota(jnp.int32, (x.shape[0], G), 1)
            ).astype(jnp.float32)
    u8 = jnp.dot(u_ref[...], wu_ref[...], preferred_element_type=jnp.float32)
    mm = jnp.dot(x, wrc_ref[...], preferred_element_type=jnp.float32)
    prow_ref[...] = mm[:, :H] + jnp.dot(mask, u8) + be1_ref[...]
    pcol_ref[...] = mm[:, H:]
    nx = jnp.sqrt(jnp.sum(x * x, axis=1, keepdims=True))
    xn_ref[...] = x / jnp.maximum(nx, 1e-20)


def _tc_pre(x, batch3, W_rc, W_u, u, be1):
    nb = 10
    blk = N // nb
    return pl.pallas_call(
        _tc_pre_body,
        grid=(nb,),
        in_specs=[
            pl.BlockSpec((blk, D), lambda i: (i, 0)),
            pl.BlockSpec((1, 1, blk), lambda i: (i, 0, 0)),
            pl.BlockSpec((D, 2 * H), lambda i: (0, 0)),
            pl.BlockSpec((DU, H), lambda i: (0, 0)),
            pl.BlockSpec((G, DU), lambda i: (0, 0)),
            pl.BlockSpec((1, H), lambda i: (0, 0)),
        ],
        out_specs=[
            pl.BlockSpec((blk, H), lambda i: (i, 0)),
            pl.BlockSpec((blk, H), lambda i: (i, 0)),
            pl.BlockSpec((blk, D), lambda i: (i, 0)),
        ],
        out_shape=[
            jax.ShapeDtypeStruct((N, H), jnp.float32),
            jax.ShapeDtypeStruct((N, H), jnp.float32),
            jax.ShapeDtypeStruct((N, D), jnp.float32),
        ],
    )(x, batch3, W_rc, W_u, u, be1)


def _sc_edge_combine(P_row, P_col, row, col):
    C = 200
    K = EW // C

    @functools.partial(
        pl.kernel,
        out_type=jax.ShapeDtypeStruct((E, H), jnp.float32),
        mesh=_mesh(),
        compiler_params=pltpu.CompilerParams(needs_layout_passes=False),
        scratch_types=[
            pltpu.VMEM((C,), jnp.int32),
            pltpu.VMEM((C,), jnp.int32),
            pltpu.VMEM((C, H), jnp.float32),
            pltpu.VMEM((C, H), jnp.float32),
            pltpu.SemaphoreType.DMA,
            pltpu.SemaphoreType.DMA,
        ],
    )
    def k(prow_hbm, pcol_hbm, row_hbm, col_hbm, out_hbm,
          ia_v, ib_v, ba_v, bb_v, sem1, sem2):
        w = _wid()

        def chunk(kk, _):
            base = w * EW + kk * C
            pltpu.sync_copy(row_hbm.at[pl.ds(base, C)], ia_v)
            pltpu.sync_copy(col_hbm.at[pl.ds(base, C)], ib_v)
            cp1 = pltpu.async_copy(prow_hbm.at[ia_v], ba_v, sem1)
            cp2 = pltpu.async_copy(pcol_hbm.at[ib_v], bb_v, sem2)
            cp1.wait()
            cp2.wait()

            def addrow(r, _):
                for c in range(H // L):
                    ba_v[r, pl.ds(c * L, L)] = (
                        ba_v[r, pl.ds(c * L, L)] + bb_v[r, pl.ds(c * L, L)])
                return 0

            lax.fori_loop(0, C, addrow, 0)
            pltpu.sync_copy(ba_v, out_hbm.at[pl.ds(base, C)])
            return 0

        lax.fori_loop(0, K, chunk, 0)

    return k(P_row, P_col, row, col)


def _tc_edge_mlp_body(ge_ref, ea_ref, wa_ref, we2_ref, be2_ref, out_ref):
    h = jax.nn.relu(
        ge_ref[...]
        + jnp.dot(ea_ref[...], wa_ref[...], preferred_element_type=jnp.float32))
    out_ref[...] = (
        jnp.dot(h, we2_ref[...], preferred_element_type=jnp.float32)
        + be2_ref[...])


def _tc_edge_mlp(G_e, edge_attr, W_attr, We2, be2):
    nb = 160
    blk = E // nb
    return pl.pallas_call(
        _tc_edge_mlp_body,
        grid=(nb,),
        in_specs=[
            pl.BlockSpec((blk, H), lambda i: (i, 0)),
            pl.BlockSpec((blk, 16), lambda i: (i, 0)),
            pl.BlockSpec((16, H), lambda i: (0, 0)),
            pl.BlockSpec((H, DE), lambda i: (0, 0)),
            pl.BlockSpec((1, DE), lambda i: (0, 0)),
        ],
        out_specs=pl.BlockSpec((blk, DE), lambda i: (i, 0)),
        out_shape=jax.ShapeDtypeStruct((E, DE), jnp.float32),
    )(G_e, edge_attr, W_attr, We2, be2)


def _sc_gather_pairs(xn, xsrc, dst, src):
    C = 200
    K = EW // C

    @functools.partial(
        pl.kernel,
        out_type=[
            jax.ShapeDtypeStruct((E, D), jnp.float32),
            jax.ShapeDtypeStruct((E, D), jnp.float32),
        ],
        mesh=_mesh(),
        compiler_params=pltpu.CompilerParams(needs_layout_passes=False),
        scratch_types=[
            pltpu.VMEM((C,), jnp.int32),
            pltpu.VMEM((C,), jnp.int32),
            pltpu.VMEM((C, D), jnp.float32),
            pltpu.VMEM((C, D), jnp.float32),
            pltpu.SemaphoreType.DMA,
            pltpu.SemaphoreType.DMA,
        ],
    )
    def k(xn_hbm, xsrc_hbm, dst_hbm, src_hbm,
          xd_hbm, xs_hbm, id_v, is_v, bd_v, bs_v, sem1, sem2):
        w = _wid()

        def chunk(kk, _):
            base = w * EW + kk * C
            pltpu.sync_copy(dst_hbm.at[pl.ds(base, C)], id_v)
            pltpu.sync_copy(src_hbm.at[pl.ds(base, C)], is_v)
            cp1 = pltpu.async_copy(xn_hbm.at[id_v], bd_v, sem1)
            cp2 = pltpu.async_copy(xsrc_hbm.at[is_v], bs_v, sem2)
            cp1.wait()
            cp2.wait()
            pltpu.sync_copy(bd_v, xd_hbm.at[pl.ds(base, C)])
            pltpu.sync_copy(bs_v, xs_hbm.at[pl.ds(base, C)])
            return 0

        lax.fori_loop(0, K, chunk, 0)

    return k(xn, xsrc, dst, src)


def _tc_cos_ex_body(xd_ref, xs_ref, ex_ref, s_ref):
    xs = xs_ref[...]
    ns = jnp.sqrt(jnp.sum(xs * xs, axis=1))
    c = jnp.sum(xd_ref[...] * xs, axis=1) / jnp.maximum(ns, 1e-20)
    ex = jnp.exp(c - 1.0)
    ex_ref[0, 0, :] = ex
    s_ref[0] = ex[:, None] * xs[:, :DE]
    s_ref[1] = ex[:, None] * xs[:, DE:]


def _tc_cos_ex(XD, XS):
    nb = 160
    blk = E // nb
    return pl.pallas_call(
        _tc_cos_ex_body,
        grid=(nb,),
        in_specs=[
            pl.BlockSpec((blk, D), lambda i: (i, 0)),
            pl.BlockSpec((blk, D), lambda i: (i, 0)),
        ],
        out_specs=[
            pl.BlockSpec((1, 1, blk), lambda i: (i, 0, 0)),
            pl.BlockSpec((NC, blk, DE), lambda i: (0, i, 0)),
        ],
        out_shape=[
            jax.ShapeDtypeStruct((nb, 1, blk), jnp.float32),
            jax.ShapeDtypeStruct((NC, E, DE), jnp.float32),
        ],
    )(XD, XS)


def _sc_den_scatter(ex, dst):
    C = 200
    ECORE = E // NC
    ETILE = ECORE // NS
    K = ETILE // C
    STRIPE = N_PAD // NS

    @functools.partial(
        pl.kernel,
        out_type=jax.ShapeDtypeStruct((NC, NS, STRIPE), jnp.float32),
        mesh=_mesh(),
        compiler_params=pltpu.CompilerParams(needs_layout_passes=False),
        scratch_types=[
            pltpu.VMEM((C,), jnp.int32),
            pltpu.VMEM((C,), jnp.float32),
            pltpu.VMEM((STRIPE,), jnp.float32),
            pltpu.VMEM_SHARED((N_PAD,), jnp.float32),
        ],
    )
    def k(ex_hbm, dst_hbm, den_hbm, id_v, ev_v, z_v, den_sh):
        cid = lax.axis_index("c")
        sid = lax.axis_index("s")

        def zloop(i, _):
            z_v[pl.ds(i * L, L)] = jnp.zeros((L,), jnp.float32)
            return 0

        lax.fori_loop(0, STRIPE // L, zloop, 0)
        pltpu.sync_copy(z_v, den_sh.at[pl.ds(sid * STRIPE, STRIPE)])
        plsc.subcore_barrier()

        def chunk(kk, _):
            base = cid * ECORE + sid * ETILE + kk * C
            pltpu.sync_copy(dst_hbm.at[pl.ds(base, C)], id_v)
            pltpu.sync_copy(ex_hbm.at[pl.ds(base, C)], ev_v)
            pltpu.sync_copy(ev_v, den_sh.at[id_v], add=True)
            return 0

        lax.fori_loop(0, K, chunk, 0)
        plsc.subcore_barrier()
        pltpu.sync_copy(den_sh.at[pl.ds(sid * STRIPE, STRIPE)],
                        den_hbm.at[cid, sid])

    return k(ex, dst)


def _tc_denom_merge_body(d_ref, out_ref):
    out_ref[...] = d_ref[0] + d_ref[1] + 1e-16


def _tc_denom_merge(den_part):
    d3 = den_part.reshape(NC, 8, N_PAD // 8)
    return pl.pallas_call(
        _tc_denom_merge_body,
        grid=(1,),
        in_specs=[pl.BlockSpec((NC, 8, N_PAD // 8), lambda i: (0, 0, 0))],
        out_specs=pl.BlockSpec((8, N_PAD // 8), lambda i: (0, 0)),
        out_shape=jax.ShapeDtypeStruct((8, N_PAD // 8), jnp.float32),
    )(d3)


def _sc_a_scatter(S_stk, dst):
    C = 200
    ETILE = E // NS
    K = ETILE // C
    ZC = 128
    SROWS = N_PAD // NS

    @functools.partial(
        pl.kernel,
        out_type=jax.ShapeDtypeStruct((NC, N_PAD, DE), jnp.float32),
        mesh=_mesh(),
        compiler_params=pltpu.CompilerParams(needs_layout_passes=False),
        scratch_types=[
            pltpu.VMEM((C,), jnp.int32),
            pltpu.VMEM((C, DE), jnp.float32),
            pltpu.VMEM_SHARED((N_PAD, DE), jnp.float32),
        ],
    )
    def k(s_hbm, dst_hbm, out_hbm, id_v, rows_v, acc_sh):
        cid = lax.axis_index("c")
        sid = lax.axis_index("s")

        def zrow(r, _):
            for c in range(DE // L):
                rows_v[r, pl.ds(c * L, L)] = jnp.zeros((L,), jnp.float32)
            return 0

        lax.fori_loop(0, ZC, zrow, 0)
        for p in range(SROWS // ZC):
            pltpu.sync_copy(rows_v.at[pl.ds(0, ZC)],
                            acc_sh.at[pl.ds(sid * SROWS + p * ZC, ZC)])
        plsc.subcore_barrier()

        def chunk(kk, _):
            base = sid * ETILE + kk * C
            pltpu.sync_copy(dst_hbm.at[pl.ds(base, C)], id_v)
            pltpu.sync_copy(s_hbm.at[cid, pl.ds(base, C)], rows_v)
            pltpu.sync_copy(rows_v, acc_sh.at[id_v], add=True)
            return 0

        lax.fori_loop(0, K, chunk, 0)
        plsc.subcore_barrier()
        for p in range(SROWS // ZC):
            r0 = sid * SROWS + p * ZC
            pltpu.sync_copy(acc_sh.at[pl.ds(r0, ZC)],
                            out_hbm.at[cid, pl.ds(r0, ZC)])

    return k(S_stk, dst)


def _sc_agg_scatter(edge_attr_new, col):
    C = 200
    ECORE = E // NC
    ETILE = ECORE // NS
    K = ETILE // C
    ZC = 128
    SROWS = N_PAD // NS

    @functools.partial(
        pl.kernel,
        out_type=jax.ShapeDtypeStruct((NC, N_PAD, DE), jnp.float32),
        mesh=_mesh(),
        compiler_params=pltpu.CompilerParams(needs_layout_passes=False),
        scratch_types=[
            pltpu.VMEM((C,), jnp.int32),
            pltpu.VMEM((C, DE), jnp.float32),
            pltpu.VMEM_SHARED((N_PAD, DE), jnp.float32),
        ],
    )
    def k(ea_hbm, col_hbm, out_hbm, ic_v, rows_v, acc_sh):
        cid = lax.axis_index("c")
        sid = lax.axis_index("s")

        def zrow(r, _):
            for c in range(DE // L):
                rows_v[r, pl.ds(c * L, L)] = jnp.zeros((L,), jnp.float32)
            return 0

        lax.fori_loop(0, ZC, zrow, 0)
        for p in range(SROWS // ZC):
            pltpu.sync_copy(rows_v.at[pl.ds(0, ZC)],
                            acc_sh.at[pl.ds(sid * SROWS + p * ZC, ZC)])
        plsc.subcore_barrier()

        def chunk(kk, _):
            base = cid * ECORE + sid * ETILE + kk * C
            pltpu.sync_copy(col_hbm.at[pl.ds(base, C)], ic_v)
            pltpu.sync_copy(ea_hbm.at[pl.ds(base, C)], rows_v)
            pltpu.sync_copy(rows_v, acc_sh.at[ic_v], add=True)
            return 0

        lax.fori_loop(0, K, chunk, 0)
        plsc.subcore_barrier()
        for p in range(SROWS // ZC):
            r0 = sid * SROWS + p * ZC
            pltpu.sync_copy(acc_sh.at[pl.ds(r0, ZC)],
                            out_hbm.at[cid, pl.ds(r0, ZC)])

    return k(edge_attr_new, col)


def _tc_node_body(x_ref, alo_ref, ahi_ref, p0_ref, p1_ref, den_ref, b_ref,
                  ax_ref, aal_ref, aah_ref, aagg_ref, au_ref, u_ref, bn1_ref,
                  wn2_ref, bn2_ref, wg1u_ref, wg1m_ref, bg1_ref,
                  wg2_ref, bg2_ref, xnew_ref, unew_ref, sum_ref, cnt_ref):
    i = pl.program_id(0)
    x = x_ref[...]
    rden = 1.0 / den_ref[0, 0, :]
    alo = alo_ref[0] * rden[:, None]
    ahi = ahi_ref[0] * rden[:, None]
    p0 = p0_ref[0]
    p1 = p1_ref[0]
    b = b_ref[0, 0, :]
    mask = (b[:, None] == lax.broadcasted_iota(jnp.int32, (x.shape[0], G), 1)
            ).astype(jnp.float32)
    ua8 = jnp.dot(u_ref[...], au_ref[...], preferred_element_type=jnp.float32)
    pre = (jnp.dot(x, ax_ref[...], preferred_element_type=jnp.float32)
           + jnp.dot(alo, aal_ref[...],
                     preferred_element_type=jnp.float32)
           + jnp.dot(ahi, aah_ref[...],
                     preferred_element_type=jnp.float32)
           + jnp.dot(p0 + p1, aagg_ref[...],
                     preferred_element_type=jnp.float32)
           + jnp.dot(mask, ua8) + bn1_ref[...])
    n_h = jax.nn.relu(pre)
    x_new = (jnp.dot(n_h, wn2_ref[...], preferred_element_type=jnp.float32)
             + bn2_ref[...])
    xnew_ref[...] = x_new

    @pl.when(i == 0)
    def _():
        sum_ref[...] = jnp.zeros_like(sum_ref)
        cnt_ref[...] = jnp.zeros_like(cnt_ref)

    sum_ref[...] += lax.dot_general(
        mask, x_new, (((0,), (0,)), ((), ())),
        preferred_element_type=jnp.float32)
    cnt_ref[...] += jnp.broadcast_to(
        jnp.sum(mask, axis=0)[:, None], cnt_ref.shape)

    @pl.when(i == pl.num_programs(0) - 1)
    def _():
        counts = jnp.clip(cnt_ref[:, :1], 1.0, None)
        mean_x = sum_ref[...] / counts
        g_h = jax.nn.relu(
            jnp.dot(u_ref[...], wg1u_ref[...],
                    preferred_element_type=jnp.float32)
            + jnp.dot(mean_x, wg1m_ref[...],
                      preferred_element_type=jnp.float32)
            + bg1_ref[...])
        unew_ref[...] = (
            jnp.dot(g_h, wg2_ref[...], preferred_element_type=jnp.float32)
            + bg2_ref[...])


def _tc_node_global(x, a_halves, agg_part, den3, batch3, A_x, A_a_lo, A_a_hi,
                    A_agg, A_u, u, bn1, Wn2, bn2, Wg1u, Wg1m, bg1, Wg2, bg2):
    nb = 10
    blk = N // nb
    full = lambda shape: pl.BlockSpec(shape, lambda i: tuple(0 for _ in shape))
    return pl.pallas_call(
        _tc_node_body,
        grid=(nb,),
        in_specs=[
            pl.BlockSpec((blk, D), lambda i: (i, 0)),
            pl.BlockSpec((1, blk, DE), lambda i: (0, i, 0)),
            pl.BlockSpec((1, blk, DE), lambda i: (1, i, 0)),
            pl.BlockSpec((1, blk, DE), lambda i: (0, i, 0)),
            pl.BlockSpec((1, blk, DE), lambda i: (1, i, 0)),
            pl.BlockSpec((1, 1, blk), lambda i: (i, 0, 0)),
            pl.BlockSpec((1, 1, blk), lambda i: (i, 0, 0)),
            full((D, H)), full((DE, H)), full((DE, H)), full((DE, H)),
            full((DU, H)), full((G, DU)), full((1, H)),
            full((H, D)), full((1, D)),
            full((DU, H)), full((D, H)), full((1, H)),
            full((H, DU)), full((1, DU)),
        ],
        out_specs=[
            pl.BlockSpec((blk, D), lambda i: (i, 0)),
            pl.BlockSpec((G, DU), lambda i: (0, 0)),
        ],
        out_shape=[
            jax.ShapeDtypeStruct((N, D), jnp.float32),
            jax.ShapeDtypeStruct((G, DU), jnp.float32),
        ],
        scratch_shapes=[
            pltpu.VMEM((G, D), jnp.float32),
            pltpu.VMEM((G, DE), jnp.float32),
        ],
    )(x, a_halves, a_halves, agg_part, agg_part, den3, batch3, A_x, A_a_lo,
      A_a_hi, A_agg, A_u, u, bn1, Wn2, bn2, Wg1u, Wg1m, bg1, Wg2, bg2)


def kernel(x, x_src, edge_index, cg_edge_index, edge_attr, u, batch,
           batch_src, We1, be1, We2, be2, Wn1, bn1, Wn2, bn2,
           Wg1, bg1, Wg2, bg2):
    row = edge_index[0]
    col = edge_index[1]
    src = cg_edge_index[0]
    dst = cg_edge_index[1]
    batch3 = batch.reshape(10, 1, N // 10)

    W_rc = jnp.concatenate([We1[:D], We1[D:2 * D]], axis=1)
    W_attr = We1[2 * D:2 * D + 16]
    W_u = We1[2 * D + 16:]
    A_x = Wn1[:D]
    A_a_lo = Wn1[D:D + DE]
    A_a_hi = Wn1[D + DE:2 * D]
    A_agg = Wn1[2 * D:2 * D + DE]
    A_u = Wn1[2 * D + DE:]
    Wg1u = Wg1[:DU]
    Wg1m = Wg1[DU:]

    P_row, P_col, xn = _tc_pre(
        x, batch3, W_rc, W_u, u, be1.reshape(1, H))

    G_e = _sc_edge_combine(P_row, P_col, row, col)
    edge_attr_new = _tc_edge_mlp(
        G_e, edge_attr, W_attr, We2, be2.reshape(1, DE))

    XD, XS = _sc_gather_pairs(xn, x_src, dst, src)
    ex3, S_stk = _tc_cos_ex(XD, XS)
    den_part = _sc_den_scatter(ex3.reshape(E), dst)
    den = _tc_denom_merge(den_part).reshape(N_PAD)
    a_halves = _sc_a_scatter(S_stk, dst)
    den3 = den[:N].reshape(10, 1, N // 10)

    agg_part = _sc_agg_scatter(edge_attr_new, col)

    x_new, u_new = _tc_node_global(
        x, a_halves, agg_part, den3, batch3,
        A_x, A_a_lo, A_a_hi, A_agg, A_u, u, bn1.reshape(1, H), Wn2,
        bn2.reshape(1, D), Wg1u, Wg1m, bg1.reshape(1, H), Wg2,
        bg2.reshape(1, DU))

    return (x_new, edge_attr_new, u_new)

# --- scband reference (transcript-rebuilt; emitter-appended) ---
"""Pipeline reference for scband-cosine-attention-layer-24472723652627 (READ-ONLY COPY).

The authoritative reference and input builder live on the scoring server;
editing this copy changes nothing except your own understanding.
"""

import jax, jax.numpy as jnp
import numpy as np

N = 10000
N_SRC = 10000
E = 160000
E_CG = 160000
D = 256
D_EDGE_IN = 16
D_EDGE_OUT = 128
D_U = 128
G = 8
H = 256


def _glorot(key, shape):
    return jax.random.normal(key, shape, dtype=jnp.float32) / jnp.sqrt(shape[0])


def setup_inputs(seed: int = 0):
    key = jax.random.key(seed)
    ks = jax.random.split(key, 20)
    x = jax.random.normal(ks[0], (N, D), dtype=jnp.float32)
    x_src = jax.random.normal(ks[1], (N_SRC, D), dtype=jnp.float32)
    edge_index = jax.random.randint(ks[2], (2, E), 0, N)
    cg_edge_index = jax.random.randint(ks[3], (2, E_CG), 0, N)
    edge_attr = jax.random.normal(ks[4], (E, D_EDGE_IN), dtype=jnp.float32)
    u = jax.random.normal(ks[5], (G, D_U), dtype=jnp.float32)
    batch = jnp.sort(jax.random.randint(ks[6], (N,), 0, G))
    batch_src = jnp.sort(jax.random.randint(ks[7], (N_SRC,), 0, G))
    We1 = _glorot(ks[8], (2 * D + D_EDGE_IN + D_U, H))
    be1 = jnp.zeros((H,), dtype=jnp.float32)
    We2 = _glorot(ks[9], (H, D_EDGE_OUT))
    be2 = jnp.zeros((D_EDGE_OUT,), dtype=jnp.float32)
    Wn1 = _glorot(ks[10], (2 * D + D_EDGE_OUT + D_U, H))
    bn1 = jnp.zeros((H,), dtype=jnp.float32)
    Wn2 = _glorot(ks[11], (H, D))
    bn2 = jnp.zeros((D,), dtype=jnp.float32)
    Wg1 = _glorot(ks[12], (D_U + D, H))
    bg1 = jnp.zeros((H,), dtype=jnp.float32)
    Wg2 = _glorot(ks[13], (H, D_U))
    bg2 = jnp.zeros((D_U,), dtype=jnp.float32)
    return {
        'x': x, 'x_src': x_src, 'edge_index': edge_index,
        'cg_edge_index': cg_edge_index, 'edge_attr': edge_attr, 'u': u,
        'batch': batch, 'batch_src': batch_src,
        'We1': We1, 'be1': be1, 'We2': We2, 'be2': be2,
        'Wn1': Wn1, 'bn1': bn1, 'Wn2': Wn2, 'bn2': bn2,
        'Wg1': Wg1, 'bg1': bg1, 'Wg2': Wg2, 'bg2': bg2,
    }


def reference(x, x_src, edge_index, cg_edge_index, edge_attr, u, batch,
              batch_src, We1, be1, We2, be2, Wn1, bn1, Wn2, bn2,
              Wg1, bg1, Wg2, bg2):
    row, col = edge_index[0], edge_index[1]
    # edge model: MLP over [x[row], x[col], edge_attr, u[batch[row]]]
    e_in = jnp.concatenate([x[row], x[col], edge_attr, u[batch[row]]], axis=-1)
    e_h = jax.nn.relu(e_in @ We1 + be1)
    edge_attr_new = e_h @ We2 + be2
    # attention function: cosine similarity + segment softmax over cross-graph edges
    src, dst = cg_edge_index[0], cg_edge_index[1]
    xd = x[dst]
    xs = x_src[src]
    cos = jnp.sum(xd * xs, axis=-1) / (
        jnp.linalg.norm(xd, axis=-1) * jnp.linalg.norm(xs, axis=-1) + 1e-8)
    m = jax.ops.segment_max(cos, dst, num_segments=N)
    m = jnp.where(jnp.isfinite(m), m, 0.0)
    ex = jnp.exp(cos - m[dst])
    denom = jax.ops.segment_sum(ex, dst, num_segments=N)
    attn = ex / (denom[dst] + 1e-16)
    a = jax.ops.segment_sum(attn[:, None] * xs, dst, num_segments=N)
    # node model: scatter-add edge features to dst nodes, then MLP
    agg = jax.ops.segment_sum(edge_attr_new, col, num_segments=N)
    n_in = jnp.concatenate([x, a, agg, u[batch]], axis=-1)
    n_h = jax.nn.relu(n_in @ Wn1 + bn1)
    x_new = n_h @ Wn2 + bn2
    # global model: per-graph mean of node features, then MLP
    counts = jax.ops.segment_sum(jnp.ones((N,), dtype=jnp.float32), batch,
                                 num_segments=G)
    mean_x = jax.ops.segment_sum(x_new, batch, num_segments=G) / \
        jnp.clip(counts, 1.0)[:, None]
    g_in = jnp.concatenate([u, mean_x], axis=-1)
    g_h = jax.nn.relu(g_in @ Wg1 + bg1)
    u_new = g_h @ Wg2 + bg2
    return (x_new, edge_attr_new, u_new)

if __name__ == "__main__":
    import jax
    _d = setup_inputs()
    print(jax.jit(kernel)(*tuple(_d.values())))

</pallas_src>

<mosaic_0001>
#map = affine_map<(d0, d1) -> (0, 0)>
#map1 = affine_map<(d0, d1) -> (0)>
module attributes {stable_mosaic.version = 14 : i64} {
  func.func @k(%arg0: i32, %arg1: i32, %arg2: memref<10000x256xf32, #tpu.memory_space<hbm>>, %arg3: memref<10000x256xf32, #tpu.memory_space<hbm>>, %arg4: memref<160000xi32, #tpu.memory_space<hbm>>, %arg5: memref<160000xi32, #tpu.memory_space<hbm>>, %arg6: memref<160000x256xf32, #tpu.memory_space<hbm>>, %arg7: memref<160000x256xf32, #tpu.memory_space<hbm>>, %arg8: memref<200xi32, #tpu.memory_space<vmem>>, %arg9: memref<200xi32, #tpu.memory_space<vmem>>, %arg10: memref<200x256xf32, #tpu.memory_space<vmem>>, %arg11: memref<200x256xf32, #tpu.memory_space<vmem>>, %arg12: memref<!tpu.dma_semaphore, #tpu.memory_space<semaphore_mem>>, %arg13: memref<!tpu.dma_semaphore, #tpu.memory_space<semaphore_mem>>) attributes {dimension_semantics = [#tpu.dimension_semantics<core_parallel>, #tpu.dimension_semantics<subcore_parallel>], iteration_bounds = array<i64: 2, 16>, scalar_prefetch = 0 : i64, scratch_operands = 6 : i64, tpu.core_type = #tpu.core_type<sc_vector_subcore>, window_params = [{transform_indices = #map}, {transform_indices = #map}, {transform_indices = #map1}, {transform_indices = #map1}, {transform_indices = #map}, {transform_indices = #map}]} {
    %mul3A = arith.constant 2 : i32
    %mul3A_0 = arith.muli %arg1, %mul3A : i32
    %add3A = arith.addi %mul3A_0, %arg0 : i32
    %scan3A = arith.constant 0 : i32
    %scan3A_1 = arith.constant 0 : i32
    %scan3A_2 = arith.constant 25 : i32
    %scan3A_3 = arith.addi %scan3A_1, %scan3A_2 : i32
    %scan3A_4 = arith.constant 1 : i32
    %scan3A_5 = scf.for %scan3A_7 = %scan3A_1 to %scan3A_3 step %scan3A_4 iter_args(%scan3A_8 = %scan3A) -> (i32)  : i32 {
      %mul3A_9 = arith.constant 5000 : i32
      %mul3A_10 = arith.muli %add3A, %mul3A_9 : i32
      %mul3A_11 = arith.constant 200 : i32
      %mul3A_12 = arith.muli %scan3A_7, %mul3A_11 : i32
      %add3A_13 = arith.addi %mul3A_10, %mul3A_12 : i32
      "tpu.region"() ({
        %run_scoped3A = tpu.sem_alloc : memref<!tpu.dma_semaphore, #tpu.memory_space<semaphore_mem>>
        %dma_start3A_25 = tpu.memref_slice %arg4[%add3A_13] : memref<160000xi32, #tpu.memory_space<hbm>> -> memref<200xi32, #tpu.memory_space<hbm>>
        %dma_start3A_26 = tpu.memref_slice %arg4[%add3A_13] : memref<160000xi32, #tpu.memory_space<hbm>> -> memref<200xi32, #tpu.memory_space<hbm>>
        tpu.enqueue_dma source(%dma_start3A_26 : memref<200xi32, #tpu.memory_space<hbm>>) target(%arg8 : memref<200xi32, #tpu.memory_space<vmem>>) target_semaphore(%run_scoped3A : memref<!tpu.dma_semaphore, #tpu.memory_space<semaphore_mem>>)
        %dma_wait3A_27 = tpu.memref_slice %arg4[%add3A_13] : memref<160000xi32, #tpu.memory_space<hbm>> -> memref<200xi32, #tpu.memory_space<hbm>>
        %dma_wait3A_28 = tpu.memref_slice %arg4[%add3A_13] : memref<160000xi32, #tpu.memory_space<hbm>> -> memref<200xi32, #tpu.memory_space<hbm>>
        tpu.wait_dma2 semaphore(%run_scoped3A : memref<!tpu.dma_semaphore, #tpu.memory_space<semaphore_mem>>) src(%dma_wait3A_28 : memref<200xi32, #tpu.memory_space<hbm>>) dst(%arg8 : memref<200xi32, #tpu.memory_space<vmem>>)
        tpu.yield
      }) : () -> ()
      "tpu.region"() ({
        %run_scoped3A = tpu.sem_alloc : memref<!tpu.dma_semaphore, #tpu.memory_space<semaphore_mem>>
        %dma_start3A_25 = tpu.memref_slice %arg5[%add3A_13] : memref<160000xi32, #tpu.memory_space<hbm>> -> memref<200xi32, #tpu.memory_space<hbm>>
        %dma_start3A_26 = tpu.memref_slice %arg5[%add3A_13] : memref<160000xi32, #tpu.memory_space<hbm>> -> memref<200xi32, #tpu.memory_space<hbm>>
        tpu.enqueue_dma source(%dma_start3A_26 : memref<200xi32, #tpu.memory_space<hbm>>) target(%arg9 : memref<200xi32, #tpu.memory_space<vmem>>) target_semaphore(%run_scoped3A : memref<!tpu.dma_semaphore, #tpu.memory_space<semaphore_mem>>)
        %dma_wait3A_27 = tpu.memref_slice %arg5[%add3A_13] : memref<160000xi32, #tpu.memory_space<hbm>> -> memref<200xi32, #tpu.memory_space<hbm>>
        %dma_wait3A_28 = tpu.memref_slice %arg5[%add3A_13] : memref<160000xi32, #tpu.memory_space<hbm>> -> memref<200xi32, #tpu.memory_space<hbm>>
        tpu.wait_dma2 semaphore(%run_scoped3A : memref<!tpu.dma_semaphore, #tpu.memory_space<semaphore_mem>>) src(%dma_wait3A_28 : memref<200xi32, #tpu.memory_space<hbm>>) dst(%arg9 : memref<200xi32, #tpu.memory_space<vmem>>)
        tpu.yield
      }) : () -> ()
      %dma_start3A = arith.constant 0 : i32
      %dma_start3A_14 = arith.constant 0 : i32
      %dma_start3A_15 = tpu.memref_slice %arg2[%dma_start3A, %dma_start3A_14] : memref<10000x256xf32, #tpu.memory_space<hbm>> -> memref<10000x256xf32, #tpu.memory_space<hbm>>
      tpu.enqueue_indirect_dma source(%dma_start3A_15 : memref<10000x256xf32, #tpu.memory_space<hbm>>) target(%arg10 : memref<200x256xf32, #tpu.memory_space<vmem>>) offsets(%arg8 : memref<200xi32, #tpu.memory_space<vmem>>) semaphore(%arg12 : memref<!tpu.dma_semaphore, #tpu.memory_space<semaphore_mem>>)
      %dma_start3A_16 = arith.constant 0 : i32
      %dma_start3A_17 = arith.constant 0 : i32
      %dma_start3A_18 = tpu.memref_slice %arg3[%dma_start3A_16, %dma_start3A_17] : memref<10000x256xf32, #tpu.memory_space<hbm>> -> memref<10000x256xf32, #tpu.memory_space<hbm>>
      tpu.enqueue_indirect_dma source(%dma_start3A_18 : memref<10000x256xf32, #tpu.memory_space<hbm>>) target(%arg11 : memref<200x256xf32, #tpu.memory_space<vmem>>) offsets(%arg9 : memref<200xi32, #tpu.memory_space<vmem>>) semaphore(%arg13 : memref<!tpu.dma_semaphore, #tpu.memory_space<semaphore_mem>>)
      %dma_wait3A = arith.constant 0 : i32
      %dma_wait3A_19 = arith.constant 0 : i32
      %dma_wait3A_20 = tpu.memref_slice %arg2[%dma_wait3A, %dma_wait3A_19] : memref<10000x256xf32, #tpu.memory_space<hbm>> -> memref<10000x256xf32, #tpu.memory_space<hbm>>
      tpu.wait_indirect_dma semaphore(%arg12 : memref<!tpu.dma_semaphore, #tpu.memory_space<semaphore_mem>>) src(%dma_wait3A_20 : memref<10000x256xf32, #tpu.memory_space<hbm>>) dst(%arg10 : memref<200x256xf32, #tpu.memory_space<vmem>>)
      %dma_wait3A_21 = arith.constant 0 : i32
      %dma_wait3A_22 = arith.constant 0 : i32
      %dma_wait3A_23 = tpu.memref_slice %arg3[%dma_wait3A_21, %dma_wait3A_22] : memref<10000x256xf32, #tpu.memory_space<hbm>> -> memref<10000x256xf32, #tpu.memory_space<hbm>>
      tpu.wait_indirect_dma semaphore(%arg13 : memref<!tpu.dma_semaphore, #tpu.memory_space<semaphore_mem>>) src(%dma_wait3A_23 : memref<10000x256xf32, #tpu.memory_space<hbm>>) dst(%arg11 : memref<200x256xf32, #tpu.memory_space<vmem>>)
      "tpu.region"() ({
        %run_scoped3A = tpu.sem_alloc : memref<!tpu.dma_semaphore, #tpu.memory_space<semaphore_mem>>
        %dma_start3A_25 = arith.constant 0 : i32
        %dma_start3A_26 = tpu.memref_slice %arg6[%add3A_13, %dma_start3A_25] : memref<160000x256xf32, #tpu.memory_space<hbm>> -> memref<200x256xf32, #tpu.memory_space<hbm>>
        %dma_start3A_27 = arith.constant 0 : i32
        %dma_start3A_28 = tpu.memref_slice %arg6[%add3A_13, %dma_start3A_27] : memref<160000x256xf32, #tpu.memory_space<hbm>> -> memref<200x256xf32, #tpu.memory_space<hbm>>
        tpu.enqueue_dma source(%arg10 : memref<200x256xf32, #tpu.memory_space<vmem>>) target(%dma_start3A_28 : memref<200x256xf32, #tpu.memory_space<hbm>>) target_semaphore(%run_scoped3A : memref<!tpu.dma_semaphore, #tpu.memory_space<semaphore_mem>>)
        %dma_wait3A_29 = arith.constant 0 : i32
        %dma_wait3A_30 = tpu.memref_slice %arg6[%add3A_13, %dma_wait3A_29] : memref<160000x256xf32, #tpu.memory_space<hbm>> -> memref<200x256xf32, #tpu.memory_space<hbm>>
        %dma_wait3A_31 = arith.constant 0 : i32
        %dma_wait3A_32 = tpu.memref_slice %arg6[%add3A_13, %dma_wait3A_31] : memref<160000x256xf32, #tpu.memory_space<hbm>> -> memref<200x256xf32, #tpu.memory_space<hbm>>
        tpu.wait_dma2 semaphore(%run_scoped3A : memref<!tpu.dma_semaphore, #tpu.memory_space<semaphore_mem>>) src(%arg10 : memref<200x256xf32, #tpu.memory_space<vmem>>) dst(%dma_wait3A_32 : memref<200x256xf32, #tpu.memory_space<hbm>>)
        tpu.yield
      }) : () -> ()
      "tpu.region"() ({
        %run_scoped3A = tpu.sem_alloc : memref<!tpu.dma_semaphore, #tpu.memory_space<semaphore_mem>>
        %dma_start3A_25 = arith.constant 0 : i32
        %dma_start3A_26 = tpu.memref_slice %arg7[%add3A_13, %dma_start3A_25] : memref<160000x256xf32, #tpu.memory_space<hbm>> -> memref<200x256xf32, #tpu.memory_space<hbm>>
        %dma_start3A_27 = arith.constant 0 : i32
        %dma_start3A_28 = tpu.memref_slice %arg7[%add3A_13, %dma_start3A_27] : memref<160000x256xf32, #tpu.memory_space<hbm>> -> memref<200x256xf32, #tpu.memory_space<hbm>>
        tpu.enqueue_dma source(%arg11 : memref<200x256xf32, #tpu.memory_space<vmem>>) target(%dma_start3A_28 : memref<200x256xf32, #tpu.memory_space<hbm>>) target_semaphore(%run_scoped3A : memref<!tpu.dma_semaphore, #tpu.memory_space<semaphore_mem>>)
        %dma_wait3A_29 = arith.constant 0 : i32
        %dma_wait3A_30 = tpu.memref_slice %arg7[%add3A_13, %dma_wait3A_29] : memref<160000x256xf32, #tpu.memory_space<hbm>> -> memref<200x256xf32, #tpu.memory_space<hbm>>
        %dma_wait3A_31 = arith.constant 0 : i32
        %dma_wait3A_32 = tpu.memref_slice %arg7[%add3A_13, %dma_wait3A_31] : memref<160000x256xf32, #tpu.memory_space<hbm>> -> memref<200x256xf32, #tpu.memory_space<hbm>>
        tpu.wait_dma2 semaphore(%run_scoped3A : memref<!tpu.dma_semaphore, #tpu.memory_space<semaphore_mem>>) src(%arg11 : memref<200x256xf32, #tpu.memory_space<vmem>>) dst(%dma_wait3A_32 : memref<200x256xf32, #tpu.memory_space<hbm>>)
        tpu.yield
      }) : () -> ()
      %scan3A_24 = arith.constant 0 : i32
      scf.yield %scan3A_24 : i32
    }
    %scan3A_6 = arith.constant 25 : i32
    return
  }
}

#map = affine_map<(d0, d1) -> (0)>
#map1 = affine_map<(d0, d1) -> (0, 0, 0)>
module attributes {stable_mosaic.version = 14 : i64} {
  func.func @k(%arg0: i32, %arg1: i32, %arg2: memref<160000xf32, #tpu.memory_space<hbm>>, %arg3: memref<160000xi32, #tpu.memory_space<hbm>>, %arg4: memref<2x16x640xf32, #tpu.memory_space<hbm>>, %arg5: memref<200xi32, #tpu.memory_space<vmem>>, %arg6: memref<200xf32, #tpu.memory_space<vmem>>, %arg7: memref<640xf32, #tpu.memory_space<vmem>>, %arg8: memref<10240xf32, #tpu.memory_space<vmem_shared>>) attributes {dimension_semantics = [#tpu.dimension_semantics<core_parallel>, #tpu.dimension_semantics<subcore_parallel>], iteration_bounds = array<i64: 2, 16>, scalar_prefetch = 0 : i64, scratch_operands = 4 : i64, tpu.core_type = #tpu.core_type<sc_vector_subcore>, window_params = [{transform_indices = #map}, {transform_indices = #map}, {transform_indices = #map1}]} {
    %scan3A = arith.constant 0 : i32
    %scan3A_0 = arith.constant 0 : i32
    %scan3A_1 = arith.constant 40 : i32
    %scan3A_2 = arith.addi %scan3A_0, %scan3A_1 : i32
    %scan3A_3 = arith.constant 1 : i32
    %scan3A_4 = scf.for %scan3A_17 = %scan3A_0 to %scan3A_2 step %scan3A_3 iter_args(%scan3A_18 = %scan3A) -> (i32)  : i32 {
      %broadcast_in_dim3A = arith.constant 0.000000e+00 : f32
      %broadcast_in_dim3A_19 = vector.broadcast %broadcast_in_dim3A : f32 to vector<16xf32>
      %mul3A_20 = arith.constant 16 : i32
      %mul3A_21 = arith.muli %scan3A_17, %mul3A_20 : i32
      %swap3A = arith.index_cast %mul3A_21 : i32 to index
      %swap3A_22 = tpu.vector_load %arg7[%swap3A] {strides = array<i32>} : memref<640xf32, #tpu.memory_space<vmem>>, vector<16xf32>,
      tpu.vector_store %arg7[%swap3A], %broadcast_in_dim3A_19 {strides = array<i32>} : memref<640xf32, #tpu.memory_space<vmem>>, vector<16xf32>,
      %scan3A_23 = arith.constant 0 : i32
      scf.yield %scan3A_23 : i32
    }
    %scan3A_5 = arith.constant 40 : i32
    %mul3A = arith.constant 640 : i32
    %mul3A_6 = arith.muli %arg1, %mul3A : i32
    "tpu.region"() ({
      %run_scoped3A = tpu.sem_alloc : memref<!tpu.dma_semaphore, #tpu.memory_space<semaphore_mem>>
      %dma_start3A = tpu.memref_slice %arg8[%mul3A_6] : memref<10240xf32, #tpu.memory_space<vmem_shared>> -> memref<640xf32, #tpu.memory_space<vmem_shared>>
      %dma_start3A_17 = tpu.memref_slice %arg8[%mul3A_6] : memref<10240xf32, #tpu.memory_space<vmem_shared>> -> memref<640xf32, #tpu.memory_space<vmem_shared>>
      tpu.enqueue_dma source(%arg7 : memref<640xf32, #tpu.memory_space<vmem>>) target(%dma_start3A_17 : memref<640xf32, #tpu.memory_space<vmem_shared>>) target_semaphore(%run_scoped3A : memref<!tpu.dma_semaphore, #tpu.memory_space<semaphore_mem>>)
      %dma_wait3A = tpu.memref_slice %arg8[%mul3A_6] : memref<10240xf32, #tpu.memory_space<vmem_shared>> -> memref<640xf32, #tpu.memory_space<vmem_shared>>
      %dma_wait3A_18 = tpu.memref_slice %arg8[%mul3A_6] : memref<10240xf32, #tpu.memory_space<vmem_shared>> -> memref<640xf32, #tpu.memory_space<vmem_shared>>
      tpu.wait_dma2 semaphore(%run_scoped3A : memref<!tpu.dma_semaphore, #tpu.memory_space<semaphore_mem>>) src(%arg7 : memref<640xf32, #tpu.memory_space<vmem>>) dst(%dma_wait3A_18 : memref<640xf32, #tpu.memory_space<vmem_shared>>)
      tpu.yield
    }) : () -> ()
    %barrier3A = arith.constant 0 : index
    tpu.barrier barrier_id(%barrier3A)
    %scan3A_7 = arith.constant 0 : i32
    %scan3A_8 = arith.constant 0 : i32
    %scan3A_9 = arith.constant 25 : i32
    %scan3A_10 = arith.addi %scan3A_8, %scan3A_9 : i32
    %scan3A_11 = arith.constant 1 : i32
    %scan3A_12 = scf.for %scan3A_17 = %scan3A_8 to %scan3A_10 step %scan3A_11 iter_args(%scan3A_18 = %scan3A_7) -> (i32)  : i32 {
      %mul3A_19 = arith.constant 80000 : i32
      %mul3A_20 = arith.muli %arg0, %mul3A_19 : i32
      %mul3A_21 = arith.constant 5000 : i32
      %mul3A_22 = arith.muli %arg1, %mul3A_21 : i32
      %add3A = arith.addi %mul3A_20, %mul3A_22 : i32
      %mul3A_23 = arith.constant 200 : i32
      %mul3A_24 = arith.muli %scan3A_17, %mul3A_23 : i32
      %add3A_25 = arith.addi %add3A, %mul3A_24 : i32
      "tpu.region"() ({
        %run_scoped3A = tpu.sem_alloc : memref<!tpu.dma_semaphore, #tpu.memory_space<semaphore_mem>>
        %dma_start3A = tpu.memref_slice %arg3[%add3A_25] : memref<160000xi32, #tpu.memory_space<hbm>> -> memref<200xi32, #tpu.memory_space<hbm>>
        %dma_start3A_27 = tpu.memref_slice %arg3[%add3A_25] : memref<160000xi32, #tpu.memory_space<hbm>> -> memref<200xi32, #tpu.memory_space<hbm>>
        tpu.enqueue_dma source(%dma_start3A_27 : memref<200xi32, #tpu.memory_space<hbm>>) target(%arg5 : memref<200xi32, #tpu.memory_space<vmem>>) target_semaphore(%run_scoped3A : memref<!tpu.dma_semaphore, #tpu.memory_space<semaphore_mem>>)
        %dma_wait3A = tpu.memref_slice %arg3[%add3A_25] : memref<160000xi32, #tpu.memory_space<hbm>> -> memref<200xi32, #tpu.memory_space<hbm>>
        %dma_wait3A_28 = tpu.memref_slice %arg3[%add3A_25] : memref<160000xi32, #tpu.memory_space<hbm>> -> memref<200xi32, #tpu.memory_space<hbm>>
        tpu.wait_dma2 semaphore(%run_scoped3A : memref<!tpu.dma_semaphore, #tpu.memory_space<semaphore_mem>>) src(%dma_wait3A_28 : memref<200xi32, #tpu.memory_space<hbm>>) dst(%arg5 : memref<200xi32, #tpu.memory_space<vmem>>)
        tpu.yield
      }) : () -> ()
      "tpu.region"() ({
        %run_scoped3A = tpu.sem_alloc : memref<!tpu.dma_semaphore, #tpu.memory_space<semaphore_mem>>
        %dma_start3A = tpu.memref_slice %arg2[%add3A_25] : memref<160000xf32, #tpu.memory_space<hbm>> -> memref<200xf32, #tpu.memory_space<hbm>>
        %dma_start3A_27 = tpu.memref_slice %arg2[%add3A_25] : memref<160000xf32, #tpu.memory_space<hbm>> -> memref<200xf32, #tpu.memory_space<hbm>>
        tpu.enqueue_dma source(%dma_start3A_27 : memref<200xf32, #tpu.memory_space<hbm>>) target(%arg6 : memref<200xf32, #tpu.memory_space<vmem>>) target_semaphore(%run_scoped3A : memref<!tpu.dma_semaphore, #tpu.memory_space<semaphore_mem>>)
        %dma_wait3A = tpu.memref_slice %arg2[%add3A_25] : memref<160000xf32, #tpu.memory_space<hbm>> -> memref<200xf32, #tpu.memory_space<hbm>>
        %dma_wait3A_28 = tpu.memref_slice %arg2[%add3A_25] : memref<160000xf32, #tpu.memory_space<hbm>> -> memref<200xf32, #tpu.memory_space<hbm>>
        tpu.wait_dma2 semaphore(%run_scoped3A : memref<!tpu.dma_semaphore, #tpu.memory_space<semaphore_mem>>) src(%dma_wait3A_28 : memref<200xf32, #tpu.memory_space<hbm>>) dst(%arg6 : memref<200xf32, #tpu.memory_space<vmem>>)
        tpu.yield
      }) : () -> ()
      "tpu.region"() ({
        %run_scoped3A = tpu.sem_alloc : memref<!tpu.dma_semaphore, #tpu.memory_space<semaphore_mem>>
        %dma_start3A = arith.constant 0 : i32
        %dma_start3A_27 = tpu.memref_slice %arg8[%dma_start3A] : memref<10240xf32, #tpu.memory_space<vmem_shared>> -> memref<10240xf32, #tpu.memory_space<vmem_shared>>
        tpu.enqueue_indirect_dma source(%arg6 : memref<200xf32, #tpu.memory_space<vmem>>) target(%dma_start3A_27 : memref<10240xf32, #tpu.memory_space<vmem_shared>>) offsets(%arg5 : memref<200xi32, #tpu.memory_space<vmem>>) semaphore(%run_scoped3A : memref<!tpu.dma_semaphore, #tpu.memory_space<semaphore_mem>>) {add = true}
        %dma_wait3A = arith.constant 0 : i32
        %dma_wait3A_28 = tpu.memref_slice %arg8[%dma_wait3A] : memref<10240xf32, #tpu.memory_space<vmem_shared>> -> memref<10240xf32, #tpu.memory_space<vmem_shared>>
        tpu.wait_indirect_dma semaphore(%run_scoped3A : memref<!tpu.dma_semaphore, #tpu.memory_space<semaphore_mem>>) src(%arg6 : memref<200xf32, #tpu.memory_space<vmem>>) dst(%dma_wait3A_28 : memref<10240xf32, #tpu.memory_space<vmem_shared>>)
        tpu.yield
      }) : () -> ()
      %scan3A_26 = arith.constant 0 : i32
      scf.yield %scan3A_26 : i32
    }
    %scan3A_13 = arith.constant 25 : i32
    %barrier3A_14 = arith.constant 0 : index
    tpu.barrier barrier_id(%barrier3A_14)
    %mul3A_15 = arith.constant 640 : i32
    %mul3A_16 = arith.muli %arg1, %mul3A_15 : i32
    "tpu.region"() ({
      %run_scoped3A = tpu.sem_alloc : memref<!tpu.dma_semaphore, #tpu.memory_space<semaphore_mem>>
      %dma_start3A = arith.constant 0 : i32
      %dma_start3A_17 = tpu.memref_slice %arg4[%arg0, %arg1, %dma_start3A] : memref<2x16x640xf32, #tpu.memory_space<hbm>> -> memref<1x1x640xf32, #tpu.memory_space<hbm>>
      %dma_start3A_18 = tpu.memref_squeeze %dma_start3A_17 : memref<1x1x640xf32, #tpu.memory_space<hbm>> -> memref<640xf32, #tpu.memory_space<hbm>>
      %dma_start3A_19 = tpu.memref_slice %arg8[%mul3A_16] : memref<10240xf32, #tpu.memory_space<vmem_shared>> -> memref<640xf32, #tpu.memory_space<vmem_shared>>
      tpu.enqueue_dma source(%dma_start3A_19 : memref<640xf32, #tpu.memory_space<vmem_shared>>) target(%dma_start3A_18 : memref<640xf32, #tpu.memory_space<hbm>>) target_semaphore(%run_scoped3A : memref<!tpu.dma_semaphore, #tpu.memory_space<semaphore_mem>>)
      %dma_wait3A = arith.constant 0 : i32
      %dma_wait3A_20 = tpu.memref_slice %arg4[%arg0, %arg1, %dma_wait3A] : memref<2x16x640xf32, #tpu.memory_space<hbm>> -> memref<1x1x640xf32, #tpu.memory_space<hbm>>
      %dma_wait3A_21 = tpu.memref_squeeze %dma_wait3A_20 : memref<1x1x640xf32, #tpu.memory_space<hbm>> -> memref<640xf32, #tpu.memory_space<hbm>>
      %dma_wait3A_22 = tpu.memref_slice %arg8[%mul3A_16] : memref<10240xf32, #tpu.memory_space<vmem_shared>> -> memref<640xf32, #tpu.memory_space<vmem_shared>>
      tpu.wait_dma2 semaphore(%run_scoped3A : memref<!tpu.dma_semaphore, #tpu.memory_space<semaphore_mem>>) src(%dma_wait3A_22 : memref<640xf32, #tpu.memory_space<vmem_shared>>) dst(%dma_wait3A_21 : memref<640xf32, #tpu.memory_space<hbm>>)
      tpu.yield
    }) : () -> ()
    return
  }
}

#map = affine_map<(d0, d1) -> (0, 0)>
#map1 = affine_map<(d0, d1) -> (0)>
module attributes {stable_mosaic.version = 14 : i64} {
  func.func @k(%arg0: i32, %arg1: i32, %arg2: memref<10000x256xf32, #tpu.memory_space<hbm>>, %arg3: memref<10000x256xf32, #tpu.memory_space<hbm>>, %arg4: memref<160000xi32, #tpu.memory_space<hbm>>, %arg5: memref<160000xi32, #tpu.memory_space<hbm>>, %arg6: memref<160000x256xf32, #tpu.memory_space<hbm>>, %arg7: memref<200xi32, #tpu.memory_space<vmem>>, %arg8: memref<200xi32, #tpu.memory_space<vmem>>, %arg9: memref<200x256xf32, #tpu.memory_space<vmem>>, %arg10: memref<200x256xf32, #tpu.memory_space<vmem>>, %arg11: memref<!tpu.dma_semaphore, #tpu.memory_space<semaphore_mem>>, %arg12: memref<!tpu.dma_semaphore, #tpu.memory_space<semaphore_mem>>) attributes {dimension_semantics = [#tpu.dimension_semantics<core_parallel>, #tpu.dimension_semantics<subcore_parallel>], iteration_bounds = array<i64: 2, 16>, scalar_prefetch = 0 : i64, scratch_operands = 6 : i64, tpu.core_type = #tpu.core_type<sc_vector_subcore>, window_params = [{transform_indices = #map}, {transform_indices = #map}, {transform_indices = #map1}, {transform_indices = #map1}, {transform_indices = #map}]} {
    %mul3A = arith.constant 2 : i32
    %mul3A_0 = arith.muli %arg1, %mul3A : i32
    %add3A = arith.addi %mul3A_0, %arg0 : i32
    %scan3A = arith.constant 0 : i32
    %scan3A_1 = arith.constant 0 : i32
    %scan3A_2 = arith.constant 25 : i32
    %scan3A_3 = arith.addi %scan3A_1, %scan3A_2 : i32
    %scan3A_4 = arith.constant 1 : i32
    %scan3A_5 = scf.for %scan3A_7 = %scan3A_1 to %scan3A_3 step %scan3A_4 iter_args(%scan3A_8 = %scan3A) -> (i32)  : i32 {
      %mul3A_9 = arith.constant 5000 : i32
      %mul3A_10 = arith.muli %add3A, %mul3A_9 : i32
      %mul3A_11 = arith.constant 200 : i32
      %mul3A_12 = arith.muli %scan3A_7, %mul3A_11 : i32
      %add3A_13 = arith.addi %mul3A_10, %mul3A_12 : i32
      "tpu.region"() ({
        %run_scoped3A = tpu.sem_alloc : memref<!tpu.dma_semaphore, #tpu.memory_space<semaphore_mem>>
        %dma_start3A_32 = tpu.memref_slice %arg4[%add3A_13] : memref<160000xi32, #tpu.memory_space<hbm>> -> memref<200xi32, #tpu.memory_space<hbm>>
        %dma_start3A_33 = tpu.memref_slice %arg4[%add3A_13] : memref<160000xi32, #tpu.memory_space<hbm>> -> memref<200xi32, #tpu.memory_space<hbm>>
        tpu.enqueue_dma source(%dma_start3A_33 : memref<200xi32, #tpu.memory_space<hbm>>) target(%arg7 : memref<200xi32, #tpu.memory_space<vmem>>) target_semaphore(%run_scoped3A : memref<!tpu.dma_semaphore, #tpu.memory_space<semaphore_mem>>)
        %dma_wait3A_34 = tpu.memref_slice %arg4[%add3A_13] : memref<160000xi32, #tpu.memory_space<hbm>> -> memref<200xi32, #tpu.memory_space<hbm>>
        %dma_wait3A_35 = tpu.memref_slice %arg4[%add3A_13] : memref<160000xi32, #tpu.memory_space<hbm>> -> memref<200xi32, #tpu.memory_space<hbm>>
        tpu.wait_dma2 semaphore(%run_scoped3A : memref<!tpu.dma_semaphore, #tpu.memory_space<semaphore_mem>>) src(%dma_wait3A_35 : memref<200xi32, #tpu.memory_space<hbm>>) dst(%arg7 : memref<200xi32, #tpu.memory_space<vmem>>)
        tpu.yield
      }) : () -> ()
      "tpu.region"() ({
        %run_scoped3A = tpu.sem_alloc : memref<!tpu.dma_semaphore, #tpu.memory_space<semaphore_mem>>
        %dma_start3A_32 = tpu.memref_slice %arg5[%add3A_13] : memref<160000xi32, #tpu.memory_space<hbm>> -> memref<200xi32, #tpu.memory_space<hbm>>
        %dma_start3A_33 = tpu.memref_slice %arg5[%add3A_13] : memref<160000xi32, #tpu.memory_space<hbm>> -> memref<200xi32, #tpu.memory_space<hbm>>
        tpu.enqueue_dma source(%dma_start3A_33 : memref<200xi32, #tpu.memory_space<hbm>>) target(%arg8 : memref<200xi32, #tpu.memory_space<vmem>>) target_semaphore(%run_scoped3A : memref<!tpu.dma_semaphore, #tpu.memory_space<semaphore_mem>>)
        %dma_wait3A_34 = tpu.memref_slice %arg5[%add3A_13] : memref<160000xi32, #tpu.memory_space<hbm>> -> memref<200xi32, #tpu.memory_space<hbm>>
        %dma_wait3A_35 = tpu.memref_slice %arg5[%add3A_13] : memref<160000xi32, #tpu.memory_space<hbm>> -> memref<200xi32, #tpu.memory_space<hbm>>
        tpu.wait_dma2 semaphore(%run_scoped3A : memref<!tpu.dma_semaphore, #tpu.memory_space<semaphore_mem>>) src(%dma_wait3A_35 : memref<200xi32, #tpu.memory_space<hbm>>) dst(%arg8 : memref<200xi32, #tpu.memory_space<vmem>>)
        tpu.yield
      }) : () -> ()
      %dma_start3A = arith.constant 0 : i32
      %dma_start3A_14 = arith.constant 0 : i32
      %dma_start3A_15 = tpu.memref_slice %arg2[%dma_start3A, %dma_start3A_14] : memref<10000x256xf32, #tpu.memory_space<hbm>> -> memref<10000x256xf32, #tpu.memory_space<hbm>>
      tpu.enqueue_indirect_dma source(%dma_start3A_15 : memref<10000x256xf32, #tpu.memory_space<hbm>>) target(%arg9 : memref<200x256xf32, #tpu.memory_space<vmem>>) offsets(%arg7 : memref<200xi32, #tpu.memory_space<vmem>>) semaphore(%arg11 : memref<!tpu.dma_semaphore, #tpu.memory_space<semaphore_mem>>)
      %dma_start3A_16 = arith.constant 0 : i32
      %dma_start3A_17 = arith.constant 0 : i32
      %dma_start3A_18 = tpu.memref_slice %arg3[%dma_start3A_16, %dma_start3A_17] : memref<10000x256xf32, #tpu.memory_space<hbm>> -> memref<10000x256xf32, #tpu.memory_space<hbm>>
      tpu.enqueue_indirect_dma source(%dma_start3A_18 : memref<10000x256xf32, #tpu.memory_space<hbm>>) target(%arg10 : memref<200x256xf32, #tpu.memory_space<vmem>>) offsets(%arg8 : memref<200xi32, #tpu.memory_space<vmem>>) semaphore(%arg12 : memref<!tpu.dma_semaphore, #tpu.memory_space<semaphore_mem>>)
      %dma_wait3A = arith.constant 0 : i32
      %dma_wait3A_19 = arith.constant 0 : i32
      %dma_wait3A_20 = tpu.memref_slice %arg2[%dma_wait3A, %dma_wait3A_19] : memref<10000x256xf32, #tpu.memory_space<hbm>> -> memref<10000x256xf32, #tpu.memory_space<hbm>>
      tpu.wait_indirect_dma semaphore(%arg11 : memref<!tpu.dma_semaphore, #tpu.memory_space<semaphore_mem>>) src(%dma_wait3A_20 : memref<10000x256xf32, #tpu.memory_space<hbm>>) dst(%arg9 : memref<200x256xf32, #tpu.memory_space<vmem>>)
      %dma_wait3A_21 = arith.constant 0 : i32
      %dma_wait3A_22 = arith.constant 0 : i32
      %dma_wait3A_23 = tpu.memref_slice %arg3[%dma_wait3A_21, %dma_wait3A_22] : memref<10000x256xf32, #tpu.memory_space<hbm>> -> memref<10000x256xf32, #tpu.memory_space<hbm>>
      tpu.wait_indirect_dma semaphore(%arg12 : memref<!tpu.dma_semaphore, #tpu.memory_space<semaphore_mem>>) src(%dma_wait3A_23 : memref<10000x256xf32, #tpu.memory_space<hbm>>) dst(%arg10 : memref<200x256xf32, #tpu.memory_space<vmem>>)
      %scan3A_24 = arith.constant 0 : i32
      %scan3A_25 = arith.constant 0 : i32
      %scan3A_26 = arith.constant 200 : i32
      %scan3A_27 = arith.addi %scan3A_25, %scan3A_26 : i32
      %scan3A_28 = arith.constant 1 : i32
      %scan3A_29 = scf.for %scan3A_32 = %scan3A_25 to %scan3A_27 step %scan3A_28 iter_args(%scan3A_33 = %scan3A_24) -> (i32)  : i32 {
        %get3A = arith.index_cast %scan3A_32 : i32 to index
        %get3A_34 = arith.constant 0 : index
        %get3A_35 = tpu.vector_load %arg9[%get3A, %get3A_34] {strides = array<i32>} : memref<200x256xf32, #tpu.memory_space<vmem>>, vector<16xf32>,
        %get3A_36 = arith.index_cast %scan3A_32 : i32 to index
        %get3A_37 = arith.constant 0 : index
        %get3A_38 = tpu.vector_load %arg10[%get3A_36, %get3A_37] {strides = array<i32>} : memref<200x256xf32, #tpu.memory_space<vmem>>, vector<16xf32>,
        %add3A_39 = arith.addf %get3A_35, %get3A_38 : vector<16xf32>
        %swap3A = arith.index_cast %scan3A_32 : i32 to index
        %swap3A_40 = arith.constant 0 : index
        %swap3A_41 = tpu.vector_load %arg9[%swap3A, %swap3A_40] {strides = array<i32>} : memref<200x256xf32, #tpu.memory_space<vmem>>, vector<16xf32>,
        tpu.vector_store %arg9[%swap3A, %swap3A_40], %add3A_39 {strides = array<i32>} : memref<200x256xf32, #tpu.memory_space<vmem>>, vector<16xf32>,
        %get3A_42 = arith.index_cast %scan3A_32 : i32 to index
        %get3A_43 = arith.constant 16 : index
        %get3A_44 = tpu.vector_load %arg9[%get3A_42, %get3A_43] {strides = array<i32>} : memref<200x256xf32, #tpu.memory_space<vmem>>, vector<16xf32>,
        %get3A_45 = arith.index_cast %scan3A_32 : i32 to index
        %get3A_46 = arith.constant 16 : index
        %get3A_47 = tpu.vector_load %arg10[%get3A_45, %get3A_46] {strides = array<i32>} : memref<200x256xf32, #tpu.memory_space<vmem>>, vector<16xf32>,
        %add3A_48 = arith.addf %get3A_44, %get3A_47 : vector<16xf32>
        %swap3A_49 = arith.index_cast %scan3A_32 : i32 to index
        %swap3A_50 = arith.constant 16 : index
        %swap3A_51 = tpu.vector_load %arg9[%swap3A_49, %swap3A_50] {strides = array<i32>} : memref<200x256xf32, #tpu.memory_space<vmem>>, vector<16xf32>,
        tpu.vector_store %arg9[%swap3A_49, %swap3A_50], %add3A_48 {strides = array<i32>} : memref<200x256xf32, #tpu.memory_space<vmem>>, vector<16xf32>,
        %get3A_52 = arith.index_cast %scan3A_32 : i32 to index
        %get3A_53 = arith.constant 32 : index
        %get3A_54 = tpu.vector_load %arg9[%get3A_52, %get3A_53] {strides = array<i32>} : memref<200x256xf32, #tpu.memory_space<vmem>>, vector<16xf32>,
        %get3A_55 = arith.index_cast %scan3A_32 : i32 to index
        %get3A_56 = arith.constant 32 : index
        %get3A_57 = tpu.vector_load %arg10[%get3A_55, %get3A_56] {strides = array<i32>} : memref<200x256xf32, #tpu.memory_space<vmem>>, vector<16xf32>,
        %add3A_58 = arith.addf %get3A_54, %get3A_57 : vector<16xf32>
        %swap3A_59 = arith.index_cast %scan3A_32 : i32 to index
        %swap3A_60 = arith.constant 32 : index
        %swap3A_61 = tpu.vector_load %arg9[%swap3A_59, %swap3A_60] {strides = array<i32>} : memref<200x256xf32, #tpu.memory_space<vmem>>, vector<16xf32>,
        tpu.vector_store %arg9[%swap3A_59, %swap3A_60], %add3A_58 {strides = array<i32>} : memref<200x256xf32, #tpu.memory_space<vmem>>, vector<16xf32>,
        %get3A_62 = arith.index_cast %scan3A_32 : i32 to index
        %get3A_63 = arith.constant 48 : index
        %get3A_64 = tpu.vector_load %arg9[%get3A_62, %get3A_63] {strides = array<i32>} : memref<200x256xf32, #tpu.memory_space<vmem>>, vector<16xf32>,
        %get3A_65 = arith.index_cast %scan3A_32 : i32 to index
        %get3A_66 = arith.constant 48 : index
        %get3A_67 = tpu.vector_load %arg10[%get3A_65, %get3A_66] {strides = array<i32>} : memref<200x256xf32, #tpu.memory_space<vmem>>, vector<16xf32>,
        %add3A_68 = arith.addf %get3A_64, %get3A_67 : vector<16xf32>
        %swap3A_69 = arith.index_cast %scan3A_32 : i32 to index
        %swap3A_70 = arith.constant 48 : index
        %swap3A_71 = tpu.vector_load %arg9[%swap3A_69, %swap3A_70] {strides = array<i32>} : memref<200x256xf32, #tpu.memory_space<vmem>>, vector<16xf32>,
        tpu.vector_store %arg9[%swap3A_69, %swap3A_70], %add3A_68 {strides = array<i32>} : memref<200x256xf32, #tpu.memory_space<vmem>>, vector<16xf32>,
        %get3A_72 = arith.index_cast %scan3A_32 : i32 to index
        %get3A_73 = arith.constant 64 : index
        %get3A_74 = tpu.vector_load %arg9[%get3A_72, %get3A_73] {strides = array<i32>} : memref<200x256xf32, #tpu.memory_space<vmem>>, vector<16xf32>,
        %get3A_75 = arith.index_cast %scan3A_32 : i32 to index
        %get3A_76 = arith.constant 64 : index
        %get3A_77 = tpu.vector_load %arg10[%get3A_75, %get3A_76] {strides = array<i32>} : memref<200x256xf32, #tpu.memory_space<vmem>>, vector<16xf32>,
        %add3A_78 = arith.addf %get3A_74, %get3A_77 : vector<16xf32>
        %swap3A_79 = arith.index_cast %scan3A_32 : i32 to index
        %swap3A_80 = arith.constant 64 : index
        %swap3A_81 = tpu.vector_load %arg9[%swap3A_79, %swap3A_80] {strides = array<i32>} : memref<200x256xf32, #tpu.memory_space<vmem>>, vector<16xf32>,
        tpu.vector_store %arg9[%swap3A_79, %swap3A_80], %add3A_78 {strides = array<i32>} : memref<200x256xf32, #tpu.memory_space<vmem>>, vector<16xf32>,
        %get3A_82 = arith.index_cast %scan3A_32 : i32 to index
        %get3A_83 = arith.constant 80 : index
        %get3A_84 = tpu.vector_load %arg9[%get3A_82, %get3A_83] {strides = array<i32>} : memref<200x256xf32, #tpu.memory_space<vmem>>, vector<16xf32>,
        %get3A_85 = arith.index_cast %scan3A_32 : i32 to index
        %get3A_86 = arith.constant 80 : index
        %get3A_87 = tpu.vector_load %arg10[%get3A_85, %get3A_86] {strides = array<i32>} : memref<200x256xf32, #tpu.memory_space<vmem>>, vector<16xf32>,
        %add3A_88 = arith.addf %get3A_84, %get3A_87 : vector<16xf32>
        %swap3A_89 = arith.index_cast %scan3A_32 : i32 to index
        %swap3A_90 = arith.constant 80 : index
        %swap3A_91 = tpu.vector_load %arg9[%swap3A_89, %swap3A_90] {strides = array<i32>} : memref<200x256xf32, #tpu.memory_space<vmem>>, vector<16xf32>,
        tpu.vector_store %arg9[%swap3A_89, %swap3A_90], %add3A_88 {strides = array<i32>} : memref<200x256xf32, #tpu.memory_space<vmem>>, vector<16xf32>,
        %get3A_92 = arith.index_cast %scan3A_32 : i32 to index
        %get3A_93 = arith.constant 96 : index
        %get3A_94 = tpu.vector_load %arg9[%get3A_92, %get3A_93] {strides = array<i32>} : memref<200x256xf32, #tpu.memory_space<vmem>>, vector<16xf32>,
        %get3A_95 = arith.index_cast %scan3A_32 : i32 to index
        %get3A_96 = arith.constant 96 : index
        %get3A_97 = tpu.vector_load %arg10[%get3A_95, %get3A_96] {strides = array<i32>} : memref<200x256xf32, #tpu.memory_space<vmem>>, vector<16xf32>,
        %add3A_98 = arith.addf %get3A_94, %get3A_97 : vector<16xf32>
        %swap3A_99 = arith.index_cast %scan3A_32 : i32 to index
        %swap3A_100 = arith.constant 96 : index
        %swap3A_101 = tpu.vector_load %arg9[%swap3A_99, %swap3A_100] {strides = array<i32>} : memref<200x256xf32, #tpu.memory_space<vmem>>, vector<16xf32>,
        tpu.vector_store %arg9[%swap3A_99, %swap3A_100], %add3A_98 {strides = array<i32>} : memref<200x256xf32, #tpu.memory_space<vmem>>, vector<16xf32>,
        %get3A_102 = arith.index_cast %scan3A_32 : i32 to index
        %get3A_103 = arith.constant 112 : index
        %get3A_104 = tpu.vector_load %arg9[%get3A_102, %get3A_103] {strides = array<i32>} : memref<200x256xf32, #tpu.memory_space<vmem>>, vector<16xf32>,
        %get3A_105 = arith.index_cast %scan3A_32 : i32 to index
        %get3A_106 = arith.constant 112 : index
        %get3A_107 = tpu.vector_load %arg10[%get3A_105, %get3A_106] {strides = array<i32>} : memref<200x256xf32, #tpu.memory_space<vmem>>, vector<16xf32>,
        %add3A_108 = arith.addf %get3A_104, %get3A_107 : vector<16xf32>
        %swap3A_109 = arith.index_cast %scan3A_32 : i32 to index
        %swap3A_110 = arith.constant 112 : index
        %swap3A_111 = tpu.vector_load %arg9[%swap3A_109, %swap3A_110] {strides = array<i32>} : memref<200x256xf32, #tpu.memory_space<vmem>>, vector<16xf32>,
        tpu.vector_store %arg9[%swap3A_109, %swap3A_110], %add3A_108 {strides = array<i32>} : memref<200x256xf32, #tpu.memory_space<vmem>>, vector<16xf32>,
        %get3A_112 = arith.index_cast %scan3A_32 : i32 to index
        %get3A_113 = arith.constant 128 : index
        %get3A_114 = tpu.vector_load %arg9[%get3A_112, %get3A_113] {strides = array<i32>} : memref<200x256xf32, #tpu.memory_space<vmem>>, vector<16xf32>,
        %get3A_115 = arith.index_cast %scan3A_32 : i32 to index
        %get3A_116 = arith.constant 128 : index
        %get3A_117 = tpu.vector_load %arg10[%get3A_115, %get3A_116] {strides = array<i32>} : memref<200x256xf32, #tpu.memory_space<vmem>>, vector<16xf32>,
        %add3A_118 = arith.addf %get3A_114, %get3A_117 : vector<16xf32>
        %swap3A_119 = arith.index_cast %scan3A_32 : i32 to index
        %swap3A_120 = arith.constant 128 : index
        %swap3A_121 = tpu.vector_load %arg9[%swap3A_119, %swap3A_120] {strides = array<i32>} : memref<200x256xf32, #tpu.memory_space<vmem>>, vector<16xf32>,
        tpu.vector_store %arg9[%swap3A_119, %swap3A_120], %add3A_118 {strides = array<i32>} : memref<200x256xf32, #tpu.memory_space<vmem>>, vector<16xf32>,
        %get3A_122 = arith.index_cast %scan3A_32 : i32 to index
        %get3A_123 = arith.constant 144 : index
        %get3A_124 = tpu.vector_load %arg9[%get3A_122, %get3A_123] {strides = array<i32>} : memref<200x256xf32, #tpu.memory_space<vmem>>, vector<16xf32>,
        %get3A_125 = arith.index_cast %scan3A_32 : i32 to index
        %get3A_126 = arith.constant 144 : index
        %get3A_127 = tpu.vector_load %arg10[%get3A_125, %get3A_126] {strides = array<i32>} : memref<200x256xf32, #tpu.memory_space<vmem>>, vector<16xf32>,
        %add3A_128 = arith.addf %get3A_124, %get3A_127 : vector<16xf32>
        %swap3A_129 = arith.index_cast %scan3A_32 : i32 to index
        %swap3A_130 = arith.constant 144 : index
        %swap3A_131 = tpu.vector_load %arg9[%swap3A_129, %swap3A_130] {strides = array<i32>} : memref<200x256xf32, #tpu.memory_space<vmem>>, vector<16xf32>,
        tpu.vector_store %arg9[%swap3A_129, %swap3A_130], %add3A_128 {strides = array<i32>} : memref<200x256xf32, #tpu.memory_space<vmem>>, vector<16xf32>,
        %get3A_132 = arith.index_cast %scan3A_32 : i32 to index
        %get3A_133 = arith.constant 160 : index
        %get3A_134 = tpu.vector_load %arg9[%get3A_132, %get3A_133] {strides = array<i32>} : memref<200x256xf32, #tpu.memory_space<vmem>>, vector<16xf32>,
        %get3A_135 = arith.index_cast %scan3A_32 : i32 to index
        %get3A_136 = arith.constant 160 : index
        %get3A_137 = tpu.vector_load %arg10[%get3A_135, %get3A_136] {strides = array<i32>} : memref<200x256xf32, #tpu.memory_space<vmem>>, vector<16xf32>,
        %add3A_138 = arith.addf %get3A_134, %get3A_137 : vector<16xf32>
        %swap3A_139 = arith.index_cast %scan3A_32 : i32 to index
        %swap3A_140 = arith.constant 160 : index
        %swap3A_141 = tpu.vector_load %arg9[%swap3A_139, %swap3A_140] {strides = array<i32>} : memref<200x256xf32, #tpu.memory_space<vmem>>, vector<16xf32>,
        tpu.vector_store %arg9[%swap3A_139, %swap3A_140], %add3A_138 {strides = array<i32>} : memref<200x256xf32, #tpu.memory_space<vmem>>, vector<16xf32>,
        %get3A_142 = arith.index_cast %scan3A_32 : i32 to index
        %get3A_143 = arith.constant 176 : index
        %get3A_144 = tpu.vector_load %arg9[%get3A_142, %get3A_143] {strides = array<i32>} : memref<200x256xf32, #tpu.memory_space<vmem>>, vector<16xf32>,
        %get3A_145 = arith.index_cast %scan3A_32 : i32 to index
        %get3A_146 = arith.constant 176 : index
        %get3A_147 = tpu.vector_load %arg10[%get3A_145, %get3A_146] {strides = array<i32>} : memref<200x256xf32, #tpu.memory_space<vmem>>, vector<16xf32>,
        %add3A_148 = arith.addf %get3A_144, %get3A_147 : vector<16xf32>
        %swap3A_149 = arith.index_cast %scan3A_32 : i32 to index
        %swap3A_150 = arith.constant 176 : index
        %swap3A_151 = tpu.vector_load %arg9[%swap3A_149, %swap3A_150] {strides = array<i32>} : memref<200x256xf32, #tpu.memory_space<vmem>>, vector<16xf32>,
        tpu.vector_store %arg9[%swap3A_149, %swap3A_150], %add3A_148 {strides = array<i32>} : memref<200x256xf32, #tpu.memory_space<vmem>>, vector<16xf32>,
        %get3A_152 = arith.index_cast %scan3A_32 : i32 to index
        %get3A_153 = arith.constant 192 : index
        %get3A_154 = tpu.vector_load %arg9[%get3A_152, %get3A_153] {strides = array<i32>} : memref<200x256xf32, #tpu.memory_space<vmem>>, vector<16xf32>,
        %get3A_155 = arith.index_cast %scan3A_32 : i32 to index
        %get3A_156 = arith.constant 192 : index
        %get3A_157 = tpu.vector_load %arg10[%get3A_155, %get3A_156] {strides = array<i32>} : memref<200x256xf32, #tpu.memory_space<vmem>>, vector<16xf32>,
        %add3A_158 = arith.addf %get3A_154, %get3A_157 : vector<16xf32>
        %swap3A_159 = arith.index_cast %scan3A_32 : i32 to index
        %swap3A_160 = arith.constant 192 : index
        %swap3A_161 = tpu.vector_load %arg9[%swap3A_159, %swap3A_160] {strides = array<i32>} : memref<200x256xf32, #tpu.memory_space<vmem>>, vector<16xf32>,
        tpu.vector_store %arg9[%swap3A_159, %swap3A_160], %add3A_158 {strides = array<i32>} : memref<200x256xf32, #tpu.memory_space<vmem>>, vector<16xf32>,
        %get3A_162 = arith.index_cast %scan3A_32 : i32 to index
        %get3A_163 = arith.constant 208 : index
        %get3A_164 = tpu.vector_load %arg9[%get3A_162, %get3A_163] {strides = array<i32>} : memref<200x256xf32, #tpu.memory_space<vmem>>, vector<16xf32>,
        %get3A_165 = arith.index_cast %scan3A_32 : i32 to index
        %get3A_166 = arith.constant 208 : index
        %get3A_167 = tpu.vector_load %arg10[%get3A_165, %get3A_166] {strides = array<i32>} : memref<200x256xf32, #tpu.memory_space<vmem>>, vector<16xf32>,
        %add3A_168 = arith.addf %get3A_164, %get3A_167 : vector<16xf32>
        %swap3A_169 = arith.index_cast %scan3A_32 : i32 to index
        %swap3A_170 = arith.constant 208 : index
        %swap3A_171 = tpu.vector_load %arg9[%swap3A_169, %swap3A_170] {strides = array<i32>} : memref<200x256xf32, #tpu.memory_space<vmem>>, vector<16xf32>,
        tpu.vector_store %arg9[%swap3A_169, %swap3A_170], %add3A_168 {strides = array<i32>} : memref<200x256xf32, #tpu.memory_space<vmem>>, vector<16xf32>,
        %get3A_172 = arith.index_cast %scan3A_32 : i32 to index
        %get3A_173 = arith.constant 224 : index
        %get3A_174 = tpu.vector_load %arg9[%get3A_172, %get3A_173] {strides = array<i32>} : memref<200x256xf32, #tpu.memory_space<vmem>>, vector<16xf32>,
        %get3A_175 = arith.index_cast %scan3A_32 : i32 to index
        %get3A_176 = arith.constant 224 : index
        %get3A_177 = tpu.vector_load %arg10[%get3A_175, %get3A_176] {strides = array<i32>} : memref<200x256xf32, #tpu.memory_space<vmem>>, vector<16xf32>,
        %add3A_178 = arith.addf %get3A_174, %get3A_177 : vector<16xf32>
        %swap3A_179 = arith.index_cast %scan3A_32 : i32 to index
        %swap3A_180 = arith.constant 224 : index
        %swap3A_181 = tpu.vector_load %arg9[%swap3A_179, %swap3A_180] {strides = array<i32>} : memref<200x256xf32, #tpu.memory_space<vmem>>, vector<16xf32>,
        tpu.vector_store %arg9[%swap3A_179, %swap3A_180], %add3A_178 {strides = array<i32>} : memref<200x256xf32, #tpu.memory_space<vmem>>, vector<16xf32>,
        %get3A_182 = arith.index_cast %scan3A_32 : i32 to index
        %get3A_183 = arith.constant 240 : index
        %get3A_184 = tpu.vector_load %arg9[%get3A_182, %get3A_183] {strides = array<i32>} : memref<200x256xf32, #tpu.memory_space<vmem>>, vector<16xf32>,
        %get3A_185 = arith.index_cast %scan3A_32 : i32 to index
        %get3A_186 = arith.constant 240 : index
        %get3A_187 = tpu.vector_load %arg10[%get3A_185, %get3A_186] {strides = array<i32>} : memref<200x256xf32, #tpu.memory_space<vmem>>, vector<16xf32>,
        %add3A_188 = arith.addf %get3A_184, %get3A_187 : vector<16xf32>
        %swap3A_189 = arith.index_cast %scan3A_32 : i32 to index
        %swap3A_190 = arith.constant 240 : index
        %swap3A_191 = tpu.vector_load %arg9[%swap3A_189, %swap3A_190] {strides = array<i32>} : memref<200x256xf32, #tpu.memory_space<vmem>>, vector<16xf32>,
        tpu.vector_store %arg9[%swap3A_189, %swap3A_190], %add3A_188 {strides = array<i32>} : memref<200x256xf32, #tpu.memory_space<vmem>>, vector<16xf32>,
        %scan3A_192 = arith.constant 0 : i32
        scf.yield %scan3A_192 : i32
      }
      %scan3A_30 = arith.constant 200 : i32
      "tpu.region"() ({
        %run_scoped3A = tpu.sem_alloc : memref<!tpu.dma_semaphore, #tpu.memory_space<semaphore_mem>>
        %dma_start3A_32 = arith.constant 0 : i32
        %dma_start3A_33 = tpu.memref_slice %arg6[%add3A_13, %dma_start3A_32] : memref<160000x256xf32, #tpu.memory_space<hbm>> -> memref<200x256xf32, #tpu.memory_space<hbm>>
        %dma_start3A_34 = arith.constant 0 : i32
        %dma_start3A_35 = tpu.memref_slice %arg6[%add3A_13, %dma_start3A_34] : memref<160000x256xf32, #tpu.memory_space<hbm>> -> memref<200x256xf32, #tpu.memory_space<hbm>>
        tpu.enqueue_dma source(%arg9 : memref<200x256xf32, #tpu.memory_space<vmem>>) target(%dma_start3A_35 : memref<200x256xf32, #tpu.memory_space<hbm>>) target_semaphore(%run_scoped3A : memref<!tpu.dma_semaphore, #tpu.memory_space<semaphore_mem>>)
        %dma_wait3A_36 = arith.constant 0 : i32
        %dma_wait3A_37 = tpu.memref_slice %arg6[%add3A_13, %dma_wait3A_36] : memref<160000x256xf32, #tpu.memory_space<hbm>> -> memref<200x256xf32, #tpu.memory_space<hbm>>
        %dma_wait3A_38 = arith.constant 0 : i32
        %dma_wait3A_39 = tpu.memref_slice %arg6[%add3A_13, %dma_wait3A_38] : memref<160000x256xf32, #tpu.memory_space<hbm>> -> memref<200x256xf32, #tpu.memory_space<hbm>>
        tpu.wait_dma2 semaphore(%run_scoped3A : memref<!tpu.dma_semaphore, #tpu.memory_space<semaphore_mem>>) src(%arg9 : memref<200x256xf32, #tpu.memory_space<vmem>>) dst(%dma_wait3A_39 : memref<200x256xf32, #tpu.memory_space<hbm>>)
        tpu.yield
      }) : () -> ()
      %scan3A_31 = arith.constant 0 : i32
      scf.yield %scan3A_31 : i32
    }
    %scan3A_6 = arith.constant 25 : i32
    return
  }
}

#map = affine_map<(d0, d1) -> (0, 0, 0)>
#map1 = affine_map<(d0, d1) -> (0)>
module attributes {stable_mosaic.version = 14 : i64} {
  func.func @k(%arg0: i32, %arg1: i32, %arg2: memref<2x160000x128xf32, #tpu.memory_space<hbm>>, %arg3: memref<160000xi32, #tpu.memory_space<hbm>>, %arg4: memref<2x10240x128xf32, #tpu.memory_space<hbm>>, %arg5: memref<200xi32, #tpu.memory_space<vmem>>, %arg6: memref<200x128xf32, #tpu.memory_space<vmem>>, %arg7: memref<10240x128xf32, #tpu.memory_space<vmem_shared>>) attributes {dimension_semantics = [#tpu.dimension_semantics<core_parallel>, #tpu.dimension_semantics<subcore_parallel>], iteration_bounds = array<i64: 2, 16>, scalar_prefetch = 0 : i64, scratch_operands = 3 : i64, tpu.core_type = #tpu.core_type<sc_vector_subcore>, window_params = [{transform_indices = #map}, {transform_indices = #map1}, {transform_indices = #map}]} {
    %scan3A = arith.constant 0 : i32
    %scan3A_0 = arith.constant 0 : i32
    %scan3A_1 = arith.constant 128 : i32
    %scan3A_2 = arith.addi %scan3A_0, %scan3A_1 : i32
    %scan3A_3 = arith.constant 1 : i32
    %scan3A_4 = scf.for %scan3A_52 = %scan3A_0 to %scan3A_2 step %scan3A_3 iter_args(%scan3A_53 = %scan3A) -> (i32)  : i32 {
      %broadcast_in_dim3A = arith.constant 0.000000e+00 : f32
      %broadcast_in_dim3A_54 = vector.broadcast %broadcast_in_dim3A : f32 to vector<16xf32>
      %swap3A = arith.index_cast %scan3A_52 : i32 to index
      %swap3A_55 = arith.constant 0 : index
      %swap3A_56 = tpu.vector_load %arg6[%swap3A, %swap3A_55] {strides = array<i32>} : memref<200x128xf32, #tpu.memory_space<vmem>>, vector<16xf32>,
      tpu.vector_store %arg6[%swap3A, %swap3A_55], %broadcast_in_dim3A_54 {strides = array<i32>} : memref<200x128xf32, #tpu.memory_space<vmem>>, vector<16xf32>,
      %broadcast_in_dim3A_57 = arith.constant 0.000000e+00 : f32
      %broadcast_in_dim3A_58 = vector.broadcast %broadcast_in_dim3A_57 : f32 to vector<16xf32>
      %swap3A_59 = arith.index_cast %scan3A_52 : i32 to index
      %swap3A_60 = arith.constant 16 : index
      %swap3A_61 = tpu.vector_load %arg6[%swap3A_59, %swap3A_60] {strides = array<i32>} : memref<200x128xf32, #tpu.memory_space<vmem>>, vector<16xf32>,
      tpu.vector_store %arg6[%swap3A_59, %swap3A_60], %broadcast_in_dim3A_58 {strides = array<i32>} : memref<200x128xf32, #tpu.memory_space<vmem>>, vector<16xf32>,
      %broadcast_in_dim3A_62 = arith.constant 0.000000e+00 : f32
      %broadcast_in_dim3A_63 = vector.broadcast %broadcast_in_dim3A_62 : f32 to vector<16xf32>
      %swap3A_64 = arith.index_cast %scan3A_52 : i32 to index
      %swap3A_65 = arith.constant 32 : index
      %swap3A_66 = tpu.vector_load %arg6[%swap3A_64, %swap3A_65] {strides = array<i32>} : memref<200x128xf32, #tpu.memory_space<vmem>>, vector<16xf32>,
      tpu.vector_store %arg6[%swap3A_64, %swap3A_65], %broadcast_in_dim3A_63 {strides = array<i32>} : memref<200x128xf32, #tpu.memory_space<vmem>>, vector<16xf32>,
      %broadcast_in_dim3A_67 = arith.constant 0.000000e+00 : f32
      %broadcast_in_dim3A_68 = vector.broadcast %broadcast_in_dim3A_67 : f32 to vector<16xf32>
      %swap3A_69 = arith.index_cast %scan3A_52 : i32 to index
      %swap3A_70 = arith.constant 48 : index
      %swap3A_71 = tpu.vector_load %arg6[%swap3A_69, %swap3A_70] {strides = array<i32>} : memref<200x128xf32, #tpu.memory_space<vmem>>, vector<16xf32>,
      tpu.vector_store %arg6[%swap3A_69, %swap3A_70], %broadcast_in_dim3A_68 {strides = array<i32>} : memref<200x128xf32, #tpu.memory_space<vmem>>, vector<16xf32>,
      %broadcast_in_dim3A_72 = arith.constant 0.000000e+00 : f32
      %broadcast_in_dim3A_73 = vector.broadcast %broadcast_in_dim3A_72 : f32 to vector<16xf32>
      %swap3A_74 = arith.index_cast %scan3A_52 : i32 to index
      %swap3A_75 = arith.constant 64 : index
      %swap3A_76 = tpu.vector_load %arg6[%swap3A_74, %swap3A_75] {strides = array<i32>} : memref<200x128xf32, #tpu.memory_space<vmem>>, vector<16xf32>,
      tpu.vector_store %arg6[%swap3A_74, %swap3A_75], %broadcast_in_dim3A_73 {strides = array<i32>} : memref<200x128xf32, #tpu.memory_space<vmem>>, vector<16xf32>,
      %broadcast_in_dim3A_77 = arith.constant 0.000000e+00 : f32
      %broadcast_in_dim3A_78 = vector.broadcast %broadcast_in_dim3A_77 : f32 to vector<16xf32>
      %swap3A_79 = arith.index_cast %scan3A_52 : i32 to index
      %swap3A_80 = arith.constant 80 : index
      %swap3A_81 = tpu.vector_load %arg6[%swap3A_79, %swap3A_80] {strides = array<i32>} : memref<200x128xf32, #tpu.memory_space<vmem>>, vector<16xf32>,
      tpu.vector_store %arg6[%swap3A_79, %swap3A_80], %broadcast_in_dim3A_78 {strides = array<i32>} : memref<200x128xf32, #tpu.memory_space<vmem>>, vector<16xf32>,
      %broadcast_in_dim3A_82 = arith.constant 0.000000e+00 : f32
      %broadcast_in_dim3A_83 = vector.broadcast %broadcast_in_dim3A_82 : f32 to vector<16xf32>
      %swap3A_84 = arith.index_cast %scan3A_52 : i32 to index
      %swap3A_85 = arith.constant 96 : index
      %swap3A_86 = tpu.vector_load %arg6[%swap3A_84, %swap3A_85] {strides = array<i32>} : memref<200x128xf32, #tpu.memory_space<vmem>>, vector<16xf32>,
      tpu.vector_store %arg6[%swap3A_84, %swap3A_85], %broadcast_in_dim3A_83 {strides = array<i32>} : memref<200x128xf32, #tpu.memory_space<vmem>>, vector<16xf32>,
      %broadcast_in_dim3A_87 = arith.constant 0.000000e+00 : f32
      %broadcast_in_dim3A_88 = vector.broadcast %broadcast_in_dim3A_87 : f32 to vector<16xf32>
      %swap3A_89 = arith.index_cast %scan3A_52 : i32 to index
      %swap3A_90 = arith.constant 112 : index
      %swap3A_91 = tpu.vector_load %arg6[%swap3A_89, %swap3A_90] {strides = array<i32>} : memref<200x128xf32, #tpu.memory_space<vmem>>, vector<16xf32>,
      tpu.vector_store %arg6[%swap3A_89, %swap3A_90], %broadcast_in_dim3A_88 {strides = array<i32>} : memref<200x128xf32, #tpu.memory_space<vmem>>, vector<16xf32>,
      %scan3A_92 = arith.constant 0 : i32
      scf.yield %scan3A_92 : i32
    }
    %scan3A_5 = arith.constant 128 : i32
    %mul3A = arith.constant 640 : i32
    %mul3A_6 = arith.muli %arg1, %mul3A : i32
    %add3A = arith.constant 0 : i32
    %add3A_7 = arith.addi %mul3A_6, %add3A : i32
    "tpu.region"() ({
      %run_scoped3A = tpu.sem_alloc : memref<!tpu.dma_semaphore, #tpu.memory_space<semaphore_mem>>
      %dma_start3A = arith.constant 0 : i32
      %dma_start3A_52 = arith.constant 0 : i32
      %dma_start3A_53 = tpu.memref_slice %arg6[%dma_start3A, %dma_start3A_52] : memref<200x128xf32, #tpu.memory_space<vmem>> -> memref<128x128xf32, #tpu.memory_space<vmem>>
      %dma_start3A_54 = arith.constant 0 : i32
      %dma_start3A_55 = tpu.memref_slice %arg7[%add3A_7, %dma_start3A_54] : memref<10240x128xf32, #tpu.memory_space<vmem_shared>> -> memref<128x128xf32, #tpu.memory_space<vmem_shared>>
      %dma_start3A_56 = arith.constant 0 : i32
      %dma_start3A_57 = tpu.memref_slice %arg7[%add3A_7, %dma_start3A_56] : memref<10240x128xf32, #tpu.memory_space<vmem_shared>> -> memref<128x128xf32, #tpu.memory_space<vmem_shared>>
      %dma_start3A_58 = arith.constant 0 : i32
      %dma_start3A_59 = arith.constant 0 : i32
      %dma_start3A_60 = tpu.memref_slice %arg6[%dma_start3A_58, %dma_start3A_59] : memref<200x128xf32, #tpu.memory_space<vmem>> -> memref<128x128xf32, #tpu.memory_space<vmem>>
      tpu.enqueue_dma source(%dma_start3A_60 : memref<128x128xf32, #tpu.memory_space<vmem>>) target(%dma_start3A_57 : memref<128x128xf32, #tpu.memory_space<vmem_shared>>) target_semaphore(%run_scoped3A : memref<!tpu.dma_semaphore, #tpu.memory_space<semaphore_mem>>)
      %dma_wait3A = arith.constant 0 : i32
      %dma_wait3A_61 = arith.constant 0 : i32
      %dma_wait3A_62 = tpu.memref_slice %arg6[%dma_wait3A, %dma_wait3A_61] : memref<200x128xf32, #tpu.memory_space<vmem>> -> memref<128x128xf32, #tpu.memory_space<vmem>>
      %dma_wait3A_63 = arith.constant 0 : i32
      %dma_wait3A_64 = tpu.memref_slice %arg7[%add3A_7, %dma_wait3A_63] : memref<10240x128xf32, #tpu.memory_space<vmem_shared>> -> memref<128x128xf32, #tpu.memory_space<vmem_shared>>
      %dma_wait3A_65 = arith.constant 0 : i32
      %dma_wait3A_66 = tpu.memref_slice %arg7[%add3A_7, %dma_wait3A_65] : memref<10240x128xf32, #tpu.memory_space<vmem_shared>> -> memref<128x128xf32, #tpu.memory_space<vmem_shared>>
      %dma_wait3A_67 = arith.constant 0 : i32
      %dma_wait3A_68 = arith.constant 0 : i32
      %dma_wait3A_69 = tpu.memref_slice %arg6[%dma_wait3A_67, %dma_wait3A_68] : memref<200x128xf32, #tpu.memory_space<vmem>> -> memref<128x128xf32, #tpu.memory_space<vmem>>
      tpu.wait_dma2 semaphore(%run_scoped3A : memref<!tpu.dma_semaphore, #tpu.memory_space<semaphore_mem>>) src(%dma_wait3A_69 : memref<128x128xf32, #tpu.memory_space<vmem>>) dst(%dma_wait3A_66 : memref<128x128xf32, #tpu.memory_space<vmem_shared>>)
      tpu.yield
    }) : () -> ()
    %mul3A_8 = arith.constant 640 : i32
    %mul3A_9 = arith.muli %arg1, %mul3A_8 : i32
    %add3A_10 = arith.constant 128 : i32
    %add3A_11 = arith.addi %mul3A_9, %add3A_10 : i32
    "tpu.region"() ({
      %run_scoped3A = tpu.sem_alloc : memref<!tpu.dma_semaphore, #tpu.memory_space<semaphore_mem>>
      %dma_start3A = arith.constant 0 : i32
      %dma_start3A_52 = arith.constant 0 : i32
      %dma_start3A_53 = tpu.memref_slice %arg6[%dma_start3A, %dma_start3A_52] : memref<200x128xf32, #tpu.memory_space<vmem>> -> memref<128x128xf32, #tpu.memory_space<vmem>>
      %dma_start3A_54 = arith.constant 0 : i32
      %dma_start3A_55 = tpu.memref_slice %arg7[%add3A_11, %dma_start3A_54] : memref<10240x128xf32, #tpu.memory_space<vmem_shared>> -> memref<128x128xf32, #tpu.memory_space<vmem_shared>>
      %dma_start3A_56 = arith.constant 0 : i32
      %dma_start3A_57 = tpu.memref_slice %arg7[%add3A_11, %dma_start3A_56] : memref<10240x128xf32, #tpu.memory_space<vmem_shared>> -> memref<128x128xf32, #tpu.memory_space<vmem_shared>>
      %dma_start3A_58 = arith.constant 0 : i32
      %dma_start3A_59 = arith.constant 0 : i32
      %dma_start3A_60 = tpu.memref_slice %arg6[%dma_start3A_58, %dma_start3A_59] : memref<200x128xf32, #tpu.memory_space<vmem>> -> memref<128x128xf32, #tpu.memory_space<vmem>>
      tpu.enqueue_dma source(%dma_start3A_60 : memref<128x128xf32, #tpu.memory_space<vmem>>) target(%dma_start3A_57 : memref<128x128xf32, #tpu.memory_space<vmem_shared>>) target_semaphore(%run_scoped3A : memref<!tpu.dma_semaphore, #tpu.memory_space<semaphore_mem>>)
      %dma_wait3A = arith.constant 0 : i32
      %dma_wait3A_61 = arith.constant 0 : i32
      %dma_wait3A_62 = tpu.memref_slice %arg6[%dma_wait3A, %dma_wait3A_61] : memref<200x128xf32, #tpu.memory_space<vmem>> -> memref<128x128xf32, #tpu.memory_space<vmem>>
      %dma_wait3A_63 = arith.constant 0 : i32
      %dma_wait3A_64 = tpu.memref_slice %arg7[%add3A_11, %dma_wait3A_63] : memref<10240x128xf32, #tpu.memory_space<vmem_shared>> -> memref<128x128xf32, #tpu.memory_space<vmem_shared>>
      %dma_wait3A_65 = arith.constant 0 : i32
      %dma_wait3A_66 = tpu.memref_slice %arg7[%add3A_11, %dma_wait3A_65] : memref<10240x128xf32, #tpu.memory_space<vmem_shared>> -> memref<128x128xf32, #tpu.memory_space<vmem_shared>>
      %dma_wait3A_67 = arith.constant 0 : i32
      %dma_wait3A_68 = arith.constant 0 : i32
      %dma_wait3A_69 = tpu.memref_slice %arg6[%dma_wait3A_67, %dma_wait3A_68] : memref<200x128xf32, #tpu.memory_space<vmem>> -> memref<128x128xf32, #tpu.memory_space<vmem>>
      tpu.wait_dma2 semaphore(%run_scoped3A : memref<!tpu.dma_semaphore, #tpu.memory_space<semaphore_mem>>) src(%dma_wait3A_69 : memref<128x128xf32, #tpu.memory_space<vmem>>) dst(%dma_wait3A_66 : memref<128x128xf32, #tpu.memory_space<vmem_shared>>)
      tpu.yield
    }) : () -> ()
    %mul3A_12 = arith.constant 640 : i32
    %mul3A_13 = arith.muli %arg1, %mul3A_12 : i32
    %add3A_14 = arith.constant 256 : i32
    %add3A_15 = arith.addi %mul3A_13, %add3A_14 : i32
    "tpu.region"() ({
      %run_scoped3A = tpu.sem_alloc : memref<!tpu.dma_semaphore, #tpu.memory_space<semaphore_mem>>
      %dma_start3A = arith.constant 0 : i32
      %dma_start3A_52 = arith.constant 0 : i32
      %dma_start3A_53 = tpu.memref_slice %arg6[%dma_start3A, %dma_start3A_52] : memref<200x128xf32, #tpu.memory_space<vmem>> -> memref<128x128xf32, #tpu.memory_space<vmem>>
      %dma_start3A_54 = arith.constant 0 : i32
      %dma_start3A_55 = tpu.memref_slice %arg7[%add3A_15, %dma_start3A_54] : memref<10240x128xf32, #tpu.memory_space<vmem_shared>> -> memref<128x128xf32, #tpu.memory_space<vmem_shared>>
      %dma_start3A_56 = arith.constant 0 : i32
      %dma_start3A_57 = tpu.memref_slice %arg7[%add3A_15, %dma_start3A_56] : memref<10240x128xf32, #tpu.memory_space<vmem_shared>> -> memref<128x128xf32, #tpu.memory_space<vmem_shared>>
      %dma_start3A_58 = arith.constant 0 : i32
      %dma_start3A_59 = arith.constant 0 : i32
      %dma_start3A_60 = tpu.memref_slice %arg6[%dma_start3A_58, %dma_start3A_59] : memref<200x128xf32, #tpu.memory_space<vmem>> -> memref<128x128xf32, #tpu.memory_space<vmem>>
      tpu.enqueue_dma source(%dma_start3A_60 : memref<128x128xf32, #tpu.memory_space<vmem>>) target(%dma_start3A_57 : memref<128x128xf32, #tpu.memory_space<vmem_shared>>) target_semaphore(%run_scoped3A : memref<!tpu.dma_semaphore, #tpu.memory_space<semaphore_mem>>)
      %dma_wait3A = arith.constant 0 : i32
      %dma_wait3A_61 = arith.constant 0 : i32
      %dma_wait3A_62 = tpu.memref_slice %arg6[%dma_wait3A, %dma_wait3A_61] : memref<200x128xf32, #tpu.memory_space<vmem>> -> memref<128x128xf32, #tpu.memory_space<vmem>>
      %dma_wait3A_63 = arith.constant 0 : i32
      %dma_wait3A_64 = tpu.memref_slice %arg7[%add3A_15, %dma_wait3A_63] : memref<10240x128xf32, #tpu.memory_space<vmem_shared>> -> memref<128x128xf32, #tpu.memory_space<vmem_shared>>
      %dma_wait3A_65 = arith.constant 0 : i32
      %dma_wait3A_66 = tpu.memref_slice %arg7[%add3A_15, %dma_wait3A_65] : memref<10240x128xf32, #tpu.memory_space<vmem_shared>> -> memref<128x128xf32, #tpu.memory_space<vmem_shared>>
      %dma_wait3A_67 = arith.constant 0 : i32
      %dma_wait3A_68 = arith.constant 0 : i32
      %dma_wait3A_69 = tpu.memref_slice %arg6[%dma_wait3A_67, %dma_wait3A_68] : memref<200x128xf32, #tpu.memory_space<vmem>> -> memref<128x128xf32, #tpu.memory_space<vmem>>
      tpu.wait_dma2 semaphore(%run_scoped3A : memref<!tpu.dma_semaphore, #tpu.memory_space<semaphore_mem>>) src(%dma_wait3A_69 : memref<128x128xf32, #tpu.memory_space<vmem>>) dst(%dma_wait3A_66 : memref<128x128xf32, #tpu.memory_space<vmem_shared>>)
      tpu.yield
    }) : () -> ()
    %mul3A_16 = arith.constant 640 : i32
    %mul3A_17 = arith.muli %arg1, %mul3A_16 : i32
    %add3A_18 = arith.constant 384 : i32
    %add3A_19 = arith.addi %mul3A_17, %add3A_18 : i32
    "tpu.region"() ({
      %run_scoped3A = tpu.sem_alloc : memref<!tpu.dma_semaphore, #tpu.memory_space<semaphore_mem>>
      %dma_start3A = arith.constant 0 : i32
      %dma_start3A_52 = arith.constant 0 : i32
      %dma_start3A_53 = tpu.memref_slice %arg6[%dma_start3A, %dma_start3A_52] : memref<200x128xf32, #tpu.memory_space<vmem>> -> memref<128x128xf32, #tpu.memory_space<vmem>>
      %dma_start3A_54 = arith.constant 0 : i32
      %dma_start3A_55 = tpu.memref_slice %arg7[%add3A_19, %dma_start3A_54] : memref<10240x128xf32, #tpu.memory_space<vmem_shared>> -> memref<128x128xf32, #tpu.memory_space<vmem_shared>>
      %dma_start3A_56 = arith.constant 0 : i32
      %dma_start3A_57 = tpu.memref_slice %arg7[%add3A_19, %dma_start3A_56] : memref<10240x128xf32, #tpu.memory_space<vmem_shared>> -> memref<128x128xf32, #tpu.memory_space<vmem_shared>>
      %dma_start3A_58 = arith.constant 0 : i32
      %dma_start3A_59 = arith.constant 0 : i32
      %dma_start3A_60 = tpu.memref_slice %arg6[%dma_start3A_58, %dma_start3A_59] : memref<200x128xf32, #tpu.memory_space<vmem>> -> memref<128x128xf32, #tpu.memory_space<vmem>>
      tpu.enqueue_dma source(%dma_start3A_60 : memref<128x128xf32, #tpu.memory_space<vmem>>) target(%dma_start3A_57 : memref<128x128xf32, #tpu.memory_space<vmem_shared>>) target_semaphore(%run_scoped3A : memref<!tpu.dma_semaphore, #tpu.memory_space<semaphore_mem>>)
      %dma_wait3A = arith.constant 0 : i32
      %dma_wait3A_61 = arith.constant 0 : i32
      %dma_wait3A_62 = tpu.memref_slice %arg6[%dma_wait3A, %dma_wait3A_61] : memref<200x128xf32, #tpu.memory_space<vmem>> -> memref<128x128xf32, #tpu.memory_space<vmem>>
      %dma_wait3A_63 = arith.constant 0 : i32
      %dma_wait3A_64 = tpu.memref_slice %arg7[%add3A_19, %dma_wait3A_63] : memref<10240x128xf32, #tpu.memory_space<vmem_shared>> -> memref<128x128xf32, #tpu.memory_space<vmem_shared>>
      %dma_wait3A_65 = arith.constant 0 : i32
      %dma_wait3A_66 = tpu.memref_slice %arg7[%add3A_19, %dma_wait3A_65] : memref<10240x128xf32, #tpu.memory_space<vmem_shared>> -> memref<128x128xf32, #tpu.memory_space<vmem_shared>>
      %dma_wait3A_67 = arith.constant 0 : i32
      %dma_wait3A_68 = arith.constant 0 : i32
      %dma_wait3A_69 = tpu.memref_slice %arg6[%dma_wait3A_67, %dma_wait3A_68] : memref<200x128xf32, #tpu.memory_space<vmem>> -> memref<128x128xf32, #tpu.memory_space<vmem>>
      tpu.wait_dma2 semaphore(%run_scoped3A : memref<!tpu.dma_semaphore, #tpu.memory_space<semaphore_mem>>) src(%dma_wait3A_69 : memref<128x128xf32, #tpu.memory_space<vmem>>) dst(%dma_wait3A_66 : memref<128x128xf32, #tpu.memory_space<vmem_shared>>)
      tpu.yield
    }) : () -> ()
    %mul3A_20 = arith.constant 640 : i32
    %mul3A_21 = arith.muli %arg1, %mul3A_20 : i32
    %add3A_22 = arith.constant 512 : i32
    %add3A_23 = arith.addi %mul3A_21, %add3A_22 : i32
    "tpu.region"() ({
      %run_scoped3A = tpu.sem_alloc : memref<!tpu.dma_semaphore, #tpu.memory_space<semaphore_mem>>
      %dma_start3A = arith.constant 0 : i32
      %dma_start3A_52 = arith.constant 0 : i32
      %dma_start3A_53 = tpu.memref_slice %arg6[%dma_start3A, %dma_start3A_52] : memref<200x128xf32, #tpu.memory_space<vmem>> -> memref<128x128xf32, #tpu.memory_space<vmem>>
      %dma_start3A_54 = arith.constant 0 : i32
      %dma_start3A_55 = tpu.memref_slice %arg7[%add3A_23, %dma_start3A_54] : memref<10240x128xf32, #tpu.memory_space<vmem_shared>> -> memref<128x128xf32, #tpu.memory_space<vmem_shared>>
      %dma_start3A_56 = arith.constant 0 : i32
      %dma_start3A_57 = tpu.memref_slice %arg7[%add3A_23, %dma_start3A_56] : memref<10240x128xf32, #tpu.memory_space<vmem_shared>> -> memref<128x128xf32, #tpu.memory_space<vmem_shared>>
      %dma_start3A_58 = arith.constant 0 : i32
      %dma_start3A_59 = arith.constant 0 : i32
      %dma_start3A_60 = tpu.memref_slice %arg6[%dma_start3A_58, %dma_start3A_59] : memref<200x128xf32, #tpu.memory_space<vmem>> -> memref<128x128xf32, #tpu.memory_space<vmem>>
      tpu.enqueue_dma source(%dma_start3A_60 : memref<128x128xf32, #tpu.memory_space<vmem>>) target(%dma_start3A_57 : memref<128x128xf32, #tpu.memory_space<vmem_shared>>) target_semaphore(%run_scoped3A : memref<!tpu.dma_semaphore, #tpu.memory_space<semaphore_mem>>)
      %dma_wait3A = arith.constant 0 : i32
      %dma_wait3A_61 = arith.constant 0 : i32
      %dma_wait3A_62 = tpu.memref_slice %arg6[%dma_wait3A, %dma_wait3A_61] : memref<200x128xf32, #tpu.memory_space<vmem>> -> memref<128x128xf32, #tpu.memory_space<vmem>>
      %dma_wait3A_63 = arith.constant 0 : i32
      %dma_wait3A_64 = tpu.memref_slice %arg7[%add3A_23, %dma_wait3A_63] : memref<10240x128xf32, #tpu.memory_space<vmem_shared>> -> memref<128x128xf32, #tpu.memory_space<vmem_shared>>
      %dma_wait3A_65 = arith.constant 0 : i32
      %dma_wait3A_66 = tpu.memref_slice %arg7[%add3A_23, %dma_wait3A_65] : memref<10240x128xf32, #tpu.memory_space<vmem_shared>> -> memref<128x128xf32, #tpu.memory_space<vmem_shared>>
      %dma_wait3A_67 = arith.constant 0 : i32
      %dma_wait3A_68 = arith.constant 0 : i32
      %dma_wait3A_69 = tpu.memref_slice %arg6[%dma_wait3A_67, %dma_wait3A_68] : memref<200x128xf32, #tpu.memory_space<vmem>> -> memref<128x128xf32, #tpu.memory_space<vmem>>
      tpu.wait_dma2 semaphore(%run_scoped3A : memref<!tpu.dma_semaphore, #tpu.memory_space<semaphore_mem>>) src(%dma_wait3A_69 : memref<128x128xf32, #tpu.memory_space<vmem>>) dst(%dma_wait3A_66 : memref<128x128xf32, #tpu.memory_space<vmem_shared>>)
      tpu.yield
    }) : () -> ()
    %barrier3A = arith.constant 0 : index
    tpu.barrier barrier_id(%barrier3A)
    %scan3A_24 = arith.constant 0 : i32
    %scan3A_25 = arith.constant 0 : i32
    %scan3A_26 = arith.constant 50 : i32
    %scan3A_27 = arith.addi %scan3A_25, %scan3A_26 : i32
    %scan3A_28 = arith.constant 1 : i32
    %scan3A_29 = scf.for %scan3A_52 = %scan3A_25 to %scan3A_27 step %scan3A_28 iter_args(%scan3A_53 = %scan3A_24) -> (i32)  : i32 {
      %mul3A_54 = arith.constant 10000 : i32
      %mul3A_55 = arith.muli %arg1, %mul3A_54 : i32
      %mul3A_56 = arith.constant 200 : i32
      %mul3A_57 = arith.muli %scan3A_52, %mul3A_56 : i32
      %add3A_58 = arith.addi %mul3A_55, %mul3A_57 : i32
      "tpu.region"() ({
        %run_scoped3A = tpu.sem_alloc : memref<!tpu.dma_semaphore, #tpu.memory_space<semaphore_mem>>
        %dma_start3A = tpu.memref_slice %arg3[%add3A_58] : memref<160000xi32, #tpu.memory_space<hbm>> -> memref<200xi32, #tpu.memory_space<hbm>>
        %dma_start3A_60 = tpu.memref_slice %arg3[%add3A_58] : memref<160000xi32, #tpu.memory_space<hbm>> -> memref<200xi32, #tpu.memory_space<hbm>>
        tpu.enqueue_dma source(%dma_start3A_60 : memref<200xi32, #tpu.memory_space<hbm>>) target(%arg5 : memref<200xi32, #tpu.memory_space<vmem>>) target_semaphore(%run_scoped3A : memref<!tpu.dma_semaphore, #tpu.memory_space<semaphore_mem>>)
        %dma_wait3A = tpu.memref_slice %arg3[%add3A_58] : memref<160000xi32, #tpu.memory_space<hbm>> -> memref<200xi32, #tpu.memory_space<hbm>>
        %dma_wait3A_61 = tpu.memref_slice %arg3[%add3A_58] : memref<160000xi32, #tpu.memory_space<hbm>> -> memref<200xi32, #tpu.memory_space<hbm>>
        tpu.wait_dma2 semaphore(%run_scoped3A : memref<!tpu.dma_semaphore, #tpu.memory_space<semaphore_mem>>) src(%dma_wait3A_61 : memref<200xi32, #tpu.memory_space<hbm>>) dst(%arg5 : memref<200xi32, #tpu.memory_space<vmem>>)
        tpu.yield
      }) : () -> ()
      "tpu.region"() ({
        %run_scoped3A = tpu.sem_alloc : memref<!tpu.dma_semaphore, #tpu.memory_space<semaphore_mem>>
        %dma_start3A = arith.constant 0 : i32
        %dma_start3A_60 = tpu.memref_slice %arg2[%arg0, %add3A_58, %dma_start3A] : memref<2x160000x128xf32, #tpu.memory_space<hbm>> -> memref<1x200x128xf32, #tpu.memory_space<hbm>>
        %dma_start3A_61 = tpu.memref_squeeze %dma_start3A_60 : memref<1x200x128xf32, #tpu.memory_space<hbm>> -> memref<200x128xf32, #tpu.memory_space<hbm>>
        %dma_start3A_62 = arith.constant 0 : i32
        %dma_start3A_63 = tpu.memref_slice %arg2[%arg0, %add3A_58, %dma_start3A_62] : memref<2x160000x128xf32, #tpu.memory_space<hbm>> -> memref<1x200x128xf32, #tpu.memory_space<hbm>>
        %dma_start3A_64 = tpu.memref_squeeze %dma_start3A_63 : memref<1x200x128xf32, #tpu.memory_space<hbm>> -> memref<200x128xf32, #tpu.memory_space<hbm>>
        tpu.enqueue_dma source(%dma_start3A_64 : memref<200x128xf32, #tpu.memory_space<hbm>>) target(%arg6 : memref<200x128xf32, #tpu.memory_space<vmem>>) target_semaphore(%run_scoped3A : memref<!tpu.dma_semaphore, #tpu.memory_space<semaphore_mem>>)
        %dma_wait3A = arith.constant 0 : i32
        %dma_wait3A_65 = tpu.memref_slice %arg2[%arg0, %add3A_58, %dma_wait3A] : memref<2x160000x128xf32, #tpu.memory_space<hbm>> -> memref<1x200x128xf32, #tpu.memory_space<hbm>>
        %dma_wait3A_66 = tpu.memref_squeeze %dma_wait3A_65 : memref<1x200x128xf32, #tpu.memory_space<hbm>> -> memref<200x128xf32, #tpu.memory_space<hbm>>
        %dma_wait3A_67 = arith.constant 0 : i32
        %dma_wait3A_68 = tpu.memref_slice %arg2[%arg0, %add3A_58, %dma_wait3A_67] : memref<2x160000x128xf32, #tpu.memory_space<hbm>> -> memref<1x200x128xf32, #tpu.memory_space<hbm>>
        %dma_wait3A_69 = tpu.memref_squeeze %dma_wait3A_68 : memref<1x200x128xf32, #tpu.memory_space<hbm>> -> memref<200x128xf32, #tpu.memory_space<hbm>>
        tpu.wait_dma2 semaphore(%run_scoped3A : memref<!tpu.dma_semaphore, #tpu.memory_space<semaphore_mem>>) src(%dma_wait3A_69 : memref<200x128xf32, #tpu.memory_space<hbm>>) dst(%arg6 : memref<200x128xf32, #tpu.memory_space<vmem>>)
        tpu.yield
      }) : () -> ()
      "tpu.region"() ({
        %run_scoped3A = tpu.sem_alloc : memref<!tpu.dma_semaphore, #tpu.memory_space<semaphore_mem>>
        %dma_start3A = arith.constant 0 : i32
        %dma_start3A_60 = arith.constant 0 : i32
        %dma_start3A_61 = tpu.memref_slice %arg7[%dma_start3A, %dma_start3A_60] : memref<10240x128xf32, #tpu.memory_space<vmem_shared>> -> memref<10240x128xf32, #tpu.memory_space<vmem_shared>>
        tpu.enqueue_indirect_dma source(%arg6 : memref<200x128xf32, #tpu.memory_space<vmem>>) target(%dma_start3A_61 : memref<10240x128xf32, #tpu.memory_space<vmem_shared>>) offsets(%arg5 : memref<200xi32, #tpu.memory_space<vmem>>) semaphore(%run_scoped3A : memref<!tpu.dma_semaphore, #tpu.memory_space<semaphore_mem>>) {add = true}
        %dma_wait3A = arith.constant 0 : i32
        %dma_wait3A_62 = arith.constant 0 : i32
        %dma_wait3A_63 = tpu.memref_slice %arg7[%dma_wait3A, %dma_wait3A_62] : memref<10240x128xf32, #tpu.memory_space<vmem_shared>> -> memref<10240x128xf32, #tpu.memory_space<vmem_shared>>
        tpu.wait_indirect_dma semaphore(%run_scoped3A : memref<!tpu.dma_semaphore, #tpu.memory_space<semaphore_mem>>) src(%arg6 : memref<200x128xf32, #tpu.memory_space<vmem>>) dst(%dma_wait3A_63 : memref<10240x128xf32, #tpu.memory_space<vmem_shared>>)
        tpu.yield
      }) : () -> ()
      %scan3A_59 = arith.constant 0 : i32
      scf.yield %scan3A_59 : i32
    }
    %scan3A_30 = arith.constant 50 : i32
    %barrier3A_31 = arith.constant 0 : index
    tpu.barrier barrier_id(%barrier3A_31)
    %mul3A_32 = arith.constant 640 : i32
    %mul3A_33 = arith.muli %arg1, %mul3A_32 : i32
    %add3A_34 = arith.constant 0 : i32
    %add3A_35 = arith.addi %mul3A_33, %add3A_34 : i32
    "tpu.region"() ({
      %run_scoped3A = tpu.sem_alloc : memref<!tpu.dma_semaphore, #tpu.memory_space<semaphore_mem>>
      %dma_start3A = arith.constant 0 : i32
      %dma_start3A_52 = tpu.memref_slice %arg4[%arg0, %add3A_35, %dma_start3A] : memref<2x10240x128xf32, #tpu.memory_space<hbm>> -> memref<1x128x128xf32, #tpu.memory_space<hbm>>
      %dma_start3A_53 = tpu.memref_squeeze %dma_start3A_52 : memref<1x128x128xf32, #tpu.memory_space<hbm>> -> memref<128x128xf32, #tpu.memory_space<hbm>>
      %dma_start3A_54 = arith.constant 0 : i32
      %dma_start3A_55 = tpu.memref_slice %arg7[%add3A_35, %dma_start3A_54] : memref<10240x128xf32, #tpu.memory_space<vmem_shared>> -> memref<128x128xf32, #tpu.memory_space<vmem_shared>>
      tpu.enqueue_dma source(%dma_start3A_55 : memref<128x128xf32, #tpu.memory_space<vmem_shared>>) target(%dma_start3A_53 : memref<128x128xf32, #tpu.memory_space<hbm>>) target_semaphore(%run_scoped3A : memref<!tpu.dma_semaphore, #tpu.memory_space<semaphore_mem>>)
      %dma_wait3A = arith.constant 0 : i32
      %dma_wait3A_56 = tpu.memref_slice %arg4[%arg0, %add3A_35, %dma_wait3A] : memref<2x10240x128xf32, #tpu.memory_space<hbm>> -> memref<1x128x128xf32, #tpu.memory_space<hbm>>
      %dma_wait3A_57 = tpu.memref_squeeze %dma_wait3A_56 : memref<1x128x128xf32, #tpu.memory_space<hbm>> -> memref<128x128xf32, #tpu.memory_space<hbm>>
      %dma_wait3A_58 = arith.constant 0 : i32
      %dma_wait3A_59 = tpu.memref_slice %arg7[%add3A_35, %dma_wait3A_58] : memref<10240x128xf32, #tpu.memory_space<vmem_shared>> -> memref<128x128xf32, #tpu.memory_space<vmem_shared>>
      tpu.wait_dma2 semaphore(%run_scoped3A : memref<!tpu.dma_semaphore, #tpu.memory_space<semaphore_mem>>) src(%dma_wait3A_59 : memref<128x128xf32, #tpu.memory_space<vmem_shared>>) dst(%dma_wait3A_57 : memref<128x128xf32, #tpu.memory_space<hbm>>)
      tpu.yield
    }) : () -> ()
    %mul3A_36 = arith.constant 640 : i32
    %mul3A_37 = arith.muli %arg1, %mul3A_36 : i32
    %add3A_38 = arith.constant 128 : i32
    %add3A_39 = arith.addi %mul3A_37, %add3A_38 : i32
    "tpu.region"() ({
      %run_scoped3A = tpu.sem_alloc : memref<!tpu.dma_semaphore, #tpu.memory_space<semaphore_mem>>
      %dma_start3A = arith.constant 0 : i32
      %dma_start3A_52 = tpu.memref_slice %arg4[%arg0, %add3A_39, %dma_start3A] : memref<2x10240x128xf32, #tpu.memory_space<hbm>> -> memref<1x128x128xf32, #tpu.memory_space<hbm>>
      %dma_start3A_53 = tpu.memref_squeeze %dma_start3A_52 : memref<1x128x128xf32, #tpu.memory_space<hbm>> -> memref<128x128xf32, #tpu.memory_space<hbm>>
      %dma_start3A_54 = arith.constant 0 : i32
      %dma_start3A_55 = tpu.memref_slice %arg7[%add3A_39, %dma_start3A_54] : memref<10240x128xf32, #tpu.memory_space<vmem_shared>> -> memref<128x128xf32, #tpu.memory_space<vmem_shared>>
      tpu.enqueue_dma source(%dma_start3A_55 : memref<128x128xf32, #tpu.memory_space<vmem_shared>>) target(%dma_start3A_53 : memref<128x128xf32, #tpu.memory_space<hbm>>) target_semaphore(%run_scoped3A : memref<!tpu.dma_semaphore, #tpu.memory_space<semaphore_mem>>)
      %dma_wait3A = arith.constant 0 : i32
      %dma_wait3A_56 = tpu.memref_slice %arg4[%arg0, %add3A_39, %dma_wait3A] : memref<2x10240x128xf32, #tpu.memory_space<hbm>> -> memref<1x128x128xf32, #tpu.memory_space<hbm>>
      %dma_wait3A_57 = tpu.memref_squeeze %dma_wait3A_56 : memref<1x128x128xf32, #tpu.memory_space<hbm>> -> memref<128x128xf32, #tpu.memory_space<hbm>>
      %dma_wait3A_58 = arith.constant 0 : i32
      %dma_wait3A_59 = tpu.memref_slice %arg7[%add3A_39, %dma_wait3A_58] : memref<10240x128xf32, #tpu.memory_space<vmem_shared>> -> memref<128x128xf32, #tpu.memory_space<vmem_shared>>
      tpu.wait_dma2 semaphore(%run_scoped3A : memref<!tpu.dma_semaphore, #tpu.memory_space<semaphore_mem>>) src(%dma_wait3A_59 : memref<128x128xf32, #tpu.memory_space<vmem_shared>>) dst(%dma_wait3A_57 : memref<128x128xf32, #tpu.memory_space<hbm>>)
      tpu.yield
    }) : () -> ()
    %mul3A_40 = arith.constant 640 : i32
    %mul3A_41 = arith.muli %arg1, %mul3A_40 : i32
    %add3A_42 = arith.constant 256 : i32
    %add3A_43 = arith.addi %mul3A_41, %add3A_42 : i32
    "tpu.region"() ({
      %run_scoped3A = tpu.sem_alloc : memref<!tpu.dma_semaphore, #tpu.memory_space<semaphore_mem>>
      %dma_start3A = arith.constant 0 : i32
      %dma_start3A_52 = tpu.memref_slice %arg4[%arg0, %add3A_43, %dma_start3A] : memref<2x10240x128xf32, #tpu.memory_space<hbm>> -> memref<1x128x128xf32, #tpu.memory_space<hbm>>
      %dma_start3A_53 = tpu.memref_squeeze %dma_start3A_52 : memref<1x128x128xf32, #tpu.memory_space<hbm>> -> memref<128x128xf32, #tpu.memory_space<hbm>>
      %dma_start3A_54 = arith.constant 0 : i32
      %dma_start3A_55 = tpu.memref_slice %arg7[%add3A_43, %dma_start3A_54] : memref<10240x128xf32, #tpu.memory_space<vmem_shared>> -> memref<128x128xf32, #tpu.memory_space<vmem_shared>>
      tpu.enqueue_dma source(%dma_start3A_55 : memref<128x128xf32, #tpu.memory_space<vmem_shared>>) target(%dma_start3A_53 : memref<128x128xf32, #tpu.memory_space<hbm>>) target_semaphore(%run_scoped3A : memref<!tpu.dma_semaphore, #tpu.memory_space<semaphore_mem>>)
      %dma_wait3A = arith.constant 0 : i32
      %dma_wait3A_56 = tpu.memref_slice %arg4[%arg0, %add3A_43, %dma_wait3A] : memref<2x10240x128xf32, #tpu.memory_space<hbm>> -> memref<1x128x128xf32, #tpu.memory_space<hbm>>
      %dma_wait3A_57 = tpu.memref_squeeze %dma_wait3A_56 : memref<1x128x128xf32, #tpu.memory_space<hbm>> -> memref<128x128xf32, #tpu.memory_space<hbm>>
      %dma_wait3A_58 = arith.constant 0 : i32
      %dma_wait3A_59 = tpu.memref_slice %arg7[%add3A_43, %dma_wait3A_58] : memref<10240x128xf32, #tpu.memory_space<vmem_shared>> -> memref<128x128xf32, #tpu.memory_space<vmem_shared>>
      tpu.wait_dma2 semaphore(%run_scoped3A : memref<!tpu.dma_semaphore, #tpu.memory_space<semaphore_mem>>) src(%dma_wait3A_59 : memref<128x128xf32, #tpu.memory_space<vmem_shared>>) dst(%dma_wait3A_57 : memref<128x128xf32, #tpu.memory_space<hbm>>)
      tpu.yield
    }) : () -> ()
    %mul3A_44 = arith.constant 640 : i32
    %mul3A_45 = arith.muli %arg1, %mul3A_44 : i32
    %add3A_46 = arith.constant 384 : i32
    %add3A_47 = arith.addi %mul3A_45, %add3A_46 : i32
    "tpu.region"() ({
      %run_scoped3A = tpu.sem_alloc : memref<!tpu.dma_semaphore, #tpu.memory_space<semaphore_mem>>
      %dma_start3A = arith.constant 0 : i32
      %dma_start3A_52 = tpu.memref_slice %arg4[%arg0, %add3A_47, %dma_start3A] : memref<2x10240x128xf32, #tpu.memory_space<hbm>> -> memref<1x128x128xf32, #tpu.memory_space<hbm>>
      %dma_start3A_53 = tpu.memref_squeeze %dma_start3A_52 : memref<1x128x128xf32, #tpu.memory_space<hbm>> -> memref<128x128xf32, #tpu.memory_space<hbm>>
      %dma_start3A_54 = arith.constant 0 : i32
      %dma_start3A_55 = tpu.memref_slice %arg7[%add3A_47, %dma_start3A_54] : memref<10240x128xf32, #tpu.memory_space<vmem_shared>> -> memref<128x128xf32, #tpu.memory_space<vmem_shared>>
      tpu.enqueue_dma source(%dma_start3A_55 : memref<128x128xf32, #tpu.memory_space<vmem_shared>>) target(%dma_start3A_53 : memref<128x128xf32, #tpu.memory_space<hbm>>) target_semaphore(%run_scoped3A : memref<!tpu.dma_semaphore, #tpu.memory_space<semaphore_mem>>)
      %dma_wait3A = arith.constant 0 : i32
      %dma_wait3A_56 = tpu.memref_slice %arg4[%arg0, %add3A_47, %dma_wait3A] : memref<2x10240x128xf32, #tpu.memory_space<hbm>> -> memref<1x128x128xf32, #tpu.memory_space<hbm>>
      %dma_wait3A_57 = tpu.memref_squeeze %dma_wait3A_56 : memref<1x128x128xf32, #tpu.memory_space<hbm>> -> memref<128x128xf32, #tpu.memory_space<hbm>>
      %dma_wait3A_58 = arith.constant 0 : i32
      %dma_wait3A_59 = tpu.memref_slice %arg7[%add3A_47, %dma_wait3A_58] : memref<10240x128xf32, #tpu.memory_space<vmem_shared>> -> memref<128x128xf32, #tpu.memory_space<vmem_shared>>
      tpu.wait_dma2 semaphore(%run_scoped3A : memref<!tpu.dma_semaphore, #tpu.memory_space<semaphore_mem>>) src(%dma_wait3A_59 : memref<128x128xf32, #tpu.memory_space<vmem_shared>>) dst(%dma_wait3A_57 : memref<128x128xf32, #tpu.memory_space<hbm>>)
      tpu.yield
    }) : () -> ()
    %mul3A_48 = arith.constant 640 : i32
    %mul3A_49 = arith.muli %arg1, %mul3A_48 : i32
    %add3A_50 = arith.constant 512 : i32
    %add3A_51 = arith.addi %mul3A_49, %add3A_50 : i32
    "tpu.region"() ({
      %run_scoped3A = tpu.sem_alloc : memref<!tpu.dma_semaphore, #tpu.memory_space<semaphore_mem>>
      %dma_start3A = arith.constant 0 : i32
      %dma_start3A_52 = tpu.memref_slice %arg4[%arg0, %add3A_51, %dma_start3A] : memref<2x10240x128xf32, #tpu.memory_space<hbm>> -> memref<1x128x128xf32, #tpu.memory_space<hbm>>
      %dma_start3A_53 = tpu.memref_squeeze %dma_start3A_52 : memref<1x128x128xf32, #tpu.memory_space<hbm>> -> memref<128x128xf32, #tpu.memory_space<hbm>>
      %dma_start3A_54 = arith.constant 0 : i32
      %dma_start3A_55 = tpu.memref_slice %arg7[%add3A_51, %dma_start3A_54] : memref<10240x128xf32, #tpu.memory_space<vmem_shared>> -> memref<128x128xf32, #tpu.memory_space<vmem_shared>>
      tpu.enqueue_dma source(%dma_start3A_55 : memref<128x128xf32, #tpu.memory_space<vmem_shared>>) target(%dma_start3A_53 : memref<128x128xf32, #tpu.memory_space<hbm>>) target_semaphore(%run_scoped3A : memref<!tpu.dma_semaphore, #tpu.memory_space<semaphore_mem>>)
      %dma_wait3A = arith.constant 0 : i32
      %dma_wait3A_56 = tpu.memref_slice %arg4[%arg0, %add3A_51, %dma_wait3A] : memref<2x10240x128xf32, #tpu.memory_space<hbm>> -> memref<1x128x128xf32, #tpu.memory_space<hbm>>
      %dma_wait3A_57 = tpu.memref_squeeze %dma_wait3A_56 : memref<1x128x128xf32, #tpu.memory_space<hbm>> -> memref<128x128xf32, #tpu.memory_space<hbm>>
      %dma_wait3A_58 = arith.constant 0 : i32
      %dma_wait3A_59 = tpu.memref_slice %arg7[%add3A_51, %dma_wait3A_58] : memref<10240x128xf32, #tpu.memory_space<vmem_shared>> -> memref<128x128xf32, #tpu.memory_space<vmem_shared>>
      tpu.wait_dma2 semaphore(%run_scoped3A : memref<!tpu.dma_semaphore, #tpu.memory_space<semaphore_mem>>) src(%dma_wait3A_59 : memref<128x128xf32, #tpu.memory_space<vmem_shared>>) dst(%dma_wait3A_57 : memref<128x128xf32, #tpu.memory_space<hbm>>)
      tpu.yield
    }) : () -> ()
    return
  }
}

#map = affine_map<(d0, d1) -> (0, 0)>
#map1 = affine_map<(d0, d1) -> (0)>
#map2 = affine_map<(d0, d1) -> (0, 0, 0)>
module attributes {stable_mosaic.version = 14 : i64} {
  func.func @k(%arg0: i32, %arg1: i32, %arg2: memref<160000x128xf32, #tpu.memory_space<hbm>>, %arg3: memref<160000xi32, #tpu.memory_space<hbm>>, %arg4: memref<2x10240x128xf32, #tpu.memory_space<hbm>>, %arg5: memref<200xi32, #tpu.memory_space<vmem>>, %arg6: memref<200x128xf32, #tpu.memory_space<vmem>>, %arg7: memref<10240x128xf32, #tpu.memory_space<vmem_shared>>) attributes {dimension_semantics = [#tpu.dimension_semantics<core_parallel>, #tpu.dimension_semantics<subcore_parallel>], iteration_bounds = array<i64: 2, 16>, scalar_prefetch = 0 : i64, scratch_operands = 3 : i64, tpu.core_type = #tpu.core_type<sc_vector_subcore>, window_params = [{transform_indices = #map}, {transform_indices = #map1}, {transform_indices = #map2}]} {
    %scan3A = arith.constant 0 : i32
    %scan3A_0 = arith.constant 0 : i32
    %scan3A_1 = arith.constant 128 : i32
    %scan3A_2 = arith.addi %scan3A_0, %scan3A_1 : i32
    %scan3A_3 = arith.constant 1 : i32
    %scan3A_4 = scf.for %scan3A_52 = %scan3A_0 to %scan3A_2 step %scan3A_3 iter_args(%scan3A_53 = %scan3A) -> (i32)  : i32 {
      %broadcast_in_dim3A = arith.constant 0.000000e+00 : f32
      %broadcast_in_dim3A_54 = vector.broadcast %broadcast_in_dim3A : f32 to vector<16xf32>
      %swap3A = arith.index_cast %scan3A_52 : i32 to index
      %swap3A_55 = arith.constant 0 : index
      %swap3A_56 = tpu.vector_load %arg6[%swap3A, %swap3A_55] {strides = array<i32>} : memref<200x128xf32, #tpu.memory_space<vmem>>, vector<16xf32>,
      tpu.vector_store %arg6[%swap3A, %swap3A_55], %broadcast_in_dim3A_54 {strides = array<i32>} : memref<200x128xf32, #tpu.memory_space<vmem>>, vector<16xf32>,
      %broadcast_in_dim3A_57 = arith.constant 0.000000e+00 : f32
      %broadcast_in_dim3A_58 = vector.broadcast %broadcast_in_dim3A_57 : f32 to vector<16xf32>
      %swap3A_59 = arith.index_cast %scan3A_52 : i32 to index
      %swap3A_60 = arith.constant 16 : index
      %swap3A_61 = tpu.vector_load %arg6[%swap3A_59, %swap3A_60] {strides = array<i32>} : memref<200x128xf32, #tpu.memory_space<vmem>>, vector<16xf32>,
      tpu.vector_store %arg6[%swap3A_59, %swap3A_60], %broadcast_in_dim3A_58 {strides = array<i32>} : memref<200x128xf32, #tpu.memory_space<vmem>>, vector<16xf32>,
      %broadcast_in_dim3A_62 = arith.constant 0.000000e+00 : f32
      %broadcast_in_dim3A_63 = vector.broadcast %broadcast_in_dim3A_62 : f32 to vector<16xf32>
      %swap3A_64 = arith.index_cast %scan3A_52 : i32 to index
      %swap3A_65 = arith.constant 32 : index
      %swap3A_66 = tpu.vector_load %arg6[%swap3A_64, %swap3A_65] {strides = array<i32>} : memref<200x128xf32, #tpu.memory_space<vmem>>, vector<16xf32>,
      tpu.vector_store %arg6[%swap3A_64, %swap3A_65], %broadcast_in_dim3A_63 {strides = array<i32>} : memref<200x128xf32, #tpu.memory_space<vmem>>, vector<16xf32>,
      %broadcast_in_dim3A_67 = arith.constant 0.000000e+00 : f32
      %broadcast_in_dim3A_68 = vector.broadcast %broadcast_in_dim3A_67 : f32 to vector<16xf32>
      %swap3A_69 = arith.index_cast %scan3A_52 : i32 to index
      %swap3A_70 = arith.constant 48 : index
      %swap3A_71 = tpu.vector_load %arg6[%swap3A_69, %swap3A_70] {strides = array<i32>} : memref<200x128xf32, #tpu.memory_space<vmem>>, vector<16xf32>,
      tpu.vector_store %arg6[%swap3A_69, %swap3A_70], %broadcast_in_dim3A_68 {strides = array<i32>} : memref<200x128xf32, #tpu.memory_space<vmem>>, vector<16xf32>,
      %broadcast_in_dim3A_72 = arith.constant 0.000000e+00 : f32
      %broadcast_in_dim3A_73 = vector.broadcast %broadcast_in_dim3A_72 : f32 to vector<16xf32>
      %swap3A_74 = arith.index_cast %scan3A_52 : i32 to index
      %swap3A_75 = arith.constant 64 : index
      %swap3A_76 = tpu.vector_load %arg6[%swap3A_74, %swap3A_75] {strides = array<i32>} : memref<200x128xf32, #tpu.memory_space<vmem>>, vector<16xf32>,
      tpu.vector_store %arg6[%swap3A_74, %swap3A_75], %broadcast_in_dim3A_73 {strides = array<i32>} : memref<200x128xf32, #tpu.memory_space<vmem>>, vector<16xf32>,
      %broadcast_in_dim3A_77 = arith.constant 0.000000e+00 : f32
      %broadcast_in_dim3A_78 = vector.broadcast %broadcast_in_dim3A_77 : f32 to vector<16xf32>
      %swap3A_79 = arith.index_cast %scan3A_52 : i32 to index
      %swap3A_80 = arith.constant 80 : index
      %swap3A_81 = tpu.vector_load %arg6[%swap3A_79, %swap3A_80] {strides = array<i32>} : memref<200x128xf32, #tpu.memory_space<vmem>>, vector<16xf32>,
      tpu.vector_store %arg6[%swap3A_79, %swap3A_80], %broadcast_in_dim3A_78 {strides = array<i32>} : memref<200x128xf32, #tpu.memory_space<vmem>>, vector<16xf32>,
      %broadcast_in_dim3A_82 = arith.constant 0.000000e+00 : f32
      %broadcast_in_dim3A_83 = vector.broadcast %broadcast_in_dim3A_82 : f32 to vector<16xf32>
      %swap3A_84 = arith.index_cast %scan3A_52 : i32 to index
      %swap3A_85 = arith.constant 96 : index
      %swap3A_86 = tpu.vector_load %arg6[%swap3A_84, %swap3A_85] {strides = array<i32>} : memref<200x128xf32, #tpu.memory_space<vmem>>, vector<16xf32>,
      tpu.vector_store %arg6[%swap3A_84, %swap3A_85], %broadcast_in_dim3A_83 {strides = array<i32>} : memref<200x128xf32, #tpu.memory_space<vmem>>, vector<16xf32>,
      %broadcast_in_dim3A_87 = arith.constant 0.000000e+00 : f32
      %broadcast_in_dim3A_88 = vector.broadcast %broadcast_in_dim3A_87 : f32 to vector<16xf32>
      %swap3A_89 = arith.index_cast %scan3A_52 : i32 to index
      %swap3A_90 = arith.constant 112 : index
      %swap3A_91 = tpu.vector_load %arg6[%swap3A_89, %swap3A_90] {strides = array<i32>} : memref<200x128xf32, #tpu.memory_space<vmem>>, vector<16xf32>,
      tpu.vector_store %arg6[%swap3A_89, %swap3A_90], %broadcast_in_dim3A_88 {strides = array<i32>} : memref<200x128xf32, #tpu.memory_space<vmem>>, vector<16xf32>,
      %scan3A_92 = arith.constant 0 : i32
      scf.yield %scan3A_92 : i32
    }
    %scan3A_5 = arith.constant 128 : i32
    %mul3A = arith.constant 640 : i32
    %mul3A_6 = arith.muli %arg1, %mul3A : i32
    %add3A = arith.constant 0 : i32
    %add3A_7 = arith.addi %mul3A_6, %add3A : i32
    "tpu.region"() ({
      %run_scoped3A = tpu.sem_alloc : memref<!tpu.dma_semaphore, #tpu.memory_space<semaphore_mem>>
      %dma_start3A = arith.constant 0 : i32
      %dma_start3A_52 = arith.constant 0 : i32
      %dma_start3A_53 = tpu.memref_slice %arg6[%dma_start3A, %dma_start3A_52] : memref<200x128xf32, #tpu.memory_space<vmem>> -> memref<128x128xf32, #tpu.memory_space<vmem>>
      %dma_start3A_54 = arith.constant 0 : i32
      %dma_start3A_55 = tpu.memref_slice %arg7[%add3A_7, %dma_start3A_54] : memref<10240x128xf32, #tpu.memory_space<vmem_shared>> -> memref<128x128xf32, #tpu.memory_space<vmem_shared>>
      %dma_start3A_56 = arith.constant 0 : i32
      %dma_start3A_57 = tpu.memref_slice %arg7[%add3A_7, %dma_start3A_56] : memref<10240x128xf32, #tpu.memory_space<vmem_shared>> -> memref<128x128xf32, #tpu.memory_space<vmem_shared>>
      %dma_start3A_58 = arith.constant 0 : i32
      %dma_start3A_59 = arith.constant 0 : i32
      %dma_start3A_60 = tpu.memref_slice %arg6[%dma_start3A_58, %dma_start3A_59] : memref<200x128xf32, #tpu.memory_space<vmem>> -> memref<128x128xf32, #tpu.memory_space<vmem>>
      tpu.enqueue_dma source(%dma_start3A_60 : memref<128x128xf32, #tpu.memory_space<vmem>>) target(%dma_start3A_57 : memref<128x128xf32, #tpu.memory_space<vmem_shared>>) target_semaphore(%run_scoped3A : memref<!tpu.dma_semaphore, #tpu.memory_space<semaphore_mem>>)
      %dma_wait3A = arith.constant 0 : i32
      %dma_wait3A_61 = arith.constant 0 : i32
      %dma_wait3A_62 = tpu.memref_slice %arg6[%dma_wait3A, %dma_wait3A_61] : memref<200x128xf32, #tpu.memory_space<vmem>> -> memref<128x128xf32, #tpu.memory_space<vmem>>
      %dma_wait3A_63 = arith.constant 0 : i32
      %dma_wait3A_64 = tpu.memref_slice %arg7[%add3A_7, %dma_wait3A_63] : memref<10240x128xf32, #tpu.memory_space<vmem_shared>> -> memref<128x128xf32, #tpu.memory_space<vmem_shared>>
      %dma_wait3A_65 = arith.constant 0 : i32
      %dma_wait3A_66 = tpu.memref_slice %arg7[%add3A_7, %dma_wait3A_65] : memref<10240x128xf32, #tpu.memory_space<vmem_shared>> -> memref<128x128xf32, #tpu.memory_space<vmem_shared>>
      %dma_wait3A_67 = arith.constant 0 : i32
      %dma_wait3A_68 = arith.constant 0 : i32
      %dma_wait3A_69 = tpu.memref_slice %arg6[%dma_wait3A_67, %dma_wait3A_68] : memref<200x128xf32, #tpu.memory_space<vmem>> -> memref<128x128xf32, #tpu.memory_space<vmem>>
      tpu.wait_dma2 semaphore(%run_scoped3A : memref<!tpu.dma_semaphore, #tpu.memory_space<semaphore_mem>>) src(%dma_wait3A_69 : memref<128x128xf32, #tpu.memory_space<vmem>>) dst(%dma_wait3A_66 : memref<128x128xf32, #tpu.memory_space<vmem_shared>>)
      tpu.yield
    }) : () -> ()
    %mul3A_8 = arith.constant 640 : i32
    %mul3A_9 = arith.muli %arg1, %mul3A_8 : i32
    %add3A_10 = arith.constant 128 : i32
    %add3A_11 = arith.addi %mul3A_9, %add3A_10 : i32
    "tpu.region"() ({
      %run_scoped3A = tpu.sem_alloc : memref<!tpu.dma_semaphore, #tpu.memory_space<semaphore_mem>>
      %dma_start3A = arith.constant 0 : i32
      %dma_start3A_52 = arith.constant 0 : i32
      %dma_start3A_53 = tpu.memref_slice %arg6[%dma_start3A, %dma_start3A_52] : memref<200x128xf32, #tpu.memory_space<vmem>> -> memref<128x128xf32, #tpu.memory_space<vmem>>
      %dma_start3A_54 = arith.constant 0 : i32
      %dma_start3A_55 = tpu.memref_slice %arg7[%add3A_11, %dma_start3A_54] : memref<10240x128xf32, #tpu.memory_space<vmem_shared>> -> memref<128x128xf32, #tpu.memory_space<vmem_shared>>
      %dma_start3A_56 = arith.constant 0 : i32
      %dma_start3A_57 = tpu.memref_slice %arg7[%add3A_11, %dma_start3A_56] : memref<10240x128xf32, #tpu.memory_space<vmem_shared>> -> memref<128x128xf32, #tpu.memory_space<vmem_shared>>
      %dma_start3A_58 = arith.constant 0 : i32
      %dma_start3A_59 = arith.constant 0 : i32
      %dma_start3A_60 = tpu.memref_slice %arg6[%dma_start3A_58, %dma_start3A_59] : memref<200x128xf32, #tpu.memory_space<vmem>> -> memref<128x128xf32, #tpu.memory_space<vmem>>
      tpu.enqueue_dma source(%dma_start3A_60 : memref<128x128xf32, #tpu.memory_space<vmem>>) target(%dma_start3A_57 : memref<128x128xf32, #tpu.memory_space<vmem_shared>>) target_semaphore(%run_scoped3A : memref<!tpu.dma_semaphore, #tpu.memory_space<semaphore_mem>>)
      %dma_wait3A = arith.constant 0 : i32
      %dma_wait3A_61 = arith.constant 0 : i32
      %dma_wait3A_62 = tpu.memref_slice %arg6[%dma_wait3A, %dma_wait3A_61] : memref<200x128xf32, #tpu.memory_space<vmem>> -> memref<128x128xf32, #tpu.memory_space<vmem>>
      %dma_wait3A_63 = arith.constant 0 : i32
      %dma_wait3A_64 = tpu.memref_slice %arg7[%add3A_11, %dma_wait3A_63] : memref<10240x128xf32, #tpu.memory_space<vmem_shared>> -> memref<128x128xf32, #tpu.memory_space<vmem_shared>>
      %dma_wait3A_65 = arith.constant 0 : i32
      %dma_wait3A_66 = tpu.memref_slice %arg7[%add3A_11, %dma_wait3A_65] : memref<10240x128xf32, #tpu.memory_space<vmem_shared>> -> memref<128x128xf32, #tpu.memory_space<vmem_shared>>
      %dma_wait3A_67 = arith.constant 0 : i32
      %dma_wait3A_68 = arith.constant 0 : i32
      %dma_wait3A_69 = tpu.memref_slice %arg6[%dma_wait3A_67, %dma_wait3A_68] : memref<200x128xf32, #tpu.memory_space<vmem>> -> memref<128x128xf32, #tpu.memory_space<vmem>>
      tpu.wait_dma2 semaphore(%run_scoped3A : memref<!tpu.dma_semaphore, #tpu.memory_space<semaphore_mem>>) src(%dma_wait3A_69 : memref<128x128xf32, #tpu.memory_space<vmem>>) dst(%dma_wait3A_66 : memref<128x128xf32, #tpu.memory_space<vmem_shared>>)
      tpu.yield
    }) : () -> ()
    %mul3A_12 = arith.constant 640 : i32
    %mul3A_13 = arith.muli %arg1, %mul3A_12 : i32
    %add3A_14 = arith.constant 256 : i32
    %add3A_15 = arith.addi %mul3A_13, %add3A_14 : i32
    "tpu.region"() ({
      %run_scoped3A = tpu.sem_alloc : memref<!tpu.dma_semaphore, #tpu.memory_space<semaphore_mem>>
      %dma_start3A = arith.constant 0 : i32
      %dma_start3A_52 = arith.constant 0 : i32
      %dma_start3A_53 = tpu.memref_slice %arg6[%dma_start3A, %dma_start3A_52] : memref<200x128xf32, #tpu.memory_space<vmem>> -> memref<128x128xf32, #tpu.memory_space<vmem>>
      %dma_start3A_54 = arith.constant 0 : i32
      %dma_start3A_55 = tpu.memref_slice %arg7[%add3A_15, %dma_start3A_54] : memref<10240x128xf32, #tpu.memory_space<vmem_shared>> -> memref<128x128xf32, #tpu.memory_space<vmem_shared>>
      %dma_start3A_56 = arith.constant 0 : i32
      %dma_start3A_57 = tpu.memref_slice %arg7[%add3A_15, %dma_start3A_56] : memref<10240x128xf32, #tpu.memory_space<vmem_shared>> -> memref<128x128xf32, #tpu.memory_space<vmem_shared>>
      %dma_start3A_58 = arith.constant 0 : i32
      %dma_start3A_59 = arith.constant 0 : i32
      %dma_start3A_60 = tpu.memref_slice %arg6[%dma_start3A_58, %dma_start3A_59] : memref<200x128xf32, #tpu.memory_space<vmem>> -> memref<128x128xf32, #tpu.memory_space<vmem>>
      tpu.enqueue_dma source(%dma_start3A_60 : memref<128x128xf32, #tpu.memory_space<vmem>>) target(%dma_start3A_57 : memref<128x128xf32, #tpu.memory_space<vmem_shared>>) target_semaphore(%run_scoped3A : memref<!tpu.dma_semaphore, #tpu.memory_space<semaphore_mem>>)
      %dma_wait3A = arith.constant 0 : i32
      %dma_wait3A_61 = arith.constant 0 : i32
      %dma_wait3A_62 = tpu.memref_slice %arg6[%dma_wait3A, %dma_wait3A_61] : memref<200x128xf32, #tpu.memory_space<vmem>> -> memref<128x128xf32, #tpu.memory_space<vmem>>
      %dma_wait3A_63 = arith.constant 0 : i32
      %dma_wait3A_64 = tpu.memref_slice %arg7[%add3A_15, %dma_wait3A_63] : memref<10240x128xf32, #tpu.memory_space<vmem_shared>> -> memref<128x128xf32, #tpu.memory_space<vmem_shared>>
      %dma_wait3A_65 = arith.constant 0 : i32
      %dma_wait3A_66 = tpu.memref_slice %arg7[%add3A_15, %dma_wait3A_65] : memref<10240x128xf32, #tpu.memory_space<vmem_shared>> -> memref<128x128xf32, #tpu.memory_space<vmem_shared>>
      %dma_wait3A_67 = arith.constant 0 : i32
      %dma_wait3A_68 = arith.constant 0 : i32
      %dma_wait3A_69 = tpu.memref_slice %arg6[%dma_wait3A_67, %dma_wait3A_68] : memref<200x128xf32, #tpu.memory_space<vmem>> -> memref<128x128xf32, #tpu.memory_space<vmem>>
      tpu.wait_dma2 semaphore(%run_scoped3A : memref<!tpu.dma_semaphore, #tpu.memory_space<semaphore_mem>>) src(%dma_wait3A_69 : memref<128x128xf32, #tpu.memory_space<vmem>>) dst(%dma_wait3A_66 : memref<128x128xf32, #tpu.memory_space<vmem_shared>>)
      tpu.yield
    }) : () -> ()
    %mul3A_16 = arith.constant 640 : i32
    %mul3A_17 = arith.muli %arg1, %mul3A_16 : i32
    %add3A_18 = arith.constant 384 : i32
    %add3A_19 = arith.addi %mul3A_17, %add3A_18 : i32
    "tpu.region"() ({
      %run_scoped3A = tpu.sem_alloc : memref<!tpu.dma_semaphore, #tpu.memory_space<semaphore_mem>>
      %dma_start3A = arith.constant 0 : i32
      %dma_start3A_52 = arith.constant 0 : i32
      %dma_start3A_53 = tpu.memref_slice %arg6[%dma_start3A, %dma_start3A_52] : memref<200x128xf32, #tpu.memory_space<vmem>> -> memref<128x128xf32, #tpu.memory_space<vmem>>
      %dma_start3A_54 = arith.constant 0 : i32
      %dma_start3A_55 = tpu.memref_slice %arg7[%add3A_19, %dma_start3A_54] : memref<10240x128xf32, #tpu.memory_space<vmem_shared>> -> memref<128x128xf32, #tpu.memory_space<vmem_shared>>
      %dma_start3A_56 = arith.constant 0 : i32
      %dma_start3A_57 = tpu.memref_slice %arg7[%add3A_19, %dma_start3A_56] : memref<10240x128xf32, #tpu.memory_space<vmem_shared>> -> memref<128x128xf32, #tpu.memory_space<vmem_shared>>
      %dma_start3A_58 = arith.constant 0 : i32
      %dma_start3A_59 = arith.constant 0 : i32
      %dma_start3A_60 = tpu.memref_slice %arg6[%dma_start3A_58, %dma_start3A_59] : memref<200x128xf32, #tpu.memory_space<vmem>> -> memref<128x128xf32, #tpu.memory_space<vmem>>
      tpu.enqueue_dma source(%dma_start3A_60 : memref<128x128xf32, #tpu.memory_space<vmem>>) target(%dma_start3A_57 : memref<128x128xf32, #tpu.memory_space<vmem_shared>>) target_semaphore(%run_scoped3A : memref<!tpu.dma_semaphore, #tpu.memory_space<semaphore_mem>>)
      %dma_wait3A = arith.constant 0 : i32
      %dma_wait3A_61 = arith.constant 0 : i32
      %dma_wait3A_62 = tpu.memref_slice %arg6[%dma_wait3A, %dma_wait3A_61] : memref<200x128xf32, #tpu.memory_space<vmem>> -> memref<128x128xf32, #tpu.memory_space<vmem>>
      %dma_wait3A_63 = arith.constant 0 : i32
      %dma_wait3A_64 = tpu.memref_slice %arg7[%add3A_19, %dma_wait3A_63] : memref<10240x128xf32, #tpu.memory_space<vmem_shared>> -> memref<128x128xf32, #tpu.memory_space<vmem_shared>>
      %dma_wait3A_65 = arith.constant 0 : i32
      %dma_wait3A_66 = tpu.memref_slice %arg7[%add3A_19, %dma_wait3A_65] : memref<10240x128xf32, #tpu.memory_space<vmem_shared>> -> memref<128x128xf32, #tpu.memory_space<vmem_shared>>
      %dma_wait3A_67 = arith.constant 0 : i32
      %dma_wait3A_68 = arith.constant 0 : i32
      %dma_wait3A_69 = tpu.memref_slice %arg6[%dma_wait3A_67, %dma_wait3A_68] : memref<200x128xf32, #tpu.memory_space<vmem>> -> memref<128x128xf32, #tpu.memory_space<vmem>>
      tpu.wait_dma2 semaphore(%run_scoped3A : memref<!tpu.dma_semaphore, #tpu.memory_space<semaphore_mem>>) src(%dma_wait3A_69 : memref<128x128xf32, #tpu.memory_space<vmem>>) dst(%dma_wait3A_66 : memref<128x128xf32, #tpu.memory_space<vmem_shared>>)
      tpu.yield
    }) : () -> ()
    %mul3A_20 = arith.constant 640 : i32
    %mul3A_21 = arith.muli %arg1, %mul3A_20 : i32
    %add3A_22 = arith.constant 512 : i32
    %add3A_23 = arith.addi %mul3A_21, %add3A_22 : i32
    "tpu.region"() ({
      %run_scoped3A = tpu.sem_alloc : memref<!tpu.dma_semaphore, #tpu.memory_space<semaphore_mem>>
      %dma_start3A = arith.constant 0 : i32
      %dma_start3A_52 = arith.constant 0 : i32
      %dma_start3A_53 = tpu.memref_slice %arg6[%dma_start3A, %dma_start3A_52] : memref<200x128xf32, #tpu.memory_space<vmem>> -> memref<128x128xf32, #tpu.memory_space<vmem>>
      %dma_start3A_54 = arith.constant 0 : i32
      %dma_start3A_55 = tpu.memref_slice %arg7[%add3A_23, %dma_start3A_54] : memref<10240x128xf32, #tpu.memory_space<vmem_shared>> -> memref<128x128xf32, #tpu.memory_space<vmem_shared>>
      %dma_start3A_56 = arith.constant 0 : i32
      %dma_start3A_57 = tpu.memref_slice %arg7[%add3A_23, %dma_start3A_56] : memref<10240x128xf32, #tpu.memory_space<vmem_shared>> -> memref<128x128xf32, #tpu.memory_space<vmem_shared>>
      %dma_start3A_58 = arith.constant 0 : i32
      %dma_start3A_59 = arith.constant 0 : i32
      %dma_start3A_60 = tpu.memref_slice %arg6[%dma_start3A_58, %dma_start3A_59] : memref<200x128xf32, #tpu.memory_space<vmem>> -> memref<128x128xf32, #tpu.memory_space<vmem>>
      tpu.enqueue_dma source(%dma_start3A_60 : memref<128x128xf32, #tpu.memory_space<vmem>>) target(%dma_start3A_57 : memref<128x128xf32, #tpu.memory_space<vmem_shared>>) target_semaphore(%run_scoped3A : memref<!tpu.dma_semaphore, #tpu.memory_space<semaphore_mem>>)
      %dma_wait3A = arith.constant 0 : i32
      %dma_wait3A_61 = arith.constant 0 : i32
      %dma_wait3A_62 = tpu.memref_slice %arg6[%dma_wait3A, %dma_wait3A_61] : memref<200x128xf32, #tpu.memory_space<vmem>> -> memref<128x128xf32, #tpu.memory_space<vmem>>
      %dma_wait3A_63 = arith.constant 0 : i32
      %dma_wait3A_64 = tpu.memref_slice %arg7[%add3A_23, %dma_wait3A_63] : memref<10240x128xf32, #tpu.memory_space<vmem_shared>> -> memref<128x128xf32, #tpu.memory_space<vmem_shared>>
      %dma_wait3A_65 = arith.constant 0 : i32
      %dma_wait3A_66 = tpu.memref_slice %arg7[%add3A_23, %dma_wait3A_65] : memref<10240x128xf32, #tpu.memory_space<vmem_shared>> -> memref<128x128xf32, #tpu.memory_space<vmem_shared>>
      %dma_wait3A_67 = arith.constant 0 : i32
      %dma_wait3A_68 = arith.constant 0 : i32
      %dma_wait3A_69 = tpu.memref_slice %arg6[%dma_wait3A_67, %dma_wait3A_68] : memref<200x128xf32, #tpu.memory_space<vmem>> -> memref<128x128xf32, #tpu.memory_space<vmem>>
      tpu.wait_dma2 semaphore(%run_scoped3A : memref<!tpu.dma_semaphore, #tpu.memory_space<semaphore_mem>>) src(%dma_wait3A_69 : memref<128x128xf32, #tpu.memory_space<vmem>>) dst(%dma_wait3A_66 : memref<128x128xf32, #tpu.memory_space<vmem_shared>>)
      tpu.yield
    }) : () -> ()
    %barrier3A = arith.constant 0 : index
    tpu.barrier barrier_id(%barrier3A)
    %scan3A_24 = arith.constant 0 : i32
    %scan3A_25 = arith.constant 0 : i32
    %scan3A_26 = arith.constant 25 : i32
    %scan3A_27 = arith.addi %scan3A_25, %scan3A_26 : i32
    %scan3A_28 = arith.constant 1 : i32
    %scan3A_29 = scf.for %scan3A_52 = %scan3A_25 to %scan3A_27 step %scan3A_28 iter_args(%scan3A_53 = %scan3A_24) -> (i32)  : i32 {
      %mul3A_54 = arith.constant 80000 : i32
      %mul3A_55 = arith.muli %arg0, %mul3A_54 : i32
      %mul3A_56 = arith.constant 5000 : i32
      %mul3A_57 = arith.muli %arg1, %mul3A_56 : i32
      %add3A_58 = arith.addi %mul3A_55, %mul3A_57 : i32
      %mul3A_59 = arith.constant 200 : i32
      %mul3A_60 = arith.muli %scan3A_52, %mul3A_59 : i32
      %add3A_61 = arith.addi %add3A_58, %mul3A_60 : i32
      "tpu.region"() ({
        %run_scoped3A = tpu.sem_alloc : memref<!tpu.dma_semaphore, #tpu.memory_space<semaphore_mem>>
        %dma_start3A = tpu.memref_slice %arg3[%add3A_61] : memref<160000xi32, #tpu.memory_space<hbm>> -> memref<200xi32, #tpu.memory_space<hbm>>
        %dma_start3A_63 = tpu.memref_slice %arg3[%add3A_61] : memref<160000xi32, #tpu.memory_space<hbm>> -> memref<200xi32, #tpu.memory_space<hbm>>
        tpu.enqueue_dma source(%dma_start3A_63 : memref<200xi32, #tpu.memory_space<hbm>>) target(%arg5 : memref<200xi32, #tpu.memory_space<vmem>>) target_semaphore(%run_scoped3A : memref<!tpu.dma_semaphore, #tpu.memory_space<semaphore_mem>>)
        %dma_wait3A = tpu.memref_slice %arg3[%add3A_61] : memref<160000xi32, #tpu.memory_space<hbm>> -> memref<200xi32, #tpu.memory_space<hbm>>
        %dma_wait3A_64 = tpu.memref_slice %arg3[%add3A_61] : memref<160000xi32, #tpu.memory_space<hbm>> -> memref<200xi32, #tpu.memory_space<hbm>>
        tpu.wait_dma2 semaphore(%run_scoped3A : memref<!tpu.dma_semaphore, #tpu.memory_space<semaphore_mem>>) src(%dma_wait3A_64 : memref<200xi32, #tpu.memory_space<hbm>>) dst(%arg5 : memref<200xi32, #tpu.memory_space<vmem>>)
        tpu.yield
      }) : () -> ()
      "tpu.region"() ({
        %run_scoped3A = tpu.sem_alloc : memref<!tpu.dma_semaphore, #tpu.memory_space<semaphore_mem>>
        %dma_start3A = arith.constant 0 : i32
        %dma_start3A_63 = tpu.memref_slice %arg2[%add3A_61, %dma_start3A] : memref<160000x128xf32, #tpu.memory_space<hbm>> -> memref<200x128xf32, #tpu.memory_space<hbm>>
        %dma_start3A_64 = arith.constant 0 : i32
        %dma_start3A_65 = tpu.memref_slice %arg2[%add3A_61, %dma_start3A_64] : memref<160000x128xf32, #tpu.memory_space<hbm>> -> memref<200x128xf32, #tpu.memory_space<hbm>>
        tpu.enqueue_dma source(%dma_start3A_65 : memref<200x128xf32, #tpu.memory_space<hbm>>) target(%arg6 : memref<200x128xf32, #tpu.memory_space<vmem>>) target_semaphore(%run_scoped3A : memref<!tpu.dma_semaphore, #tpu.memory_space<semaphore_mem>>)
        %dma_wait3A = arith.constant 0 : i32
        %dma_wait3A_66 = tpu.memref_slice %arg2[%add3A_61, %dma_wait3A] : memref<160000x128xf32, #tpu.memory_space<hbm>> -> memref<200x128xf32, #tpu.memory_space<hbm>>
        %dma_wait3A_67 = arith.constant 0 : i32
        %dma_wait3A_68 = tpu.memref_slice %arg2[%add3A_61, %dma_wait3A_67] : memref<160000x128xf32, #tpu.memory_space<hbm>> -> memref<200x128xf32, #tpu.memory_space<hbm>>
        tpu.wait_dma2 semaphore(%run_scoped3A : memref<!tpu.dma_semaphore, #tpu.memory_space<semaphore_mem>>) src(%dma_wait3A_68 : memref<200x128xf32, #tpu.memory_space<hbm>>) dst(%arg6 : memref<200x128xf32, #tpu.memory_space<vmem>>)
        tpu.yield
      }) : () -> ()
      "tpu.region"() ({
        %run_scoped3A = tpu.sem_alloc : memref<!tpu.dma_semaphore, #tpu.memory_space<semaphore_mem>>
        %dma_start3A = arith.constant 0 : i32
        %dma_start3A_63 = arith.constant 0 : i32
        %dma_start3A_64 = tpu.memref_slice %arg7[%dma_start3A, %dma_start3A_63] : memref<10240x128xf32, #tpu.memory_space<vmem_shared>> -> memref<10240x128xf32, #tpu.memory_space<vmem_shared>>
        tpu.enqueue_indirect_dma source(%arg6 : memref<200x128xf32, #tpu.memory_space<vmem>>) target(%dma_start3A_64 : memref<10240x128xf32, #tpu.memory_space<vmem_shared>>) offsets(%arg5 : memref<200xi32, #tpu.memory_space<vmem>>) semaphore(%run_scoped3A : memref<!tpu.dma_semaphore, #tpu.memory_space<semaphore_mem>>) {add = true}
        %dma_wait3A = arith.constant 0 : i32
        %dma_wait3A_65 = arith.constant 0 : i32
        %dma_wait3A_66 = tpu.memref_slice %arg7[%dma_wait3A, %dma_wait3A_65] : memref<10240x128xf32, #tpu.memory_space<vmem_shared>> -> memref<10240x128xf32, #tpu.memory_space<vmem_shared>>
        tpu.wait_indirect_dma semaphore(%run_scoped3A : memref<!tpu.dma_semaphore, #tpu.memory_space<semaphore_mem>>) src(%arg6 : memref<200x128xf32, #tpu.memory_space<vmem>>) dst(%dma_wait3A_66 : memref<10240x128xf32, #tpu.memory_space<vmem_shared>>)
        tpu.yield
      }) : () -> ()
      %scan3A_62 = arith.constant 0 : i32
      scf.yield %scan3A_62 : i32
    }
    %scan3A_30 = arith.constant 25 : i32
    %barrier3A_31 = arith.constant 0 : index
    tpu.barrier barrier_id(%barrier3A_31)
    %mul3A_32 = arith.constant 640 : i32
    %mul3A_33 = arith.muli %arg1, %mul3A_32 : i32
    %add3A_34 = arith.constant 0 : i32
    %add3A_35 = arith.addi %mul3A_33, %add3A_34 : i32
    "tpu.region"() ({
      %run_scoped3A = tpu.sem_alloc : memref<!tpu.dma_semaphore, #tpu.memory_space<semaphore_mem>>
      %dma_start3A = arith.constant 0 : i32
      %dma_start3A_52 = tpu.memref_slice %arg4[%arg0, %add3A_35, %dma_start3A] : memref<2x10240x128xf32, #tpu.memory_space<hbm>> -> memref<1x128x128xf32, #tpu.memory_space<hbm>>
      %dma_start3A_53 = tpu.memref_squeeze %dma_start3A_52 : memref<1x128x128xf32, #tpu.memory_space<hbm>> -> memref<128x128xf32, #tpu.memory_space<hbm>>
      %dma_start3A_54 = arith.constant 0 : i32
      %dma_start3A_55 = tpu.memref_slice %arg7[%add3A_35, %dma_start3A_54] : memref<10240x128xf32, #tpu.memory_space<vmem_shared>> -> memref<128x128xf32, #tpu.memory_space<vmem_shared>>
      tpu.enqueue_dma source(%dma_start3A_55 : memref<128x128xf32, #tpu.memory_space<vmem_shared>>) target(%dma_start3A_53 : memref<128x128xf32, #tpu.memory_space<hbm>>) target_semaphore(%run_scoped3A : memref<!tpu.dma_semaphore, #tpu.memory_space<semaphore_mem>>)
      %dma_wait3A = arith.constant 0 : i32
      %dma_wait3A_56 = tpu.memref_slice %arg4[%arg0, %add3A_35, %dma_wait3A] : memref<2x10240x128xf32, #tpu.memory_space<hbm>> -> memref<1x128x128xf32, #tpu.memory_space<hbm>>
      %dma_wait3A_57 = tpu.memref_squeeze %dma_wait3A_56 : memref<1x128x128xf32, #tpu.memory_space<hbm>> -> memref<128x128xf32, #tpu.memory_space<hbm>>
      %dma_wait3A_58 = arith.constant 0 : i32
      %dma_wait3A_59 = tpu.memref_slice %arg7[%add3A_35, %dma_wait3A_58] : memref<10240x128xf32, #tpu.memory_space<vmem_shared>> -> memref<128x128xf32, #tpu.memory_space<vmem_shared>>
      tpu.wait_dma2 semaphore(%run_scoped3A : memref<!tpu.dma_semaphore, #tpu.memory_space<semaphore_mem>>) src(%dma_wait3A_59 : memref<128x128xf32, #tpu.memory_space<vmem_shared>>) dst(%dma_wait3A_57 : memref<128x128xf32, #tpu.memory_space<hbm>>)
      tpu.yield
    }) : () -> ()
    %mul3A_36 = arith.constant 640 : i32
    %mul3A_37 = arith.muli %arg1, %mul3A_36 : i32
    %add3A_38 = arith.constant 128 : i32
    %add3A_39 = arith.addi %mul3A_37, %add3A_38 : i32
    "tpu.region"() ({
      %run_scoped3A = tpu.sem_alloc : memref<!tpu.dma_semaphore, #tpu.memory_space<semaphore_mem>>
      %dma_start3A = arith.constant 0 : i32
      %dma_start3A_52 = tpu.memref_slice %arg4[%arg0, %add3A_39, %dma_start3A] : memref<2x10240x128xf32, #tpu.memory_space<hbm>> -> memref<1x128x128xf32, #tpu.memory_space<hbm>>
      %dma_start3A_53 = tpu.memref_squeeze %dma_start3A_52 : memref<1x128x128xf32, #tpu.memory_space<hbm>> -> memref<128x128xf32, #tpu.memory_space<hbm>>
      %dma_start3A_54 = arith.constant 0 : i32
      %dma_start3A_55 = tpu.memref_slice %arg7[%add3A_39, %dma_start3A_54] : memref<10240x128xf32, #tpu.memory_space<vmem_shared>> -> memref<128x128xf32, #tpu.memory_space<vmem_shared>>
      tpu.enqueue_dma source(%dma_start3A_55 : memref<128x128xf32, #tpu.memory_space<vmem_shared>>) target(%dma_start3A_53 : memref<128x128xf32, #tpu.memory_space<hbm>>) target_semaphore(%run_scoped3A : memref<!tpu.dma_semaphore, #tpu.memory_space<semaphore_mem>>)
      %dma_wait3A = arith.constant 0 : i32
      %dma_wait3A_56 = tpu.memref_slice %arg4[%arg0, %add3A_39, %dma_wait3A] : memref<2x10240x128xf32, #tpu.memory_space<hbm>> -> memref<1x128x128xf32, #tpu.memory_space<hbm>>
      %dma_wait3A_57 = tpu.memref_squeeze %dma_wait3A_56 : memref<1x128x128xf32, #tpu.memory_space<hbm>> -> memref<128x128xf32, #tpu.memory_space<hbm>>
      %dma_wait3A_58 = arith.constant 0 : i32
      %dma_wait3A_59 = tpu.memref_slice %arg7[%add3A_39, %dma_wait3A_58] : memref<10240x128xf32, #tpu.memory_space<vmem_shared>> -> memref<128x128xf32, #tpu.memory_space<vmem_shared>>
      tpu.wait_dma2 semaphore(%run_scoped3A : memref<!tpu.dma_semaphore, #tpu.memory_space<semaphore_mem>>) src(%dma_wait3A_59 : memref<128x128xf32, #tpu.memory_space<vmem_shared>>) dst(%dma_wait3A_57 : memref<128x128xf32, #tpu.memory_space<hbm>>)
      tpu.yield
    }) : () -> ()
    %mul3A_40 = arith.constant 640 : i32
    %mul3A_41 = arith.muli %arg1, %mul3A_40 : i32
    %add3A_42 = arith.constant 256 : i32
    %add3A_43 = arith.addi %mul3A_41, %add3A_42 : i32
    "tpu.region"() ({
      %run_scoped3A = tpu.sem_alloc : memref<!tpu.dma_semaphore, #tpu.memory_space<semaphore_mem>>
      %dma_start3A = arith.constant 0 : i32
      %dma_start3A_52 = tpu.memref_slice %arg4[%arg0, %add3A_43, %dma_start3A] : memref<2x10240x128xf32, #tpu.memory_space<hbm>> -> memref<1x128x128xf32, #tpu.memory_space<hbm>>
      %dma_start3A_53 = tpu.memref_squeeze %dma_start3A_52 : memref<1x128x128xf32, #tpu.memory_space<hbm>> -> memref<128x128xf32, #tpu.memory_space<hbm>>
      %dma_start3A_54 = arith.constant 0 : i32
      %dma_start3A_55 = tpu.memref_slice %arg7[%add3A_43, %dma_start3A_54] : memref<10240x128xf32, #tpu.memory_space<vmem_shared>> -> memref<128x128xf32, #tpu.memory_space<vmem_shared>>
      tpu.enqueue_dma source(%dma_start3A_55 : memref<128x128xf32, #tpu.memory_space<vmem_shared>>) target(%dma_start3A_53 : memref<128x128xf32, #tpu.memory_space<hbm>>) target_semaphore(%run_scoped3A : memref<!tpu.dma_semaphore, #tpu.memory_space<semaphore_mem>>)
      %dma_wait3A = arith.constant 0 : i32
      %dma_wait3A_56 = tpu.memref_slice %arg4[%arg0, %add3A_43, %dma_wait3A] : memref<2x10240x128xf32, #tpu.memory_space<hbm>> -> memref<1x128x128xf32, #tpu.memory_space<hbm>>
      %dma_wait3A_57 = tpu.memref_squeeze %dma_wait3A_56 : memref<1x128x128xf32, #tpu.memory_space<hbm>> -> memref<128x128xf32, #tpu.memory_space<hbm>>
      %dma_wait3A_58 = arith.constant 0 : i32
      %dma_wait3A_59 = tpu.memref_slice %arg7[%add3A_43, %dma_wait3A_58] : memref<10240x128xf32, #tpu.memory_space<vmem_shared>> -> memref<128x128xf32, #tpu.memory_space<vmem_shared>>
      tpu.wait_dma2 semaphore(%run_scoped3A : memref<!tpu.dma_semaphore, #tpu.memory_space<semaphore_mem>>) src(%dma_wait3A_59 : memref<128x128xf32, #tpu.memory_space<vmem_shared>>) dst(%dma_wait3A_57 : memref<128x128xf32, #tpu.memory_space<hbm>>)
      tpu.yield
    }) : () -> ()
    %mul3A_44 = arith.constant 640 : i32
    %mul3A_45 = arith.muli %arg1, %mul3A_44 : i32
    %add3A_46 = arith.constant 384 : i32
    %add3A_47 = arith.addi %mul3A_45, %add3A_46 : i32
    "tpu.region"() ({
      %run_scoped3A = tpu.sem_alloc : memref<!tpu.dma_semaphore, #tpu.memory_space<semaphore_mem>>
      %dma_start3A = arith.constant 0 : i32
      %dma_start3A_52 = tpu.memref_slice %arg4[%arg0, %add3A_47, %dma_start3A] : memref<2x10240x128xf32, #tpu.memory_space<hbm>> -> memref<1x128x128xf32, #tpu.memory_space<hbm>>
      %dma_start3A_53 = tpu.memref_squeeze %dma_start3A_52 : memref<1x128x128xf32, #tpu.memory_space<hbm>> -> memref<128x128xf32, #tpu.memory_space<hbm>>
      %dma_start3A_54 = arith.constant 0 : i32
      %dma_start3A_55 = tpu.memref_slice %arg7[%add3A_47, %dma_start3A_54] : memref<10240x128xf32, #tpu.memory_space<vmem_shared>> -> memref<128x128xf32, #tpu.memory_space<vmem_shared>>
      tpu.enqueue_dma source(%dma_start3A_55 : memref<128x128xf32, #tpu.memory_space<vmem_shared>>) target(%dma_start3A_53 : memref<128x128xf32, #tpu.memory_space<hbm>>) target_semaphore(%run_scoped3A : memref<!tpu.dma_semaphore, #tpu.memory_space<semaphore_mem>>)
      %dma_wait3A = arith.constant 0 : i32
      %dma_wait3A_56 = tpu.memref_slice %arg4[%arg0, %add3A_47, %dma_wait3A] : memref<2x10240x128xf32, #tpu.memory_space<hbm>> -> memref<1x128x128xf32, #tpu.memory_space<hbm>>
      %dma_wait3A_57 = tpu.memref_squeeze %dma_wait3A_56 : memref<1x128x128xf32, #tpu.memory_space<hbm>> -> memref<128x128xf32, #tpu.memory_space<hbm>>
      %dma_wait3A_58 = arith.constant 0 : i32
      %dma_wait3A_59 = tpu.memref_slice %arg7[%add3A_47, %dma_wait3A_58] : memref<10240x128xf32, #tpu.memory_space<vmem_shared>> -> memref<128x128xf32, #tpu.memory_space<vmem_shared>>
      tpu.wait_dma2 semaphore(%run_scoped3A : memref<!tpu.dma_semaphore, #tpu.memory_space<semaphore_mem>>) src(%dma_wait3A_59 : memref<128x128xf32, #tpu.memory_space<vmem_shared>>) dst(%dma_wait3A_57 : memref<128x128xf32, #tpu.memory_space<hbm>>)
      tpu.yield
    }) : () -> ()
    %mul3A_48 = arith.constant 640 : i32
    %mul3A_49 = arith.muli %arg1, %mul3A_48 : i32
    %add3A_50 = arith.constant 512 : i32
    %add3A_51 = arith.addi %mul3A_49, %add3A_50 : i32
    "tpu.region"() ({
      %run_scoped3A = tpu.sem_alloc : memref<!tpu.dma_semaphore, #tpu.memory_space<semaphore_mem>>
      %dma_start3A = arith.constant 0 : i32
      %dma_start3A_52 = tpu.memref_slice %arg4[%arg0, %add3A_51, %dma_start3A] : memref<2x10240x128xf32, #tpu.memory_space<hbm>> -> memref<1x128x128xf32, #tpu.memory_space<hbm>>
      %dma_start3A_53 = tpu.memref_squeeze %dma_start3A_52 : memref<1x128x128xf32, #tpu.memory_space<hbm>> -> memref<128x128xf32, #tpu.memory_space<hbm>>
      %dma_start3A_54 = arith.constant 0 : i32
      %dma_start3A_55 = tpu.memref_slice %arg7[%add3A_51, %dma_start3A_54] : memref<10240x128xf32, #tpu.memory_space<vmem_shared>> -> memref<128x128xf32, #tpu.memory_space<vmem_shared>>
      tpu.enqueue_dma source(%dma_start3A_55 : memref<128x128xf32, #tpu.memory_space<vmem_shared>>) target(%dma_start3A_53 : memref<128x128xf32, #tpu.memory_space<hbm>>) target_semaphore(%run_scoped3A : memref<!tpu.dma_semaphore, #tpu.memory_space<semaphore_mem>>)
      %dma_wait3A = arith.constant 0 : i32
      %dma_wait3A_56 = tpu.memref_slice %arg4[%arg0, %add3A_51, %dma_wait3A] : memref<2x10240x128xf32, #tpu.memory_space<hbm>> -> memref<1x128x128xf32, #tpu.memory_space<hbm>>
      %dma_wait3A_57 = tpu.memref_squeeze %dma_wait3A_56 : memref<1x128x128xf32, #tpu.memory_space<hbm>> -> memref<128x128xf32, #tpu.memory_space<hbm>>
      %dma_wait3A_58 = arith.constant 0 : i32
      %dma_wait3A_59 = tpu.memref_slice %arg7[%add3A_51, %dma_wait3A_58] : memref<10240x128xf32, #tpu.memory_space<vmem_shared>> -> memref<128x128xf32, #tpu.memory_space<vmem_shared>>
      tpu.wait_dma2 semaphore(%run_scoped3A : memref<!tpu.dma_semaphore, #tpu.memory_space<semaphore_mem>>) src(%dma_wait3A_59 : memref<128x128xf32, #tpu.memory_space<vmem_shared>>) dst(%dma_wait3A_57 : memref<128x128xf32, #tpu.memory_space<hbm>>)
      tpu.yield
    }) : () -> ()
    return
  }
}

module attributes {stable_mosaic.version = 14 : i64} {
  func.func @_tc_pre_body(%arg0: i32, %arg1: memref<1000x256xf32, #tpu.memory_space<vmem>>, %arg2: memref<1x1x1000xi32, #tpu.memory_space<vmem>>, %arg3: memref<256x512xf32, #tpu.memory_space<vmem>>, %arg4: memref<128x256xf32, #tpu.memory_space<vmem>>, %arg5: memref<8x128xf32, #tpu.memory_space<vmem>>, %arg6: memref<1x256xf32, #tpu.memory_space<vmem>>, %arg7: memref<1000x256xf32, #tpu.memory_space<vmem>>, %arg8: memref<1000x256xf32, #tpu.memory_space<vmem>>, %arg9: memref<1000x256xf32, #tpu.memory_space<vmem>>) attributes {dimension_semantics = [#tpu.dimension_semantics<arbitrary>], iteration_bounds = array<i64: 10>, scalar_prefetch = 0 : i64, scratch_operands = 0 : i64, tpu.core_type = #tpu.core_type<tc>, window_params = [{transform_indices = @transform_0, window_bounds = array<i64: 1000, 256>}, {transform_indices = @transform_1, window_bounds = array<i64: 1, 1, 1000>}, {pipeline_mode = #tpu.pipeline_mode<synchronous>, transform_indices = @transform_2, window_bounds = array<i64: 256, 512>}, {pipeline_mode = #tpu.pipeline_mode<synchronous>, transform_indices = @transform_3, window_bounds = array<i64: 128, 256>}, {pipeline_mode = #tpu.pipeline_mode<synchronous>, transform_indices = @transform_4, window_bounds = array<i64: 8, 128>}, {pipeline_mode = #tpu.pipeline_mode<synchronous>, transform_indices = @transform_5, window_bounds = array<i64: 1, 256>}, {transform_indices = @transform_6, window_bounds = array<i64: 1000, 256>}, {transform_indices = @transform_7, window_bounds = array<i64: 1000, 256>}, {transform_indices = @transform_8, window_bounds = array<i64: 1000, 256>}]} {
    %get3A = arith.constant 0 : index
    %get3A_0 = arith.constant 0 : index
    %get3A_1 = vector.load %arg1[%get3A, %get3A_0] : memref<1000x256xf32, #tpu.memory_space<vmem>>, vector<1000x256xf32>
    %get3A_2 = arith.constant 0 : index
    %get3A_3 = arith.constant 0 : index
    %get3A_4 = arith.constant 0 : index
    %get3A_5 = vector.load %arg2[%get3A_2, %get3A_3, %get3A_4] : memref<1x1x1000xi32, #tpu.memory_space<vmem>>, vector<1x1x1000xi32>
    %get3A_6 = vector.shape_cast %get3A_5 : vector<1x1x1000xi32> to vector<1000xi32>
    %broadcast_in_dim3A = vector.shape_cast %get3A_6 : vector<1000xi32> to vector<1000x1xi32>
    %iota3A = tpu.iota {dimensions = array<i32: 1>} : vector<1000x8xi32>
    %eq3A = vector.broadcast %broadcast_in_dim3A : vector<1000x1xi32> to vector<1000x8xi32>
    %eq3A_7 = arith.cmpi eq, %eq3A, %iota3A : vector<1000x8xi32>
    %convert_element_type3A = arith.extui %eq3A_7 : vector<1000x8xi1> to vector<1000x8xi32>
    %convert_element_type3A_8 = arith.sitofp %convert_element_type3A : vector<1000x8xi32> to vector<1000x8xf32>
    %get3A_9 = arith.constant 0 : index
    %get3A_10 = arith.constant 0 : index
    %get3A_11 = vector.load %arg5[%get3A_9, %get3A_10] : memref<8x128xf32, #tpu.memory_space<vmem>>, vector<8x128xf32>
    %get3A_12 = arith.constant 0 : index
    %get3A_13 = arith.constant 0 : index
    %get3A_14 = vector.load %arg4[%get3A_12, %get3A_13] : memref<128x256xf32, #tpu.memory_space<vmem>>, vector<128x256xf32>
    %dot_general3A = arith.constant dense<0.000000e+00> : vector<8x256xf32>
    %dot_general3A_15 = tpu.matmul %get3A_11, %get3A_14, %dot_general3A {dimension_numbers = #tpu.dot_dimension_numbers<[1], [0], [0], [1], [0, 0, 1, 1], [], []>, transpose_lhs_hint = false} : vector<8x128xf32>, vector<128x256xf32>, vector<8x256xf32> -> vector<8x256xf32>
    %get3A_16 = arith.constant 0 : index
    %get3A_17 = arith.constant 0 : index
    %get3A_18 = vector.load %arg3[%get3A_16, %get3A_17] : memref<256x512xf32, #tpu.memory_space<vmem>>, vector<256x512xf32>
    %dot_general3A_19 = arith.constant dense<0.000000e+00> : vector<1000x512xf32>
    %dot_general3A_20 = tpu.matmul %get3A_1, %get3A_18, %dot_general3A_19 {dimension_numbers = #tpu.dot_dimension_numbers<[1], [0], [0], [1], [0, 0, 1, 1], [], []>, transpose_lhs_hint = false} : vector<1000x256xf32>, vector<256x512xf32>, vector<1000x512xf32> -> vector<1000x512xf32>
    %slice3A = vector.extract_strided_slice %dot_general3A_20 {offsets = [0, 0], sizes = [1000, 256], strides = [1, 1]} : vector<1000x512xf32> to vector<1000x256xf32>
    %dot_general3A_21 = arith.constant dense<0.000000e+00> : vector<1000x256xf32>
    %dot_general3A_22 = tpu.matmul %convert_element_type3A_8, %dot_general3A_15, %dot_general3A_21 {dimension_numbers = #tpu.dot_dimension_numbers<[1], [0], [0], [1], [0, 0, 1, 1], [], []>, transpose_lhs_hint = false} : vector<1000x8xf32>, vector<8x256xf32>, vector<1000x256xf32> -> vector<1000x256xf32>
    %add3A = arith.addf %slice3A, %dot_general3A_22 : vector<1000x256xf32>
    %get3A_23 = arith.constant 0 : index
    %get3A_24 = arith.constant 0 : index
    %get3A_25 = vector.load %arg6[%get3A_23, %get3A_24] : memref<1x256xf32, #tpu.memory_space<vmem>>, vector<1x256xf32>
    %add3A_26 = vector.broadcast %get3A_25 : vector<1x256xf32> to vector<1000x256xf32>
    %add3A_27 = arith.addf %add3A, %add3A_26 : vector<1000x256xf32>
    %swap3A = arith.constant 0 : index
    %swap3A_28 = arith.constant 0 : index
    %swap3A_29 = vector.load %arg7[%swap3A, %swap3A_28] : memref<1000x256xf32, #tpu.memory_space<vmem>>, vector<1000x256xf32>
    tpu.vector_store %arg7[%swap3A, %swap3A_28], %add3A_27 {strides = array<i32>} : memref<1000x256xf32, #tpu.memory_space<vmem>>, vector<1000x256xf32>,
    %slice3A_30 = vector.extract_strided_slice %dot_general3A_20 {offsets = [0, 256], sizes = [1000, 256], strides = [1, 1]} : vector<1000x512xf32> to vector<1000x256xf32>
    %swap3A_31 = arith.constant 0 : index
    %swap3A_32 = arith.constant 0 : index
    %swap3A_33 = vector.load %arg8[%swap3A_31, %swap3A_32] : memref<1000x256xf32, #tpu.memory_space<vmem>>, vector<1000x256xf32>
    tpu.vector_store %arg8[%swap3A_31, %swap3A_32], %slice3A_30 {strides = array<i32>} : memref<1000x256xf32, #tpu.memory_space<vmem>>, vector<1000x256xf32>,
    %mul3A = arith.mulf %get3A_1, %get3A_1 : vector<1000x256xf32>
    %reduce_sum3A = arith.constant dense<0.000000e+00> : vector<1000xf32>
    %reduce_sum3A_34 = vector.multi_reduction <add>, %mul3A, %reduce_sum3A [1] : vector<1000x256xf32> to vector<1000xf32>
    %broadcast_in_dim3A_35 = vector.shape_cast %reduce_sum3A_34 : vector<1000xf32> to vector<1000x1xf32>
    %sqrt3A = math.sqrt %broadcast_in_dim3A_35 : vector<1000x1xf32>
    %max3A = arith.constant 9.99999968E-21 : f32
    %max3A_36 = vector.broadcast %max3A : f32 to vector<1000x1xf32>
    %max3A_37 = arith.maximumf %sqrt3A, %max3A_36 : vector<1000x1xf32>
    %div3A = vector.broadcast %max3A_37 : vector<1000x1xf32> to vector<1000x256xf32>
    %div3A_38 = arith.divf %get3A_1, %div3A : vector<1000x256xf32>
    %swap3A_39 = arith.constant 0 : index
    %swap3A_40 = arith.constant 0 : index
    %swap3A_41 = vector.load %arg9[%swap3A_39, %swap3A_40] : memref<1000x256xf32, #tpu.memory_space<vmem>>, vector<1000x256xf32>
    tpu.vector_store %arg9[%swap3A_39, %swap3A_40], %div3A_38 {strides = array<i32>} : memref<1000x256xf32, #tpu.memory_space<vmem>>, vector<1000x256xf32>,
    return
  }
  func.func @transform_0(%arg0: i32) -> (i32, i32) {
    %c0_i32 = arith.constant 0 : i32
    %c0_i32_0 = arith.constant 0 : i32
    return %arg0, %c0_i32 : i32, i32
  }
  func.func @transform_1(%arg0: i32) -> (i32, i32, i32) {
    %c0_i32 = arith.constant 0 : i32
    %c0_i32_0 = arith.constant 0 : i32
    %c0_i32_1 = arith.constant 0 : i32
    return %arg0, %c0_i32, %c0_i32_0 : i32, i32, i32
  }
  func.func @transform_2(%arg0: i32) -> (i32, i32) {
    %c0_i32 = arith.constant 0 : i32
    %c0_i32_0 = arith.constant 0 : i32
    %c0_i32_1 = arith.constant 0 : i32
    return %c0_i32, %c0_i32_0 : i32, i32
  }
  func.func @transform_3(%arg0: i32) -> (i32, i32) {
    %c0_i32 = arith.constant 0 : i32
    %c0_i32_0 = arith.constant 0 : i32
    %c0_i32_1 = arith.constant 0 : i32
    return %c0_i32, %c0_i32_0 : i32, i32
  }
  func.func @transform_4(%arg0: i32) -> (i32, i32) {
    %c0_i32 = arith.constant 0 : i32
    %c0_i32_0 = arith.constant 0 : i32
    %c0_i32_1 = arith.constant 0 : i32
    return %c0_i32, %c0_i32_0 : i32, i32
  }
  func.func @transform_5(%arg0: i32) -> (i32, i32) {
    %c0_i32 = arith.constant 0 : i32
    %c0_i32_0 = arith.constant 0 : i32
    %c0_i32_1 = arith.constant 0 : i32
    return %c0_i32, %c0_i32_0 : i32, i32
  }
  func.func @transform_6(%arg0: i32) -> (i32, i32) {
    %c0_i32 = arith.constant 0 : i32
    %c0_i32_0 = arith.constant 0 : i32
    return %arg0, %c0_i32 : i32, i32
  }
  func.func @transform_7(%arg0: i32) -> (i32, i32) {
    %c0_i32 = arith.constant 0 : i32
    %c0_i32_0 = arith.constant 0 : i32
    return %arg0, %c0_i32 : i32, i32
  }
  func.func @transform_8(%arg0: i32) -> (i32, i32) {
    %c0_i32 = arith.constant 0 : i32
    %c0_i32_0 = arith.constant 0 : i32
    return %arg0, %c0_i32 : i32, i32
  }
}

module attributes {stable_mosaic.version = 14 : i64} {
  func.func @_tc_cos_ex_body(%arg0: i32, %arg1: memref<1000x256xf32, #tpu.memory_space<vmem>>, %arg2: memref<1000x256xf32, #tpu.memory_space<vmem>>, %arg3: memref<1x1x1000xf32, #tpu.memory_space<vmem>>, %arg4: memref<2x1000x128xf32, #tpu.memory_space<vmem>>) attributes {dimension_semantics = [#tpu.dimension_semantics<arbitrary>], iteration_bounds = array<i64: 160>, scalar_prefetch = 0 : i64, scratch_operands = 0 : i64, tpu.core_type = #tpu.core_type<tc>, window_params = [{transform_indices = @transform_0, window_bounds = array<i64: 1000, 256>}, {transform_indices = @transform_1, window_bounds = array<i64: 1000, 256>}, {transform_indices = @transform_2, window_bounds = array<i64: 1, 1, 1000>}, {transform_indices = @transform_3, window_bounds = array<i64: 2, 1000, 128>}]} {
    %get3A = arith.constant 0 : index
    %get3A_0 = arith.constant 0 : index
    %get3A_1 = vector.load %arg2[%get3A, %get3A_0] : memref<1000x256xf32, #tpu.memory_space<vmem>>, vector<1000x256xf32>
    %mul3A = arith.mulf %get3A_1, %get3A_1 : vector<1000x256xf32>
    %reduce_sum3A = arith.constant dense<0.000000e+00> : vector<1000xf32>
    %reduce_sum3A_2 = vector.multi_reduction <add>, %mul3A, %reduce_sum3A [1] : vector<1000x256xf32> to vector<1000xf32>
    %sqrt3A = math.sqrt %reduce_sum3A_2 : vector<1000xf32>
    %get3A_3 = arith.constant 0 : index
    %get3A_4 = arith.constant 0 : index
    %get3A_5 = vector.load %arg1[%get3A_3, %get3A_4] : memref<1000x256xf32, #tpu.memory_space<vmem>>, vector<1000x256xf32>
    %mul3A_6 = arith.mulf %get3A_5, %get3A_1 : vector<1000x256xf32>
    %reduce_sum3A_7 = arith.constant dense<0.000000e+00> : vector<1000xf32>
    %reduce_sum3A_8 = vector.multi_reduction <add>, %mul3A_6, %reduce_sum3A_7 [1] : vector<1000x256xf32> to vector<1000xf32>
    %max3A = arith.constant 9.99999968E-21 : f32
    %max3A_9 = vector.broadcast %max3A : f32 to vector<1000xf32>
    %max3A_10 = arith.maximumf %sqrt3A, %max3A_9 : vector<1000xf32>
    %div3A = arith.divf %reduce_sum3A_8, %max3A_10 : vector<1000xf32>
    %sub3A = arith.constant 1.000000e+00 : f32
    %sub3A_11 = vector.broadcast %sub3A : f32 to vector<1000xf32>
    %sub3A_12 = arith.subf %div3A, %sub3A_11 : vector<1000xf32>
    %exp3A = math.exp %sub3A_12 : vector<1000xf32>
    %swap3A = arith.constant 0 : index
    %swap3A_13 = arith.constant 0 : index
    %swap3A_14 = arith.constant 0 : index
    %swap3A_15 = vector.load %arg3[%swap3A, %swap3A_13, %swap3A_14] : memref<1x1x1000xf32, #tpu.memory_space<vmem>>, vector<1x1x1000xf32>
    %swap3A_16 = vector.shape_cast %swap3A_15 : vector<1x1x1000xf32> to vector<1000xf32>
    %swap3A_17 = vector.shape_cast %exp3A : vector<1000xf32> to vector<1x1x1000xf32>
    tpu.vector_store %arg3[%swap3A, %swap3A_13, %swap3A_14], %swap3A_17 {strides = array<i32>} : memref<1x1x1000xf32, #tpu.memory_space<vmem>>, vector<1x1x1000xf32>,
    %broadcast_in_dim3A = vector.shape_cast %exp3A : vector<1000xf32> to vector<1000x1xf32>
    %slice3A = vector.extract_strided_slice %get3A_1 {offsets = [0, 0], sizes = [1000, 128], strides = [1, 1]} : vector<1000x256xf32> to vector<1000x128xf32>
    %mul3A_18 = vector.broadcast %broadcast_in_dim3A : vector<1000x1xf32> to vector<1000x128xf32>
    %mul3A_19 = arith.mulf %mul3A_18, %slice3A : vector<1000x128xf32>
    %swap3A_20 = arith.constant 0 : index
    %swap3A_21 = arith.constant 0 : index
    %swap3A_22 = arith.constant 0 : index
    %swap3A_23 = vector.load %arg4[%swap3A_20, %swap3A_21, %swap3A_22] : memref<2x1000x128xf32, #tpu.memory_space<vmem>>, vector<1x1000x128xf32>
    %swap3A_24 = vector.shape_cast %swap3A_23 : vector<1x1000x128xf32> to vector<1000x128xf32>
    %swap3A_25 = vector.shape_cast %mul3A_19 : vector<1000x128xf32> to vector<1x1000x128xf32>
    tpu.vector_store %arg4[%swap3A_20, %swap3A_21, %swap3A_22], %swap3A_25 {strides = array<i32>} : memref<2x1000x128xf32, #tpu.memory_space<vmem>>, vector<1x1000x128xf32>,
    %broadcast_in_dim3A_26 = vector.shape_cast %exp3A : vector<1000xf32> to vector<1000x1xf32>
    %slice3A_27 = vector.extract_strided_slice %get3A_1 {offsets = [0, 128], sizes = [1000, 128], strides = [1, 1]} : vector<1000x256xf32> to vector<1000x128xf32>
    %mul3A_28 = vector.broadcast %broadcast_in_dim3A_26 : vector<1000x1xf32> to vector<1000x128xf32>
    %mul3A_29 = arith.mulf %mul3A_28, %slice3A_27 : vector<1000x128xf32>
    %swap3A_30 = arith.constant 1 : index
    %swap3A_31 = arith.constant 0 : index
    %swap3A_32 = arith.constant 0 : index
    %swap3A_33 = vector.load %arg4[%swap3A_30, %swap3A_31, %swap3A_32] : memref<2x1000x128xf32, #tpu.memory_space<vmem>>, vector<1x1000x128xf32>
    %swap3A_34 = vector.shape_cast %swap3A_33 : vector<1x1000x128xf32> to vector<1000x128xf32>
    %swap3A_35 = vector.shape_cast %mul3A_29 : vector<1000x128xf32> to vector<1x1000x128xf32>
    tpu.vector_store %arg4[%swap3A_30, %swap3A_31, %swap3A_32], %swap3A_35 {strides = array<i32>} : memref<2x1000x128xf32, #tpu.memory_space<vmem>>, vector<1x1000x128xf32>,
    return
  }
  func.func @transform_0(%arg0: i32) -> (i32, i32) {
    %c0_i32 = arith.constant 0 : i32
    %c0_i32_0 = arith.constant 0 : i32
    return %arg0, %c0_i32 : i32, i32
  }
  func.func @transform_1(%arg0: i32) -> (i32, i32) {
    %c0_i32 = arith.constant 0 : i32
    %c0_i32_0 = arith.constant 0 : i32
    return %arg0, %c0_i32 : i32, i32
  }
  func.func @transform_2(%arg0: i32) -> (i32, i32, i32) {
    %c0_i32 = arith.constant 0 : i32
    %c0_i32_0 = arith.constant 0 : i32
    %c0_i32_1 = arith.constant 0 : i32
    return %arg0, %c0_i32, %c0_i32_0 : i32, i32, i32
  }
  func.func @transform_3(%arg0: i32) -> (i32, i32, i32) {
    %c0_i32 = arith.constant 0 : i32
    %c0_i32_0 = arith.constant 0 : i32
    %c0_i32_1 = arith.constant 0 : i32
    return %c0_i32, %arg0, %c0_i32_0 : i32, i32, i32
  }
}

module attributes {stable_mosaic.version = 14 : i64} {
  func.func @_tc_edge_mlp_body(%arg0: i32, %arg1: memref<1000x256xf32, #tpu.memory_space<vmem>>, %arg2: memref<1000x16xf32, #tpu.memory_space<vmem>>, %arg3: memref<16x256xf32, #tpu.memory_space<vmem>>, %arg4: memref<256x128xf32, #tpu.memory_space<vmem>>, %arg5: memref<1x128xf32, #tpu.memory_space<vmem>>, %arg6: memref<1000x128xf32, #tpu.memory_space<vmem>>) attributes {dimension_semantics = [#tpu.dimension_semantics<arbitrary>], iteration_bounds = array<i64: 160>, scalar_prefetch = 0 : i64, scratch_operands = 0 : i64, tpu.core_type = #tpu.core_type<tc>, window_params = [{transform_indices = @transform_0, window_bounds = array<i64: 1000, 256>}, {transform_indices = @transform_1, window_bounds = array<i64: 1000, 16>}, {pipeline_mode = #tpu.pipeline_mode<synchronous>, transform_indices = @transform_2, window_bounds = array<i64: 16, 256>}, {pipeline_mode = #tpu.pipeline_mode<synchronous>, transform_indices = @transform_3, window_bounds = array<i64: 256, 128>}, {pipeline_mode = #tpu.pipeline_mode<synchronous>, transform_indices = @transform_4, window_bounds = array<i64: 1, 128>}, {transform_indices = @transform_5, window_bounds = array<i64: 1000, 128>}]} {
    %get3A = arith.constant 0 : index
    %get3A_0 = arith.constant 0 : index
    %get3A_1 = vector.load %arg1[%get3A, %get3A_0] : memref<1000x256xf32, #tpu.memory_space<vmem>>, vector<1000x256xf32>
    %get3A_2 = arith.constant 0 : index
    %get3A_3 = arith.constant 0 : index
    %get3A_4 = vector.load %arg2[%get3A_2, %get3A_3] : memref<1000x16xf32, #tpu.memory_space<vmem>>, vector<1000x16xf32>
    %get3A_5 = arith.constant 0 : index
    %get3A_6 = arith.constant 0 : index
    %get3A_7 = vector.load %arg3[%get3A_5, %get3A_6] : memref<16x256xf32, #tpu.memory_space<vmem>>, vector<16x256xf32>
    %dot_general3A = arith.constant dense<0.000000e+00> : vector<1000x256xf32>
    %dot_general3A_8 = tpu.matmul %get3A_4, %get3A_7, %dot_general3A {dimension_numbers = #tpu.dot_dimension_numbers<[1], [0], [0], [1], [0, 0, 1, 1], [], []>, transpose_lhs_hint = false} : vector<1000x16xf32>, vector<16x256xf32>, vector<1000x256xf32> -> vector<1000x256xf32>
    %add3A = arith.addf %get3A_1, %dot_general3A_8 : vector<1000x256xf32>
    %max3A = arith.constant 0.000000e+00 : f32
    %max3A_9 = vector.broadcast %max3A : f32 to vector<1000x256xf32>
    %max3A_10 = arith.maximumf %add3A, %max3A_9 : vector<1000x256xf32>
    %get3A_11 = arith.constant 0 : index
    %get3A_12 = arith.constant 0 : index
    %get3A_13 = vector.load %arg4[%get3A_11, %get3A_12] : memref<256x128xf32, #tpu.memory_space<vmem>>, vector<256x128xf32>
    %dot_general3A_14 = arith.constant dense<0.000000e+00> : vector<1000x128xf32>
    %dot_general3A_15 = tpu.matmul %max3A_10, %get3A_13, %dot_general3A_14 {dimension_numbers = #tpu.dot_dimension_numbers<[1], [0], [0], [1], [0, 0, 1, 1], [], []>, transpose_lhs_hint = false} : vector<1000x256xf32>, vector<256x128xf32>, vector<1000x128xf32> -> vector<1000x128xf32>
    %get3A_16 = arith.constant 0 : index
    %get3A_17 = arith.constant 0 : index
    %get3A_18 = vector.load %arg5[%get3A_16, %get3A_17] : memref<1x128xf32, #tpu.memory_space<vmem>>, vector<1x128xf32>
    %add3A_19 = vector.broadcast %get3A_18 : vector<1x128xf32> to vector<1000x128xf32>
    %add3A_20 = arith.addf %dot_general3A_15, %add3A_19 : vector<1000x128xf32>
    %swap3A = arith.constant 0 : index
    %swap3A_21 = arith.constant 0 : index
    %swap3A_22 = vector.load %arg6[%swap3A, %swap3A_21] : memref<1000x128xf32, #tpu.memory_space<vmem>>, vector<1000x128xf32>
    tpu.vector_store %arg6[%swap3A, %swap3A_21], %add3A_20 {strides = array<i32>} : memref<1000x128xf32, #tpu.memory_space<vmem>>, vector<1000x128xf32>,
    return
  }
  func.func @transform_0(%arg0: i32) -> (i32, i32) {
    %c0_i32 = arith.constant 0 : i32
    %c0_i32_0 = arith.constant 0 : i32
    return %arg0, %c0_i32 : i32, i32
  }
  func.func @transform_1(%arg0: i32) -> (i32, i32) {
    %c0_i32 = arith.constant 0 : i32
    %c0_i32_0 = arith.constant 0 : i32
    return %arg0, %c0_i32 : i32, i32
  }
  func.func @transform_2(%arg0: i32) -> (i32, i32) {
    %c0_i32 = arith.constant 0 : i32
    %c0_i32_0 = arith.constant 0 : i32
    %c0_i32_1 = arith.constant 0 : i32
    return %c0_i32, %c0_i32_0 : i32, i32
  }
  func.func @transform_3(%arg0: i32) -> (i32, i32) {
    %c0_i32 = arith.constant 0 : i32
    %c0_i32_0 = arith.constant 0 : i32
    %c0_i32_1 = arith.constant 0 : i32
    return %c0_i32, %c0_i32_0 : i32, i32
  }
  func.func @transform_4(%arg0: i32) -> (i32, i32) {
    %c0_i32 = arith.constant 0 : i32
    %c0_i32_0 = arith.constant 0 : i32
    %c0_i32_1 = arith.constant 0 : i32
    return %c0_i32, %c0_i32_0 : i32, i32
  }
  func.func @transform_5(%arg0: i32) -> (i32, i32) {
    %c0_i32 = arith.constant 0 : i32
    %c0_i32_0 = arith.constant 0 : i32
    return %arg0, %c0_i32 : i32, i32
  }
}

module attributes {stable_mosaic.version = 14 : i64} {
  func.func @_tc_denom_merge_body(%arg0: i32, %arg1: memref<2x8x1280xf32, #tpu.memory_space<vmem>>, %arg2: memref<8x1280xf32, #tpu.memory_space<vmem>>) attributes {dimension_semantics = [#tpu.dimension_semantics<arbitrary>], iteration_bounds = array<i64: 1>, scalar_prefetch = 0 : i64, scratch_operands = 0 : i64, tpu.core_type = #tpu.core_type<tc>, window_params = [{pipeline_mode = #tpu.pipeline_mode<synchronous>, transform_indices = @transform_0, window_bounds = array<i64: 2, 8, 1280>}, {pipeline_mode = #tpu.pipeline_mode<synchronous>, transform_indices = @transform_1, window_bounds = array<i64: 8, 1280>}]} {
    %get3A = arith.constant 0 : index
    %get3A_0 = arith.constant 0 : index
    %get3A_1 = arith.constant 0 : index
    %get3A_2 = vector.load %arg1[%get3A, %get3A_0, %get3A_1] : memref<2x8x1280xf32, #tpu.memory_space<vmem>>, vector<1x8x1280xf32>
    %get3A_3 = vector.shape_cast %get3A_2 : vector<1x8x1280xf32> to vector<8x1280xf32>
    %get3A_4 = arith.constant 1 : index
    %get3A_5 = arith.constant 0 : index
    %get3A_6 = arith.constant 0 : index
    %get3A_7 = vector.load %arg1[%get3A_4, %get3A_5, %get3A_6] : memref<2x8x1280xf32, #tpu.memory_space<vmem>>, vector<1x8x1280xf32>
    %get3A_8 = vector.shape_cast %get3A_7 : vector<1x8x1280xf32> to vector<8x1280xf32>
    %add3A = arith.addf %get3A_3, %get3A_8 : vector<8x1280xf32>
    %add3A_9 = arith.constant 1.000000e-16 : f32
    %add3A_10 = vector.broadcast %add3A_9 : f32 to vector<8x1280xf32>
    %add3A_11 = arith.addf %add3A, %add3A_10 : vector<8x1280xf32>
    %swap3A = arith.constant 0 : index
    %swap3A_12 = arith.constant 0 : index
    %swap3A_13 = vector.load %arg2[%swap3A, %swap3A_12] : memref<8x1280xf32, #tpu.memory_space<vmem>>, vector<8x1280xf32>
    tpu.vector_store %arg2[%swap3A, %swap3A_12], %add3A_11 {strides = array<i32>} : memref<8x1280xf32, #tpu.memory_space<vmem>>, vector<8x1280xf32>,
    return
  }
  func.func @transform_0(%arg0: i32) -> (i32, i32, i32) {
    %c0_i32 = arith.constant 0 : i32
    %c0_i32_0 = arith.constant 0 : i32
    %c0_i32_1 = arith.constant 0 : i32
    %c0_i32_2 = arith.constant 0 : i32
    return %c0_i32, %c0_i32_0, %c0_i32_1 : i32, i32, i32
  }
  func.func @transform_1(%arg0: i32) -> (i32, i32) {
    %c0_i32 = arith.constant 0 : i32
    %c0_i32_0 = arith.constant 0 : i32
    %c0_i32_1 = arith.constant 0 : i32
    return %c0_i32, %c0_i32_0 : i32, i32
  }
}

module attributes {stable_mosaic.version = 14 : i64} {
  func.func @_tc_node_body(%arg0: i32, %arg1: memref<1000x256xf32, #tpu.memory_space<vmem>>, %arg2: memref<1x1000x128xf32, #tpu.memory_space<vmem>>, %arg3: memref<1x1000x128xf32, #tpu.memory_space<vmem>>, %arg4: memref<1x1000x128xf32, #tpu.memory_space<vmem>>, %arg5: memref<1x1000x128xf32, #tpu.memory_space<vmem>>, %arg6: memref<1x1x1000xf32, #tpu.memory_space<vmem>>, %arg7: memref<1x1x1000xi32, #tpu.memory_space<vmem>>, %arg8: memref<256x256xf32, #tpu.memory_space<vmem>>, %arg9: memref<128x256xf32, #tpu.memory_space<vmem>>, %arg10: memref<128x256xf32, #tpu.memory_space<vmem>>, %arg11: memref<128x256xf32, #tpu.memory_space<vmem>>, %arg12: memref<128x256xf32, #tpu.memory_space<vmem>>, %arg13: memref<8x128xf32, #tpu.memory_space<vmem>>, %arg14: memref<1x256xf32, #tpu.memory_space<vmem>>, %arg15: memref<256x256xf32, #tpu.memory_space<vmem>>, %arg16: memref<1x256xf32, #tpu.memory_space<vmem>>, %arg17: memref<128x256xf32, #tpu.memory_space<vmem>>, %arg18: memref<256x256xf32, #tpu.memory_space<vmem>>, %arg19: memref<1x256xf32, #tpu.memory_space<vmem>>, %arg20: memref<256x128xf32, #tpu.memory_space<vmem>>, %arg21: memref<1x128xf32, #tpu.memory_space<vmem>>, %arg22: memref<1000x256xf32, #tpu.memory_space<vmem>>, %arg23: memref<8x128xf32, #tpu.memory_space<vmem>>, %arg24: memref<8x256xf32, #tpu.memory_space<vmem>>, %arg25: memref<8x128xf32, #tpu.memory_space<vmem>>) attributes {dimension_semantics = [#tpu.dimension_semantics<arbitrary>], iteration_bounds = array<i64: 10>, scalar_prefetch = 0 : i64, scratch_operands = 2 : i64, tpu.core_type = #tpu.core_type<tc>, window_params = [{transform_indices = @transform_0, window_bounds = array<i64: 1000, 256>}, {transform_indices = @transform_1, window_bounds = array<i64: 1, 1000, 128>}, {transform_indices = @transform_2, window_bounds = array<i64: 1, 1000, 128>}, {transform_indices = @transform_3, window_bounds = array<i64: 1, 1000, 128>}, {transform_indices = @transform_4, window_bounds = array<i64: 1, 1000, 128>}, {transform_indices = @transform_5, window_bounds = array<i64: 1, 1, 1000>}, {transform_indices = @transform_6, window_bounds = array<i64: 1, 1, 1000>}, {pipeline_mode = #tpu.pipeline_mode<synchronous>, transform_indices = @transform_7, window_bounds = array<i64: 256, 256>}, {pipeline_mode = #tpu.pipeline_mode<synchronous>, transform_indices = @transform_8, window_bounds = array<i64: 128, 256>}, {pipeline_mode = #tpu.pipeline_mode<synchronous>, transform_indices = @transform_9, window_bounds = array<i64: 128, 256>}, {pipeline_mode = #tpu.pipeline_mode<synchronous>, transform_indices = @transform_10, window_bounds = array<i64: 128, 256>}, {pipeline_mode = #tpu.pipeline_mode<synchronous>, transform_indices = @transform_11, window_bounds = array<i64: 128, 256>}, {pipeline_mode = #tpu.pipeline_mode<synchronous>, transform_indices = @transform_12, window_bounds = array<i64: 8, 128>}, {pipeline_mode = #tpu.pipeline_mode<synchronous>, transform_indices = @transform_13, window_bounds = array<i64: 1, 256>}, {pipeline_mode = #tpu.pipeline_mode<synchronous>, transform_indices = @transform_14, window_bounds = array<i64: 256, 256>}, {pipeline_mode = #tpu.pipeline_mode<synchronous>, transform_indices = @transform_15, window_bounds = array<i64: 1, 256>}, {pipeline_mode = #tpu.pipeline_mode<synchronous>, transform_indices = @transform_16, window_bounds = array<i64: 128, 256>}, {pipeline_mode = #tpu.pipeline_mode<synchronous>, transform_indices = @transform_17, window_bounds = array<i64: 256, 256>}, {pipeline_mode = #tpu.pipeline_mode<synchronous>, transform_indices = @transform_18, window_bounds = array<i64: 1, 256>}, {pipeline_mode = #tpu.pipeline_mode<synchronous>, transform_indices = @transform_19, window_bounds = array<i64: 256, 128>}, {pipeline_mode = #tpu.pipeline_mode<synchronous>, transform_indices = @transform_20, window_bounds = array<i64: 1, 128>}, {transform_indices = @transform_21, window_bounds = array<i64: 1000, 256>}, {pipeline_mode = #tpu.pipeline_mode<synchronous>, transform_indices = @transform_22, window_bounds = array<i64: 8, 128>}]} {
    %get3A = arith.constant 0 : index
    %get3A_0 = arith.constant 0 : index
    %get3A_1 = vector.load %arg1[%get3A, %get3A_0] : memref<1000x256xf32, #tpu.memory_space<vmem>>, vector<1000x256xf32>
    %get3A_2 = arith.constant 0 : index
    %get3A_3 = arith.constant 0 : index
    %get3A_4 = arith.constant 0 : index
    %get3A_5 = vector.load %arg6[%get3A_2, %get3A_3, %get3A_4] : memref<1x1x1000xf32, #tpu.memory_space<vmem>>, vector<1x1x1000xf32>
    %get3A_6 = vector.shape_cast %get3A_5 : vector<1x1x1000xf32> to vector<1000xf32>
    %div3A = arith.constant 1.000000e+00 : f32
    %div3A_7 = vector.broadcast %div3A : f32 to vector<1000xf32>
    %div3A_8 = arith.divf %div3A_7, %get3A_6 : vector<1000xf32>
    %get3A_9 = arith.constant 0 : index
    %get3A_10 = arith.constant 0 : index
    %get3A_11 = arith.constant 0 : index
    %get3A_12 = vector.load %arg2[%get3A_9, %get3A_10, %get3A_11] : memref<1x1000x128xf32, #tpu.memory_space<vmem>>, vector<1x1000x128xf32>
    %get3A_13 = vector.shape_cast %get3A_12 : vector<1x1000x128xf32> to vector<1000x128xf32>
    %broadcast_in_dim3A = vector.shape_cast %div3A_8 : vector<1000xf32> to vector<1000x1xf32>
    %mul3A = vector.broadcast %broadcast_in_dim3A : vector<1000x1xf32> to vector<1000x128xf32>
    %mul3A_14 = arith.mulf %get3A_13, %mul3A : vector<1000x128xf32>
    %get3A_15 = arith.constant 0 : index
    %get3A_16 = arith.constant 0 : index
    %get3A_17 = arith.constant 0 : index
    %get3A_18 = vector.load %arg3[%get3A_15, %get3A_16, %get3A_17] : memref<1x1000x128xf32, #tpu.memory_space<vmem>>, vector<1x1000x128xf32>
    %get3A_19 = vector.shape_cast %get3A_18 : vector<1x1000x128xf32> to vector<1000x128xf32>
    %broadcast_in_dim3A_20 = vector.shape_cast %div3A_8 : vector<1000xf32> to vector<1000x1xf32>
    %mul3A_21 = vector.broadcast %broadcast_in_dim3A_20 : vector<1000x1xf32> to vector<1000x128xf32>
    %mul3A_22 = arith.mulf %get3A_19, %mul3A_21 : vector<1000x128xf32>
    %get3A_23 = arith.constant 0 : index
    %get3A_24 = arith.constant 0 : index
    %get3A_25 = arith.constant 0 : index
    %get3A_26 = vector.load %arg4[%get3A_23, %get3A_24, %get3A_25] : memref<1x1000x128xf32, #tpu.memory_space<vmem>>, vector<1x1000x128xf32>
    %get3A_27 = vector.shape_cast %get3A_26 : vector<1x1000x128xf32> to vector<1000x128xf32>
    %get3A_28 = arith.constant 0 : index
    %get3A_29 = arith.constant 0 : index
    %get3A_30 = arith.constant 0 : index
    %get3A_31 = vector.load %arg5[%get3A_28, %get3A_29, %get3A_30] : memref<1x1000x128xf32, #tpu.memory_space<vmem>>, vector<1x1000x128xf32>
    %get3A_32 = vector.shape_cast %get3A_31 : vector<1x1000x128xf32> to vector<1000x128xf32>
    %get3A_33 = arith.constant 0 : index
    %get3A_34 = arith.constant 0 : index
    %get3A_35 = arith.constant 0 : index
    %get3A_36 = vector.load %arg7[%get3A_33, %get3A_34, %get3A_35] : memref<1x1x1000xi32, #tpu.memory_space<vmem>>, vector<1x1x1000xi32>
    %get3A_37 = vector.shape_cast %get3A_36 : vector<1x1x1000xi32> to vector<1000xi32>
    %broadcast_in_dim3A_38 = vector.shape_cast %get3A_37 : vector<1000xi32> to vector<1000x1xi32>
    %iota3A = tpu.iota {dimensions = array<i32: 1>} : vector<1000x8xi32>
    %eq3A = vector.broadcast %broadcast_in_dim3A_38 : vector<1000x1xi32> to vector<1000x8xi32>
    %eq3A_39 = arith.cmpi eq, %eq3A, %iota3A : vector<1000x8xi32>
    %convert_element_type3A = arith.extui %eq3A_39 : vector<1000x8xi1> to vector<1000x8xi32>
    %convert_element_type3A_40 = arith.sitofp %convert_element_type3A : vector<1000x8xi32> to vector<1000x8xf32>
    %get3A_41 = arith.constant 0 : index
    %get3A_42 = arith.constant 0 : index
    %get3A_43 = vector.load %arg13[%get3A_41, %get3A_42] : memref<8x128xf32, #tpu.memory_space<vmem>>, vector<8x128xf32>
    %get3A_44 = arith.constant 0 : index
    %get3A_45 = arith.constant 0 : index
    %get3A_46 = vector.load %arg12[%get3A_44, %get3A_45] : memref<128x256xf32, #tpu.memory_space<vmem>>, vector<128x256xf32>
    %dot_general3A = arith.constant dense<0.000000e+00> : vector<8x256xf32>
    %dot_general3A_47 = tpu.matmul %get3A_43, %get3A_46, %dot_general3A {dimension_numbers = #tpu.dot_dimension_numbers<[1], [0], [0], [1], [0, 0, 1, 1], [], []>, transpose_lhs_hint = false} : vector<8x128xf32>, vector<128x256xf32>, vector<8x256xf32> -> vector<8x256xf32>
    %get3A_48 = arith.constant 0 : index
    %get3A_49 = arith.constant 0 : index
    %get3A_50 = vector.load %arg8[%get3A_48, %get3A_49] : memref<256x256xf32, #tpu.memory_space<vmem>>, vector<256x256xf32>
    %dot_general3A_51 = arith.constant dense<0.000000e+00> : vector<1000x256xf32>
    %dot_general3A_52 = tpu.matmul %get3A_1, %get3A_50, %dot_general3A_51 {dimension_numbers = #tpu.dot_dimension_numbers<[1], [0], [0], [1], [0, 0, 1, 1], [], []>, transpose_lhs_hint = false} : vector<1000x256xf32>, vector<256x256xf32>, vector<1000x256xf32> -> vector<1000x256xf32>
    %get3A_53 = arith.constant 0 : index
    %get3A_54 = arith.constant 0 : index
    %get3A_55 = vector.load %arg9[%get3A_53, %get3A_54] : memref<128x256xf32, #tpu.memory_space<vmem>>, vector<128x256xf32>
    %dot_general3A_56 = arith.constant dense<0.000000e+00> : vector<1000x256xf32>
    %dot_general3A_57 = tpu.matmul %mul3A_14, %get3A_55, %dot_general3A_56 {dimension_numbers = #tpu.dot_dimension_numbers<[1], [0], [0], [1], [0, 0, 1, 1], [], []>, transpose_lhs_hint = false} : vector<1000x128xf32>, vector<128x256xf32>, vector<1000x256xf32> -> vector<1000x256xf32>
    %add3A = arith.addf %dot_general3A_52, %dot_general3A_57 : vector<1000x256xf32>
    %get3A_58 = arith.constant 0 : index
    %get3A_59 = arith.constant 0 : index
    %get3A_60 = vector.load %arg10[%get3A_58, %get3A_59] : memref<128x256xf32, #tpu.memory_space<vmem>>, vector<128x256xf32>
    %dot_general3A_61 = arith.constant dense<0.000000e+00> : vector<1000x256xf32>
    %dot_general3A_62 = tpu.matmul %mul3A_22, %get3A_60, %dot_general3A_61 {dimension_numbers = #tpu.dot_dimension_numbers<[1], [0], [0], [1], [0, 0, 1, 1], [], []>, transpose_lhs_hint = false} : vector<1000x128xf32>, vector<128x256xf32>, vector<1000x256xf32> -> vector<1000x256xf32>
    %add3A_63 = arith.addf %add3A, %dot_general3A_62 : vector<1000x256xf32>
    %add3A_64 = arith.addf %get3A_27, %get3A_32 : vector<1000x128xf32>
    %get3A_65 = arith.constant 0 : index
    %get3A_66 = arith.constant 0 : index
    %get3A_67 = vector.load %arg11[%get3A_65, %get3A_66] : memref<128x256xf32, #tpu.memory_space<vmem>>, vector<128x256xf32>
    %dot_general3A_68 = arith.constant dense<0.000000e+00> : vector<1000x256xf32>
    %dot_general3A_69 = tpu.matmul %add3A_64, %get3A_67, %dot_general3A_68 {dimension_numbers = #tpu.dot_dimension_numbers<[1], [0], [0], [1], [0, 0, 1, 1], [], []>, transpose_lhs_hint = false} : vector<1000x128xf32>, vector<128x256xf32>, vector<1000x256xf32> -> vector<1000x256xf32>
    %add3A_70 = arith.addf %add3A_63, %dot_general3A_69 : vector<1000x256xf32>
    %dot_general3A_71 = arith.constant dense<0.000000e+00> : vector<1000x256xf32>
    %dot_general3A_72 = tpu.matmul %convert_element_type3A_40, %dot_general3A_47, %dot_general3A_71 {dimension_numbers = #tpu.dot_dimension_numbers<[1], [0], [0], [1], [0, 0, 1, 1], [], []>, transpose_lhs_hint = false} : vector<1000x8xf32>, vector<8x256xf32>, vector<1000x256xf32> -> vector<1000x256xf32>
    %add3A_73 = arith.addf %add3A_70, %dot_general3A_72 : vector<1000x256xf32>
    %get3A_74 = arith.constant 0 : index
    %get3A_75 = arith.constant 0 : index
    %get3A_76 = vector.load %arg14[%get3A_74, %get3A_75] : memref<1x256xf32, #tpu.memory_space<vmem>>, vector<1x256xf32>
    %add3A_77 = vector.broadcast %get3A_76 : vector<1x256xf32> to vector<1000x256xf32>
    %add3A_78 = arith.addf %add3A_73, %add3A_77 : vector<1000x256xf32>
    %max3A = arith.constant 0.000000e+00 : f32
    %max3A_79 = vector.broadcast %max3A : f32 to vector<1000x256xf32>
    %max3A_80 = arith.maximumf %add3A_78, %max3A_79 : vector<1000x256xf32>
    %get3A_81 = arith.constant 0 : index
    %get3A_82 = arith.constant 0 : index
    %get3A_83 = vector.load %arg15[%get3A_81, %get3A_82] : memref<256x256xf32, #tpu.memory_space<vmem>>, vector<256x256xf32>
    %dot_general3A_84 = arith.constant dense<0.000000e+00> : vector<1000x256xf32>
    %dot_general3A_85 = tpu.matmul %max3A_80, %get3A_83, %dot_general3A_84 {dimension_numbers = #tpu.dot_dimension_numbers<[1], [0], [0], [1], [0, 0, 1, 1], [], []>, transpose_lhs_hint = false} : vector<1000x256xf32>, vector<256x256xf32>, vector<1000x256xf32> -> vector<1000x256xf32>
    %get3A_86 = arith.constant 0 : index
    %get3A_87 = arith.constant 0 : index
    %get3A_88 = vector.load %arg16[%get3A_86, %get3A_87] : memref<1x256xf32, #tpu.memory_space<vmem>>, vector<1x256xf32>
    %add3A_89 = vector.broadcast %get3A_88 : vector<1x256xf32> to vector<1000x256xf32>
    %add3A_90 = arith.addf %dot_general3A_85, %add3A_89 : vector<1000x256xf32>
    %swap3A = arith.constant 0 : index
    %swap3A_91 = arith.constant 0 : index
    %swap3A_92 = vector.load %arg22[%swap3A, %swap3A_91] : memref<1000x256xf32, #tpu.memory_space<vmem>>, vector<1000x256xf32>
    tpu.vector_store %arg22[%swap3A, %swap3A_91], %add3A_90 {strides = array<i32>} : memref<1000x256xf32, #tpu.memory_space<vmem>>, vector<1000x256xf32>,
    %eq3A_93 = arith.constant 0 : i32
    %eq3A_94 = arith.cmpi eq, %arg0, %eq3A_93 : i32
    %convert_element_type3A_95 = arith.extui %eq3A_94 : i1 to i32
    %cond3A = arith.constant 0 : i32
    %cond3A_96 = arith.cmpi ne, %convert_element_type3A_95, %cond3A : i32
    scf.if %cond3A_96 {
      %broadcast_in_dim3A_122 = arith.constant 0.000000e+00 : f32
      %broadcast_in_dim3A_123 = vector.broadcast %broadcast_in_dim3A_122 : f32 to vector<8x256xf32>
      %swap3A_124 = arith.constant 0 : index
      %swap3A_125 = arith.constant 0 : index
      %swap3A_126 = vector.load %arg24[%swap3A_124, %swap3A_125] : memref<8x256xf32, #tpu.memory_space<vmem>>, vector<8x256xf32>
      tpu.vector_store %arg24[%swap3A_124, %swap3A_125], %broadcast_in_dim3A_123 {strides = array<i32>} : memref<8x256xf32, #tpu.memory_space<vmem>>, vector<8x256xf32>,
      %broadcast_in_dim3A_127 = arith.constant 0.000000e+00 : f32
      %broadcast_in_dim3A_128 = vector.broadcast %broadcast_in_dim3A_127 : f32 to vector<8x128xf32>
      %swap3A_129 = arith.constant 0 : index
      %swap3A_130 = arith.constant 0 : index
      %swap3A_131 = vector.load %arg25[%swap3A_129, %swap3A_130] : memref<8x128xf32, #tpu.memory_space<vmem>>, vector<8x128xf32>
      tpu.vector_store %arg25[%swap3A_129, %swap3A_130], %broadcast_in_dim3A_128 {strides = array<i32>} : memref<8x128xf32, #tpu.memory_space<vmem>>, vector<8x128xf32>,
    } else {
    }
    %get3A_97 = arith.constant 0 : index
    %get3A_98 = arith.constant 0 : index
    %get3A_99 = vector.load %arg24[%get3A_97, %get3A_98] : memref<8x256xf32, #tpu.memory_space<vmem>>, vector<8x256xf32>
    %dot_general3A_100 = arith.constant dense<0.000000e+00> : vector<8x256xf32>
    %dot_general3A_101 = tpu.matmul %convert_element_type3A_40, %add3A_90, %dot_general3A_100 {dimension_numbers = #tpu.dot_dimension_numbers<[0], [0], [1], [1], [0, 1, 1, 1], [], []>, transpose_lhs_hint = false} : vector<1000x8xf32>, vector<1000x256xf32>, vector<8x256xf32> -> vector<8x256xf32>
    %add3A_102 = arith.addf %get3A_99, %dot_general3A_101 : vector<8x256xf32>
    %swap3A_103 = arith.constant 0 : index
    %swap3A_104 = arith.constant 0 : index
    %swap3A_105 = vector.load %arg24[%swap3A_103, %swap3A_104] : memref<8x256xf32, #tpu.memory_space<vmem>>, vector<8x256xf32>
    tpu.vector_store %arg24[%swap3A_103, %swap3A_104], %add3A_102 {strides = array<i32>} : memref<8x256xf32, #tpu.memory_space<vmem>>, vector<8x256xf32>,
    %get3A_106 = arith.constant 0 : index
    %get3A_107 = arith.constant 0 : index
    %get3A_108 = vector.load %arg25[%get3A_106, %get3A_107] : memref<8x128xf32, #tpu.memory_space<vmem>>, vector<8x128xf32>
    %reduce_sum3A = arith.constant dense<0.000000e+00> : vector<8xf32>
    %reduce_sum3A_109 = vector.multi_reduction <add>, %convert_element_type3A_40, %reduce_sum3A [0] : vector<1000x8xf32> to vector<8xf32>
    %broadcast_in_dim3A_110 = vector.shape_cast %reduce_sum3A_109 : vector<8xf32> to vector<8x1xf32>
    %broadcast_in_dim3A_111 = vector.shape_cast %broadcast_in_dim3A_110 : vector<8x1xf32> to vector<8x1xf32>
    %broadcast_in_dim3A_112 = vector.broadcast %broadcast_in_dim3A_111 : vector<8x1xf32> to vector<8x128xf32>
    %add3A_113 = arith.addf %get3A_108, %broadcast_in_dim3A_112 : vector<8x128xf32>
    %swap3A_114 = arith.constant 0 : index
    %swap3A_115 = arith.constant 0 : index
    %swap3A_116 = vector.load %arg25[%swap3A_114, %swap3A_115] : memref<8x128xf32, #tpu.memory_space<vmem>>, vector<8x128xf32>
    tpu.vector_store %arg25[%swap3A_114, %swap3A_115], %add3A_113 {strides = array<i32>} : memref<8x128xf32, #tpu.memory_space<vmem>>, vector<8x128xf32>,
    %eq3A_117 = arith.constant 9 : i32
    %eq3A_118 = arith.cmpi eq, %arg0, %eq3A_117 : i32
    %convert_element_type3A_119 = arith.extui %eq3A_118 : i1 to i32
    %cond3A_120 = arith.constant 0 : i32
    %cond3A_121 = arith.cmpi ne, %convert_element_type3A_119, %cond3A_120 : i32
    scf.if %cond3A_121 {
      %get3A_122 = arith.constant 0 : index
      %get3A_123 = arith.constant 0 : index
      %get3A_124 = vector.load %arg25[%get3A_122, %get3A_123] : memref<8x128xf32, #tpu.memory_space<vmem>>, vector<8x1xf32>
      %jit3A = arith.constant 1.000000e+00 : f32
      %max3A_125 = vector.broadcast %jit3A : f32 to vector<8x1xf32>
      %max3A_126 = arith.maximumf %max3A_125, %get3A_124 : vector<8x1xf32>
      %get3A_127 = arith.constant 0 : index
      %get3A_128 = arith.constant 0 : index
      %get3A_129 = vector.load %arg24[%get3A_127, %get3A_128] : memref<8x256xf32, #tpu.memory_space<vmem>>, vector<8x256xf32>
      %div3A_130 = vector.broadcast %max3A_126 : vector<8x1xf32> to vector<8x256xf32>
      %div3A_131 = arith.divf %get3A_129, %div3A_130 : vector<8x256xf32>
      %get3A_132 = arith.constant 0 : index
      %get3A_133 = arith.constant 0 : index
      %get3A_134 = vector.load %arg13[%get3A_132, %get3A_133] : memref<8x128xf32, #tpu.memory_space<vmem>>, vector<8x128xf32>
      %get3A_135 = arith.constant 0 : index
      %get3A_136 = arith.constant 0 : index
      %get3A_137 = vector.load %arg17[%get3A_135, %get3A_136] : memref<128x256xf32, #tpu.memory_space<vmem>>, vector<128x256xf32>
      %dot_general3A_138 = arith.constant dense<0.000000e+00> : vector<8x256xf32>
      %dot_general3A_139 = tpu.matmul %get3A_134, %get3A_137, %dot_general3A_138 {dimension_numbers = #tpu.dot_dimension_numbers<[1], [0], [0], [1], [0, 0, 1, 1], [], []>, transpose_lhs_hint = false} : vector<8x128xf32>, vector<128x256xf32>, vector<8x256xf32> -> vector<8x256xf32>
      %get3A_140 = arith.constant 0 : index
      %get3A_141 = arith.constant 0 : index
      %get3A_142 = vector.load %arg18[%get3A_140, %get3A_141] : memref<256x256xf32, #tpu.memory_space<vmem>>, vector<256x256xf32>
      %dot_general3A_143 = arith.constant dense<0.000000e+00> : vector<8x256xf32>
      %dot_general3A_144 = tpu.matmul %div3A_131, %get3A_142, %dot_general3A_143 {dimension_numbers = #tpu.dot_dimension_numbers<[1], [0], [0], [1], [0, 0, 1, 1], [], []>, transpose_lhs_hint = false} : vector<8x256xf32>, vector<256x256xf32>, vector<8x256xf32> -> vector<8x256xf32>
      %add3A_145 = arith.addf %dot_general3A_139, %dot_general3A_144 : vector<8x256xf32>
      %get3A_146 = arith.constant 0 : index
      %get3A_147 = arith.constant 0 : index
      %get3A_148 = vector.load %arg19[%get3A_146, %get3A_147] : memref<1x256xf32, #tpu.memory_space<vmem>>, vector<1x256xf32>
      %add3A_149 = vector.broadcast %get3A_148 : vector<1x256xf32> to vector<8x256xf32>
      %add3A_150 = arith.addf %add3A_145, %add3A_149 : vector<8x256xf32>
      %max3A_151 = arith.constant 0.000000e+00 : f32
      %max3A_152 = vector.broadcast %max3A_151 : f32 to vector<8x256xf32>
      %max3A_153 = arith.maximumf %add3A_150, %max3A_152 : vector<8x256xf32>
      %get3A_154 = arith.constant 0 : index
      %get3A_155 = arith.constant 0 : index
      %get3A_156 = vector.load %arg20[%get3A_154, %get3A_155] : memref<256x128xf32, #tpu.memory_space<vmem>>, vector<256x128xf32>
      %dot_general3A_157 = arith.constant dense<0.000000e+00> : vector<8x128xf32>
      %dot_general3A_158 = tpu.matmul %max3A_153, %get3A_156, %dot_general3A_157 {dimension_numbers = #tpu.dot_dimension_numbers<[1], [0], [0], [1], [0, 0, 1, 1], [], []>, transpose_lhs_hint = false} : vector<8x256xf32>, vector<256x128xf32>, vector<8x128xf32> -> vector<8x128xf32>
      %get3A_159 = arith.constant 0 : index
      %get3A_160 = arith.constant 0 : index
      %get3A_161 = vector.load %arg21[%get3A_159, %get3A_160] : memref<1x128xf32, #tpu.memory_space<vmem>>, vector<1x128xf32>
      %add3A_162 = vector.broadcast %get3A_161 : vector<1x128xf32> to vector<8x128xf32>
      %add3A_163 = arith.addf %dot_general3A_158, %add3A_162 : vector<8x128xf32>
      %swap3A_164 = arith.constant 0 : index
      %swap3A_165 = arith.constant 0 : index
      %swap3A_166 = vector.load %arg23[%swap3A_164, %swap3A_165] : memref<8x128xf32, #tpu.memory_space<vmem>>, vector<8x128xf32>
      tpu.vector_store %arg23[%swap3A_164, %swap3A_165], %add3A_163 {strides = array<i32>} : memref<8x128xf32, #tpu.memory_space<vmem>>, vector<8x128xf32>,
    } else {
    }
    return
  }
  func.func @transform_0(%arg0: i32) -> (i32, i32) {
    %c0_i32 = arith.constant 0 : i32
    %c0_i32_0 = arith.constant 0 : i32
    return %arg0, %c0_i32 : i32, i32
  }
  func.func @transform_1(%arg0: i32) -> (i32, i32, i32) {
    %c0_i32 = arith.constant 0 : i32
    %c0_i32_0 = arith.constant 0 : i32
    %c0_i32_1 = arith.constant 0 : i32
    return %c0_i32, %arg0, %c0_i32_0 : i32, i32, i32
  }
  func.func @transform_2(%arg0: i32) -> (i32, i32, i32) {
    %c1_i32 = arith.constant 1 : i32
    %c0_i32 = arith.constant 0 : i32
    %c0_i32_0 = arith.constant 0 : i32
    return %c1_i32, %arg0, %c0_i32 : i32, i32, i32
  }
  func.func @transform_3(%arg0: i32) -> (i32, i32, i32) {
    %c0_i32 = arith.constant 0 : i32
    %c0_i32_0 = arith.constant 0 : i32
    %c0_i32_1 = arith.constant 0 : i32
    return %c0_i32, %arg0, %c0_i32_0 : i32, i32, i32
  }
  func.func @transform_4(%arg0: i32) -> (i32, i32, i32) {
    %c1_i32 = arith.constant 1 : i32
    %c0_i32 = arith.constant 0 : i32
    %c0_i32_0 = arith.constant 0 : i32
    return %c1_i32, %arg0, %c0_i32 : i32, i32, i32
  }
  func.func @transform_5(%arg0: i32) -> (i32, i32, i32) {
    %c0_i32 = arith.constant 0 : i32
    %c0_i32_0 = arith.constant 0 : i32
    %c0_i32_1 = arith.constant 0 : i32
    return %arg0, %c0_i32, %c0_i32_0 : i32, i32, i32
  }
  func.func @transform_6(%arg0: i32) -> (i32, i32, i32) {
    %c0_i32 = arith.constant 0 : i32
    %c0_i32_0 = arith.constant 0 : i32
    %c0_i32_1 = arith.constant 0 : i32
    return %arg0, %c0_i32, %c0_i32_0 : i32, i32, i32
  }
  func.func @transform_7(%arg0: i32) -> (i32, i32) {
    %c0_i32 = arith.constant 0 : i32
    %c0_i32_0 = arith.constant 0 : i32
    %c0_i32_1 = arith.constant 0 : i32
    return %c0_i32, %c0_i32_0 : i32, i32
  }
  func.func @transform_8(%arg0: i32) -> (i32, i32) {
    %c0_i32 = arith.constant 0 : i32
    %c0_i32_0 = arith.constant 0 : i32
    %c0_i32_1 = arith.constant 0 : i32
    return %c0_i32, %c0_i32_0 : i32, i32
  }
  func.func @transform_9(%arg0: i32) -> (i32, i32) {
    %c0_i32 = arith.constant 0 : i32
    %c0_i32_0 = arith.constant 0 : i32
    %c0_i32_1 = arith.constant 0 : i32
    return %c0_i32, %c0_i32_0 : i32, i32
  }
  func.func @transform_10(%arg0: i32) -> (i32, i32) {
    %c0_i32 = arith.constant 0 : i32
    %c0_i32_0 = arith.constant 0 : i32
    %c0_i32_1 = arith.constant 0 : i32
    return %c0_i32, %c0_i32_0 : i32, i32
  }
  func.func @transform_11(%arg0: i32) -> (i32, i32) {
    %c0_i32 = arith.constant 0 : i32
    %c0_i32_0 = arith.constant 0 : i32
    %c0_i32_1 = arith.constant 0 : i32
    return %c0_i32, %c0_i32_0 : i32, i32
  }
  func.func @transform_12(%arg0: i32) -> (i32, i32) {
    %c0_i32 = arith.constant 0 : i32
    %c0_i32_0 = arith.constant 0 : i32
    %c0_i32_1 = arith.constant 0 : i32
    return %c0_i32, %c0_i32_0 : i32, i32
  }
  func.func @transform_13(%arg0: i32) -> (i32, i32) {
    %c0_i32 = arith.constant 0 : i32
    %c0_i32_0 = arith.constant 0 : i32
    %c0_i32_1 = arith.constant 0 : i32
    return %c0_i32, %c0_i32_0 : i32, i32
  }
  func.func @transform_14(%arg0: i32) -> (i32, i32) {
    %c0_i32 = arith.constant 0 : i32
    %c0_i32_0 = arith.constant 0 : i32
    %c0_i32_1 = arith.constant 0 : i32
    return %c0_i32, %c0_i32_0 : i32, i32
  }
  func.func @transform_15(%arg0: i32) -> (i32, i32) {
    %c0_i32 = arith.constant 0 : i32
    %c0_i32_0 = arith.constant 0 : i32
    %c0_i32_1 = arith.constant 0 : i32
    return %c0_i32, %c0_i32_0 : i32, i32
  }
  func.func @transform_16(%arg0: i32) -> (i32, i32) {
    %c0_i32 = arith.constant 0 : i32
    %c0_i32_0 = arith.constant 0 : i32
    %c0_i32_1 = arith.constant 0 : i32
    return %c0_i32, %c0_i32_0 : i32, i32
  }
  func.func @transform_17(%arg0: i32) -> (i32, i32) {
    %c0_i32 = arith.constant 0 : i32
    %c0_i32_0 = arith.constant 0 : i32
    %c0_i32_1 = arith.constant 0 : i32
    return %c0_i32, %c0_i32_0 : i32, i32
  }
  func.func @transform_18(%arg0: i32) -> (i32, i32) {
    %c0_i32 = arith.constant 0 : i32
    %c0_i32_0 = arith.constant 0 : i32
    %c0_i32_1 = arith.constant 0 : i32
    return %c0_i32, %c0_i32_0 : i32, i32
  }
  func.func @transform_19(%arg0: i32) -> (i32, i32) {
    %c0_i32 = arith.constant 0 : i32
    %c0_i32_0 = arith.constant 0 : i32
    %c0_i32_1 = arith.constant 0 : i32
    return %c0_i32, %c0_i32_0 : i32, i32
  }
  func.func @transform_20(%arg0: i32) -> (i32, i32) {
    %c0_i32 = arith.constant 0 : i32
    %c0_i32_0 = arith.constant 0 : i32
    %c0_i32_1 = arith.constant 0 : i32
    return %c0_i32, %c0_i32_0 : i32, i32
  }
  func.func @transform_21(%arg0: i32) -> (i32, i32) {
    %c0_i32 = arith.constant 0 : i32
    %c0_i32_0 = arith.constant 0 : i32
    return %arg0, %c0_i32 : i32, i32
  }
  func.func @transform_22(%arg0: i32) -> (i32, i32) {
    %c0_i32 = arith.constant 0 : i32
    %c0_i32_0 = arith.constant 0 : i32
    %c0_i32_1 = arith.constant 0 : i32
    return %c0_i32, %c0_i32_0 : i32, i32
  }
}

</mosaic_0001>

<sc_bundles>
// kernel: kernel.12.cloned.1.call-start
scs
__scs_entry_jumppad:
0x0: {  	(pc) =	sbr.rel $0x88, $3  }
0x1: {  	(tag) =	ssettag $0x0;
	lr =	simm.s32 $0x1  }
0x2: {  	[smem:$0x3F8E] =	sst lr;
	_ =	strace $0xD0000000  }
0x3: {  	_ = 	snop  }
0x4: {  	_ = 	snop  }
0x5: {  	_ = 	snop  }
0x6: {  	_ = 	snop  }
0x7: {  	_ = 	snop  }
__scs_overlays_trampoline_lowered:
0x8: {  	[smem:$0x3F9D] =	sst s0  }
0x9: {  	[smem:$0x3F9E] =	sst s1  }
0xa: {  	[smem:$0x3F9F] =	sst s2  }
0xb: {  	[smem:$0x3FA0] =	sst s3  }
0xc: {  	[smem:$0x3FA1] =	sst s4  }
0xd: {  	[smem:$0x3FA2] =	sst s5  }
0xe: {  	[smem:$0x3FA3] =	sst s6  }
0xf: {  	[smem:$0x3FA4] =	sst s7  }
0x10: {  	[smem:$0x3FA5] =	sst s8  }
0x11: {  	[smem:$0x3FA6] =	sst s9;
	s0 =	simm.s32 @!p0 $0x0  }
0x12: {  	s1 =	sld [smem:$0x3F8C];
	s0 =	simm.s32 @p0 $0x1  }
0x13: {  	[smem:$0x3FA7] =	sst s0;
	s0 =	simm.s32 @!p1 $0x0  }
0x14: {  	s2 =	sld [smem:$0x3F8B];
	s0 =	simm.s32 @p1 $0x1  }
0x15: {  	[smem:$0x3FA8] =	sst s0;
	s0 =	simm.s32 @!p2 $0x0  }
0x16: {  	s3 =	sld [smem:$0x3FDB];
	s0 =	simm.s32 @p2 $0x1  }
0x17: {  	s4 =	simm.s32 $0x1BF5;
	[smem:$0x3FAA] =	sst s0  }
0x18: {  	s0 =	sld [smem:$0x3F8D];
	_ =	swait.ge [sflag:s4], $0x0  }
0x19: {  	s7 =	sld [smem:$0x3F8E]  }
0x1a: {  	s8 =	sadd.s32 $0xFFFFE003, lr  }
0x1b: {  	s9 =	sadd.s32 $0xFFFFFEF7, lr;
	s5 =	simm.s32 $0xFFFFFFFF;
	p2 =	slt.u32 s8, $0xFFFFF086  }
0x1c: {  	p1 =	slt.u32 s9, $0xF7A;
	s5 =	simm.s32 @!p2 $0x0  }
0x1d: {  	s5 =	simm.s32 @p1 $0x1;
	p0 =	seq.s32 s7, s2  }
0x1e: {  	s7 =	smul.u32 @!p0 $0xF7A, s2;
	p2 =	seq.s32 @!p0 s5, $0x0  }
0x1f: {  	s9 =	smul.u32 $0xF7A, s1;
	s8 =	simm.s32 @!p0 $0x1BF5;
	p2 =	por !p2, p0  }
0x20: {  	[sflag:s8] =	ssyncset.s32 @!p0 $0xFFFFF086;
	s6 =	sadd.s32 @!p0 s3, s7;
	s7 =	simm.s32 @!p0 $0x108  }
0x21: {  	s3 =	sadd.s32 s3, s9;
	s6 =	sadd.s32 @!p0 $0x88, s6;
	s7 =	simm.s32 @p2 $0x1082  }
0x22: {  	[simem:s7], [sflag:s8] =	dma.local @!p0 [hbm:s6], $0xF7A  }
0x23: {  	s9 =	sor.u32 $0xD0000000, s2;
	s6 =	simm.s32 $0x108;
	_ =	swait.ge @!p0 [sflag:s8], $0x0  }
0x24: {  	s3 =	sadd.s32 $0x88, s3;
	s6 =	simm.s32 @!p1 $0x1082;
	[sflag:s4] =	ssyncset.s32 $0xFFFFF086  }
0x25: {  	[simem:s6], [sflag:s4] =	dma.local [hbm:s3], $0xF7A  }
0x26: {  	[smem:$0x3F8E] =	sst s1;
	(tag) =	ssettag s2;
	_ =	strace s9  }
0x27: {  	s1 =	sld [smem:$0x3F9E]  }
0x28: {  	s2 =	sld [smem:$0x3F9F]  }
0x29: {  	s4 =	sld [smem:$0x3FA1]  }
0x2a: {  	p0 =	seq.s32 s5, $0x0;
	s5 =	sld [smem:$0x3FA2]  }
0x2b: {  	s6 =	sld [smem:$0x3FA3]  }
0x2c: {  	s7 =	sld [smem:$0x3FA4]  }
0x2d: {  	s3 =	simm.s32 $0x108;
	s8 =	sld [smem:$0x3FA5]  }
0x2e: {  	s3 =	simm.s32 @!p0 $0x1082;
	s9 =	sld [smem:$0x3FA6]  }
0x2f: {  	lr =	sadd.s32 s0, s3;
	s0 =	sld [smem:$0x3F9D]  }
0x30: {  	s3 =	sld [smem:$0x3FA0]  }
0x31: {  	[smem:$0x3FA9] =	sst s10  }
0x32: {  	s10 =	sld [smem:$0x3FA7];
	_ =	sdelay $0x3  }
0x33: {  	p0 =	seq.s32 s10, $0x1;
	s10 =	sld [smem:$0x3FA9];
	_ =	sdelay $0x3  }
0x34: {  	[smem:$0x3FA9] =	sst s10  }
0x35: {  	s10 =	sld [smem:$0x3FA8];
	_ =	sdelay $0x3  }
0x36: {  	p1 =	seq.s32 s10, $0x1;
	s10 =	sld [smem:$0x3FA9];
	_ =	sdelay $0x3  }
0x37: {  	[smem:$0x3FA9] =	sst s10  }
0x38: {  	s10 =	sld [smem:$0x3FAA]  }
0x39: {  	_ = 	snop;
	(pc) =	sbr.ind lr, $3  }
0x3a: {  	_ = 	snop  }
0x3b: {  	_ = 	snop  }
0x3c: {  	p2 =	seq.s32 s10, $0x1;
	s10 =	sld [smem:$0x3FA9]  }
0x3d: {  	_ =	shalt  }
0x3e: {  	_ =	shalt  }
0x3f: {  	_ =	shalt  }
0x40: {  	_ =	shalt  }
0x41: {  	_ =	shalt  }
0x42: {  	_ =	shalt  }
0x43: {  	_ =	shalt  }
0x44: {  	_ =	shalt  }
0x45: {  	_ =	shalt  }
0x46: {  	_ =	shalt  }
0x47: {  	_ =	shalt  }
0x48: {  	_ =	shalt  }
0x49: {  	_ =	shalt  }
0x4a: {  	_ =	shalt  }
0x4b: {  	_ =	shalt  }
0x4c: {  	_ =	shalt  }
0x4d: {  	_ =	shalt  }
0x4e: {  	_ =	shalt  }
0x4f: {  	_ =	shalt  }
0x50: {  	_ =	shalt  }
0x51: {  	_ =	shalt  }
0x52: {  	_ =	shalt  }
0x53: {  	_ =	shalt  }
0x54: {  	_ =	shalt  }
0x55: {  	_ =	shalt  }
0x56: {  	_ =	shalt  }
0x57: {  	_ =	shalt  }
0x58: {  	_ =	shalt  }
0x59: {  	_ =	shalt  }
0x5a: {  	_ =	shalt  }
0x5b: {  	_ =	shalt  }
0x5c: {  	_ =	shalt  }
0x5d: {  	_ =	shalt  }
0x5e: {  	_ =	shalt  }
0x5f: {  	_ =	shalt  }
0x60: {  	_ =	shalt  }
0x61: {  	_ =	shalt  }
0x62: {  	_ =	shalt  }
0x63: {  	_ =	shalt  }
0x64: {  	_ =	shalt  }
0x65: {  	_ =	shalt  }
0x66: {  	_ =	shalt  }
0x67: {  	_ =	shalt  }
0x68: {  	_ =	shalt  }
0x69: {  	_ =	shalt  }
0x6a: {  	_ =	shalt  }
0x6b: {  	_ =	shalt  }
0x6c: {  	_ =	shalt  }
0x6d: {  	_ =	shalt  }
0x6e: {  	_ =	shalt  }
0x6f: {  	_ =	shalt  }
0x70: {  	_ =	shalt  }
0x71: {  	_ =	shalt  }
0x72: {  	_ =	shalt  }
0x73: {  	_ =	shalt  }
0x74: {  	_ =	shalt  }
0x75: {  	_ =	shalt  }
0x76: {  	_ =	shalt  }
0x77: {  	_ =	shalt  }
0x78: {  	_ =	shalt  }
0x79: {  	_ =	shalt  }
0x7a: {  	_ =	shalt  }
0x7b: {  	_ =	shalt  }
0x7c: {  	_ =	shalt  }
0x7d: {  	_ =	shalt  }
0x7e: {  	_ =	shalt  }
0x7f: {  	_ =	shalt  }
0x80: {  	_ =	shalt  }
0x81: {  	_ =	shalt  }
0x82: {  	_ =	shalt  }
0x83: {  	_ =	shalt  }
0x84: {  	_ =	shalt  }
0x85: {  	_ =	shalt  }
0x86: {  	_ =	shalt  }
0x87: {  	_ =	shalt  }
.Lfunc_end0:
.L_simem_size_0:
called_computation_lowered:
.L_overlay_start_0:
0x88: {  	s2 =	sld [smem:$0x3FD9]  }
0x89: {  	s3 =	sld [smem:$0x3FFE];
	_ =	sdelay $0x1  }
0x8a: {  	s1 =	srdreg.scid  }
0x8b: {  	s0 =	sand.u32 $0x1, s1  }
0x8c: {  	s15 =	sshll.u32 s0, $0xA;
	s2 =	sadd.s32 s3, s2  }
0x8d: {  	s2 =	sadd.s32 s2, s15  }
0x8e: {  	[smem:$0x3FB5] =	sst s2  }
0x8f: {  	_ = 	snop  }
0x90: {  	s2 =	sld [smem:$0x3FD0];
	_ =	sdelay $0x2  }
0x91: {  	s16 =	simm.s32 $0xC;
	s4 =	simm.s32 $0x10  }
0x92: {  	[smem:s4], [sflag:s16] =	dma.local [hbm:s2], $0x1  }
0x93: {  	_ =	swait.eq [sflag:s16], $0x1  }
0x94: {  	[sflag:s16] =	ssyncset.done $0x0  }
0x95: {  	[sflag:s16] =	ssyncadd.s32 $0xFFFFFFFF  }
0x96: {  	s17 =	sld [smem:$0x11];
	(tm) =	ssettm $0x1  }
0x97: {  	s18 =	sld [smem:$0x3FFB];
	_ =	sdelay $0x3  }
0x98: {  	_ =	strace s18  }
0x99: {  	s2 =	sld [smem:$0x3FFC];
	_ =	sdelay $0x3  }
0x9a: {  	_ =	strace s2  }
0x9b: {  	s2 =	sld [smem:$0x3FFD];
	_ =	sdelay $0x3  }
0x9c: {  	_ =	strace s2  }
0x9d: {  	_ =	strace $0x8FFFFFFF  }
0x9e: {  	s19 =	sld [smem:$0x3FDB];
	_ =	sdelay $0x1  }
0x9f: {  	s20 =	simm.s32 $_scs_section_size  }
0xa0: {  	s5 =	simm.s32 $_size__tile_overlayer_lowered;
	s6 =	simm.s32 $_tile_overlayer_lowered  }
0xa1: {  	s7 =	simm.s32 $0x1BFF;
	s21 =	sshll.u32 s6, $0x1;
	s4 =	sadd.s32 s20, s19  }
0xa2: {  	s22 =	simm.s32 $0x0;
	s5 =	sshll.u32 s5, $0x1;
	s6 =	sadd.s32 s21, s4  }
0xa3: {  	[timem:s22], [sflag:s7] =	dma.local [hbm:s6], s5  }
0xa4: {  	_ =	swait.ge [sflag:s7], s5  }
0xa5: {  	s5 =	ssub.s32 $0x0, s5;
	[sflag:s7] =	ssyncset.done $0x0  }
0xa6: {  	[sflag:s7] =	ssyncadd.s32 s5;
	_ =	sdelay $0x1  }
0xa7: {  	s23 =	simm.s32 $0x1B8B  }
0xa8: {  	_ =	swait.ge [sflag:s23], $0x1  }
0xa9: {  	[sflag:s23] =	ssyncset.done $0x0  }
0xaa: {  	[sflag:s23] =	ssyncadd.s32 $0xFFFFFFFF  }
0xab: {  	s5 =	sld [smem:$0x0]  }
0xac: {  	s6 =	sand.u32 $0xFFFFFFFE, s1  }
0xad: {  	p0 =	sne.s32 s1, s6  }
0xae: {  	s6 =	sshll.u32 @p0 s6, $0xE  }
0xaf: {  	s6 =	sadd.s32 @p0 $0x11B8D, s6;
	s7 =	sshll.u32 @p0 s5, $0x11  }
0xb0: {  	s6 =	sor.u32 @p0 s7, s6  }
0xb1: {  	[sflag:s6] =	ssyncadd.remote.s32 @p0 $0x1;
	_ =	sdelay $0x1  }
0xb2: {  	s6 =	simm.s32 @p0 $0x1B8D  }
0xb3: {  	_ =	swait.eq @p0 [sflag:s6], $0x1  }
0xb4: {  	[sflag:s6] =	ssyncadd.s32 @p0 $0xFFFFFFFF  }
0xb5: {  	s7 =	sshll.u32 @!p0 s1, $0xE  }
0xb6: {  	s7 =	sor.u32 @!p0 $0x4000, s7;
	s6 =	simm.s32 @!p0 $0x1B8D  }
0xb7: {  	s5 =	sshll.u32 @!p0 s5, $0x11;
	s7 =	sadd.s32 @!p0 $0x11B8D, s7;
	_ =	swait.eq @!p0 [sflag:s6], $0x1  }
0xb8: {  	s5 =	sor.u32 @!p0 s5, s7;
	[sflag:s6] =	ssyncadd.s32 @!p0 $0xFFFFFFFF  }
0xb9: {  	s25 =	simm.s32 $0x1B8E;
	s24 =	sld [smem:$0x3FFE];
	[sflag:s5] =	ssyncadd.remote.s32 @!p0 $0x1  }
0xba: {  	s26 =	simm.s32 $execute0_lowered;
	[smem:$0x3FD2] =	sst s25  }
0xbb: {  	s6 =	sshll.u32 s26, $0x1;
	_ =	strace $0x80000049;
	[dreg:$0x1] =	wrdreg $0xFFFFFFFF  }
0xbc: {  	s28 =	simm.s32 $_size_execute0_lowered;
	s4 =	sadd.s32 s4, s6;
	[dreg:$0x0] =	wrdreg $0x0  }
0xbd: {  	s6 =	sshll.u32 s28, $0x1;
	[dreg:$0x2] =	wrdreg s4  }
0xbe: {  	[dreg:$0x3] =	wrdreg s6  }
0xbf: {  	[dreg:$0x4] =	wrdreg $0xC0  }
0xc0: {  	_ =	task [dreg:s22], $0x5FFFF  }
0xc1: {  	[dreg:$0x1] =	wrdreg $0xFFFFFFFF  }
0xc2: {  	[dreg:$0x0] =	wrdreg $0x60  }
0xc3: {  	[dreg:$0x2] =	wrdreg s17  }
0xc4: {  	[dreg:$0x3] =	wrdreg s24  }
0xc5: {  	[dreg:$0x4] =	wrdreg $0x9  }
0xc6: {  	_ =	task.clear_ibuf [dreg:s22], $0x5FFFF;
	_ =	strace $0x90000049  }
0xc7: {  	s29 =	simm.s32 $0x9;
	_ =	strace $0x8000004B  }
0xc8: {  	_ =	swait.ge [sflag:s29], $0x1  }
0xc9: {  	[sflag:s29] =	ssyncadd.s32 $0xFFFFFFFF  }
0xca: {  	_ =	strace $0x9000004B  }
0xcb: {  	_ =	sfence  }
0xcc: {  	s30 =	sld [smem:$0x0];
	_ =	sdelay $0x2  }
0xcd: {  	s31 =	sshll.u32 s1, $0xD;
	s1 =	sshrl.u32 s1, $0x2  }
0xce: {  	s4 =	sand.u32 $0x4000, s31;
	s1 =	sadd.s32 s1, s30  }
0xcf: {  	s0 =	sor.u32 s4, s0;
	s1 =	sshll.u32 s1, $0x11  }
0xd0: {  	s0 =	sor.u32 s1, s0  }
0xd1: {  	s0 =	sadd.s32 $0x8F2B, s0  }
0xd2: {  	[sflag:s0] =	ssyncadd.remote.s32 $0x1  }
0xd3: {  	_ =	sfence.sel $0xFFFF  }
0xd4: {  	[dreg:$0x0] =	wrdreg $0xFFFFFFFF;
	(pc) =	sbr.abs _section_cstart, $3  }
0xd5: {  	[dreg:$0x1] =	wrdreg $0xFFFFFFFF  }
0xd6: {  	_ =	task.clear_ibuf [dreg:s22], $0x2FFFF;
	_ =	strace $0x9FFFFFFF  }
0xd7: {  	(tm) =	ssettm $0x7FFFFFFF  }
tec
execute0_lowered:
.L_overlay_start_1:
0x0: {  	(tag) =	ssettag $0x1  }
0x1: {  	s1 =	rddreg [dreg:$0x0]  }
0x2: {  	s0 =	rddreg [dreg:$0x1];
	s2 =	simm.s32 $0x0  }
0x3: {  	s25 =	srdreg.scid;
	s7 =	stileid.u32;
	s10 =	simm.s32 $0x3  }
0x4: {  	s12 =	simm.s32 $0x200;
	s28 =	simm.s32 $0x13200;
	s29 =	simm.s32 $0x13A00  }
0x5: {  	s30 =	simm.s32 $0x14200;
	s31 =	simm.s32 $0x14A00;
	s11 =	simm.s32 $0x17200  }
0x6: {  	s13 =	simm.s32 $0x17A00;
	s14 =	simm.s32 $0x18200;
	s15 =	simm.s32 $0x18A00  }
0x7: {  	s16 =	simm.s32 $0x1;
	s17 =	simm.s32 $0x2;
	s19 =	simm.s32 $0x0  }
0x8: {  	[smem:$0x7FF] =	sst s2;
	s4 =	sadd.s32 $0xDA00, s0;
	s2 =	sand.u32 $0x1, s25  }
0x9: {  	s5 =	sadd.s32 $0xA1FC00, s0;
	s6 =	sadd.s32 $0xA24C00, s0;
	s9 =	sshll.u32 s7, $0x1  }
0xa: {  	s7 =	sadd.s32 $0xA29C00, s0;
	s25 =	simm.s32 $0x12200;
	s3 =	ssub.s32 $0x2, s2  }
0xb: {  	_ =	strace $0x8000004A;
	s2 =	sor.u32 s2, s9;
	s8 =	sshrl.u32 s3, $0x1  }
0xc: {  	v2 =	vlaneseq.u32;
	s9 =	simm.s32 $0x16200;
	s26 =	ssub.s32 s3, s8;
	s8 =	smul.u32 $0x1388, s2  }
0xd: {  	vm0 =	vmmov $0xffff;
	v1 =	vshrl.u32 v2, $0x3;
	s3 =	simm.s32 $0x15A00;
	s2 =	simm.s32 $0x16A00;
	s0 =	smax.u32 s26, $0x1  }
0xe: {  	v0 =	vand.u32 $0x7, v2;
	v2 =	vor.u32 $0x8, v2;
	v1 =	vmul.u32 $0x8, v1;
	s26 =	simm.s32 $0x12A00;
	[dreg:$0x3] =	wrdreg s0;
	s0 =	simm.s32 $0x15200  }
.LBB2_1:
0xf: {  	[dreg:$0x4] =	wrdreg s19;
	s18 =	simm.s32 $0x0  }
.LBB2_2:
0x10: {  	s19 =	smul.u32 $0xC8, s18;
	_ =	sdelay $0x1  }
0x11: {  	s19 =	sadd.s32 s8, s19  }
0x12: {  	s21 =	sshrl.u32 s19, $0x3  }
0x13: {  	s20 =	simm.s32 $0x0;
	s22 =	sadd.s32 s5, s21  }
0x14: {  	[tilespmem:s20], [sflag:$0x3] =	stream.linear.gather [hbm4b:s22+s20], $0xC8, $0x38;
	[tilespmem:$0x19200] =	vst v63  }
0x15: {  	_ =	swait.ge [sflag:s10], $0xC8  }
0x16: {  	[sflag:s10] =	ssyncset.done $0x0  }
0x17: {  	s24 =	simm.s32 $0x100;
	s21 =	sadd.s32 s6, s21;
	[sflag:s10] =	ssyncadd.s32 $0xFFFFFF38  }
0x18: {  	[tilespmem:s24], [sflag:$0x3] =	stream.linear.gather [hbm4b:s21+s20], $0xC8, $0x38;
	[tilespmem:$0x19200] =	vst v63  }
0x19: {  	_ =	swait.ge [sflag:s10], $0xC8  }
0x1a: {  	[sflag:s10] =	ssyncset.done $0x0  }
0x1b: {  	[sflag:s10] =	ssyncadd.s32 $0xFFFFFF38  }
0x1c: {  	v3 =	vld [tilespmem:$0x0];
	_ =	sdelay $0x4  }
0x1d: {  	v4 =	vshll.u32 v3, $0x1  }
0x1e: {  	v3 =	vand.u32 $0x7, v3;
	v4 =	vand.u32 $0xFFFFFFF0, v4  }
0x1f: {  	v3 =	vor.u32 v3, v4  }
0x20: {  	v4 =	vperm.xlane v3, v0;
	_ =	sdelay $0x1  }
0x21: {  	v3 =	vperm.xlane v3, v2;
	v4 =	vadd.s32 v1, v4;
	_ =	sdelay $0x1  }
0x22: {  	v3 =	vadd.s32 v1, v3;
	_ =	sdelay $0x2  }
0x23: {  	[tilespmem:s12], [sflag:$0x1] =	stream.indirect_vreg.gather [hbm4b:s1+s20], $0x80, v4, vm0, $0xb8;
	[tilespmem:$0x19200] =	vst v63  }
0x24: {  	s22 =	simm.s32 $0xA00  }
0x25: {  	[tilespmem:s22], [sflag:$0x1] =	stream.indirect_vreg.gather [hbm4b:s1+s20], $0x80, v3, vm0, $0xb8;
	[tilespmem:$0x19200] =	vst v63  }
0x26: {  	v3 =	vld [tilespmem:$0x10];
	_ =	sdelay $0x4  }
0x27: {  	v4 =	vshll.u32 v3, $0x1  }
0x28: {  	v3 =	vand.u32 $0x7, v3;
	v4 =	vand.u32 $0xFFFFFFF0, v4  }
0x29: {  	v3 =	vor.u32 v3, v4  }
0x2a: {  	v4 =	vperm.xlane v3, v0;
	_ =	sdelay $0x1  }
0x2b: {  	v3 =	vperm.xlane v3, v2;
	v4 =	vadd.s32 v1, v4;
	_ =	sdelay $0x1  }
0x2c: {  	v3 =	vadd.s32 v1, v3;
	_ =	sdelay $0x1  }
0x2d: {  	s23 =	simm.s32 $0x1200  }
0x2e: {  	[tilespmem:s23], [sflag:$0x1] =	stream.indirect_vreg.gather [hbm4b:s1+s20], $0x80, v4, vm0, $0xb8;
	[tilespmem:$0x19200] =	vst v63  }
0x2f: {  	s24 =	simm.s32 $0x1A00  }
0x30: {  	[tilespmem:s24], [sflag:$0x1] =	stream.indirect_vreg.gather [hbm4b:s1+s20], $0x80, v3, vm0, $0xb8;
	[tilespmem:$0x19200] =	vst v63  }
0x31: {  	v3 =	vld [tilespmem:$0x20];
	_ =	sdelay $0x4  }
0x32: {  	v4 =	vshll.u32 v3, $0x1  }
0x33: {  	v3 =	vand.u32 $0x7, v3;
	v4 =	vand.u32 $0xFFFFFFF0, v4  }
0x34: {  	v3 =	vor.u32 v3, v4  }
0x35: {  	v4 =	vperm.xlane v3, v0;
	_ =	sdelay $0x1  }
0x36: {  	v3 =	vperm.xlane v3, v2;
	v4 =	vadd.s32 v1, v4;
	_ =	sdelay $0x1  }
0x37: {  	v3 =	vadd.s32 v1, v3;
	_ =	sdelay $0x1  }
0x38: {  	s22 =	simm.s32 $0x2200  }
0x39: {  	[tilespmem:s22], [sflag:$0x1] =	stream.indirect_vreg.gather [hbm4b:s1+s20], $0x80, v4, vm0, $0xb8;
	[tilespmem:$0x19200] =	vst v63  }
0x3a: {  	s23 =	simm.s32 $0x2A00  }
0x3b: {  	[tilespmem:s23], [sflag:$0x1] =	stream.indirect_vreg.gather [hbm4b:s1+s20], $0x80, v3, vm0, $0xb8;
	[tilespmem:$0x19200] =	vst v63  }
0x3c: {  	v3 =	vld [tilespmem:$0x30];
	_ =	sdelay $0x4  }
0x3d: {  	v4 =	vshll.u32 v3, $0x1  }
0x3e: {  	v3 =	vand.u32 $0x7, v3;
	v4 =	vand.u32 $0xFFFFFFF0, v4  }
0x3f: {  	v3 =	vor.u32 v3, v4  }
0x40: {  	v4 =	vperm.xlane v3, v0;
	_ =	sdelay $0x1  }
0x41: {  	v3 =	vperm.xlane v3, v2;
	v4 =	vadd.s32 v1, v4;
	_ =	sdelay $0x1  }
0x42: {  	v3 =	vadd.s32 v1, v3;
	_ =	sdelay $0x1  }
0x43: {  	s24 =	simm.s32 $0x3200  }
0x44: {  	[tilespmem:s24], [sflag:$0x1] =	stream.indirect_vreg.gather [hbm4b:s1+s20], $0x80, v4, vm0, $0xb8;
	[tilespmem:$0x19200] =	vst v63  }
0x45: {  	s22 =	simm.s32 $0x3A00  }
0x46: {  	[tilespmem:s22], [sflag:$0x1] =	stream.indirect_vreg.gather [hbm4b:s1+s20], $0x80, v3, vm0, $0xb8;
	[tilespmem:$0x19200] =	vst v63  }
0x47: {  	v3 =	vld [tilespmem:$0x40];
	_ =	sdelay $0x4  }
0x48: {  	v4 =	vshll.u32 v3, $0x1  }
0x49: {  	v3 =	vand.u32 $0x7, v3;
	v4 =	vand.u32 $0xFFFFFFF0, v4  }
0x4a: {  	v3 =	vor.u32 v3, v4  }
0x4b: {  	v4 =	vperm.xlane v3, v0;
	_ =	sdelay $0x1  }
0x4c: {  	v3 =	vperm.xlane v3, v2;
	v4 =	vadd.s32 v1, v4;
	_ =	sdelay $0x1  }
0x4d: {  	v3 =	vadd.s32 v1, v3;
	_ =	sdelay $0x1  }
0x4e: {  	s23 =	simm.s32 $0x4200  }
0x4f: {  	[tilespmem:s23], [sflag:$0x1] =	stream.indirect_vreg.gather [hbm4b:s1+s20], $0x80, v4, vm0, $0xb8;
	[tilespmem:$0x19200] =	vst v63  }
0x50: {  	s24 =	simm.s32 $0x4A00  }
0x51: {  	[tilespmem:s24], [sflag:$0x1] =	stream.indirect_vreg.gather [hbm4b:s1+s20], $0x80, v3, vm0, $0xb8;
	[tilespmem:$0x19200] =	vst v63  }
0x52: {  	v3 =	vld [tilespmem:$0x50];
	_ =	sdelay $0x4  }
0x53: {  	v4 =	vshll.u32 v3, $0x1  }
0x54: {  	v3 =	vand.u32 $0x7, v3;
	v4 =	vand.u32 $0xFFFFFFF0, v4  }
0x55: {  	v3 =	vor.u32 v3, v4  }
0x56: {  	v4 =	vperm.xlane v3, v0;
	_ =	sdelay $0x1  }
0x57: {  	v3 =	vperm.xlane v3, v2;
	v4 =	vadd.s32 v1, v4;
	_ =	sdelay $0x1  }
0x58: {  	v3 =	vadd.s32 v1, v3;
	_ =	sdelay $0x1  }
0x59: {  	s22 =	simm.s32 $0x5200  }
0x5a: {  	[tilespmem:s22], [sflag:$0x1] =	stream.indirect_vreg.gather [hbm4b:s1+s20], $0x80, v4, vm0, $0xb8;
	[tilespmem:$0x19200] =	vst v63  }
0x5b: {  	s23 =	simm.s32 $0x5A00  }
0x5c: {  	[tilespmem:s23], [sflag:$0x1] =	stream.indirect_vreg.gather [hbm4b:s1+s20], $0x80, v3, vm0, $0xb8;
	[tilespmem:$0x19200] =	vst v63  }
0x5d: {  	v3 =	vld [tilespmem:$0x60];
	_ =	sdelay $0x4  }
0x5e: {  	v4 =	vshll.u32 v3, $0x1  }
0x5f: {  	v3 =	vand.u32 $0x7, v3;
	v4 =	vand.u32 $0xFFFFFFF0, v4  }
0x60: {  	v3 =	vor.u32 v3, v4  }
0x61: {  	v4 =	vperm.xlane v3, v0;
	_ =	sdelay $0x1  }
0x62: {  	v3 =	vperm.xlane v3, v2;
	v4 =	vadd.s32 v1, v4;
	_ =	sdelay $0x1  }
0x63: {  	v3 =	vadd.s32 v1, v3;
	_ =	sdelay $0x1  }
0x64: {  	s24 =	simm.s32 $0x6200  }
0x65: {  	[tilespmem:s24], [sflag:$0x1] =	stream.indirect_vreg.gather [hbm4b:s1+s20], $0x80, v4, vm0, $0xb8;
	[tilespmem:$0x19200] =	vst v63  }
0x66: {  	s22 =	simm.s32 $0x6A00  }
0x67: {  	[tilespmem:s22], [sflag:$0x1] =	stream.indirect_vreg.gather [hbm4b:s1+s20], $0x80, v3, vm0, $0xb8;
	[tilespmem:$0x19200] =	vst v63  }
0x68: {  	v3 =	vld [tilespmem:$0x70];
	_ =	sdelay $0x4  }
0x69: {  	v4 =	vshll.u32 v3, $0x1  }
0x6a: {  	v3 =	vand.u32 $0x7, v3;
	v4 =	vand.u32 $0xFFFFFFF0, v4  }
0x6b: {  	v3 =	vor.u32 v3, v4  }
0x6c: {  	v4 =	vperm.xlane v3, v0;
	_ =	sdelay $0x1  }
0x6d: {  	v3 =	vperm.xlane v3, v2;
	v4 =	vadd.s32 v1, v4;
	_ =	sdelay $0x1  }
0x6e: {  	v3 =	vadd.s32 v1, v3;
	_ =	sdelay $0x1  }
0x6f: {  	s23 =	simm.s32 $0x7200  }
0x70: {  	[tilespmem:s23], [sflag:$0x1] =	stream.indirect_vreg.gather [hbm4b:s1+s20], $0x80, v4, vm0, $0xb8;
	[tilespmem:$0x19200] =	vst v63  }
0x71: {  	s24 =	simm.s32 $0x7A00  }
0x72: {  	[tilespmem:s24], [sflag:$0x1] =	stream.indirect_vreg.gather [hbm4b:s1+s20], $0x80, v3, vm0, $0xb8;
	[tilespmem:$0x19200] =	vst v63  }
0x73: {  	v3 =	vld [tilespmem:$0x80];
	_ =	sdelay $0x4  }
0x74: {  	v4 =	vshll.u32 v3, $0x1  }
0x75: {  	v3 =	vand.u32 $0x7, v3;
	v4 =	vand.u32 $0xFFFFFFF0, v4  }
0x76: {  	v3 =	vor.u32 v3, v4  }
0x77: {  	v4 =	vperm.xlane v3, v0;
	_ =	sdelay $0x1  }
0x78: {  	v3 =	vperm.xlane v3, v2;
	v4 =	vadd.s32 v1, v4;
	_ =	sdelay $0x1  }
0x79: {  	v3 =	vadd.s32 v1, v3;
	_ =	sdelay $0x1  }
0x7a: {  	s22 =	simm.s32 $0x8200  }
0x7b: {  	[tilespmem:s22], [sflag:$0x1] =	stream.indirect_vreg.gather [hbm4b:s1+s20], $0x80, v4, vm0, $0xb8;
	[tilespmem:$0x19200] =	vst v63  }
0x7c: {  	s23 =	simm.s32 $0x8A00  }
0x7d: {  	[tilespmem:s23], [sflag:$0x1] =	stream.indirect_vreg.gather [hbm4b:s1+s20], $0x80, v3, vm0, $0xb8;
	[tilespmem:$0x19200] =	vst v63  }
0x7e: {  	v3 =	vld [tilespmem:$0x90];
	_ =	sdelay $0x4  }
0x7f: {  	v4 =	vshll.u32 v3, $0x1  }
0x80: {  	v3 =	vand.u32 $0x7, v3;
	v4 =	vand.u32 $0xFFFFFFF0, v4  }
0x81: {  	v3 =	vor.u32 v3, v4  }
0x82: {  	v4 =	vperm.xlane v3, v0;
	_ =	sdelay $0x1  }
0x83: {  	v3 =	vperm.xlane v3, v2;
	v4 =	vadd.s32 v1, v4;
	_ =	sdelay $0x1  }
0x84: {  	v3 =	vadd.s32 v1, v3;
	_ =	sdelay $0x1  }
0x85: {  	s24 =	simm.s32 $0x9200  }
0x86: {  	[tilespmem:s24], [sflag:$0x1] =	stream.indirect_vreg.gather [hbm4b:s1+s20], $0x80, v4, vm0, $0xb8;
	[tilespmem:$0x19200] =	vst v63  }
0x87: {  	s22 =	simm.s32 $0x9A00  }
0x88: {  	[tilespmem:s22], [sflag:$0x1] =	stream.indirect_vreg.gather [hbm4b:s1+s20], $0x80, v3, vm0, $0xb8;
	[tilespmem:$0x19200] =	vst v63  }
0x89: {  	v3 =	vld [tilespmem:$0xA0];
	_ =	sdelay $0x4  }
0x8a: {  	v4 =	vshll.u32 v3, $0x1  }
0x8b: {  	v3 =	vand.u32 $0x7, v3;
	v4 =	vand.u32 $0xFFFFFFF0, v4  }
0x8c: {  	v3 =	vor.u32 v3, v4  }
0x8d: {  	v4 =	vperm.xlane v3, v0;
	_ =	sdelay $0x1  }
0x8e: {  	v3 =	vperm.xlane v3, v2;
	v4 =	vadd.s32 v1, v4;
	_ =	sdelay $0x1  }
0x8f: {  	v3 =	vadd.s32 v1, v3;
	_ =	sdelay $0x1  }
0x90: {  	s23 =	simm.s32 $0xA200  }
0x91: {  	[tilespmem:s23], [sflag:$0x1] =	stream.indirect_vreg.gather [hbm4b:s1+s20], $0x80, v4, vm0, $0xb8;
	[tilespmem:$0x19200] =	vst v63  }
0x92: {  	s24 =	simm.s32 $0xAA00  }
0x93: {  	[tilespmem:s24], [sflag:$0x1] =	stream.indirect_vreg.gather [hbm4b:s1+s20], $0x80, v3, vm0, $0xb8;
	[tilespmem:$0x19200] =	vst v63  }
0x94: {  	v3 =	vld [tilespmem:$0xB0];
	_ =	sdelay $0x4  }
0x95: {  	v4 =	vshll.u32 v3, $0x1  }
0x96: {  	v3 =	vand.u32 $0x7, v3;
	v4 =	vand.u32 $0xFFFFFFF0, v4  }
0x97: {  	v3 =	vor.u32 v3, v4  }
0x98: {  	v4 =	vperm.xlane v3, v0;
	_ =	sdelay $0x1  }
0x99: {  	v3 =	vperm.xlane v3, v2;
	v4 =	vadd.s32 v1, v4;
	_ =	sdelay $0x1  }
0x9a: {  	v3 =	vadd.s32 v1, v3;
	_ =	sdelay $0x1  }
0x9b: {  	s22 =	simm.s32 $0xB200  }
0x9c: {  	[tilespmem:s22], [sflag:$0x1] =	stream.indirect_vreg.gather [hbm4b:s1+s20], $0x80, v4, vm0, $0xb8;
	[tilespmem:$0x19200] =	vst v63  }
0x9d: {  	s23 =	simm.s32 $0xBA00  }
0x9e: {  	[tilespmem:s23], [sflag:$0x1] =	stream.indirect_vreg.gather [hbm4b:s1+s20], $0x80, v3, vm0, $0xb8;
	[tilespmem:$0x19200] =	vst v63  }
0x9f: {  	v3 =	vld.msk [tilespmem:$0xC0], $0xff;
	_ =	sdelay $0x4  }
0xa0: {  	v4 =	vshll.u32 v3, $0x1  }
0xa1: {  	v3 =	vand.u32 $0x7, v3;
	v4 =	vand.u32 $0xFFFFFFF0, v4  }
0xa2: {  	v3 =	vor.u32 v3, v4  }
0xa3: {  	v3 =	vperm.xlane v3, v0;
	_ =	sdelay $0x1  }
0xa4: {  	v3 =	vadd.s32 v1, v3;
	_ =	sdelay $0x3  }
0xa5: {  	s24 =	simm.s32 $0xC200  }
0xa6: {  	[tilespmem:s24], [sflag:$0x1] =	stream.indirect_vreg.gather [hbm4b:s1+s20], $0x80, v3, vm0, $0xb8;
	[tilespmem:$0x19200] =	vst v63  }
0xa7: {  	v3 =	vld [tilespmem:$0x100];
	_ =	sdelay $0x4  }
0xa8: {  	v4 =	vshll.u32 v3, $0x1  }
0xa9: {  	v3 =	vand.u32 $0x7, v3;
	v4 =	vand.u32 $0xFFFFFFF0, v4  }
0xaa: {  	v3 =	vor.u32 v3, v4  }
0xab: {  	v4 =	vperm.xlane v3, v0;
	_ =	sdelay $0x1  }
0xac: {  	v3 =	vperm.xlane v3, v2;
	v4 =	vadd.s32 v1, v4;
	_ =	sdelay $0x1  }
0xad: {  	v3 =	vadd.s32 v1, v3;
	_ =	sdelay $0x1  }
0xae: {  	s22 =	simm.s32 $0xCA00  }
0xaf: {  	[tilespmem:s22], [sflag:$0x2] =	stream.indirect_vreg.gather [hbm4b:s4+s20], $0x80, v4, vm0, $0xb8;
	[tilespmem:$0x19200] =	vst v63  }
0xb0: {  	s23 =	simm.s32 $0xD200  }
0xb1: {  	[tilespmem:s23], [sflag:$0x2] =	stream.indirect_vreg.gather [hbm4b:s4+s20], $0x80, v3, vm0, $0xb8;
	[tilespmem:$0x19200] =	vst v63  }
0xb2: {  	v3 =	vld [tilespmem:$0x110];
	_ =	sdelay $0x4  }
0xb3: {  	v4 =	vshll.u32 v3, $0x1  }
0xb4: {  	v3 =	vand.u32 $0x7, v3;
	v4 =	vand.u32 $0xFFFFFFF0, v4  }
0xb5: {  	v3 =	vor.u32 v3, v4  }
0xb6: {  	v4 =	vperm.xlane v3, v0;
	_ =	sdelay $0x1  }
0xb7: {  	v3 =	vperm.xlane v3, v2;
	v4 =	vadd.s32 v1, v4;
	_ =	sdelay $0x1  }
0xb8: {  	v3 =	vadd.s32 v1, v3;
	_ =	sdelay $0x1  }
0xb9: {  	s24 =	simm.s32 $0xDA00  }
0xba: {  	[tilespmem:s24], [sflag:$0x2] =	stream.indirect_vreg.gather [hbm4b:s4+s20], $0x80, v4, vm0, $0xb8;
	[tilespmem:$0x19200] =	vst v63  }
0xbb: {  	s22 =	simm.s32 $0xE200  }
0xbc: {  	[tilespmem:s22], [sflag:$0x2] =	stream.indirect_vreg.gather [hbm4b:s4+s20], $0x80, v3, vm0, $0xb8;
	[tilespmem:$0x19200] =	vst v63  }
0xbd: {  	v3 =	vld [tilespmem:$0x120];
	_ =	sdelay $0x4  }
0xbe: {  	v4 =	vshll.u32 v3, $0x1  }
0xbf: {  	v3 =	vand.u32 $0x7, v3;
	v4 =	vand.u32 $0xFFFFFFF0, v4  }
0xc0: {  	v3 =	vor.u32 v3, v4  }
0xc1: {  	v4 =	vperm.xlane v3, v0;
	_ =	sdelay $0x1  }
0xc2: {  	v3 =	vperm.xlane v3, v2;
	v4 =	vadd.s32 v1, v4;
	_ =	sdelay $0x1  }
0xc3: {  	v3 =	vadd.s32 v1, v3;
	_ =	sdelay $0x1  }
0xc4: {  	s23 =	simm.s32 $0xEA00  }
0xc5: {  	[tilespmem:s23], [sflag:$0x2] =	stream.indirect_vreg.gather [hbm4b:s4+s20], $0x80, v4, vm0, $0xb8;
	[tilespmem:$0x19200] =	vst v63  }
0xc6: {  	s24 =	simm.s32 $0xF200  }
0xc7: {  	[tilespmem:s24], [sflag:$0x2] =	stream.indirect_vreg.gather [hbm4b:s4+s20], $0x80, v3, vm0, $0xb8;
	[tilespmem:$0x19200] =	vst v63  }
0xc8: {  	v3 =	vld [tilespmem:$0x130];
	_ =	sdelay $0x4  }
0xc9: {  	v4 =	vshll.u32 v3, $0x1  }
0xca: {  	v3 =	vand.u32 $0x7, v3;
	v4 =	vand.u32 $0xFFFFFFF0, v4  }
0xcb: {  	v3 =	vor.u32 v3, v4  }
0xcc: {  	v4 =	vperm.xlane v3, v0;
	_ =	sdelay $0x1  }
0xcd: {  	v3 =	vperm.xlane v3, v2;
	v4 =	vadd.s32 v1, v4;
	_ =	sdelay $0x1  }
0xce: {  	v3 =	vadd.s32 v1, v3;
	_ =	sdelay $0x1  }
0xcf: {  	s22 =	simm.s32 $0xFA00  }
0xd0: {  	[tilespmem:s22], [sflag:$0x2] =	stream.indirect_vreg.gather [hbm4b:s4+s20], $0x80, v4, vm0, $0xb8;
	[tilespmem:$0x19200] =	vst v63  }
0xd1: {  	s23 =	simm.s32 $0x10200  }
0xd2: {  	[tilespmem:s23], [sflag:$0x2] =	stream.indirect_vreg.gather [hbm4b:s4+s20], $0x80, v3, vm0, $0xb8;
	[tilespmem:$0x19200] =	vst v63  }
0xd3: {  	v3 =	vld [tilespmem:$0x140];
	_ =	sdelay $0x4  }
0xd4: {  	v4 =	vshll.u32 v3, $0x1  }
0xd5: {  	v3 =	vand.u32 $0x7, v3;
	v4 =	vand.u32 $0xFFFFFFF0, v4  }
0xd6: {  	v3 =	vor.u32 v3, v4  }
0xd7: {  	v4 =	vperm.xlane v3, v0;
	_ =	sdelay $0x1  }
0xd8: {  	v3 =	vperm.xlane v3, v2;
	v4 =	vadd.s32 v1, v4;
	_ =	sdelay $0x1  }
0xd9: {  	v3 =	vadd.s32 v1, v3;
	_ =	sdelay $0x1  }
0xda: {  	s24 =	simm.s32 $0x10A00  }
0xdb: {  	[tilespmem:s24], [sflag:$0x2] =	stream.indirect_vreg.gather [hbm4b:s4+s20], $0x80, v4, vm0, $0xb8;
	[tilespmem:$0x19200] =	vst v63  }
0xdc: {  	s22 =	simm.s32 $0x11200  }
0xdd: {  	[tilespmem:s22], [sflag:$0x2] =	stream.indirect_vreg.gather [hbm4b:s4+s20], $0x80, v3, vm0, $0xb8;
	[tilespmem:$0x19200] =	vst v63  }
0xde: {  	v3 =	vld [tilespmem:$0x150];
	_ =	sdelay $0x4  }
0xdf: {  	v4 =	vshll.u32 v3, $0x1  }
0xe0: {  	v3 =	vand.u32 $0x7, v3;
	v4 =	vand.u32 $0xFFFFFFF0, v4  }
0xe1: {  	v3 =	vor.u32 v3, v4  }
0xe2: {  	v4 =	vperm.xlane v3, v0;
	_ =	sdelay $0x1  }
0xe3: {  	v3 =	vperm.xlane v3, v2;
	v4 =	vadd.s32 v1, v4;
	_ =	sdelay $0x1  }
0xe4: {  	v3 =	vadd.s32 v1, v3;
	_ =	sdelay $0x1  }
0xe5: {  	s23 =	simm.s32 $0x11A00  }
0xe6: {  	[tilespmem:s23], [sflag:$0x2] =	stream.indirect_vreg.gather [hbm4b:s4+s20], $0x80, v4, vm0, $0xb8;
	[tilespmem:$0x19200] =	vst v63  }
0xe7: {  	_ = 	snop  }
0xe8: {  	[tilespmem:s25], [sflag:$0x2] =	stream.indirect_vreg.gather [hbm4b:s4+s20], $0x80, v3, vm0, $0xb8;
	[tilespmem:$0x19200] =	vst v63  }
0xe9: {  	v3 =	vld [tilespmem:$0x160];
	_ =	sdelay $0x4  }
0xea: {  	v4 =	vshll.u32 v3, $0x1  }
0xeb: {  	v3 =	vand.u32 $0x7, v3;
	v4 =	vand.u32 $0xFFFFFFF0, v4  }
0xec: {  	v3 =	vor.u32 v3, v4  }
0xed: {  	v4 =	vperm.xlane v3, v0;
	_ =	sdelay $0x1  }
0xee: {  	v3 =	vperm.xlane v3, v2;
	v4 =	vadd.s32 v1, v4;
	_ =	sdelay $0x1  }
0xef: {  	v3 =	vadd.s32 v1, v3;
	_ =	sdelay $0x2  }
0xf0: {  	[tilespmem:s26], [sflag:$0x2] =	stream.indirect_vreg.gather [hbm4b:s4+s20], $0x80, v4, vm0, $0xb8;
	[tilespmem:$0x19200] =	vst v63  }
0xf1: {  	_ = 	snop  }
0xf2: {  	[tilespmem:s28], [sflag:$0x2] =	stream.indirect_vreg.gather [hbm4b:s4+s20], $0x80, v3, vm0, $0xb8;
	[tilespmem:$0x19200] =	vst v63  }
0xf3: {  	v3 =	vld [tilespmem:$0x170];
	_ =	sdelay $0x4  }
0xf4: {  	v4 =	vshll.u32 v3, $0x1  }
0xf5: {  	v3 =	vand.u32 $0x7, v3;
	v4 =	vand.u32 $0xFFFFFFF0, v4  }
0xf6: {  	v3 =	vor.u32 v3, v4  }
0xf7: {  	v4 =	vperm.xlane v3, v0;
	_ =	sdelay $0x1  }
0xf8: {  	v3 =	vperm.xlane v3, v2;
	v4 =	vadd.s32 v1, v4;
	_ =	sdelay $0x1  }
0xf9: {  	v3 =	vadd.s32 v1, v3;
	_ =	sdelay $0x2  }
0xfa: {  	[tilespmem:s29], [sflag:$0x2] =	stream.indirect_vreg.gather [hbm4b:s4+s20], $0x80, v4, vm0, $0xb8;
	[tilespmem:$0x19200] =	vst v63  }
0xfb: {  	_ = 	snop  }
0xfc: {  	[tilespmem:s30], [sflag:$0x2] =	stream.indirect_vreg.gather [hbm4b:s4+s20], $0x80, v3, vm0, $0xb8;
	[tilespmem:$0x19200] =	vst v63  }
0xfd: {  	v3 =	vld [tilespmem:$0x180];
	_ =	sdelay $0x4  }
0xfe: {  	v4 =	vshll.u32 v3, $0x1  }
0xff: {  	v3 =	vand.u32 $0x7, v3;
	v4 =	vand.u32 $0xFFFFFFF0, v4  }
0x100: {  	v3 =	vor.u32 v3, v4  }
0x101: {  	v4 =	vperm.xlane v3, v0;
	_ =	sdelay $0x1  }
0x102: {  	v3 =	vperm.xlane v3, v2;
	v4 =	vadd.s32 v1, v4;
	_ =	sdelay $0x1  }
0x103: {  	v3 =	vadd.s32 v1, v3;
	_ =	sdelay $0x2  }
0x104: {  	[tilespmem:s31], [sflag:$0x2] =	stream.indirect_vreg.gather [hbm4b:s4+s20], $0x80, v4, vm0, $0xb8;
	[tilespmem:$0x19200] =	vst v63  }
0x105: {  	_ = 	snop  }
0x106: {  	[tilespmem:s0], [sflag:$0x2] =	stream.indirect_vreg.gather [hbm4b:s4+s20], $0x80, v3, vm0, $0xb8;
	[tilespmem:$0x19200] =	vst v63  }
0x107: {  	v3 =	vld [tilespmem:$0x190];
	_ =	sdelay $0x4  }
0x108: {  	v4 =	vshll.u32 v3, $0x1  }
0x109: {  	v3 =	vand.u32 $0x7, v3;
	v4 =	vand.u32 $0xFFFFFFF0, v4  }
0x10a: {  	v3 =	vor.u32 v3, v4  }
0x10b: {  	v4 =	vperm.xlane v3, v0;
	_ =	sdelay $0x1  }
0x10c: {  	v3 =	vperm.xlane v3, v2;
	v4 =	vadd.s32 v1, v4;
	_ =	sdelay $0x1  }
0x10d: {  	v3 =	vadd.s32 v1, v3;
	_ =	sdelay $0x2  }
0x10e: {  	[tilespmem:s3], [sflag:$0x2] =	stream.indirect_vreg.gather [hbm4b:s4+s20], $0x80, v4, vm0, $0xb8;
	[tilespmem:$0x19200] =	vst v63  }
0x10f: {  	_ = 	snop  }
0x110: {  	[tilespmem:s9], [sflag:$0x2] =	stream.indirect_vreg.gather [hbm4b:s4+s20], $0x80, v3, vm0, $0xb8;
	[tilespmem:$0x19200] =	vst v63  }
0x111: {  	v3 =	vld [tilespmem:$0x1A0];
	_ =	sdelay $0x4  }
0x112: {  	v4 =	vshll.u32 v3, $0x1  }
0x113: {  	v3 =	vand.u32 $0x7, v3;
	v4 =	vand.u32 $0xFFFFFFF0, v4  }
0x114: {  	v3 =	vor.u32 v3, v4  }
0x115: {  	v4 =	vperm.xlane v3, v0;
	_ =	sdelay $0x1  }
0x116: {  	v3 =	vperm.xlane v3, v2;
	v4 =	vadd.s32 v1, v4;
	_ =	sdelay $0x1  }
0x117: {  	v3 =	vadd.s32 v1, v3;
	_ =	sdelay $0x2  }
0x118: {  	[tilespmem:s2], [sflag:$0x2] =	stream.indirect_vreg.gather [hbm4b:s4+s20], $0x80, v4, vm0, $0xb8;
	[tilespmem:$0x19200] =	vst v63  }
0x119: {  	_ = 	snop  }
0x11a: {  	[tilespmem:s11], [sflag:$0x2] =	stream.indirect_vreg.gather [hbm4b:s4+s20], $0x80, v3, vm0, $0xb8;
	[tilespmem:$0x19200] =	vst v63  }
0x11b: {  	v3 =	vld [tilespmem:$0x1B0];
	_ =	sdelay $0x4  }
0x11c: {  	v4 =	vshll.u32 v3, $0x1  }
0x11d: {  	v3 =	vand.u32 $0x7, v3;
	v4 =	vand.u32 $0xFFFFFFF0, v4  }
0x11e: {  	v3 =	vor.u32 v3, v4  }
0x11f: {  	v4 =	vperm.xlane v3, v0;
	_ =	sdelay $0x1  }
0x120: {  	v3 =	vperm.xlane v3, v2;
	v4 =	vadd.s32 v1, v4;
	_ =	sdelay $0x1  }
0x121: {  	v3 =	vadd.s32 v1, v3;
	_ =	sdelay $0x2  }
0x122: {  	[tilespmem:s13], [sflag:$0x2] =	stream.indirect_vreg.gather [hbm4b:s4+s20], $0x80, v4, vm0, $0xb8;
	[tilespmem:$0x19200] =	vst v63  }
0x123: {  	_ = 	snop  }
0x124: {  	[tilespmem:s14], [sflag:$0x2] =	stream.indirect_vreg.gather [hbm4b:s4+s20], $0x80, v3, vm0, $0xb8;
	[tilespmem:$0x19200] =	vst v63  }
0x125: {  	v3 =	vld.msk [tilespmem:$0x1C0], $0xff;
	_ =	sdelay $0x4  }
0x126: {  	v4 =	vshll.u32 v3, $0x1  }
0x127: {  	v3 =	vand.u32 $0x7, v3;
	v4 =	vand.u32 $0xFFFFFFF0, v4  }
0x128: {  	v3 =	vor.u32 v3, v4  }
0x129: {  	v3 =	vperm.xlane v3, v0;
	_ =	sdelay $0x1  }
0x12a: {  	v3 =	vadd.s32 v1, v3;
	_ =	sdelay $0x4  }
0x12b: {  	[tilespmem:s15], [sflag:$0x2] =	stream.indirect_vreg.gather [hbm4b:s4+s20], $0x80, v3, vm0, $0xb8;
	[tilespmem:$0x19200] =	vst v63  }
0x12c: {  	_ =	swait.ge [sflag:s16], $0xC800  }
0x12d: {  	[sflag:s16] =	ssyncset.done $0x0  }
0x12e: {  	[sflag:s16] =	ssyncadd.s32 $0xFFFF3800  }
0x12f: {  	_ =	swait.ge [sflag:s17], $0xC800  }
0x130: {  	s24 =	sand.u32 $0xF800, s20;
	s20 =	sand.u32 $0x380, s20;
	[sflag:s17] =	ssyncset.done $0x0  }
0x131: {  	s20 =	sor.u32 s20, s24;
	[sflag:s17] =	ssyncadd.s32 $0xFFFF3800  }
0x132: {  	v10 =	vld [tilespmem:s20+$0xCA00]  }
0x133: {  	v11 =	vld [tilespmem:s20+$0xCA10]  }
0x134: {  	v12 =	vld [tilespmem:s20+$0xCA20]  }
0x135: {  	v13 =	vld [tilespmem:s20+$0xCA30]  }
0x136: {  	v14 =	vld [tilespmem:s20+$0xCA40]  }
0x137: {  	v15 =	vld [tilespmem:s20+$0xCA50]  }
0x138: {  	v16 =	vld [tilespmem:s20+$0xCA60]  }
0x139: {  	v17 =	vld [tilespmem:s20+$0xCA70]  }
0x13a: {  	v18 =	vld [tilespmem:s20+$0xCE00]  }
0x13b: {  	v9 =	vld [tilespmem:s20+$0xCE10]  }
0x13c: {  	v8 =	vld [tilespmem:s20+$0xCE20]  }
0x13d: {  	v7 =	vld [tilespmem:s20+$0xCE30]  }
0x13e: {  	v6 =	vld [tilespmem:s20+$0xCE40]  }
0x13f: {  	v5 =	vld [tilespmem:s20+$0xCE50]  }
0x140: {  	v4 =	vld [tilespmem:s20+$0xCE60]  }
0x141: {  	v3 =	vld [tilespmem:s20+$0xCE70]  }
0x142: {  	v19 =	vld [tilespmem:s20+$0x200]  }
0x143: {  	v20 =	vld [tilespmem:s20+$0x210]  }
0x144: {  	v21 =	vld [tilespmem:s20+$0x220]  }
0x145: {  	v22 =	vld [tilespmem:s20+$0x230]  }
0x146: {  	v23 =	vld [tilespmem:s20+$0x240]  }
0x147: {  	v10 =	vadd.f32 v10, v19;
	v19 =	vld [tilespmem:s20+$0x250]  }
0x148: {  	v61 =	vld [tilespmem:s20+$0x260];
	v11 =	vadd.f32 v11, v20  }
0x149: {  	v62 =	vld [tilespmem:s20+$0x270];
	[tilespmem:s20+$0x200] =	vst v10;
	v10 =	vadd.f32 v12, v21  }
0x14a: {  	v63 =	vld [tilespmem:s20+$0x600];
	[tilespmem:s20+$0x210] =	vst v11;
	v11 =	vadd.f32 v13, v22  }
0x14b: {  	v13 =	vld [tilespmem:s20+$0x610];
	[tilespmem:s20+$0x220] =	vst v10;
	v10 =	vadd.f32 v14, v23  }
0x14c: {  	v12 =	vld [tilespmem:s20+$0x620];
	[tilespmem:s20+$0x230] =	vst v11;
	v11 =	vadd.f32 v15, v19  }
0x14d: {  	v14 =	vadd.f32 v16, v61;
	[tilespmem:s20+$0x240] =	vst v10;
	v10 =	vld [tilespmem:s20+$0x630]  }
0x14e: {  	v16 =	vadd.f32 v17, v62;
	[tilespmem:s20+$0x250] =	vst v11;
	v11 =	vld [tilespmem:s20+$0x640]  }
0x14f: {  	s21 =	simm.s32 $0x80;
	s22 =	simm.s32 $0x100;
	v15 =	vadd.f32 v18, v63;
	[tilespmem:s20+$0x260] =	vst v14;
	v14 =	vld [tilespmem:s20+$0x650]  }
.LBB2_3:
0x150: {  	s23 =	sand.u32 $0xF800, s22;
	s24 =	sand.u32 $0x380, s21;
	p0 =	sne.s32 s22, $0xC700;
	[tilespmem:s20+$0x270] =	vst v16;
	v9 =	vadd.f32 v9, v13;
	v13 =	vld [tilespmem:s20+$0x660]  }
0x151: {  	s23 =	sor.u32 s24, s23;
	[tilespmem:s20+$0x600] =	vst v15;
	v8 =	vadd.f32 v8, v12;
	v12 =	vld [tilespmem:s20+$0x670]  }
0x152: {  	v15 =	vld [tilespmem:s23+$0xCA00];
	[tilespmem:s20+$0x610] =	vst v9;
	v7 =	vadd.f32 v7, v10  }
0x153: {  	v10 =	vld [tilespmem:s23+$0xCA10];
	[tilespmem:s20+$0x620] =	vst v8;
	v6 =	vadd.f32 v6, v11  }
0x154: {  	v11 =	vld [tilespmem:s23+$0xCA20];
	[tilespmem:s20+$0x630] =	vst v7;
	v5 =	vadd.f32 v5, v14  }
0x155: {  	v14 =	vld [tilespmem:s23+$0xCA30];
	[tilespmem:s20+$0x640] =	vst v6;
	v4 =	vadd.f32 v4, v13  }
0x156: {  	v13 =	vld [tilespmem:s23+$0xCA40];
	[tilespmem:s20+$0x650] =	vst v5;
	v3 =	vadd.f32 v3, v12  }
0x157: {  	v12 =	vld [tilespmem:s23+$0xCA50];
	[tilespmem:s20+$0x660] =	vst v4  }
0x158: {  	v16 =	vld [tilespmem:s23+$0xCA60];
	[tilespmem:s20+$0x670] =	vst v3;
	s20 =	smov.u32 s23  }
0x159: {  	v17 =	vld [tilespmem:s20+$0xCA70]  }
0x15a: {  	v18 =	vld [tilespmem:s20+$0xCE00]  }
0x15b: {  	v9 =	vld [tilespmem:s20+$0xCE10]  }
0x15c: {  	v8 =	vld [tilespmem:s20+$0xCE20]  }
0x15d: {  	v7 =	vld [tilespmem:s20+$0xCE30]  }
0x15e: {  	v6 =	vld [tilespmem:s20+$0xCE40]  }
0x15f: {  	v5 =	vld [tilespmem:s20+$0xCE50]  }
0x160: {  	v4 =	vld [tilespmem:s20+$0xCE60]  }
0x161: {  	v3 =	vld [tilespmem:s20+$0xCE70]  }
0x162: {  	v19 =	vld [tilespmem:s20+$0x200]  }
0x163: {  	v20 =	vld [tilespmem:s20+$0x210]  }
0x164: {  	v21 =	vld [tilespmem:s20+$0x220]  }
0x165: {  	v22 =	vld [tilespmem:s20+$0x230]  }
0x166: {  	v23 =	vld [tilespmem:s20+$0x240]  }
0x167: {  	v15 =	vadd.f32 v15, v19;
	v19 =	vld [tilespmem:s20+$0x250]  }
0x168: {  	v10 =	vadd.f32 v10, v20;
	v20 =	vld [tilespmem:s20+$0x260]  }
0x169: {  	[tilespmem:s20+$0x200] =	vst v15;
	v11 =	vadd.f32 v11, v21;
	v15 =	vld [tilespmem:s20+$0x270]  }
0x16a: {  	[tilespmem:s20+$0x210] =	vst v10;
	v10 =	vadd.f32 v14, v22;
	v14 =	vld [tilespmem:s20+$0x600]  }
.Ltmp0:
0x16b: {  	[tilespmem:s20+$0x220] =	vst v11;
	v11 =	vadd.f32 v13, v23;
	v13 =	vld [tilespmem:s20+$0x610];
	(pc) =	sbr.rel @p0 .LBB2_3-.Ltmp0, $4  }
0x16c: {  	[tilespmem:s20+$0x230] =	vst v10;
	v19 =	vadd.f32 v12, v19;
	v12 =	vld [tilespmem:s20+$0x620]  }
0x16d: {  	[tilespmem:s20+$0x240] =	vst v11;
	v20 =	vadd.f32 v16, v20;
	v10 =	vld [tilespmem:s20+$0x630]  }
0x16e: {  	[tilespmem:s20+$0x250] =	vst v19;
	v16 =	vadd.f32 v17, v15;
	v11 =	vld [tilespmem:s20+$0x640]  }
0x16f: {  	s21 =	sadd.s32 $0x80, s21;
	s22 =	sadd.s32 $0x100, s22;
	[tilespmem:s20+$0x260] =	vst v20;
	v15 =	vadd.f32 v18, v14;
	v14 =	vld [tilespmem:s20+$0x650]  }
0x170: {  	[tilespmem:s20+$0x270] =	vst v16;
	v9 =	vadd.f32 v9, v13;
	v62 =	vld [tilespmem:s20+$0x660]  }
0x171: {  	v63 =	vld [tilespmem:s20+$0x670];
	[tilespmem:s20+$0x600] =	vst v15;
	v8 =	vadd.f32 v8, v12  }
0x172: {  	[tilespmem:s20+$0x610] =	vst v9;
	v7 =	vadd.f32 v7, v10  }
0x173: {  	[tilespmem:s20+$0x620] =	vst v8;
	v6 =	vadd.f32 v6, v11  }
0x174: {  	[tilespmem:s20+$0x630] =	vst v7;
	v5 =	vadd.f32 v5, v14  }
0x175: {  	[tilespmem:s20+$0x640] =	vst v6;
	v4 =	vadd.f32 v4, v62  }
0x176: {  	s18 =	sadd.s32 $0x1, s18;
	v3 =	vadd.f32 v3, v63;
	[tilespmem:s20+$0x650] =	vst v5  }
0x177: {  	s19 =	sshll.u32 s19, $0x5;
	p0 =	sne.s32 s18, $0x19;
	[tilespmem:s20+$0x660] =	vst v4  }
.Ltmp1:
0x178: {  	s24 =	simm.s32 $0x0;
	s19 =	sadd.s32 s7, s19;
	[tilespmem:s20+$0x670] =	vst v3;
	(pc) =	sbr.rel @p0 .LBB2_2-.Ltmp1, $4  }
0x179: {  	[hbm4b:s19+s24] =	stream.linear.scatter [tilespmem:s12], [sflag:$0x3], $0xC800, $0x38;
	[tilespmem:$0x19200] =	vst v63  }
0x17a: {  	_ =	swait.ge [sflag:s10], $0xC800  }
0x17b: {  	[sflag:s10] =	ssyncset.done $0x0  }
0x17c: {  	[sflag:s10] =	ssyncadd.s32 $0xFFFF3800  }
0x17d: {  	s19 =	rddreg [dreg:$0x4]  }
0x17e: {  	s18 =	rddreg [dreg:$0x3];
	s19 =	sadd.s32 $0x1, s19  }
0x17f: {  	p0 =	sne.s32 s19, s18  }
.Ltmp2:
0x180: {  	_ = 	snop;
	(pc) =	sbr.rel @p0 .LBB2_1-.Ltmp2, $1  }
0x181: {  	_ =	sdelay $0x3  }
0x182: {  	_ =	sfence.sel $0x180000  }
0x183: {  	[bflag:$0x0] =	sbarrier.arrive $0xFFFF  }
0x184: {  	_ =	strace $0x9000004A  }
0x185: {  	s0 =	stileid.u32;
	[bflag:$0x2] =	sbarrier.arrive $0xFFFF  }
0x186: {  	p0 =	sne.s32 s0, $0x0;
	s0 =	rddreg [dreg:$0x2]  }
0x187: {  	s0 =	sadd.s32 @!p0 $0x100000, s0  }
0x188: {  	[sflag:s0] =	ssyncadd.tile.s32 @!p0 $0x1;
	_ =	shalt  }
.Lfunc_end2:
_tile_overlayer_lowered:
.L_overlay_start_2:
0x189: {  	(tag) =	ssettag $0x2  }
0x18a: {  	s0 =	rddreg [dreg:$0x0];
	s2 =	stileid.u32  }
0x18b: {  	s1 =	rddreg [dreg:$0x1];
	p0 =	sne.s32 s2, $0x0  }
0x18c: {  	s3 =	rddreg [dreg:$0x2];
	[bflag:$0x3] =	sbarrier.arrive $0xFFFF;
	s2 =	simm.s32 @!p0 $0x1C03  }
0x18d: {  	[timem:s3], [sflag:s2] =	dma.local @!p0 [hbm:s0], s1  }
0x18e: {  	s0 =	simm.s32 @!p0 $0x3  }
0x18f: {  	_ =	swait.ge @!p0 [sflag:s0], s1  }
0x190: {  	s1 =	ssub.s32 @!p0 $0x0, s1;
	[sflag:s0] =	ssyncset.done @!p0 $0x0  }
0x191: {  	[sflag:s0] =	ssyncadd.s32 @!p0 s1  }
0x192: {  	[bflag:$0x3] =	sbarrier.arrive $0xFFFF  }
0x193: {  	_ =	shalt  }

// kernel: kernel.15.cloned.1.call-start
scs
__scs_entry_jumppad:
0x0: {  	(pc) =	sbr.rel $0x88, $3  }
0x1: {  	(tag) =	ssettag $0x0;
	lr =	simm.s32 $0x1  }
0x2: {  	[smem:$0x3F8E] =	sst lr;
	_ =	strace $0xD0000000  }
0x3: {  	_ = 	snop  }
0x4: {  	_ = 	snop  }
0x5: {  	_ = 	snop  }
0x6: {  	_ = 	snop  }
0x7: {  	_ = 	snop  }
__scs_overlays_trampoline_lowered:
0x8: {  	[smem:$0x3F9D] =	sst s0  }
0x9: {  	[smem:$0x3F9E] =	sst s1  }
0xa: {  	[smem:$0x3F9F] =	sst s2  }
0xb: {  	[smem:$0x3FA0] =	sst s3  }
0xc: {  	[smem:$0x3FA1] =	sst s4  }
0xd: {  	[smem:$0x3FA2] =	sst s5  }
0xe: {  	[smem:$0x3FA3] =	sst s6  }
0xf: {  	[smem:$0x3FA4] =	sst s7  }
0x10: {  	[smem:$0x3FA5] =	sst s8  }
0x11: {  	[smem:$0x3FA6] =	sst s9;
	s0 =	simm.s32 @!p0 $0x0  }
0x12: {  	s1 =	sld [smem:$0x3F8C];
	s0 =	simm.s32 @p0 $0x1  }
0x13: {  	[smem:$0x3FA7] =	sst s0;
	s0 =	simm.s32 @!p1 $0x0  }
0x14: {  	s2 =	sld [smem:$0x3F8B];
	s0 =	simm.s32 @p1 $0x1  }
0x15: {  	[smem:$0x3FA8] =	sst s0;
	s0 =	simm.s32 @!p2 $0x0  }
0x16: {  	s3 =	sld [smem:$0x3FDB];
	s0 =	simm.s32 @p2 $0x1  }
0x17: {  	s4 =	simm.s32 $0x1BF5;
	[smem:$0x3FAA] =	sst s0  }
0x18: {  	s0 =	sld [smem:$0x3F8D];
	_ =	swait.ge [sflag:s4], $0x0  }
0x19: {  	s7 =	sld [smem:$0x3F8E]  }
0x1a: {  	s8 =	sadd.s32 $0xFFFFE003, lr  }
0x1b: {  	s9 =	sadd.s32 $0xFFFFFEF7, lr;
	s5 =	simm.s32 $0xFFFFFFFF;
	p2 =	slt.u32 s8, $0xFFFFF086  }
0x1c: {  	p1 =	slt.u32 s9, $0xF7A;
	s5 =	simm.s32 @!p2 $0x0  }
0x1d: {  	s5 =	simm.s32 @p1 $0x1;
	p0 =	seq.s32 s7, s2  }
0x1e: {  	s7 =	smul.u32 @!p0 $0xF7A, s2;
	p2 =	seq.s32 @!p0 s5, $0x0  }
0x1f: {  	s9 =	smul.u32 $0xF7A, s1;
	s8 =	simm.s32 @!p0 $0x1BF5;
	p2 =	por !p2, p0  }
0x20: {  	[sflag:s8] =	ssyncset.s32 @!p0 $0xFFFFF086;
	s6 =	sadd.s32 @!p0 s3, s7;
	s7 =	simm.s32 @!p0 $0x108  }
0x21: {  	s3 =	sadd.s32 s3, s9;
	s6 =	sadd.s32 @!p0 $0x88, s6;
	s7 =	simm.s32 @p2 $0x1082  }
0x22: {  	[simem:s7], [sflag:s8] =	dma.local @!p0 [hbm:s6], $0xF7A  }
0x23: {  	s9 =	sor.u32 $0xD0000000, s2;
	s6 =	simm.s32 $0x108;
	_ =	swait.ge @!p0 [sflag:s8], $0x0  }
0x24: {  	s3 =	sadd.s32 $0x88, s3;
	s6 =	simm.s32 @!p1 $0x1082;
	[sflag:s4] =	ssyncset.s32 $0xFFFFF086  }
0x25: {  	[simem:s6], [sflag:s4] =	dma.local [hbm:s3], $0xF7A  }
0x26: {  	[smem:$0x3F8E] =	sst s1;
	(tag) =	ssettag s2;
	_ =	strace s9  }
0x27: {  	s1 =	sld [smem:$0x3F9E]  }
0x28: {  	s2 =	sld [smem:$0x3F9F]  }
0x29: {  	s4 =	sld [smem:$0x3FA1]  }
0x2a: {  	p0 =	seq.s32 s5, $0x0;
	s5 =	sld [smem:$0x3FA2]  }
0x2b: {  	s6 =	sld [smem:$0x3FA3]  }
0x2c: {  	s7 =	sld [smem:$0x3FA4]  }
0x2d: {  	s3 =	simm.s32 $0x108;
	s8 =	sld [smem:$0x3FA5]  }
0x2e: {  	s3 =	simm.s32 @!p0 $0x1082;
	s9 =	sld [smem:$0x3FA6]  }
0x2f: {  	lr =	sadd.s32 s0, s3;
	s0 =	sld [smem:$0x3F9D]  }
0x30: {  	s3 =	sld [smem:$0x3FA0]  }
0x31: {  	[smem:$0x3FA9] =	sst s10  }
0x32: {  	s10 =	sld [smem:$0x3FA7];
	_ =	sdelay $0x3  }
0x33: {  	p0 =	seq.s32 s10, $0x1;
	s10 =	sld [smem:$0x3FA9];
	_ =	sdelay $0x3  }
0x34: {  	[smem:$0x3FA9] =	sst s10  }
0x35: {  	s10 =	sld [smem:$0x3FA8];
	_ =	sdelay $0x3  }
0x36: {  	p1 =	seq.s32 s10, $0x1;
	s10 =	sld [smem:$0x3FA9];
	_ =	sdelay $0x3  }
0x37: {  	[smem:$0x3FA9] =	sst s10  }
0x38: {  	s10 =	sld [smem:$0x3FAA]  }
0x39: {  	_ = 	snop;
	(pc) =	sbr.ind lr, $3  }
0x3a: {  	_ = 	snop  }
0x3b: {  	_ = 	snop  }
0x3c: {  	p2 =	seq.s32 s10, $0x1;
	s10 =	sld [smem:$0x3FA9]  }
0x3d: {  	_ =	shalt  }
0x3e: {  	_ =	shalt  }
0x3f: {  	_ =	shalt  }
0x40: {  	_ =	shalt  }
0x41: {  	_ =	shalt  }
0x42: {  	_ =	shalt  }
0x43: {  	_ =	shalt  }
0x44: {  	_ =	shalt  }
0x45: {  	_ =	shalt  }
0x46: {  	_ =	shalt  }
0x47: {  	_ =	shalt  }
0x48: {  	_ =	shalt  }
0x49: {  	_ =	shalt  }
0x4a: {  	_ =	shalt  }
0x4b: {  	_ =	shalt  }
0x4c: {  	_ =	shalt  }
0x4d: {  	_ =	shalt  }
0x4e: {  	_ =	shalt  }
0x4f: {  	_ =	shalt  }
0x50: {  	_ =	shalt  }
0x51: {  	_ =	shalt  }
0x52: {  	_ =	shalt  }
0x53: {  	_ =	shalt  }
0x54: {  	_ =	shalt  }
0x55: {  	_ =	shalt  }
0x56: {  	_ =	shalt  }
0x57: {  	_ =	shalt  }
0x58: {  	_ =	shalt  }
0x59: {  	_ =	shalt  }
0x5a: {  	_ =	shalt  }
0x5b: {  	_ =	shalt  }
0x5c: {  	_ =	shalt  }
0x5d: {  	_ =	shalt  }
0x5e: {  	_ =	shalt  }
0x5f: {  	_ =	shalt  }
0x60: {  	_ =	shalt  }
0x61: {  	_ =	shalt  }
0x62: {  	_ =	shalt  }
0x63: {  	_ =	shalt  }
0x64: {  	_ =	shalt  }
0x65: {  	_ =	shalt  }
0x66: {  	_ =	shalt  }
0x67: {  	_ =	shalt  }
0x68: {  	_ =	shalt  }
0x69: {  	_ =	shalt  }
0x6a: {  	_ =	shalt  }
0x6b: {  	_ =	shalt  }
0x6c: {  	_ =	shalt  }
0x6d: {  	_ =	shalt  }
0x6e: {  	_ =	shalt  }
0x6f: {  	_ =	shalt  }
0x70: {  	_ =	shalt  }
0x71: {  	_ =	shalt  }
0x72: {  	_ =	shalt  }
0x73: {  	_ =	shalt  }
0x74: {  	_ =	shalt  }
0x75: {  	_ =	shalt  }
0x76: {  	_ =	shalt  }
0x77: {  	_ =	shalt  }
0x78: {  	_ =	shalt  }
0x79: {  	_ =	shalt  }
0x7a: {  	_ =	shalt  }
0x7b: {  	_ =	shalt  }
0x7c: {  	_ =	shalt  }
0x7d: {  	_ =	shalt  }
0x7e: {  	_ =	shalt  }
0x7f: {  	_ =	shalt  }
0x80: {  	_ =	shalt  }
0x81: {  	_ =	shalt  }
0x82: {  	_ =	shalt  }
0x83: {  	_ =	shalt  }
0x84: {  	_ =	shalt  }
0x85: {  	_ =	shalt  }
0x86: {  	_ =	shalt  }
0x87: {  	_ =	shalt  }
.Lfunc_end0:
.L_simem_size_0:
called_computation.1_lowered:
.L_overlay_start_0:
0x88: {  	s2 =	sld [smem:$0x3FD9]  }
0x89: {  	s3 =	sld [smem:$0x3FFE];
	_ =	sdelay $0x1  }
0x8a: {  	s1 =	srdreg.scid  }
0x8b: {  	s0 =	sand.u32 $0x1, s1  }
0x8c: {  	s14 =	sshll.u32 s0, $0xA;
	s2 =	sadd.s32 s3, s2  }
0x8d: {  	s2 =	sadd.s32 s2, s14  }
0x8e: {  	[smem:$0x3FB5] =	sst s2  }
0x8f: {  	_ = 	snop  }
0x90: {  	s2 =	sld [smem:$0x3FD0];
	_ =	sdelay $0x2  }
0x91: {  	s4 =	simm.s32 $0xC;
	s5 =	simm.s32 $0x10;
	s15 =	sld [smem:$0x3FC8]  }
0x92: {  	[smem:s5], [sflag:s4] =	dma.local [hbm:s2], $0x1  }
0x93: {  	_ =	swait.eq [sflag:s4], $0x1  }
0x94: {  	[sflag:s4] =	ssyncset.done $0x0  }
0x95: {  	[sflag:s4] =	ssyncadd.s32 $0xFFFFFFFF  }
0x96: {  	s16 =	sld [smem:$0x10];
	(tm) =	ssettm $0x1  }
0x97: {  	s17 =	sld [smem:$0x3FFB];
	_ =	sdelay $0x3  }
0x98: {  	_ =	strace s17  }
0x99: {  	s4 =	sld [smem:$0x3FFC];
	_ =	sdelay $0x3  }
0x9a: {  	_ =	strace s4  }
0x9b: {  	s4 =	sld [smem:$0x3FFD];
	_ =	sdelay $0x3  }
0x9c: {  	_ =	strace s4  }
0x9d: {  	_ =	strace $0x8FFFFFFF  }
0x9e: {  	s18 =	sld [smem:$0x3FDB];
	_ =	sdelay $0x1  }
0x9f: {  	s19 =	simm.s32 $_scs_section_size  }
0xa0: {  	s6 =	simm.s32 $_size__tile_overlayer_lowered;
	s7 =	simm.s32 $_tile_overlayer_lowered  }
0xa1: {  	s22 =	simm.s32 $0x1BFF;
	s21 =	sshll.u32 s7, $0x1;
	s4 =	sadd.s32 s19, s18  }
0xa2: {  	s8 =	simm.s32 $0x0;
	s20 =	sshll.u32 s6, $0x1;
	s6 =	sadd.s32 s21, s4  }
0xa3: {  	[timem:s8], [sflag:s22] =	dma.local [hbm:s6], s20  }
0xa4: {  	_ =	swait.ge [sflag:s22], s20  }
0xa5: {  	s5 =	ssub.s32 $0x0, s20;
	[sflag:s22] =	ssyncset.done $0x0  }
0xa6: {  	[sflag:s22] =	ssyncadd.s32 s5;
	_ =	sdelay $0x1  }
0xa7: {  	s23 =	simm.s32 $0x1B8B  }
0xa8: {  	_ =	swait.ge [sflag:s23], $0x1  }
0xa9: {  	[sflag:s23] =	ssyncset.done $0x0  }
0xaa: {  	s25 =	simm.s32 $0x1B8E;
	s24 =	sld [smem:$0x3FFE];
	[sflag:s23] =	ssyncadd.s32 $0xFFFFFFFF  }
0xab: {  	s26 =	simm.s32 $execute0_lowered;
	[smem:$0x3FD2] =	sst s25  }
0xac: {  	s6 =	sshll.u32 s26, $0x1;
	_ =	strace $0x80000046;
	[dreg:$0x1] =	wrdreg $0xFFFFFFFF  }
0xad: {  	s28 =	simm.s32 $_size_execute0_lowered;
	s4 =	sadd.s32 s4, s6;
	[dreg:$0x0] =	wrdreg $0x0  }
0xae: {  	s6 =	sshll.u32 s28, $0x1;
	[dreg:$0x2] =	wrdreg s4  }
0xaf: {  	[dreg:$0x3] =	wrdreg s6  }
0xb0: {  	[dreg:$0x4] =	wrdreg $0xC0  }
0xb1: {  	_ =	task [dreg:s8], $0x5FFFF  }
0xb2: {  	[dreg:$0x1] =	wrdreg $0xFFFFFFFF  }
0xb3: {  	[dreg:$0x0] =	wrdreg $0x60  }
0xb4: {  	[dreg:$0x2] =	wrdreg s16  }
0xb5: {  	[dreg:$0x3] =	wrdreg s15  }
0xb6: {  	[dreg:$0x4] =	wrdreg s24  }
0xb7: {  	[dreg:$0x5] =	wrdreg $0xA  }
0xb8: {  	_ =	task.clear_ibuf [dreg:s8], $0x6FFFF;
	_ =	strace $0x90000046  }
0xb9: {  	s29 =	simm.s32 $0xA;
	_ =	strace $0x80000048  }
0xba: {  	_ =	swait.ge [sflag:s29], $0x1  }
0xbb: {  	[sflag:s29] =	ssyncadd.s32 $0xFFFFFFFF  }
0xbc: {  	_ =	strace $0x90000048  }
0xbd: {  	_ =	sfence  }
0xbe: {  	s30 =	sld [smem:$0x0];
	_ =	sdelay $0x2  }
0xbf: {  	s31 =	sshll.u32 s1, $0xD;
	s1 =	sshrl.u32 s1, $0x2  }
0xc0: {  	s3 =	sand.u32 $0x4000, s31;
	s1 =	sadd.s32 s1, s30  }
0xc1: {  	s0 =	sor.u32 s3, s0;
	s1 =	sshll.u32 s1, $0x11  }
0xc2: {  	s0 =	sor.u32 s1, s0  }
0xc3: {  	s0 =	sadd.s32 $0x8F2B, s0  }
0xc4: {  	[sflag:s0] =	ssyncadd.remote.s32 $0x1  }
0xc5: {  	_ =	sfence.sel $0xFFFF  }
0xc6: {  	[dreg:$0x0] =	wrdreg $0xFFFFFFFF;
	(pc) =	sbr.abs _section_cstart, $3  }
0xc7: {  	[dreg:$0x1] =	wrdreg $0xFFFFFFFF  }
0xc8: {  	_ =	task.clear_ibuf [dreg:s8], $0x2FFFF;
	_ =	strace $0x9FFFFFFF  }
0xc9: {  	(tm) =	ssettm $0x7FFFFFFF  }
tec
execute0_lowered:
.L_overlay_start_1:
0x0: {  	(tag) =	ssettag $0x1  }
0x1: {  	s1 =	srdreg.scid;
	s0 =	stileid.u32  }
0x2: {  	s1 =	sand.u32 $0x1, s1;
	s4 =	smul.u32 $0x2710, s0  }
0x3: {  	s2 =	rddreg [dreg:$0x0];
	s5 =	smul.u32 $0x1388, s1  }
0x4: {  	s3 =	rddreg [dreg:$0x1]  }
0x5: {  	s6 =	rddreg [dreg:$0x2];
	s5 =	sadd.s32 s5, s4;
	s4 =	simm.s32 $0x0  }
0x6: {  	s14 =	simm.s32 $0x100;
	[smem:$0x7FF] =	sst s4  }
0x7: {  	s15 =	simm.s32 $0xA00;
	_ =	strace $0x80000047;
	[dreg:$0x6] =	wrdreg s14  }
0x8: {  	s16 =	simm.s32 $0x1200;
	[dreg:$0x7] =	wrdreg s15  }
0x9: {  	s17 =	simm.s32 $0x1A00;
	[dreg:$0x8] =	wrdreg s16  }
0xa: {  	s18 =	simm.s32 $0x2200;
	[dreg:$0x9] =	wrdreg s17  }
0xb: {  	s19 =	simm.s32 $0x2A00;
	[dreg:$0xa] =	wrdreg s18  }
0xc: {  	s20 =	simm.s32 $0x3200;
	[dreg:$0xb] =	wrdreg s19  }
0xd: {  	s21 =	simm.s32 $0x3A00;
	[dreg:$0xc] =	wrdreg s20  }
0xe: {  	s22 =	simm.s32 $0x4200;
	[dreg:$0xd] =	wrdreg s21  }
0xf: {  	s23 =	simm.s32 $0x4A00;
	[dreg:$0xe] =	wrdreg s22  }
0x10: {  	s24 =	simm.s32 $0x5200;
	[dreg:$0xf] =	wrdreg s23  }
0x11: {  	s25 =	simm.s32 $0x5A00;
	[dreg:$0x10] =	wrdreg s24  }
0x12: {  	s26 =	simm.s32 $0x6200;
	[dreg:$0x11] =	wrdreg s25  }
0x13: {  	s30 =	simm.s32 $0x6A00;
	[dreg:$0x12] =	wrdreg s26  }
0x14: {  	s31 =	simm.s32 $0x7200;
	[dreg:$0x13] =	wrdreg s30  }
0x15: {  	s8 =	simm.s32 $0x8200;
	[dreg:$0x14] =	wrdreg s31  }
0x16: {  	s9 =	simm.s32 $0x8A00;
	[dreg:$0x16] =	wrdreg s8  }
0x17: {  	s10 =	simm.s32 $0x9200;
	[dreg:$0x17] =	wrdreg s9  }
0x18: {  	s11 =	simm.s32 $0x9A00;
	[dreg:$0x18] =	wrdreg s10  }
0x19: {  	s12 =	simm.s32 $0xA200;
	s13 =	simm.s32 $0xAA00;
	[dreg:$0x19] =	wrdreg s11  }
0x1a: {  	s28 =	simm.s32 $0x2;
	s29 =	simm.s32 $0x0;
	[dreg:$0x1a] =	wrdreg s12  }
0x1b: {  	s5 =	sshrl.u32 s5, $0x3;
	[dreg:$0x1b] =	wrdreg s13;
	s15 =	simm.s32 $0xB200  }
0x1c: {  	s5 =	sadd.s32 s5, s6;
	s16 =	simm.s32 $0xBA00;
	[dreg:$0x1c] =	wrdreg s15  }
0x1d: {  	s14 =	smul.u32 $0x4E200, s0;
	s17 =	simm.s32 $0xC200;
	[dreg:$0x1d] =	wrdreg s16  }
0x1e: {  	s18 =	ssub.s32 $0x2, s1;
	s19 =	simm.s32 $0xD200;
	[dreg:$0x1e] =	wrdreg s17  }
0x1f: {  	s20 =	simm.s32 $0xDA00;
	s21 =	simm.s32 $0xE200;
	[dreg:$0x1f] =	wrdreg s19  }
0x20: {  	s1 =	smul.u32 $0x27100, s1;
	s22 =	simm.s32 $0xEA00;
	[smem:$0x7F5] =	sst s20  }
0x21: {  	s24 =	simm.s32 $0xF200;
	s25 =	simm.s32 $0xFA00;
	[smem:$0x7F6] =	sst s21  }
0x22: {  	s26 =	simm.s32 $0x10200;
	s30 =	simm.s32 $0x10A00;
	[smem:$0x7F8] =	sst s22  }
0x23: {  	s31 =	simm.s32 $0x11200;
	s9 =	simm.s32 $0x200;
	[smem:$0x7F9] =	sst s24  }
0x24: {  	s10 =	simm.s32 $0xCA00;
	s11 =	simm.s32 $0x11A00;
	[smem:$0x7FA] =	sst s25  }
0x25: {  	s12 =	simm.s32 $0x12200;
	s13 =	simm.s32 $0x12A00;
	[smem:$0x7FB] =	sst s26  }
0x26: {  	s7 =	sadd.s32 $0x3A00, s5;
	s5 =	sadd.s32 $0x8A00, s5;
	[smem:$0x7FC] =	sst s30  }
0x27: {  	s8 =	sshrl.u32 s18, $0x1;
	[smem:$0x7FD] =	sst s31;
	s15 =	simm.s32 $0x13A00  }
0x28: {  	s16 =	simm.s32 $0x14200;
	s17 =	simm.s32 $0x14A00;
	s19 =	simm.s32 $0x15A00  }
0x29: {  	s20 =	simm.s32 $0x16200;
	s21 =	simm.s32 $0x16A00;
	s22 =	simm.s32 $0x17200  }
0x2a: {  	s24 =	simm.s32 $0x18200;
	s25 =	simm.s32 $0x18A00;
	[dreg:$0x4] =	wrdreg s7  }
0x2b: {  	s26 =	simm.s32 $0x1;
	[dreg:$0x5] =	wrdreg s5;
	s7 =	simm.s32 $0x7A00  }
0x2c: {  	s6 =	sadd.s32 s14, s6;
	s14 =	simm.s32 $0x13200;
	[dreg:$0x15] =	wrdreg s7  }
0x2d: {  	v2 =	vlaneseq.u32;
	s7 =	ssub.s32 s18, s8;
	s1 =	sadd.s32 s1, s6;
	s8 =	simm.s32 $0x3  }
0x2e: {  	vm0 =	vmmov $0xffff;
	v1 =	vshrl.u32 v2, $0x3;
	s18 =	simm.s32 $0x15200;
	s23 =	smax.u32 s7, $0x1;
	s6 =	sadd.s32 $0x5BC00, s1  }
0x2f: {  	v0 =	vand.u32 $0x7, v2;
	v2 =	vor.u32 $0x8, v2;
	v1 =	vmul.u32 $0x8, v1;
	s7 =	sadd.s32 $0x53DC00, s1;
	[smem:$0x7F7] =	sst s23;
	s23 =	simm.s32 $0x17A00  }
.LBB2_1:
0x30: {  	s30 =	smov.u32 s7;
	s31 =	smov.u32 s6;
	s1 =	simm.s32 $0x0  }
.LBB2_2:
0x31: {  	s0 =	rddreg [dreg:$0x5]  }
0x32: {  	s0 =	sadd.s32 s1, s0  }
0x33: {  	[tilespmem:s4], [sflag:$0x3] =	stream.linear.gather [hbm4b:s0+s4], $0xC8, $0x38;
	[tilespmem:$0x19200] =	vst v63  }
0x34: {  	_ =	swait.ge [sflag:s8], $0xC8  }
0x35: {  	s0 =	rddreg [dreg:$0x4];
	[sflag:s8] =	ssyncset.done $0x0  }
0x36: {  	s5 =	rddreg [dreg:$0x6];
	[sflag:s8] =	ssyncadd.s32 $0xFFFFFF38;
	s0 =	sadd.s32 s1, s0  }
0x37: {  	[tilespmem:s5], [sflag:$0x3] =	stream.linear.gather [hbm4b:s0+s4], $0xC8, $0x38;
	[tilespmem:$0x19200] =	vst v63  }
0x38: {  	_ =	swait.ge [sflag:s8], $0xC8  }
0x39: {  	[sflag:s8] =	ssyncset.done $0x0  }
0x3a: {  	[sflag:s8] =	ssyncadd.s32 $0xFFFFFF38  }
0x3b: {  	v3 =	vld [tilespmem:$0x0];
	_ =	sdelay $0x4  }
0x3c: {  	v4 =	vshll.u32 v3, $0x1  }
0x3d: {  	v3 =	vand.u32 $0x7, v3;
	v4 =	vand.u32 $0xFFFFFFF0, v4  }
0x3e: {  	v3 =	vor.u32 v3, v4  }
0x3f: {  	v4 =	vperm.xlane v3, v0;
	_ =	sdelay $0x1  }
0x40: {  	v3 =	vperm.xlane v3, v2;
	v4 =	vadd.s32 v1, v4;
	_ =	sdelay $0x1  }
0x41: {  	v3 =	vadd.s32 v1, v3;
	_ =	sdelay $0x2  }
0x42: {  	[tilespmem:s9], [sflag:$0x1] =	stream.indirect_vreg.gather [hbm4b:s2+s4], $0x80, v4, vm0, $0xb8;
	[tilespmem:$0x19200] =	vst v63  }
0x43: {  	s5 =	rddreg [dreg:$0x7]  }
0x44: {  	[tilespmem:s5], [sflag:$0x1] =	stream.indirect_vreg.gather [hbm4b:s2+s4], $0x80, v3, vm0, $0xb8;
	[tilespmem:$0x19200] =	vst v63  }
0x45: {  	v3 =	vld [tilespmem:$0x10];
	_ =	sdelay $0x4  }
0x46: {  	v39 =	vshll.u32 v3, $0x1  }
0x47: {  	v3 =	vand.u32 $0x7, v3;
	v4 =	vand.u32 $0xFFFFFFF0, v39  }
0x48: {  	v3 =	vor.u32 v3, v4  }
0x49: {  	v4 =	vperm.xlane v3, v0;
	_ =	sdelay $0x1  }
0x4a: {  	v3 =	vperm.xlane v3, v2;
	v4 =	vadd.s32 v1, v4;
	_ =	sdelay $0x1  }
0x4b: {  	v3 =	vadd.s32 v1, v3;
	_ =	sdelay $0x1  }
0x4c: {  	s0 =	rddreg [dreg:$0x8]  }
0x4d: {  	[tilespmem:s0], [sflag:$0x1] =	stream.indirect_vreg.gather [hbm4b:s2+s4], $0x80, v4, vm0, $0xb8;
	[tilespmem:$0x19200] =	vst v63  }
0x4e: {  	s5 =	rddreg [dreg:$0x9]  }
0x4f: {  	[tilespmem:s5], [sflag:$0x1] =	stream.indirect_vreg.gather [hbm4b:s2+s4], $0x80, v3, vm0, $0xb8;
	[tilespmem:$0x19200] =	vst v63  }
0x50: {  	v3 =	vld [tilespmem:$0x20];
	_ =	sdelay $0x4  }
0x51: {  	v40 =	vshll.u32 v3, $0x1  }
0x52: {  	v3 =	vand.u32 $0x7, v3;
	v4 =	vand.u32 $0xFFFFFFF0, v40  }
0x53: {  	v3 =	vor.u32 v3, v4  }
0x54: {  	v4 =	vperm.xlane v3, v0;
	_ =	sdelay $0x1  }
0x55: {  	v3 =	vperm.xlane v3, v2;
	v4 =	vadd.s32 v1, v4;
	_ =	sdelay $0x1  }
0x56: {  	v3 =	vadd.s32 v1, v3;
	_ =	sdelay $0x1  }
0x57: {  	s0 =	rddreg [dreg:$0xa]  }
0x58: {  	[tilespmem:s0], [sflag:$0x1] =	stream.indirect_vreg.gather [hbm4b:s2+s4], $0x80, v4, vm0, $0xb8;
	[tilespmem:$0x19200] =	vst v63  }
0x59: {  	s5 =	rddreg [dreg:$0xb]  }
0x5a: {  	[tilespmem:s5], [sflag:$0x1] =	stream.indirect_vreg.gather [hbm4b:s2+s4], $0x80, v3, vm0, $0xb8;
	[tilespmem:$0x19200] =	vst v63  }
0x5b: {  	v3 =	vld [tilespmem:$0x30];
	_ =	sdelay $0x4  }
0x5c: {  	v41 =	vshll.u32 v3, $0x1  }
0x5d: {  	v3 =	vand.u32 $0x7, v3;
	v4 =	vand.u32 $0xFFFFFFF0, v41  }
0x5e: {  	v3 =	vor.u32 v3, v4  }
0x5f: {  	v4 =	vperm.xlane v3, v0;
	_ =	sdelay $0x1  }
0x60: {  	v3 =	vperm.xlane v3, v2;
	v4 =	vadd.s32 v1, v4;
	_ =	sdelay $0x1  }
0x61: {  	v3 =	vadd.s32 v1, v3;
	_ =	sdelay $0x1  }
0x62: {  	s0 =	rddreg [dreg:$0xc]  }
0x63: {  	[tilespmem:s0], [sflag:$0x1] =	stream.indirect_vreg.gather [hbm4b:s2+s4], $0x80, v4, vm0, $0xb8;
	[tilespmem:$0x19200] =	vst v63  }
0x64: {  	s5 =	rddreg [dreg:$0xd]  }
0x65: {  	[tilespmem:s5], [sflag:$0x1] =	stream.indirect_vreg.gather [hbm4b:s2+s4], $0x80, v3, vm0, $0xb8;
	[tilespmem:$0x19200] =	vst v63  }
0x66: {  	v3 =	vld [tilespmem:$0x40];
	_ =	sdelay $0x4  }
0x67: {  	v42 =	vshll.u32 v3, $0x1  }
0x68: {  	v3 =	vand.u32 $0x7, v3;
	v4 =	vand.u32 $0xFFFFFFF0, v42  }
0x69: {  	v3 =	vor.u32 v3, v4  }
0x6a: {  	v4 =	vperm.xlane v3, v0;
	_ =	sdelay $0x1  }
0x6b: {  	v3 =	vperm.xlane v3, v2;
	v4 =	vadd.s32 v1, v4;
	_ =	sdelay $0x1  }
0x6c: {  	v3 =	vadd.s32 v1, v3;
	_ =	sdelay $0x1  }
0x6d: {  	s0 =	rddreg [dreg:$0xe]  }
0x6e: {  	[tilespmem:s0], [sflag:$0x1] =	stream.indirect_vreg.gather [hbm4b:s2+s4], $0x80, v4, vm0, $0xb8;
	[tilespmem:$0x19200] =	vst v63  }
0x6f: {  	s5 =	rddreg [dreg:$0xf]  }
0x70: {  	[tilespmem:s5], [sflag:$0x1] =	stream.indirect_vreg.gather [hbm4b:s2+s4], $0x80, v3, vm0, $0xb8;
	[tilespmem:$0x19200] =	vst v63  }
0x71: {  	v3 =	vld [tilespmem:$0x50];
	_ =	sdelay $0x4  }
0x72: {  	v43 =	vshll.u32 v3, $0x1  }
0x73: {  	v3 =	vand.u32 $0x7, v3;
	v4 =	vand.u32 $0xFFFFFFF0, v43  }
0x74: {  	v3 =	vor.u32 v3, v4  }
0x75: {  	v4 =	vperm.xlane v3, v0;
	_ =	sdelay $0x1  }
0x76: {  	v3 =	vperm.xlane v3, v2;
	v4 =	vadd.s32 v1, v4;
	_ =	sdelay $0x1  }
0x77: {  	v3 =	vadd.s32 v1, v3;
	_ =	sdelay $0x1  }
0x78: {  	s0 =	rddreg [dreg:$0x10]  }
0x79: {  	[tilespmem:s0], [sflag:$0x1] =	stream.indirect_vreg.gather [hbm4b:s2+s4], $0x80, v4, vm0, $0xb8;
	[tilespmem:$0x19200] =	vst v63  }
0x7a: {  	s5 =	rddreg [dreg:$0x11]  }
0x7b: {  	[tilespmem:s5], [sflag:$0x1] =	stream.indirect_vreg.gather [hbm4b:s2+s4], $0x80, v3, vm0, $0xb8;
	[tilespmem:$0x19200] =	vst v63  }
0x7c: {  	v3 =	vld [tilespmem:$0x60];
	_ =	sdelay $0x4  }
0x7d: {  	v44 =	vshll.u32 v3, $0x1  }
0x7e: {  	v3 =	vand.u32 $0x7, v3;
	v4 =	vand.u32 $0xFFFFFFF0, v44  }
0x7f: {  	v3 =	vor.u32 v3, v4  }
0x80: {  	v4 =	vperm.xlane v3, v0;
	_ =	sdelay $0x1  }
0x81: {  	v3 =	vperm.xlane v3, v2;
	v4 =	vadd.s32 v1, v4;
	_ =	sdelay $0x1  }
0x82: {  	v3 =	vadd.s32 v1, v3;
	_ =	sdelay $0x1  }
0x83: {  	s0 =	rddreg [dreg:$0x12]  }
0x84: {  	[tilespmem:s0], [sflag:$0x1] =	stream.indirect_vreg.gather [hbm4b:s2+s4], $0x80, v4, vm0, $0xb8;
	[tilespmem:$0x19200] =	vst v63  }
0x85: {  	s5 =	rddreg [dreg:$0x13]  }
0x86: {  	[tilespmem:s5], [sflag:$0x1] =	stream.indirect_vreg.gather [hbm4b:s2+s4], $0x80, v3, vm0, $0xb8;
	[tilespmem:$0x19200] =	vst v63  }
0x87: {  	v3 =	vld [tilespmem:$0x70];
	_ =	sdelay $0x4  }
0x88: {  	v45 =	vshll.u32 v3, $0x1  }
0x89: {  	v3 =	vand.u32 $0x7, v3;
	v4 =	vand.u32 $0xFFFFFFF0, v45  }
0x8a: {  	v3 =	vor.u32 v3, v4  }
0x8b: {  	v4 =	vperm.xlane v3, v0;
	_ =	sdelay $0x1  }
0x8c: {  	v3 =	vperm.xlane v3, v2;
	v4 =	vadd.s32 v1, v4;
	_ =	sdelay $0x1  }
0x8d: {  	v3 =	vadd.s32 v1, v3;
	_ =	sdelay $0x1  }
0x8e: {  	s0 =	rddreg [dreg:$0x14]  }
0x8f: {  	[tilespmem:s0], [sflag:$0x1] =	stream.indirect_vreg.gather [hbm4b:s2+s4], $0x80, v4, vm0, $0xb8;
	[tilespmem:$0x19200] =	vst v63  }
0x90: {  	s5 =	rddreg [dreg:$0x15]  }
0x91: {  	[tilespmem:s5], [sflag:$0x1] =	stream.indirect_vreg.gather [hbm4b:s2+s4], $0x80, v3, vm0, $0xb8;
	[tilespmem:$0x19200] =	vst v63  }
0x92: {  	v3 =	vld [tilespmem:$0x80];
	_ =	sdelay $0x4  }
0x93: {  	v46 =	vshll.u32 v3, $0x1  }
0x94: {  	v3 =	vand.u32 $0x7, v3;
	v4 =	vand.u32 $0xFFFFFFF0, v46  }
0x95: {  	v3 =	vor.u32 v3, v4  }
0x96: {  	v4 =	vperm.xlane v3, v0;
	_ =	sdelay $0x1  }
0x97: {  	v3 =	vperm.xlane v3, v2;
	v4 =	vadd.s32 v1, v4;
	_ =	sdelay $0x1  }
0x98: {  	v3 =	vadd.s32 v1, v3;
	_ =	sdelay $0x1  }
0x99: {  	s0 =	rddreg [dreg:$0x16]  }
0x9a: {  	[tilespmem:s0], [sflag:$0x1] =	stream.indirect_vreg.gather [hbm4b:s2+s4], $0x80, v4, vm0, $0xb8;
	[tilespmem:$0x19200] =	vst v63  }
0x9b: {  	s5 =	rddreg [dreg:$0x17]  }
0x9c: {  	[tilespmem:s5], [sflag:$0x1] =	stream.indirect_vreg.gather [hbm4b:s2+s4], $0x80, v3, vm0, $0xb8;
	[tilespmem:$0x19200] =	vst v63  }
0x9d: {  	v3 =	vld [tilespmem:$0x90];
	_ =	sdelay $0x4  }
0x9e: {  	v47 =	vshll.u32 v3, $0x1  }
0x9f: {  	v3 =	vand.u32 $0x7, v3;
	v4 =	vand.u32 $0xFFFFFFF0, v47  }
0xa0: {  	v3 =	vor.u32 v3, v4  }
0xa1: {  	v4 =	vperm.xlane v3, v0;
	_ =	sdelay $0x1  }
0xa2: {  	v3 =	vperm.xlane v3, v2;
	v4 =	vadd.s32 v1, v4;
	_ =	sdelay $0x1  }
0xa3: {  	v3 =	vadd.s32 v1, v3;
	_ =	sdelay $0x1  }
0xa4: {  	s0 =	rddreg [dreg:$0x18]  }
0xa5: {  	[tilespmem:s0], [sflag:$0x1] =	stream.indirect_vreg.gather [hbm4b:s2+s4], $0x80, v4, vm0, $0xb8;
	[tilespmem:$0x19200] =	vst v63  }
0xa6: {  	s5 =	rddreg [dreg:$0x19]  }
0xa7: {  	[tilespmem:s5], [sflag:$0x1] =	stream.indirect_vreg.gather [hbm4b:s2+s4], $0x80, v3, vm0, $0xb8;
	[tilespmem:$0x19200] =	vst v63  }
0xa8: {  	v3 =	vld [tilespmem:$0xA0];
	_ =	sdelay $0x4  }
0xa9: {  	v48 =	vshll.u32 v3, $0x1  }
0xaa: {  	v3 =	vand.u32 $0x7, v3;
	v4 =	vand.u32 $0xFFFFFFF0, v48  }
0xab: {  	v3 =	vor.u32 v3, v4  }
0xac: {  	v4 =	vperm.xlane v3, v0;
	_ =	sdelay $0x1  }
0xad: {  	v3 =	vperm.xlane v3, v2;
	v4 =	vadd.s32 v1, v4;
	_ =	sdelay $0x1  }
0xae: {  	v3 =	vadd.s32 v1, v3;
	_ =	sdelay $0x1  }
0xaf: {  	s0 =	rddreg [dreg:$0x1a]  }
0xb0: {  	[tilespmem:s0], [sflag:$0x1] =	stream.indirect_vreg.gather [hbm4b:s2+s4], $0x80, v4, vm0, $0xb8;
	[tilespmem:$0x19200] =	vst v63  }
0xb1: {  	s5 =	rddreg [dreg:$0x1b]  }
0xb2: {  	[tilespmem:s5], [sflag:$0x1] =	stream.indirect_vreg.gather [hbm4b:s2+s4], $0x80, v3, vm0, $0xb8;
	[tilespmem:$0x19200] =	vst v63  }
0xb3: {  	v3 =	vld [tilespmem:$0xB0];
	_ =	sdelay $0x4  }
0xb4: {  	v49 =	vshll.u32 v3, $0x1  }
0xb5: {  	v3 =	vand.u32 $0x7, v3;
	v4 =	vand.u32 $0xFFFFFFF0, v49  }
0xb6: {  	v3 =	vor.u32 v3, v4  }
0xb7: {  	v4 =	vperm.xlane v3, v0;
	_ =	sdelay $0x1  }
0xb8: {  	v3 =	vperm.xlane v3, v2;
	v4 =	vadd.s32 v1, v4;
	_ =	sdelay $0x1  }
0xb9: {  	v3 =	vadd.s32 v1, v3;
	_ =	sdelay $0x1  }
0xba: {  	s0 =	rddreg [dreg:$0x1c]  }
0xbb: {  	[tilespmem:s0], [sflag:$0x1] =	stream.indirect_vreg.gather [hbm4b:s2+s4], $0x80, v4, vm0, $0xb8;
	[tilespmem:$0x19200] =	vst v63  }
0xbc: {  	s5 =	rddreg [dreg:$0x1d]  }
0xbd: {  	[tilespmem:s5], [sflag:$0x1] =	stream.indirect_vreg.gather [hbm4b:s2+s4], $0x80, v3, vm0, $0xb8;
	[tilespmem:$0x19200] =	vst v63  }
0xbe: {  	v3 =	vld.msk [tilespmem:$0xC0], $0xff;
	_ =	sdelay $0x4  }
0xbf: {  	v50 =	vshll.u32 v3, $0x1  }
0xc0: {  	v3 =	vand.u32 $0x7, v3;
	v4 =	vand.u32 $0xFFFFFFF0, v50  }
0xc1: {  	v3 =	vor.u32 v3, v4  }
0xc2: {  	v3 =	vperm.xlane v3, v0;
	_ =	sdelay $0x1  }
0xc3: {  	v3 =	vadd.s32 v1, v3;
	_ =	sdelay $0x3  }
0xc4: {  	s5 =	rddreg [dreg:$0x1e]  }
0xc5: {  	[tilespmem:s5], [sflag:$0x1] =	stream.indirect_vreg.gather [hbm4b:s2+s4], $0x80, v3, vm0, $0xb8;
	[tilespmem:$0x19200] =	vst v63  }
0xc6: {  	v3 =	vld [tilespmem:$0x100];
	_ =	sdelay $0x4  }
0xc7: {  	v51 =	vshll.u32 v3, $0x1  }
0xc8: {  	v3 =	vand.u32 $0x7, v3;
	v4 =	vand.u32 $0xFFFFFFF0, v51  }
0xc9: {  	v3 =	vor.u32 v3, v4  }
0xca: {  	v4 =	vperm.xlane v3, v0;
	_ =	sdelay $0x1  }
0xcb: {  	v3 =	vperm.xlane v3, v2;
	v4 =	vadd.s32 v1, v4;
	_ =	sdelay $0x1  }
0xcc: {  	v3 =	vadd.s32 v1, v3;
	_ =	sdelay $0x2  }
0xcd: {  	[tilespmem:s10], [sflag:$0x2] =	stream.indirect_vreg.gather [hbm4b:s3+s4], $0x80, v4, vm0, $0xb8;
	[tilespmem:$0x19200] =	vst v63  }
0xce: {  	s5 =	rddreg [dreg:$0x1f]  }
0xcf: {  	[tilespmem:s5], [sflag:$0x2] =	stream.indirect_vreg.gather [hbm4b:s3+s4], $0x80, v3, vm0, $0xb8;
	[tilespmem:$0x19200] =	vst v63  }
0xd0: {  	v3 =	vld [tilespmem:$0x110];
	_ =	sdelay $0x4  }
0xd1: {  	v52 =	vshll.u32 v3, $0x1  }
0xd2: {  	v3 =	vand.u32 $0x7, v3;
	v4 =	vand.u32 $0xFFFFFFF0, v52  }
0xd3: {  	v3 =	vor.u32 v3, v4  }
0xd4: {  	v4 =	vperm.xlane v3, v0;
	_ =	sdelay $0x1  }
0xd5: {  	v3 =	vperm.xlane v3, v2;
	v4 =	vadd.s32 v1, v4;
	_ =	sdelay $0x1  }
0xd6: {  	s0 =	sld [smem:$0x7F5];
	v3 =	vadd.s32 v1, v3;
	_ =	sdelay $0x1  }
0xd7: {  	s5 =	sld [smem:$0x7F6]  }
0xd8: {  	[tilespmem:s0], [sflag:$0x2] =	stream.indirect_vreg.gather [hbm4b:s3+s4], $0x80, v4, vm0, $0xb8;
	[tilespmem:$0x19200] =	vst v63  }
0xd9: {  	_ = 	snop  }
0xda: {  	[tilespmem:s5], [sflag:$0x2] =	stream.indirect_vreg.gather [hbm4b:s3+s4], $0x80, v3, vm0, $0xb8;
	[tilespmem:$0x19200] =	vst v63  }
0xdb: {  	v3 =	vld [tilespmem:$0x120];
	_ =	sdelay $0x4  }
0xdc: {  	v53 =	vshll.u32 v3, $0x1  }
0xdd: {  	v3 =	vand.u32 $0x7, v3;
	v4 =	vand.u32 $0xFFFFFFF0, v53  }
0xde: {  	v3 =	vor.u32 v3, v4  }
0xdf: {  	v4 =	vperm.xlane v3, v0;
	_ =	sdelay $0x1  }
0xe0: {  	v3 =	vperm.xlane v3, v2;
	v4 =	vadd.s32 v1, v4;
	_ =	sdelay $0x1  }
0xe1: {  	s0 =	sld [smem:$0x7F8];
	v3 =	vadd.s32 v1, v3;
	_ =	sdelay $0x1  }
0xe2: {  	s5 =	sld [smem:$0x7F9]  }
0xe3: {  	[tilespmem:s0], [sflag:$0x2] =	stream.indirect_vreg.gather [hbm4b:s3+s4], $0x80, v4, vm0, $0xb8;
	[tilespmem:$0x19200] =	vst v63  }
0xe4: {  	_ = 	snop  }
0xe5: {  	[tilespmem:s5], [sflag:$0x2] =	stream.indirect_vreg.gather [hbm4b:s3+s4], $0x80, v3, vm0, $0xb8;
	[tilespmem:$0x19200] =	vst v63  }
0xe6: {  	v3 =	vld [tilespmem:$0x130];
	_ =	sdelay $0x4  }
0xe7: {  	v54 =	vshll.u32 v3, $0x1  }
0xe8: {  	v3 =	vand.u32 $0x7, v3;
	v4 =	vand.u32 $0xFFFFFFF0, v54  }
0xe9: {  	v3 =	vor.u32 v3, v4  }
0xea: {  	v4 =	vperm.xlane v3, v0;
	_ =	sdelay $0x1  }
0xeb: {  	v3 =	vperm.xlane v3, v2;
	v4 =	vadd.s32 v1, v4;
	_ =	sdelay $0x1  }
0xec: {  	s0 =	sld [smem:$0x7FA];
	v3 =	vadd.s32 v1, v3;
	_ =	sdelay $0x1  }
0xed: {  	s5 =	sld [smem:$0x7FB]  }
0xee: {  	[tilespmem:s0], [sflag:$0x2] =	stream.indirect_vreg.gather [hbm4b:s3+s4], $0x80, v4, vm0, $0xb8;
	[tilespmem:$0x19200] =	vst v63  }
0xef: {  	_ = 	snop  }
0xf0: {  	[tilespmem:s5], [sflag:$0x2] =	stream.indirect_vreg.gather [hbm4b:s3+s4], $0x80, v3, vm0, $0xb8;
	[tilespmem:$0x19200] =	vst v63  }
0xf1: {  	v3 =	vld [tilespmem:$0x140];
	_ =	sdelay $0x4  }
0xf2: {  	v55 =	vshll.u32 v3, $0x1  }
0xf3: {  	v3 =	vand.u32 $0x7, v3;
	v4 =	vand.u32 $0xFFFFFFF0, v55  }
0xf4: {  	v3 =	vor.u32 v3, v4  }
0xf5: {  	v4 =	vperm.xlane v3, v0;
	_ =	sdelay $0x1  }
0xf6: {  	v3 =	vperm.xlane v3, v2;
	v4 =	vadd.s32 v1, v4;
	_ =	sdelay $0x1  }
0xf7: {  	s0 =	sld [smem:$0x7FC];
	v3 =	vadd.s32 v1, v3;
	_ =	sdelay $0x1  }
0xf8: {  	s5 =	sld [smem:$0x7FD]  }
0xf9: {  	[tilespmem:s0], [sflag:$0x2] =	stream.indirect_vreg.gather [hbm4b:s3+s4], $0x80, v4, vm0, $0xb8;
	[tilespmem:$0x19200] =	vst v63  }
0xfa: {  	_ = 	snop  }
0xfb: {  	[tilespmem:s5], [sflag:$0x2] =	stream.indirect_vreg.gather [hbm4b:s3+s4], $0x80, v3, vm0, $0xb8;
	[tilespmem:$0x19200] =	vst v63  }
0xfc: {  	v3 =	vld [tilespmem:$0x150];
	_ =	sdelay $0x4  }
0xfd: {  	v56 =	vshll.u32 v3, $0x1  }
0xfe: {  	v3 =	vand.u32 $0x7, v3;
	v4 =	vand.u32 $0xFFFFFFF0, v56  }
0xff: {  	v3 =	vor.u32 v3, v4  }
0x100: {  	v4 =	vperm.xlane v3, v0;
	_ =	sdelay $0x1  }
0x101: {  	v3 =	vperm.xlane v3, v2;
	v4 =	vadd.s32 v1, v4;
	_ =	sdelay $0x1  }
0x102: {  	v3 =	vadd.s32 v1, v3;
	_ =	sdelay $0x2  }
0x103: {  	[tilespmem:s11], [sflag:$0x2] =	stream.indirect_vreg.gather [hbm4b:s3+s4], $0x80, v4, vm0, $0xb8;
	[tilespmem:$0x19200] =	vst v63  }
0x104: {  	_ = 	snop  }
0x105: {  	[tilespmem:s12], [sflag:$0x2] =	stream.indirect_vreg.gather [hbm4b:s3+s4], $0x80, v3, vm0, $0xb8;
	[tilespmem:$0x19200] =	vst v63  }
0x106: {  	v3 =	vld [tilespmem:$0x160];
	_ =	sdelay $0x4  }
0x107: {  	v57 =	vshll.u32 v3, $0x1  }
0x108: {  	v3 =	vand.u32 $0x7, v3;
	v4 =	vand.u32 $0xFFFFFFF0, v57  }
0x109: {  	v3 =	vor.u32 v3, v4  }
0x10a: {  	v4 =	vperm.xlane v3, v0;
	_ =	sdelay $0x1  }
0x10b: {  	v3 =	vperm.xlane v3, v2;
	v4 =	vadd.s32 v1, v4;
	_ =	sdelay $0x1  }
0x10c: {  	v3 =	vadd.s32 v1, v3;
	_ =	sdelay $0x2  }
0x10d: {  	[tilespmem:s13], [sflag:$0x2] =	stream.indirect_vreg.gather [hbm4b:s3+s4], $0x80, v4, vm0, $0xb8;
	[tilespmem:$0x19200] =	vst v63  }
0x10e: {  	_ = 	snop  }
0x10f: {  	[tilespmem:s14], [sflag:$0x2] =	stream.indirect_vreg.gather [hbm4b:s3+s4], $0x80, v3, vm0, $0xb8;
	[tilespmem:$0x19200] =	vst v63  }
0x110: {  	v3 =	vld [tilespmem:$0x170];
	_ =	sdelay $0x4  }
0x111: {  	v58 =	vshll.u32 v3, $0x1  }
0x112: {  	v3 =	vand.u32 $0x7, v3;
	v4 =	vand.u32 $0xFFFFFFF0, v58  }
0x113: {  	v3 =	vor.u32 v3, v4  }
0x114: {  	v4 =	vperm.xlane v3, v0;
	_ =	sdelay $0x1  }
0x115: {  	v3 =	vperm.xlane v3, v2;
	v4 =	vadd.s32 v1, v4;
	_ =	sdelay $0x1  }
0x116: {  	v3 =	vadd.s32 v1, v3;
	_ =	sdelay $0x2  }
0x117: {  	[tilespmem:s15], [sflag:$0x2] =	stream.indirect_vreg.gather [hbm4b:s3+s4], $0x80, v4, vm0, $0xb8;
	[tilespmem:$0x19200] =	vst v63  }
0x118: {  	_ = 	snop  }
0x119: {  	[tilespmem:s16], [sflag:$0x2] =	stream.indirect_vreg.gather [hbm4b:s3+s4], $0x80, v3, vm0, $0xb8;
	[tilespmem:$0x19200] =	vst v63  }
0x11a: {  	v3 =	vld [tilespmem:$0x180];
	_ =	sdelay $0x4  }
0x11b: {  	v59 =	vshll.u32 v3, $0x1  }
0x11c: {  	v3 =	vand.u32 $0x7, v3;
	v4 =	vand.u32 $0xFFFFFFF0, v59  }
0x11d: {  	v3 =	vor.u32 v3, v4  }
0x11e: {  	v4 =	vperm.xlane v3, v0;
	_ =	sdelay $0x1  }
0x11f: {  	v3 =	vperm.xlane v3, v2;
	v4 =	vadd.s32 v1, v4;
	_ =	sdelay $0x1  }
0x120: {  	v3 =	vadd.s32 v1, v3;
	_ =	sdelay $0x2  }
0x121: {  	[tilespmem:s17], [sflag:$0x2] =	stream.indirect_vreg.gather [hbm4b:s3+s4], $0x80, v4, vm0, $0xb8;
	[tilespmem:$0x19200] =	vst v63  }
0x122: {  	_ = 	snop  }
0x123: {  	[tilespmem:s18], [sflag:$0x2] =	stream.indirect_vreg.gather [hbm4b:s3+s4], $0x80, v3, vm0, $0xb8;
	[tilespmem:$0x19200] =	vst v63  }
0x124: {  	v3 =	vld [tilespmem:$0x190];
	_ =	sdelay $0x4  }
0x125: {  	v60 =	vshll.u32 v3, $0x1  }
0x126: {  	v3 =	vand.u32 $0x7, v3;
	v4 =	vand.u32 $0xFFFFFFF0, v60  }
0x127: {  	v3 =	vor.u32 v3, v4  }
0x128: {  	v4 =	vperm.xlane v3, v0;
	_ =	sdelay $0x1  }
0x129: {  	v3 =	vperm.xlane v3, v2;
	v4 =	vadd.s32 v1, v4;
	_ =	sdelay $0x1  }
0x12a: {  	v3 =	vadd.s32 v1, v3;
	_ =	sdelay $0x2  }
0x12b: {  	[tilespmem:s19], [sflag:$0x2] =	stream.indirect_vreg.gather [hbm4b:s3+s4], $0x80, v4, vm0, $0xb8;
	[tilespmem:$0x19200] =	vst v63  }
0x12c: {  	_ = 	snop  }
0x12d: {  	[tilespmem:s20], [sflag:$0x2] =	stream.indirect_vreg.gather [hbm4b:s3+s4], $0x80, v3, vm0, $0xb8;
	[tilespmem:$0x19200] =	vst v63  }
0x12e: {  	v3 =	vld [tilespmem:$0x1A0];
	_ =	sdelay $0x4  }
0x12f: {  	v61 =	vshll.u32 v3, $0x1  }
0x130: {  	v3 =	vand.u32 $0x7, v3;
	v4 =	vand.u32 $0xFFFFFFF0, v61  }
0x131: {  	v3 =	vor.u32 v3, v4  }
0x132: {  	v4 =	vperm.xlane v3, v0;
	_ =	sdelay $0x1  }
0x133: {  	v3 =	vperm.xlane v3, v2;
	v4 =	vadd.s32 v1, v4;
	_ =	sdelay $0x1  }
0x134: {  	v3 =	vadd.s32 v1, v3;
	_ =	sdelay $0x2  }
0x135: {  	[tilespmem:s21], [sflag:$0x2] =	stream.indirect_vreg.gather [hbm4b:s3+s4], $0x80, v4, vm0, $0xb8;
	[tilespmem:$0x19200] =	vst v63  }
0x136: {  	_ = 	snop  }
0x137: {  	[tilespmem:s22], [sflag:$0x2] =	stream.indirect_vreg.gather [hbm4b:s3+s4], $0x80, v3, vm0, $0xb8;
	[tilespmem:$0x19200] =	vst v63  }
0x138: {  	v3 =	vld [tilespmem:$0x1B0];
	_ =	sdelay $0x4  }
0x139: {  	v62 =	vshll.u32 v3, $0x1  }
0x13a: {  	v3 =	vand.u32 $0x7, v3;
	v4 =	vand.u32 $0xFFFFFFF0, v62  }
0x13b: {  	v3 =	vor.u32 v3, v4  }
0x13c: {  	v4 =	vperm.xlane v3, v0;
	_ =	sdelay $0x1  }
0x13d: {  	v3 =	vperm.xlane v3, v2;
	v4 =	vadd.s32 v1, v4;
	_ =	sdelay $0x1  }
0x13e: {  	v3 =	vadd.s32 v1, v3;
	_ =	sdelay $0x2  }
0x13f: {  	[tilespmem:s23], [sflag:$0x2] =	stream.indirect_vreg.gather [hbm4b:s3+s4], $0x80, v4, vm0, $0xb8;
	[tilespmem:$0x19200] =	vst v63  }
0x140: {  	_ = 	snop  }
0x141: {  	[tilespmem:s24], [sflag:$0x2] =	stream.indirect_vreg.gather [hbm4b:s3+s4], $0x80, v3, vm0, $0xb8;
	[tilespmem:$0x19200] =	vst v63  }
0x142: {  	v3 =	vld.msk [tilespmem:$0x1C0], $0xff;
	_ =	sdelay $0x4  }
0x143: {  	v63 =	vshll.u32 v3, $0x1  }
0x144: {  	v3 =	vand.u32 $0x7, v3;
	v4 =	vand.u32 $0xFFFFFFF0, v63  }
0x145: {  	v3 =	vor.u32 v3, v4  }
0x146: {  	v3 =	vperm.xlane v3, v0;
	_ =	sdelay $0x1  }
0x147: {  	v3 =	vadd.s32 v1, v3;
	_ =	sdelay $0x4  }
0x148: {  	[tilespmem:s25], [sflag:$0x2] =	stream.indirect_vreg.gather [hbm4b:s3+s4], $0x80, v3, vm0, $0xb8;
	[tilespmem:$0x19200] =	vst v63  }
0x149: {  	_ =	swait.ge [sflag:s26], $0xC800  }
0x14a: {  	[sflag:s26] =	ssyncset.done $0x0  }
0x14b: {  	[sflag:s26] =	ssyncadd.s32 $0xFFFF3800  }
0x14c: {  	_ =	swait.ge [sflag:s28], $0xC800  }
0x14d: {  	[sflag:s28] =	ssyncset.done $0x0  }
0x14e: {  	[sflag:s28] =	ssyncadd.s32 $0xFFFF3800  }
0x14f: {  	[hbm4b:s31+s4] =	stream.linear.scatter [tilespmem:s9], [sflag:$0x3], $0xC800, $0x38;
	[tilespmem:$0x19200] =	vst v63  }
0x150: {  	_ =	swait.ge [sflag:s8], $0xC800  }
0x151: {  	p0 =	sne.s32 s1, $0x258;
	[sflag:s8] =	ssyncset.done $0x0  }
.Ltmp0:
0x152: {  	[sflag:s8] =	ssyncadd.s32 $0xFFFF3800;
	(pc) =	sbr.rel @p0 .LBB2_2-.Ltmp0, $4  }
0x153: {  	[hbm4b:s30+s4] =	stream.linear.scatter [tilespmem:s10], [sflag:$0x3], $0xC800, $0x38;
	[tilespmem:$0x19200] =	vst v63  }
0x154: {  	_ =	swait.ge [sflag:s8], $0xC800  }
0x155: {  	s1 =	sadd.s32 $0x19, s1;
	[sflag:s8] =	ssyncset.done $0x0  }
0x156: {  	s31 =	sadd.s32 $0x1900, s31;
	s30 =	sadd.s32 $0x1900, s30;
	[sflag:s8] =	ssyncadd.s32 $0xFFFF3800  }
0x157: {  	s0 =	sld [smem:$0x7F7];
	_ =	sdelay $0x1  }
0x158: {  	s29 =	sadd.s32 $0x1, s29  }
0x159: {  	p0 =	sne.s32 s29, s0  }
.Ltmp1:
0x15a: {  	_ = 	snop;
	(pc) =	sbr.rel @p0 .LBB2_1-.Ltmp1, $1  }
0x15b: {  	_ =	sdelay $0x3  }
0x15c: {  	_ =	sfence.sel $0x180000  }
0x15d: {  	[bflag:$0x0] =	sbarrier.arrive $0xFFFF  }
0x15e: {  	_ =	strace $0x90000047  }
0x15f: {  	s0 =	stileid.u32;
	[bflag:$0x2] =	sbarrier.arrive $0xFFFF  }
0x160: {  	p0 =	sne.s32 s0, $0x0;
	s0 =	rddreg [dreg:$0x3]  }
0x161: {  	s0 =	sadd.s32 @!p0 $0x100000, s0  }
0x162: {  	[sflag:s0] =	ssyncadd.tile.s32 @!p0 $0x1;
	_ =	shalt  }
.Lfunc_end2:
_tile_overlayer_lowered:
.L_overlay_start_2:
0x163: {  	(tag) =	ssettag $0x2  }
0x164: {  	s0 =	rddreg [dreg:$0x0];
	s2 =	stileid.u32  }
0x165: {  	s1 =	rddreg [dreg:$0x1];
	p0 =	sne.s32 s2, $0x0  }
0x166: {  	s3 =	rddreg [dreg:$0x2];
	[bflag:$0x3] =	sbarrier.arrive $0xFFFF;
	s2 =	simm.s32 @!p0 $0x1C03  }
0x167: {  	[timem:s3], [sflag:s2] =	dma.local @!p0 [hbm:s0], s1  }
0x168: {  	s0 =	simm.s32 @!p0 $0x3  }
0x169: {  	_ =	swait.ge @!p0 [sflag:s0], s1  }
0x16a: {  	s1 =	ssub.s32 @!p0 $0x0, s1;
	[sflag:s0] =	ssyncset.done @!p0 $0x0  }
0x16b: {  	[sflag:s0] =	ssyncadd.s32 @!p0 s1  }
0x16c: {  	[bflag:$0x3] =	sbarrier.arrive $0xFFFF  }
0x16d: {  	_ =	shalt  }

// kernel: kernel.18.cloned.1.call-start
scs
__scs_entry_jumppad:
0x0: {  	(pc) =	sbr.rel $0x88, $3  }
0x1: {  	(tag) =	ssettag $0x0;
	lr =	simm.s32 $0x1  }
0x2: {  	[smem:$0x3F8E] =	sst lr;
	_ =	strace $0xD0000000  }
0x3: {  	_ = 	snop  }
0x4: {  	_ = 	snop  }
0x5: {  	_ = 	snop  }
0x6: {  	_ = 	snop  }
0x7: {  	_ = 	snop  }
__scs_overlays_trampoline_lowered:
0x8: {  	[smem:$0x3F9D] =	sst s0  }
0x9: {  	[smem:$0x3F9E] =	sst s1  }
0xa: {  	[smem:$0x3F9F] =	sst s2  }
0xb: {  	[smem:$0x3FA0] =	sst s3  }
0xc: {  	[smem:$0x3FA1] =	sst s4  }
0xd: {  	[smem:$0x3FA2] =	sst s5  }
0xe: {  	[smem:$0x3FA3] =	sst s6  }
0xf: {  	[smem:$0x3FA4] =	sst s7  }
0x10: {  	[smem:$0x3FA5] =	sst s8  }
0x11: {  	[smem:$0x3FA6] =	sst s9;
	s0 =	simm.s32 @!p0 $0x0  }
0x12: {  	s1 =	sld [smem:$0x3F8C];
	s0 =	simm.s32 @p0 $0x1  }
0x13: {  	[smem:$0x3FA7] =	sst s0;
	s0 =	simm.s32 @!p1 $0x0  }
0x14: {  	s2 =	sld [smem:$0x3F8B];
	s0 =	simm.s32 @p1 $0x1  }
0x15: {  	[smem:$0x3FA8] =	sst s0;
	s0 =	simm.s32 @!p2 $0x0  }
0x16: {  	s3 =	sld [smem:$0x3FDB];
	s0 =	simm.s32 @p2 $0x1  }
0x17: {  	s4 =	simm.s32 $0x1BF5;
	[smem:$0x3FAA] =	sst s0  }
0x18: {  	s0 =	sld [smem:$0x3F8D];
	_ =	swait.ge [sflag:s4], $0x0  }
0x19: {  	s7 =	sld [smem:$0x3F8E]  }
0x1a: {  	s8 =	sadd.s32 $0xFFFFE003, lr  }
0x1b: {  	s9 =	sadd.s32 $0xFFFFFEF7, lr;
	s5 =	simm.s32 $0xFFFFFFFF;
	p2 =	slt.u32 s8, $0xFFFFF086  }
0x1c: {  	p1 =	slt.u32 s9, $0xF7A;
	s5 =	simm.s32 @!p2 $0x0  }
0x1d: {  	s5 =	simm.s32 @p1 $0x1;
	p0 =	seq.s32 s7, s2  }
0x1e: {  	s7 =	smul.u32 @!p0 $0xF7A, s2;
	p2 =	seq.s32 @!p0 s5, $0x0  }
0x1f: {  	s9 =	smul.u32 $0xF7A, s1;
	s8 =	simm.s32 @!p0 $0x1BF5;
	p2 =	por !p2, p0  }
0x20: {  	[sflag:s8] =	ssyncset.s32 @!p0 $0xFFFFF086;
	s6 =	sadd.s32 @!p0 s3, s7;
	s7 =	simm.s32 @!p0 $0x108  }
0x21: {  	s3 =	sadd.s32 s3, s9;
	s6 =	sadd.s32 @!p0 $0x88, s6;
	s7 =	simm.s32 @p2 $0x1082  }
0x22: {  	[simem:s7], [sflag:s8] =	dma.local @!p0 [hbm:s6], $0xF7A  }
0x23: {  	s9 =	sor.u32 $0xD0000000, s2;
	s6 =	simm.s32 $0x108;
	_ =	swait.ge @!p0 [sflag:s8], $0x0  }
0x24: {  	s3 =	sadd.s32 $0x88, s3;
	s6 =	simm.s32 @!p1 $0x1082;
	[sflag:s4] =	ssyncset.s32 $0xFFFFF086  }
0x25: {  	[simem:s6], [sflag:s4] =	dma.local [hbm:s3], $0xF7A  }
0x26: {  	[smem:$0x3F8E] =	sst s1;
	(tag) =	ssettag s2;
	_ =	strace s9  }
0x27: {  	s1 =	sld [smem:$0x3F9E]  }
0x28: {  	s2 =	sld [smem:$0x3F9F]  }
0x29: {  	s4 =	sld [smem:$0x3FA1]  }
0x2a: {  	p0 =	seq.s32 s5, $0x0;
	s5 =	sld [smem:$0x3FA2]  }
0x2b: {  	s6 =	sld [smem:$0x3FA3]  }
0x2c: {  	s7 =	sld [smem:$0x3FA4]  }
0x2d: {  	s3 =	simm.s32 $0x108;
	s8 =	sld [smem:$0x3FA5]  }
0x2e: {  	s3 =	simm.s32 @!p0 $0x1082;
	s9 =	sld [smem:$0x3FA6]  }
0x2f: {  	lr =	sadd.s32 s0, s3;
	s0 =	sld [smem:$0x3F9D]  }
0x30: {  	s3 =	sld [smem:$0x3FA0]  }
0x31: {  	[smem:$0x3FA9] =	sst s10  }
0x32: {  	s10 =	sld [smem:$0x3FA7];
	_ =	sdelay $0x3  }
0x33: {  	p0 =	seq.s32 s10, $0x1;
	s10 =	sld [smem:$0x3FA9];
	_ =	sdelay $0x3  }
0x34: {  	[smem:$0x3FA9] =	sst s10  }
0x35: {  	s10 =	sld [smem:$0x3FA8];
	_ =	sdelay $0x3  }
0x36: {  	p1 =	seq.s32 s10, $0x1;
	s10 =	sld [smem:$0x3FA9];
	_ =	sdelay $0x3  }
0x37: {  	[smem:$0x3FA9] =	sst s10  }
0x38: {  	s10 =	sld [smem:$0x3FAA]  }
0x39: {  	_ = 	snop;
	(pc) =	sbr.ind lr, $3  }
0x3a: {  	_ = 	snop  }
0x3b: {  	_ = 	snop  }
0x3c: {  	p2 =	seq.s32 s10, $0x1;
	s10 =	sld [smem:$0x3FA9]  }
0x3d: {  	_ =	shalt  }
0x3e: {  	_ =	shalt  }
0x3f: {  	_ =	shalt  }
0x40: {  	_ =	shalt  }
0x41: {  	_ =	shalt  }
0x42: {  	_ =	shalt  }
0x43: {  	_ =	shalt  }
0x44: {  	_ =	shalt  }
0x45: {  	_ =	shalt  }
0x46: {  	_ =	shalt  }
0x47: {  	_ =	shalt  }
0x48: {  	_ =	shalt  }
0x49: {  	_ =	shalt  }
0x4a: {  	_ =	shalt  }
0x4b: {  	_ =	shalt  }
0x4c: {  	_ =	shalt  }
0x4d: {  	_ =	shalt  }
0x4e: {  	_ =	shalt  }
0x4f: {  	_ =	shalt  }
0x50: {  	_ =	shalt  }
0x51: {  	_ =	shalt  }
0x52: {  	_ =	shalt  }
0x53: {  	_ =	shalt  }
0x54: {  	_ =	shalt  }
0x55: {  	_ =	shalt  }
0x56: {  	_ =	shalt  }
0x57: {  	_ =	shalt  }
0x58: {  	_ =	shalt  }
0x59: {  	_ =	shalt  }
0x5a: {  	_ =	shalt  }
0x5b: {  	_ =	shalt  }
0x5c: {  	_ =	shalt  }
0x5d: {  	_ =	shalt  }
0x5e: {  	_ =	shalt  }
0x5f: {  	_ =	shalt  }
0x60: {  	_ =	shalt  }
0x61: {  	_ =	shalt  }
0x62: {  	_ =	shalt  }
0x63: {  	_ =	shalt  }
0x64: {  	_ =	shalt  }
0x65: {  	_ =	shalt  }
0x66: {  	_ =	shalt  }
0x67: {  	_ =	shalt  }
0x68: {  	_ =	shalt  }
0x69: {  	_ =	shalt  }
0x6a: {  	_ =	shalt  }
0x6b: {  	_ =	shalt  }
0x6c: {  	_ =	shalt  }
0x6d: {  	_ =	shalt  }
0x6e: {  	_ =	shalt  }
0x6f: {  	_ =	shalt  }
0x70: {  	_ =	shalt  }
0x71: {  	_ =	shalt  }
0x72: {  	_ =	shalt  }
0x73: {  	_ =	shalt  }
0x74: {  	_ =	shalt  }
0x75: {  	_ =	shalt  }
0x76: {  	_ =	shalt  }
0x77: {  	_ =	shalt  }
0x78: {  	_ =	shalt  }
0x79: {  	_ =	shalt  }
0x7a: {  	_ =	shalt  }
0x7b: {  	_ =	shalt  }
0x7c: {  	_ =	shalt  }
0x7d: {  	_ =	shalt  }
0x7e: {  	_ =	shalt  }
0x7f: {  	_ =	shalt  }
0x80: {  	_ =	shalt  }
0x81: {  	_ =	shalt  }
0x82: {  	_ =	shalt  }
0x83: {  	_ =	shalt  }
0x84: {  	_ =	shalt  }
0x85: {  	_ =	shalt  }
0x86: {  	_ =	shalt  }
0x87: {  	_ =	shalt  }
.Lfunc_end0:
.L_simem_size_0:
called_computation.2_lowered:
.L_overlay_start_0:
0x88: {  	s2 =	sld [smem:$0x3FD9]  }
0x89: {  	s3 =	sld [smem:$0x3FFE];
	_ =	sdelay $0x1  }
0x8a: {  	s1 =	srdreg.scid  }
0x8b: {  	s0 =	sand.u32 $0x1, s1  }
0x8c: {  	s15 =	sshll.u32 s0, $0xA;
	s2 =	sadd.s32 s3, s2  }
0x8d: {  	s2 =	sadd.s32 s2, s15  }
0x8e: {  	[smem:$0x3FB5] =	sst s2  }
0x8f: {  	_ = 	snop  }
0x90: {  	s2 =	sld [smem:$0x3FD0];
	_ =	sdelay $0x2  }
0x91: {  	s16 =	simm.s32 $0xC;
	s4 =	simm.s32 $0x10  }
0x92: {  	[smem:s4], [sflag:s16] =	dma.local [hbm:s2], $0x1  }
0x93: {  	_ =	swait.eq [sflag:s16], $0x1  }
0x94: {  	[sflag:s16] =	ssyncset.done $0x0  }
0x95: {  	[sflag:s16] =	ssyncadd.s32 $0xFFFFFFFF  }
0x96: {  	s17 =	sld [smem:$0x10];
	(tm) =	ssettm $0x1  }
0x97: {  	s18 =	sld [smem:$0x3FFB];
	_ =	sdelay $0x3  }
0x98: {  	_ =	strace s18  }
0x99: {  	s2 =	sld [smem:$0x3FFC];
	_ =	sdelay $0x3  }
0x9a: {  	_ =	strace s2  }
0x9b: {  	s2 =	sld [smem:$0x3FFD];
	_ =	sdelay $0x3  }
0x9c: {  	_ =	strace s2  }
0x9d: {  	_ =	strace $0x8FFFFFFF  }
0x9e: {  	s19 =	sld [smem:$0x3FDB];
	_ =	sdelay $0x1  }
0x9f: {  	s20 =	simm.s32 $_scs_section_size  }
0xa0: {  	s5 =	simm.s32 $_size__tile_overlayer_lowered;
	s6 =	simm.s32 $_tile_overlayer_lowered  }
0xa1: {  	s7 =	simm.s32 $0x1BFF;
	s21 =	sshll.u32 s6, $0x1;
	s4 =	sadd.s32 s20, s19  }
0xa2: {  	s22 =	simm.s32 $0x0;
	s5 =	sshll.u32 s5, $0x1;
	s6 =	sadd.s32 s21, s4  }
0xa3: {  	[timem:s22], [sflag:s7] =	dma.local [hbm:s6], s5  }
0xa4: {  	_ =	swait.ge [sflag:s7], s5  }
0xa5: {  	s5 =	ssub.s32 $0x0, s5;
	[sflag:s7] =	ssyncset.done $0x0  }
0xa6: {  	[sflag:s7] =	ssyncadd.s32 s5;
	_ =	sdelay $0x1  }
0xa7: {  	s23 =	simm.s32 $0x1B8B  }
0xa8: {  	_ =	swait.ge [sflag:s23], $0x1  }
0xa9: {  	[sflag:s23] =	ssyncset.done $0x0  }
0xaa: {  	[sflag:s23] =	ssyncadd.s32 $0xFFFFFFFF  }
0xab: {  	s5 =	sld [smem:$0x0]  }
0xac: {  	s6 =	sand.u32 $0xFFFFFFFE, s1  }
0xad: {  	p0 =	sne.s32 s1, s6  }
0xae: {  	s6 =	sshll.u32 @p0 s6, $0xE  }
0xaf: {  	s6 =	sadd.s32 @p0 $0x11B8D, s6;
	s7 =	sshll.u32 @p0 s5, $0x11  }
0xb0: {  	s6 =	sor.u32 @p0 s7, s6  }
0xb1: {  	[sflag:s6] =	ssyncadd.remote.s32 @p0 $0x1;
	_ =	sdelay $0x1  }
0xb2: {  	s6 =	simm.s32 @p0 $0x1B8D  }
0xb3: {  	_ =	swait.eq @p0 [sflag:s6], $0x1  }
0xb4: {  	[sflag:s6] =	ssyncadd.s32 @p0 $0xFFFFFFFF  }
0xb5: {  	s7 =	sshll.u32 @!p0 s1, $0xE  }
0xb6: {  	s7 =	sor.u32 @!p0 $0x4000, s7;
	s6 =	simm.s32 @!p0 $0x1B8D  }
0xb7: {  	s5 =	sshll.u32 @!p0 s5, $0x11;
	s7 =	sadd.s32 @!p0 $0x11B8D, s7;
	_ =	swait.eq @!p0 [sflag:s6], $0x1  }
0xb8: {  	s5 =	sor.u32 @!p0 s5, s7;
	[sflag:s6] =	ssyncadd.s32 @!p0 $0xFFFFFFFF  }
0xb9: {  	s25 =	simm.s32 $0x1B8E;
	s24 =	sld [smem:$0x3FFE];
	[sflag:s5] =	ssyncadd.remote.s32 @!p0 $0x1  }
0xba: {  	s26 =	simm.s32 $execute0_lowered;
	[smem:$0x3FD2] =	sst s25  }
0xbb: {  	s6 =	sshll.u32 s26, $0x1;
	_ =	strace $0x8000004C;
	[dreg:$0x1] =	wrdreg $0xFFFFFFFF  }
0xbc: {  	s28 =	simm.s32 $_size_execute0_lowered;
	s4 =	sadd.s32 s4, s6;
	[dreg:$0x0] =	wrdreg $0x0  }
0xbd: {  	s6 =	sshll.u32 s28, $0x1;
	[dreg:$0x2] =	wrdreg s4  }
0xbe: {  	[dreg:$0x3] =	wrdreg s6  }
0xbf: {  	[dreg:$0x4] =	wrdreg $0xC0  }
0xc0: {  	_ =	task [dreg:s22], $0x5FFFF  }
0xc1: {  	[dreg:$0x1] =	wrdreg $0xFFFFFFFF  }
0xc2: {  	[dreg:$0x0] =	wrdreg $0x60  }
0xc3: {  	[dreg:$0x2] =	wrdreg s17  }
0xc4: {  	[dreg:$0x3] =	wrdreg s24  }
0xc5: {  	[dreg:$0x4] =	wrdreg $0x4800  }
0xc6: {  	[dreg:$0x5] =	wrdreg $0xA  }
0xc7: {  	_ =	task.clear_ibuf [dreg:s22], $0x6FFFF;
	_ =	strace $0x9000004C  }
0xc8: {  	s29 =	simm.s32 $0xA;
	_ =	strace $0x8000004E  }
0xc9: {  	_ =	swait.ge [sflag:s29], $0x1  }
0xca: {  	[sflag:s29] =	ssyncadd.s32 $0xFFFFFFFF  }
0xcb: {  	_ =	strace $0x9000004E  }
0xcc: {  	_ =	sfence  }
0xcd: {  	s30 =	sld [smem:$0x0];
	_ =	sdelay $0x2  }
0xce: {  	s31 =	sshll.u32 s1, $0xD;
	s1 =	sshrl.u32 s1, $0x2  }
0xcf: {  	s4 =	sand.u32 $0x4000, s31;
	s1 =	sadd.s32 s1, s30  }
0xd0: {  	s0 =	sor.u32 s4, s0;
	s1 =	sshll.u32 s1, $0x11  }
0xd1: {  	s0 =	sor.u32 s1, s0  }
0xd2: {  	s0 =	sadd.s32 $0x8F2B, s0  }
0xd3: {  	[sflag:s0] =	ssyncadd.remote.s32 $0x1  }
0xd4: {  	_ =	sfence.sel $0xFFFF  }
0xd5: {  	[dreg:$0x0] =	wrdreg $0xFFFFFFFF;
	(pc) =	sbr.abs _section_cstart, $3  }
0xd6: {  	[dreg:$0x1] =	wrdreg $0xFFFFFFFF  }
0xd7: {  	_ =	task.clear_ibuf [dreg:s22], $0x2FFFF;
	_ =	strace $0x9FFFFFFF  }
0xd8: {  	(tm) =	ssettm $0x7FFFFFFF  }
0xd9: {  	_ =	shalt  }
tec
execute0_lowered:
.L_overlay_start_1:
0x0: {  	(tag) =	ssettag $0x1  }
0x1: {  	s7 =	rddreg [dreg:$0x0]  }
0x2: {  	s4 =	rddreg [dreg:$0x1];
	s0 =	srdreg.scid  }
0x3: {  	s2 =	rddreg [dreg:$0x2];
	s1 =	stileid.u32  }
0x4: {  	s3 =	simm.s32 $0x0;
	s12 =	simm.s32 $0xC8;
	s15 =	simm.s32 $0x80  }
0x5: {  	s16 =	simm.s32 $0x10;
	s17 =	simm.s32 $0x0;
	s8 =	smul.u32 $0x1388, s1  }
0x6: {  	s5 =	sand.u32 $0x1, s0;
	s0 =	rddreg [dreg:$0x3];
	s28 =	smul.u32 $0xA00, s1  }
0x7: {  	s10 =	sshrl.u32 s1, $0x3;
	[smem:$0x7FF] =	sst s3;
	s6 =	smul.u32 $0x13880, s5  }
0x8: {  	s25 =	sshll.u32 s1, $0x7;
	s13 =	sshll.u32 s1, $0x6;
	s9 =	smul.u32 $0x2800, s5  }
0x9: {  	s10 =	smul.u32 $0x1400, s10;
	_ =	strace $0x8000004D;
	s5 =	ssub.s32 $0x2, s5  }
0xa: {  	s13 =	sor.u32 $0x1C01, s13;
	s30 =	sshrl.u32 s5, $0x1;
	s31 =	sshrl.u32 s28, $0x2  }
0xb: {  	s6 =	sadd.s32 s8, s6;
	s26 =	sadd.s32 s9, s10;
	s8 =	sand.u32 $0x380, s25  }
0xc: {  	s10 =	ssub.s32 s5, s30;
	s11 =	sshrl.u32 s6, $0x3;
	s6 =	sor.u32 s8, s26  }
0xd: {  	s9 =	simm.s32 $0x200;
	s29 =	sadd.s32 s11, s4;
	s6 =	sshrl.u32 s6, $0x3  }
0xe: {  	s7 =	sadd.s32 s11, s7;
	s11 =	simm.s32 $0x100;
	s6 =	sadd.s32 s6, s4  }
0xf: {  	s4 =	sadd.s32 s31, s2;
	s8 =	sadd.s32 $0x8A00, s29;
	s5 =	sadd.s32 $0x3A00, s6  }
0x10: {  	v0 =	vimm.f32 $0.0e+00;
	s6 =	smax.u32 s10, $0x1;
	s10 =	simm.s32 $0x1;
	s14 =	sshrl.u32 s4, $0x3  }
.LBB2_1:
0x11: {  	[tilespmem:$0x200] =	vst v0  }
0x12: {  	[tilespmem:$0x210] =	vst v0  }
0x13: {  	[tilespmem:$0x220] =	vst v0  }
0x14: {  	[tilespmem:$0x230] =	vst v0  }
0x15: {  	[tilespmem:$0x240] =	vst v0  }
0x16: {  	[tilespmem:$0x250] =	vst v0  }
0x17: {  	[tilespmem:$0x260] =	vst v0  }
0x18: {  	[tilespmem:$0x270] =	vst v0  }
0x19: {  	[tilespmem:$0x280] =	vst v0  }
0x1a: {  	[tilespmem:$0x290] =	vst v0  }
0x1b: {  	[tilespmem:$0x2A0] =	vst v0  }
0x1c: {  	[tilespmem:$0x2B0] =	vst v0  }
0x1d: {  	[tilespmem:$0x2C0] =	vst v0  }
0x1e: {  	[tilespmem:$0x2D0] =	vst v0  }
0x1f: {  	[tilespmem:$0x2E0] =	vst v0  }
0x20: {  	[tilespmem:$0x2F0] =	vst v0  }
0x21: {  	[tilespmem:$0x300] =	vst v0  }
0x22: {  	[tilespmem:$0x310] =	vst v0  }
0x23: {  	[tilespmem:$0x320] =	vst v0  }
0x24: {  	[tilespmem:$0x330] =	vst v0  }
0x25: {  	[tilespmem:$0x340] =	vst v0  }
0x26: {  	[tilespmem:$0x350] =	vst v0  }
0x27: {  	[tilespmem:$0x360] =	vst v0  }
0x28: {  	[tilespmem:$0x370] =	vst v0  }
0x29: {  	[tilespmem:$0x380] =	vst v0  }
0x2a: {  	[tilespmem:$0x390] =	vst v0  }
0x2b: {  	[tilespmem:$0x3A0] =	vst v0  }
0x2c: {  	[tilespmem:$0x3B0] =	vst v0  }
0x2d: {  	[tilespmem:$0x3C0] =	vst v0  }
0x2e: {  	[tilespmem:$0x3D0] =	vst v0  }
0x2f: {  	[tilespmem:$0x3E0] =	vst v0  }
0x30: {  	[tilespmem:$0x3F0] =	vst v0  }
0x31: {  	[tilespmem:$0x400] =	vst v0  }
0x32: {  	[tilespmem:$0x410] =	vst v0  }
0x33: {  	[tilespmem:$0x420] =	vst v0  }
0x34: {  	[tilespmem:$0x430] =	vst v0  }
0x35: {  	[tilespmem:$0x440] =	vst v0  }
0x36: {  	[tilespmem:$0x450] =	vst v0  }
0x37: {  	[tilespmem:$0x460] =	vst v0  }
0x38: {  	[tilespmem:$0x470] =	vst v0  }
0x39: {  	[spmem:s4] =	stream.linear.scatter [tilespmem:s9], [sflag:$0x1], $0x280, $0x38;
	[tilespmem:$0x700] =	vst v63  }
0x3a: {  	_ =	swait.ge [sflag:s10], $0x280  }
0x3b: {  	[sflag:s10] =	ssyncset.done $0x0  }
0x3c: {  	[sflag:s10] =	ssyncadd.s32 $0xFFFFFD80  }
0x3d: {  	s18 =	sadd.s32 $0x0, s8;
	[bflag:$0x0] =	sbarrier.arrive $0xFFFF  }
0x3e: {  	[tilespmem:s3], [sflag:$0x1] =	stream.linear.gather [hbm4b:s18+s3], $0xC8, $0x38;
	[tilespmem:$0x700] =	vst v63  }
0x3f: {  	_ =	swait.ge [sflag:s10], $0xC8  }
0x40: {  	[sflag:s10] =	ssyncset.done $0x0  }
0x41: {  	s31 =	sadd.s32 $0x0, s7;
	[sflag:s10] =	ssyncadd.s32 $0xFFFFFF38  }
0x42: {  	[tilespmem:s11], [sflag:$0x1] =	stream.linear.gather [hbm4b:s31+s3], $0xC8, $0x38;
	[tilespmem:$0x700] =	vst v63  }
0x43: {  	_ =	swait.ge [sflag:s10], $0xC8  }
0x44: {  	[sflag:s10] =	ssyncset.done $0x0  }
0x45: {  	[sflag:s10] =	ssyncadd.s32 $0xFFFFFF38  }
0x46: {  	[spmem:s2] =	stream.indirect.scatter.add.f32 [tilespmem:s11], [sflag:$0x1], $0x1, s3, s12, $0xb8;
	[tilespmem:$0x700] =	vst v63  }
0x47: {  	_ =	swait.ge [sflag:s10], $0xC8  }
0x48: {  	s19 =	simm.s32 $0x32;
	s18 =	simm.s32 $0x19;
	[sflag:s10] =	ssyncset.done $0x0  }
.LBB2_2:
0x49: {  	s20 =	sadd.s32 s18, s8  }
0x4a: {  	[sflag:s10] =	ssyncadd.s32 $0xFFFFFF38;
	s21 =	smov.u32 s19;
	s22 =	sadd.s32 $0x19, s19  }
0x4b: {  	[tilespmem:s3], [sflag:$0x1] =	stream.linear.gather [hbm4b:s20+s3], $0xC8, $0x38;
	[tilespmem:$0x700] =	vst v63  }
0x4c: {  	p0 =	sne.s32 s19, $0x258;
	_ =	swait.ge [sflag:s10], $0xC8  }
0x4d: {  	[sflag:s10] =	ssyncset.done $0x0  }
0x4e: {  	s19 =	sadd.s32 s18, s7;
	s18 =	smov.u32 s21;
	[sflag:s10] =	ssyncadd.s32 $0xFFFFFF38  }
0x4f: {  	[tilespmem:s11], [sflag:$0x1] =	stream.linear.gather [hbm4b:s19+s3], $0xC8, $0x38;
	[tilespmem:$0x700] =	vst v63  }
0x50: {  	_ =	swait.ge [sflag:s10], $0xC8  }
.Ltmp0:
0x51: {  	[sflag:s10] =	ssyncset.done $0x0;
	(pc) =	sbr.rel @p0 .LBB2_2-.Ltmp0, $4  }
0x52: {  	[sflag:s10] =	ssyncadd.s32 $0xFFFFFF38  }
0x53: {  	[spmem:s2] =	stream.indirect.scatter.add.f32 [tilespmem:s11], [sflag:$0x1], $0x1, s3, s12, $0xb8;
	[tilespmem:$0x700] =	vst v63  }
0x54: {  	_ =	swait.ge [sflag:s10], $0xC8  }
0x55: {  	s19 =	smov.u32 s22;
	[sflag:s10] =	ssyncset.done $0x0  }
0x56: {  	s19 =	sadd.s32 s18, s8;
	[sflag:s10] =	ssyncadd.s32 $0xFFFFFF38  }
0x57: {  	[tilespmem:s3], [sflag:$0x1] =	stream.linear.gather [hbm4b:s19+s3], $0xC8, $0x38;
	[tilespmem:$0x700] =	vst v63  }
0x58: {  	_ =	swait.ge [sflag:s10], $0xC8  }
0x59: {  	[sflag:s10] =	ssyncset.done $0x0  }
0x5a: {  	s31 =	sadd.s32 s18, s7;
	[sflag:s10] =	ssyncadd.s32 $0xFFFFFF38  }
0x5b: {  	[tilespmem:s11], [sflag:$0x1] =	stream.linear.gather [hbm4b:s31+s3], $0xC8, $0x38;
	[tilespmem:$0x700] =	vst v63  }
0x5c: {  	_ =	swait.ge [sflag:s10], $0xC8  }
0x5d: {  	[sflag:s10] =	ssyncset.done $0x0  }
0x5e: {  	[sflag:s10] =	ssyncadd.s32 $0xFFFFFF38  }
0x5f: {  	[spmem:s2] =	stream.indirect.scatter.add.f32 [tilespmem:s11], [sflag:$0x1], $0x1, s3, s12, $0xb8;
	[tilespmem:$0x700] =	vst v63  }
0x60: {  	_ =	swait.ge [sflag:s10], $0xC8  }
0x61: {  	s17 =	sadd.s32 $0x1, s17;
	[sflag:s10] =	ssyncset.done $0x0  }
0x62: {  	p0 =	sne.s32 s17, s6;
	[sflag:s10] =	ssyncadd.s32 $0xFFFFFF38  }
.Ltmp1:
0x63: {  	[bflag:$0x0] =	sbarrier.arrive $0xFFFF;
	(pc) =	sbr.rel @p0 .LBB2_1-.Ltmp1, $4  }
0x64: {  	[hbm:s5@s15], [sflag:s13] =	dma.strided [spmem:s14@s16], $0x50, s10, $0x10   }
0x65: {  	_ =	swait.ge [sflag:s10], $0x50  }
0x66: {  	[sflag:s10] =	ssyncset.done $0x0  }
0x67: {  	[sflag:s10] =	ssyncadd.s32 $0xFFFFFFB0  }
0x68: {  	_ =	sfence.sel $0x180000  }
0x69: {  	[bflag:$0x0] =	sbarrier.arrive $0xFFFF  }
0x6a: {  	p0 =	sne.s32 s1, $0x0;
	_ =	strace $0x9000004D  }
0x6b: {  	s0 =	sadd.s32 @!p0 $0x100000, s0;
	[bflag:$0x2] =	sbarrier.arrive $0xFFFF  }
0x6c: {  	[sflag:s0] =	ssyncadd.tile.s32 @!p0 $0x1;
	_ =	shalt  }
.Lfunc_end2:
_tile_overlayer_lowered:
.L_overlay_start_2:
0x6d: {  	(tag) =	ssettag $0x2  }
0x6e: {  	s0 =	rddreg [dreg:$0x0];
	s2 =	stileid.u32  }
0x6f: {  	s1 =	rddreg [dreg:$0x1];
	p0 =	sne.s32 s2, $0x0  }
0x70: {  	s3 =	rddreg [dreg:$0x2];
	[bflag:$0x3] =	sbarrier.arrive $0xFFFF;
	s2 =	simm.s32 @!p0 $0x1C01  }
0x71: {  	[timem:s3], [sflag:s2] =	dma.local @!p0 [hbm:s0], s1  }
0x72: {  	s0 =	simm.s32 @!p0 $0x1  }
0x73: {  	_ =	swait.ge @!p0 [sflag:s0], s1  }
0x74: {  	s1 =	ssub.s32 @!p0 $0x0, s1;
	[sflag:s0] =	ssyncset.done @!p0 $0x0  }
0x75: {  	[sflag:s0] =	ssyncadd.s32 @!p0 s1  }
0x76: {  	[bflag:$0x3] =	sbarrier.arrive $0xFFFF  }
0x77: {  	_ =	shalt  }

// kernel: kernel.21.cloned.1.call-start
scs
__scs_entry_jumppad:
0x0: {  	(pc) =	sbr.rel $0x88, $3  }
0x1: {  	(tag) =	ssettag $0x0;
	lr =	simm.s32 $0x1  }
0x2: {  	[smem:$0x3F8E] =	sst lr;
	_ =	strace $0xD0000000  }
0x3: {  	_ = 	snop  }
0x4: {  	_ = 	snop  }
0x5: {  	_ = 	snop  }
0x6: {  	_ = 	snop  }
0x7: {  	_ = 	snop  }
__scs_overlays_trampoline_lowered:
0x8: {  	[smem:$0x3F9D] =	sst s0  }
0x9: {  	[smem:$0x3F9E] =	sst s1  }
0xa: {  	[smem:$0x3F9F] =	sst s2  }
0xb: {  	[smem:$0x3FA0] =	sst s3  }
0xc: {  	[smem:$0x3FA1] =	sst s4  }
0xd: {  	[smem:$0x3FA2] =	sst s5  }
0xe: {  	[smem:$0x3FA3] =	sst s6  }
0xf: {  	[smem:$0x3FA4] =	sst s7  }
0x10: {  	[smem:$0x3FA5] =	sst s8  }
0x11: {  	[smem:$0x3FA6] =	sst s9;
	s0 =	simm.s32 @!p0 $0x0  }
0x12: {  	s1 =	sld [smem:$0x3F8C];
	s0 =	simm.s32 @p0 $0x1  }
0x13: {  	[smem:$0x3FA7] =	sst s0;
	s0 =	simm.s32 @!p1 $0x0  }
0x14: {  	s2 =	sld [smem:$0x3F8B];
	s0 =	simm.s32 @p1 $0x1  }
0x15: {  	[smem:$0x3FA8] =	sst s0;
	s0 =	simm.s32 @!p2 $0x0  }
0x16: {  	s3 =	sld [smem:$0x3FDB];
	s0 =	simm.s32 @p2 $0x1  }
0x17: {  	s4 =	simm.s32 $0x1BF5;
	[smem:$0x3FAA] =	sst s0  }
0x18: {  	s0 =	sld [smem:$0x3F8D];
	_ =	swait.ge [sflag:s4], $0x0  }
0x19: {  	s7 =	sld [smem:$0x3F8E]  }
0x1a: {  	s8 =	sadd.s32 $0xFFFFE003, lr  }
0x1b: {  	s9 =	sadd.s32 $0xFFFFFEF7, lr;
	s5 =	simm.s32 $0xFFFFFFFF;
	p2 =	slt.u32 s8, $0xFFFFF086  }
0x1c: {  	p1 =	slt.u32 s9, $0xF7A;
	s5 =	simm.s32 @!p2 $0x0  }
0x1d: {  	s5 =	simm.s32 @p1 $0x1;
	p0 =	seq.s32 s7, s2  }
0x1e: {  	s7 =	smul.u32 @!p0 $0xF7A, s2;
	p2 =	seq.s32 @!p0 s5, $0x0  }
0x1f: {  	s9 =	smul.u32 $0xF7A, s1;
	s8 =	simm.s32 @!p0 $0x1BF5;
	p2 =	por !p2, p0  }
0x20: {  	[sflag:s8] =	ssyncset.s32 @!p0 $0xFFFFF086;
	s6 =	sadd.s32 @!p0 s3, s7;
	s7 =	simm.s32 @!p0 $0x108  }
0x21: {  	s3 =	sadd.s32 s3, s9;
	s6 =	sadd.s32 @!p0 $0x88, s6;
	s7 =	simm.s32 @p2 $0x1082  }
0x22: {  	[simem:s7], [sflag:s8] =	dma.local @!p0 [hbm:s6], $0xF7A  }
0x23: {  	s9 =	sor.u32 $0xD0000000, s2;
	s6 =	simm.s32 $0x108;
	_ =	swait.ge @!p0 [sflag:s8], $0x0  }
0x24: {  	s3 =	sadd.s32 $0x88, s3;
	s6 =	simm.s32 @!p1 $0x1082;
	[sflag:s4] =	ssyncset.s32 $0xFFFFF086  }
0x25: {  	[simem:s6], [sflag:s4] =	dma.local [hbm:s3], $0xF7A  }
0x26: {  	[smem:$0x3F8E] =	sst s1;
	(tag) =	ssettag s2;
	_ =	strace s9  }
0x27: {  	s1 =	sld [smem:$0x3F9E]  }
0x28: {  	s2 =	sld [smem:$0x3F9F]  }
0x29: {  	s4 =	sld [smem:$0x3FA1]  }
0x2a: {  	p0 =	seq.s32 s5, $0x0;
	s5 =	sld [smem:$0x3FA2]  }
0x2b: {  	s6 =	sld [smem:$0x3FA3]  }
0x2c: {  	s7 =	sld [smem:$0x3FA4]  }
0x2d: {  	s3 =	simm.s32 $0x108;
	s8 =	sld [smem:$0x3FA5]  }
0x2e: {  	s3 =	simm.s32 @!p0 $0x1082;
	s9 =	sld [smem:$0x3FA6]  }
0x2f: {  	lr =	sadd.s32 s0, s3;
	s0 =	sld [smem:$0x3F9D]  }
0x30: {  	s3 =	sld [smem:$0x3FA0]  }
0x31: {  	[smem:$0x3FA9] =	sst s10  }
0x32: {  	s10 =	sld [smem:$0x3FA7];
	_ =	sdelay $0x3  }
0x33: {  	p0 =	seq.s32 s10, $0x1;
	s10 =	sld [smem:$0x3FA9];
	_ =	sdelay $0x3  }
0x34: {  	[smem:$0x3FA9] =	sst s10  }
0x35: {  	s10 =	sld [smem:$0x3FA8];
	_ =	sdelay $0x3  }
0x36: {  	p1 =	seq.s32 s10, $0x1;
	s10 =	sld [smem:$0x3FA9];
	_ =	sdelay $0x3  }
0x37: {  	[smem:$0x3FA9] =	sst s10  }
0x38: {  	s10 =	sld [smem:$0x3FAA]  }
0x39: {  	_ = 	snop;
	(pc) =	sbr.ind lr, $3  }
0x3a: {  	_ = 	snop  }
0x3b: {  	_ = 	snop  }
0x3c: {  	p2 =	seq.s32 s10, $0x1;
	s10 =	sld [smem:$0x3FA9]  }
0x3d: {  	_ =	shalt  }
0x3e: {  	_ =	shalt  }
0x3f: {  	_ =	shalt  }
0x40: {  	_ =	shalt  }
0x41: {  	_ =	shalt  }
0x42: {  	_ =	shalt  }
0x43: {  	_ =	shalt  }
0x44: {  	_ =	shalt  }
0x45: {  	_ =	shalt  }
0x46: {  	_ =	shalt  }
0x47: {  	_ =	shalt  }
0x48: {  	_ =	shalt  }
0x49: {  	_ =	shalt  }
0x4a: {  	_ =	shalt  }
0x4b: {  	_ =	shalt  }
0x4c: {  	_ =	shalt  }
0x4d: {  	_ =	shalt  }
0x4e: {  	_ =	shalt  }
0x4f: {  	_ =	shalt  }
0x50: {  	_ =	shalt  }
0x51: {  	_ =	shalt  }
0x52: {  	_ =	shalt  }
0x53: {  	_ =	shalt  }
0x54: {  	_ =	shalt  }
0x55: {  	_ =	shalt  }
0x56: {  	_ =	shalt  }
0x57: {  	_ =	shalt  }
0x58: {  	_ =	shalt  }
0x59: {  	_ =	shalt  }
0x5a: {  	_ =	shalt  }
0x5b: {  	_ =	shalt  }
0x5c: {  	_ =	shalt  }
0x5d: {  	_ =	shalt  }
0x5e: {  	_ =	shalt  }
0x5f: {  	_ =	shalt  }
0x60: {  	_ =	shalt  }
0x61: {  	_ =	shalt  }
0x62: {  	_ =	shalt  }
0x63: {  	_ =	shalt  }
0x64: {  	_ =	shalt  }
0x65: {  	_ =	shalt  }
0x66: {  	_ =	shalt  }
0x67: {  	_ =	shalt  }
0x68: {  	_ =	shalt  }
0x69: {  	_ =	shalt  }
0x6a: {  	_ =	shalt  }
0x6b: {  	_ =	shalt  }
0x6c: {  	_ =	shalt  }
0x6d: {  	_ =	shalt  }
0x6e: {  	_ =	shalt  }
0x6f: {  	_ =	shalt  }
0x70: {  	_ =	shalt  }
0x71: {  	_ =	shalt  }
0x72: {  	_ =	shalt  }
0x73: {  	_ =	shalt  }
0x74: {  	_ =	shalt  }
0x75: {  	_ =	shalt  }
0x76: {  	_ =	shalt  }
0x77: {  	_ =	shalt  }
0x78: {  	_ =	shalt  }
0x79: {  	_ =	shalt  }
0x7a: {  	_ =	shalt  }
0x7b: {  	_ =	shalt  }
0x7c: {  	_ =	shalt  }
0x7d: {  	_ =	shalt  }
0x7e: {  	_ =	shalt  }
0x7f: {  	_ =	shalt  }
0x80: {  	_ =	shalt  }
0x81: {  	_ =	shalt  }
0x82: {  	_ =	shalt  }
0x83: {  	_ =	shalt  }
0x84: {  	_ =	shalt  }
0x85: {  	_ =	shalt  }
0x86: {  	_ =	shalt  }
0x87: {  	_ =	shalt  }
.Lfunc_end0:
.L_simem_size_0:
called_computation.3_lowered:
.L_overlay_start_0:
0x88: {  	s2 =	sld [smem:$0x3FD9]  }
0x89: {  	s3 =	sld [smem:$0x3FFE];
	_ =	sdelay $0x1  }
0x8a: {  	s1 =	srdreg.scid  }
0x8b: {  	s0 =	sand.u32 $0x1, s1  }
0x8c: {  	s17 =	sshll.u32 s0, $0xA;
	s2 =	sadd.s32 s3, s2  }
0x8d: {  	s2 =	sadd.s32 s2, s17  }
0x8e: {  	[smem:$0x3FB5] =	sst s2  }
0x8f: {  	_ = 	snop  }
0x90: {  	(tm) =	ssettm $0x1  }
0x91: {  	s18 =	sld [smem:$0x3FFB];
	_ =	sdelay $0x3  }
0x92: {  	_ =	strace s18  }
0x93: {  	s2 =	sld [smem:$0x3FFC];
	_ =	sdelay $0x3  }
0x94: {  	_ =	strace s2  }
0x95: {  	s2 =	sld [smem:$0x3FFD];
	_ =	sdelay $0x3  }
0x96: {  	_ =	strace s2  }
0x97: {  	_ =	strace $0x8FFFFFFF  }
0x98: {  	s19 =	sld [smem:$0x3FDB];
	_ =	sdelay $0x1  }
0x99: {  	s20 =	simm.s32 $_scs_section_size  }
0x9a: {  	s4 =	simm.s32 $_size__tile_overlayer_lowered;
	s5 =	simm.s32 $_tile_overlayer_lowered  }
0x9b: {  	s6 =	simm.s32 $0x1BFF;
	s21 =	sshll.u32 s5, $0x1;
	s3 =	sadd.s32 s20, s19  }
0x9c: {  	s22 =	simm.s32 $0x0;
	s4 =	sshll.u32 s4, $0x1;
	s5 =	sadd.s32 s21, s3  }
0x9d: {  	[timem:s22], [sflag:s6] =	dma.local [hbm:s5], s4  }
0x9e: {  	_ =	swait.ge [sflag:s6], s4  }
0x9f: {  	s4 =	ssub.s32 $0x0, s4;
	[sflag:s6] =	ssyncset.done $0x0  }
0xa0: {  	[sflag:s6] =	ssyncadd.s32 s4;
	_ =	sdelay $0x1  }
0xa1: {  	s23 =	simm.s32 $0x1B8B  }
0xa2: {  	_ =	swait.ge [sflag:s23], $0x1  }
0xa3: {  	[sflag:s23] =	ssyncset.done $0x0  }
0xa4: {  	[sflag:s23] =	ssyncadd.s32 $0xFFFFFFFF  }
0xa5: {  	s4 =	sld [smem:$0x0]  }
0xa6: {  	s5 =	sand.u32 $0xFFFFFFFE, s1  }
0xa7: {  	p0 =	sne.s32 s1, s5  }
0xa8: {  	s5 =	sshll.u32 @p0 s5, $0xE  }
0xa9: {  	s5 =	sadd.s32 @p0 $0x11B8D, s5;
	s6 =	sshll.u32 @p0 s4, $0x11  }
0xaa: {  	s5 =	sor.u32 @p0 s6, s5  }
0xab: {  	[sflag:s5] =	ssyncadd.remote.s32 @p0 $0x1;
	_ =	sdelay $0x1  }
0xac: {  	s5 =	simm.s32 @p0 $0x1B8D  }
0xad: {  	_ =	swait.eq @p0 [sflag:s5], $0x1  }
0xae: {  	[sflag:s5] =	ssyncadd.s32 @p0 $0xFFFFFFFF  }
0xaf: {  	s6 =	sshll.u32 @!p0 s1, $0xE  }
0xb0: {  	s6 =	sor.u32 @!p0 $0x4000, s6;
	s5 =	simm.s32 @!p0 $0x1B8D  }
0xb1: {  	s4 =	sshll.u32 @!p0 s4, $0x11;
	s6 =	sadd.s32 @!p0 $0x11B8D, s6;
	_ =	swait.eq @!p0 [sflag:s5], $0x1  }
0xb2: {  	s4 =	sor.u32 @!p0 s4, s6;
	[sflag:s5] =	ssyncadd.s32 @!p0 $0xFFFFFFFF  }
0xb3: {  	s25 =	simm.s32 $0x1B8E;
	s24 =	sld [smem:$0x3FFE];
	[sflag:s4] =	ssyncadd.remote.s32 @!p0 $0x1  }
0xb4: {  	s26 =	simm.s32 $execute0_lowered;
	[smem:$0x3FD2] =	sst s25  }
0xb5: {  	s5 =	sshll.u32 s26, $0x1;
	_ =	strace $0x8000004F;
	[dreg:$0x1] =	wrdreg $0xFFFFFFFF  }
0xb6: {  	s28 =	simm.s32 $_size_execute0_lowered;
	s3 =	sadd.s32 s3, s5;
	[dreg:$0x0] =	wrdreg $0x0  }
0xb7: {  	s5 =	sshll.u32 s28, $0x1;
	[dreg:$0x2] =	wrdreg s3  }
0xb8: {  	[dreg:$0x3] =	wrdreg s5  }
0xb9: {  	[dreg:$0x4] =	wrdreg $0xC0  }
0xba: {  	_ =	task [dreg:s22], $0x5FFFF  }
0xbb: {  	[dreg:$0x1] =	wrdreg $0xFFFFFFFF  }
0xbc: {  	[dreg:$0x0] =	wrdreg $0x60  }
0xbd: {  	[dreg:$0x2] =	wrdreg s24  }
0xbe: {  	[dreg:$0x3] =	wrdreg $0x65000  }
0xbf: {  	[dreg:$0x4] =	wrdreg $0xB  }
0xc0: {  	_ =	task.clear_ibuf [dreg:s22], $0x5FFFF;
	_ =	strace $0x9000004F  }
0xc1: {  	s29 =	simm.s32 $0xB;
	_ =	strace $0x80000051  }
0xc2: {  	_ =	swait.ge [sflag:s29], $0x1  }
0xc3: {  	[sflag:s29] =	ssyncadd.s32 $0xFFFFFFFF  }
0xc4: {  	_ =	strace $0x90000051  }
0xc5: {  	_ =	sfence  }
0xc6: {  	s30 =	sld [smem:$0x0];
	_ =	sdelay $0x2  }
0xc7: {  	s31 =	sshll.u32 s1, $0xD;
	s1 =	sshrl.u32 s1, $0x2  }
0xc8: {  	s4 =	sand.u32 $0x4000, s31;
	s1 =	sadd.s32 s1, s30  }
0xc9: {  	s0 =	sor.u32 s4, s0;
	s1 =	sshll.u32 s1, $0x11  }
0xca: {  	s0 =	sor.u32 s1, s0  }
0xcb: {  	s0 =	sadd.s32 $0x8F2B, s0  }
0xcc: {  	[sflag:s0] =	ssyncadd.remote.s32 $0x1  }
0xcd: {  	_ =	sfence.sel $0xFFFF  }
0xce: {  	[dreg:$0x0] =	wrdreg $0xFFFFFFFF;
	(pc) =	sbr.abs _section_cstart, $3  }
0xcf: {  	[dreg:$0x1] =	wrdreg $0xFFFFFFFF  }
0xd0: {  	_ =	task.clear_ibuf [dreg:s22], $0x2FFFF;
	_ =	strace $0x9FFFFFFF  }
0xd1: {  	(tm) =	ssettm $0x7FFFFFFF  }
tec
execute0_lowered:
.L_overlay_start_1:
0x0: {  	(tag) =	ssettag $0x1  }
0x1: {  	s0 =	srdreg.scid  }
0x2: {  	s6 =	rddreg [dreg:$0x0];
	s5 =	sand.u32 $0x1, s0  }
0x3: {  	s0 =	stileid.u32;
	s4 =	smul.u32 $0x1388000, s5  }
0x4: {  	s2 =	rddreg [dreg:$0x1];
	s7 =	smul.u32 $0x138800, s0  }
0x5: {  	s1 =	rddreg [dreg:$0x2];
	s3 =	simm.s32 $0x0;
	s28 =	smul.u32 $0x4E2, s0  }
0x6: {  	s20 =	simm.s32 $0x0;
	[smem:$0x7FF] =	sst s3;
	s29 =	smul.u32 $0x50000, s0  }
0x7: {  	s13 =	sadd.s32 $0x5BC00, s6;
	s30 =	ssub.s32 $0x2, s5;
	s8 =	smul.u32 $0x14000, s0  }
0x8: {  	_ =	strace $0x80000050;
	s17 =	smul.u32 $0x140000, s5;
	s31 =	sshrl.u32 s30, $0x1  }
0x9: {  	s4 =	sadd.s32 s7, s4;
	s16 =	sadd.s32 s28, s6;
	s14 =	ssub.s32 s30, s31  }
0xa: {  	s9 =	sadd.s32 $0x4000, s8;
	s11 =	sadd.s32 $0x8000, s8;
	s12 =	sadd.s32 $0xC000, s8  }
0xb: {  	s18 =	sadd.s32 $0x10000, s8;
	s10 =	sadd.s32 s8, s17;
	s4 =	sshrl.u32 s4, $0x3  }
0xc: {  	s5 =	sadd.s32 s9, s2;
	s7 =	sadd.s32 s12, s2;
	s9 =	sadd.s32 s17, s9  }
0xd: {  	s8 =	sadd.s32 s18, s2;
	s10 =	sshrl.u32 s10, $0x3;
	s12 =	sadd.s32 s17, s12  }
0xe: {  	s14 =	smax.u32 s14, $0x1;
	s16 =	sadd.s32 $0x8A00, s16;
	s15 =	sadd.s32 s4, s6  }
0xf: {  	s4 =	sshrl.u32 s29, $0x2;
	s6 =	sadd.s32 s11, s2;
	s19 =	sshrl.u32 s9, $0x3  }
0x10: {  	s9 =	sadd.s32 s13, s10;
	s11 =	sadd.s32 s17, s11;
	s17 =	sadd.s32 s17, s18  }
0x11: {  	s12 =	sshrl.u32 s12, $0x3;
	s18 =	simm.s32 $0x1;
	s4 =	sadd.s32 s4, s2  }
0x12: {  	s10 =	sadd.s32 s13, s19;
	s11 =	sshrl.u32 s11, $0x3;
	s17 =	sshrl.u32 s17, $0x3  }
0x13: {  	s12 =	sadd.s32 s13, s12;
	s15 =	sadd.s32 $0xF0BC00, s15;
	s19 =	simm.s32 $0xC8  }
0x14: {  	v0 =	vimm.f32 $0.0e+00;
	s11 =	sadd.s32 s13, s11;
	s13 =	sadd.s32 s13, s17;
	s17 =	simm.s32 $0x100  }
.LBB2_1:
0x15: {  	s21 =	simm.s32 $0x0;
	s22 =	simm.s32 $0x200  }
.LBB2_2:
0x16: {  	p0 =	sne.s32 s22, $0xFE00;
	[tilespmem:s21+$0x170] =	vst v0  }
0x17: {  	[tilespmem:s21+$0x100] =	vst v0  }
0x18: {  	[tilespmem:s21+$0x110] =	vst v0  }
.Ltmp0:
0x19: {  	[tilespmem:s21+$0x120] =	vst v0;
	(pc) =	sbr.rel @p0 .LBB2_2-.Ltmp0, $4  }
0x1a: {  	[tilespmem:s21+$0x130] =	vst v0  }
0x1b: {  	[tilespmem:s21+$0x140] =	vst v0  }
0x1c: {  	[tilespmem:s21+$0x150] =	vst v0  }
0x1d: {  	[tilespmem:s21+$0x160] =	vst v0;
	s21 =	sshra.s32 s22, $0x2;
	s22 =	sadd.s32 $0x200, s22  }
0x1e: {  	[tilespmem:s21+$0x170] =	vst v0  }
0x1f: {  	[tilespmem:s21+$0x100] =	vst v0  }
0x20: {  	[tilespmem:s21+$0x110] =	vst v0  }
0x21: {  	[tilespmem:s21+$0x120] =	vst v0  }
0x22: {  	[tilespmem:s21+$0x130] =	vst v0  }
0x23: {  	[tilespmem:s21+$0x140] =	vst v0  }
0x24: {  	[tilespmem:s21+$0x150] =	vst v0  }
0x25: {  	[tilespmem:s21+$0x160] =	vst v0  }
0x26: {  	[spmem:s4] =	stream.linear.scatter [tilespmem:s17], [sflag:$0x1], $0x4000, $0x38;
	[tilespmem:$0x1A500] =	vst v63  }
0x27: {  	_ =	swait.ge [sflag:s18], $0x4000  }
0x28: {  	[sflag:s18] =	ssyncset.done $0x0  }
0x29: {  	[sflag:s18] =	ssyncadd.s32 $0xFFFFC000  }
0x2a: {  	[spmem:s5] =	stream.linear.scatter [tilespmem:s17], [sflag:$0x1], $0x4000, $0x38;
	[tilespmem:$0x1A500] =	vst v63  }
0x2b: {  	_ =	swait.ge [sflag:s18], $0x4000  }
0x2c: {  	[sflag:s18] =	ssyncset.done $0x0  }
0x2d: {  	[sflag:s18] =	ssyncadd.s32 $0xFFFFC000  }
0x2e: {  	[spmem:s6] =	stream.linear.scatter [tilespmem:s17], [sflag:$0x1], $0x4000, $0x38;
	[tilespmem:$0x1A500] =	vst v63  }
0x2f: {  	_ =	swait.ge [sflag:s18], $0x4000  }
0x30: {  	[sflag:s18] =	ssyncset.done $0x0  }
0x31: {  	[sflag:s18] =	ssyncadd.s32 $0xFFFFC000  }
0x32: {  	[spmem:s7] =	stream.linear.scatter [tilespmem:s17], [sflag:$0x1], $0x4000, $0x38;
	[tilespmem:$0x1A500] =	vst v63  }
0x33: {  	_ =	swait.ge [sflag:s18], $0x4000  }
0x34: {  	[sflag:s18] =	ssyncset.done $0x0  }
0x35: {  	[sflag:s18] =	ssyncadd.s32 $0xFFFFC000  }
0x36: {  	[spmem:s8] =	stream.linear.scatter [tilespmem:s17], [sflag:$0x1], $0x4000, $0x38;
	[tilespmem:$0x1A500] =	vst v63  }
0x37: {  	_ =	swait.ge [sflag:s18], $0x4000  }
0x38: {  	[sflag:s18] =	ssyncset.done $0x0  }
0x39: {  	[sflag:s18] =	ssyncadd.s32 $0xFFFFC000  }
0x3a: {  	s31 =	sadd.s32 $0x0, s16;
	[bflag:$0x0] =	sbarrier.arrive $0xFFFF  }
0x3b: {  	[tilespmem:s3], [sflag:$0x1] =	stream.linear.gather [hbm4b:s31+s3], $0xC8, $0x38;
	[tilespmem:$0x1A500] =	vst v63  }
0x3c: {  	_ =	swait.ge [sflag:s18], $0xC8  }
0x3d: {  	[sflag:s18] =	ssyncset.done $0x0  }
0x3e: {  	[sflag:s18] =	ssyncadd.s32 $0xFFFFFF38  }
0x3f: {  	[tilespmem:s17], [sflag:$0x1] =	stream.linear.gather [hbm4b:s15+s3], $0x6400, $0x38;
	[tilespmem:$0x1A500] =	vst v63  }
0x40: {  	_ =	swait.ge [sflag:s18], $0x6400  }
0x41: {  	[sflag:s18] =	ssyncset.done $0x0  }
0x42: {  	[sflag:s18] =	ssyncadd.s32 $0xFFFF9C00  }
0x43: {  	[spmem:s2] =	stream.indirect.scatter.add.f32 [tilespmem:s17], [sflag:$0x1], $0x80, s3, s19, $0xb8;
	[tilespmem:$0x1A500] =	vst v63  }
0x44: {  	s22 =	simm.s32 $0x19;
	_ =	swait.ge [sflag:s18], $0x6400  }
0x45: {  	s23 =	simm.s32 $0x32;
	s21 =	sadd.s32 $0xC80, s15;
	[sflag:s18] =	ssyncset.done $0x0  }
.LBB2_4:
0x46: {  	s24 =	sadd.s32 s22, s16  }
0x47: {  	[sflag:s18] =	ssyncadd.s32 $0xFFFF9C00;
	s22 =	smov.u32 s23;
	s25 =	sadd.s32 $0x19, s23  }
0x48: {  	[tilespmem:s3], [sflag:$0x1] =	stream.linear.gather [hbm4b:s24+s3], $0xC8, $0x38;
	[tilespmem:$0x1A500] =	vst v63  }
0x49: {  	p0 =	sne.s32 s23, $0x4C9;
	_ =	swait.ge [sflag:s18], $0xC8  }
0x4a: {  	[sflag:s18] =	ssyncset.done $0x0  }
0x4b: {  	[sflag:s18] =	ssyncadd.s32 $0xFFFFFF38  }
0x4c: {  	[tilespmem:s17], [sflag:$0x1] =	stream.linear.gather [hbm4b:s21+s3], $0x6400, $0x38;
	[tilespmem:$0x1A500] =	vst v63  }
0x4d: {  	_ =	swait.ge [sflag:s18], $0x6400  }
.Ltmp1:
0x4e: {  	[sflag:s18] =	ssyncset.done $0x0;
	(pc) =	sbr.rel @p0 .LBB2_4-.Ltmp1, $4  }
0x4f: {  	[sflag:s18] =	ssyncadd.s32 $0xFFFF9C00  }
0x50: {  	[spmem:s2] =	stream.indirect.scatter.add.f32 [tilespmem:s17], [sflag:$0x1], $0x80, s3, s19, $0xb8;
	[tilespmem:$0x1A500] =	vst v63  }
0x51: {  	_ =	swait.ge [sflag:s18], $0x6400  }
0x52: {  	s23 =	smov.u32 s25;
	s21 =	sadd.s32 $0xC80, s21;
	[sflag:s18] =	ssyncset.done $0x0  }
0x53: {  	s22 =	sadd.s32 s22, s16;
	[sflag:s18] =	ssyncadd.s32 $0xFFFF9C00  }
0x54: {  	[tilespmem:s3], [sflag:$0x1] =	stream.linear.gather [hbm4b:s22+s3], $0xC8, $0x38;
	[tilespmem:$0x1A500] =	vst v63  }
0x55: {  	_ =	swait.ge [sflag:s18], $0xC8  }
0x56: {  	[sflag:s18] =	ssyncset.done $0x0  }
0x57: {  	[sflag:s18] =	ssyncadd.s32 $0xFFFFFF38  }
0x58: {  	[tilespmem:s17], [sflag:$0x1] =	stream.linear.gather [hbm4b:s21+s3], $0x6400, $0x38;
	[tilespmem:$0x1A500] =	vst v63  }
0x59: {  	_ =	swait.ge [sflag:s18], $0x6400  }
0x5a: {  	[sflag:s18] =	ssyncset.done $0x0  }
0x5b: {  	[sflag:s18] =	ssyncadd.s32 $0xFFFF9C00  }
0x5c: {  	[spmem:s2] =	stream.indirect.scatter.add.f32 [tilespmem:s17], [sflag:$0x1], $0x80, s3, s19, $0xb8;
	[tilespmem:$0x1A500] =	vst v63  }
0x5d: {  	_ =	swait.ge [sflag:s18], $0x6400  }
0x5e: {  	[sflag:s18] =	ssyncset.done $0x0  }
0x5f: {  	s25 =	sshll.u32 s0, $0x6;
	[sflag:s18] =	ssyncadd.s32 $0xFFFF9C00  }
0x60: {  	s26 =	sshrl.u32 s4, $0x3;
	s21 =	sor.u32 $0x1C01, s25;
	[bflag:$0x0] =	sbarrier.arrive $0xFFFF  }
0x61: {  	[hbm:s9], [sflag:s21] =	dma.local [spmem:s26], $0x800  }
0x62: {  	_ =	swait.ge [sflag:s18], $0x800  }
0x63: {  	[sflag:s18] =	ssyncset.done $0x0  }
0x64: {  	s28 =	sshrl.u32 s5, $0x3;
	[sflag:s18] =	ssyncadd.s32 $0xFFFFF800  }
0x65: {  	[hbm:s10], [sflag:s21] =	dma.local [spmem:s28], $0x800  }
0x66: {  	_ =	swait.ge [sflag:s18], $0x800  }
0x67: {  	[sflag:s18] =	ssyncset.done $0x0  }
0x68: {  	s29 =	sshrl.u32 s6, $0x3;
	[sflag:s18] =	ssyncadd.s32 $0xFFFFF800  }
0x69: {  	[hbm:s11], [sflag:s21] =	dma.local [spmem:s29], $0x800  }
0x6a: {  	_ =	swait.ge [sflag:s18], $0x800  }
0x6b: {  	[sflag:s18] =	ssyncset.done $0x0  }
0x6c: {  	s30 =	sshrl.u32 s7, $0x3;
	[sflag:s18] =	ssyncadd.s32 $0xFFFFF800  }
0x6d: {  	[hbm:s12], [sflag:s21] =	dma.local [spmem:s30], $0x800  }
0x6e: {  	s20 =	sadd.s32 $0x1, s20;
	_ =	swait.ge [sflag:s18], $0x800  }
0x6f: {  	p0 =	sne.s32 s20, s14;
	[sflag:s18] =	ssyncset.done $0x0  }
.Ltmp2:
0x70: {  	s31 =	sshrl.u32 s8, $0x3;
	[sflag:s18] =	ssyncadd.s32 $0xFFFFF800;
	(pc) =	sbr.rel @p0 .LBB2_1-.Ltmp2, $4  }
0x71: {  	[hbm:s13], [sflag:s21] =	dma.local [spmem:s31], $0x800  }
0x72: {  	_ =	swait.ge [sflag:s18], $0x800  }
0x73: {  	[sflag:s18] =	ssyncset.done $0x0  }
0x74: {  	[sflag:s18] =	ssyncadd.s32 $0xFFFFF800  }
0x75: {  	_ =	sfence.sel $0x180000  }
0x76: {  	[bflag:$0x0] =	sbarrier.arrive $0xFFFF  }
0x77: {  	p0 =	sne.s32 s0, $0x0;
	_ =	strace $0x90000050  }
0x78: {  	s0 =	sadd.s32 @!p0 $0x100000, s1;
	[bflag:$0x2] =	sbarrier.arrive $0xFFFF  }
0x79: {  	[sflag:s0] =	ssyncadd.tile.s32 @!p0 $0x1;
	_ =	shalt  }
.Lfunc_end2:
_tile_overlayer_lowered:
.L_overlay_start_2:
0x7a: {  	(tag) =	ssettag $0x2  }
0x7b: {  	s0 =	rddreg [dreg:$0x0];
	s2 =	stileid.u32  }
0x7c: {  	s1 =	rddreg [dreg:$0x1];
	p0 =	sne.s32 s2, $0x0  }
0x7d: {  	s3 =	rddreg [dreg:$0x2];
	[bflag:$0x3] =	sbarrier.arrive $0xFFFF;
	s2 =	simm.s32 @!p0 $0x1C01  }
0x7e: {  	[timem:s3], [sflag:s2] =	dma.local @!p0 [hbm:s0], s1  }
0x7f: {  	s0 =	simm.s32 @!p0 $0x1  }
0x80: {  	_ =	swait.ge @!p0 [sflag:s0], s1  }
0x81: {  	s1 =	ssub.s32 @!p0 $0x0, s1;
	[sflag:s0] =	ssyncset.done @!p0 $0x0  }
0x82: {  	[sflag:s0] =	ssyncadd.s32 @!p0 s1  }
0x83: {  	[bflag:$0x3] =	sbarrier.arrive $0xFFFF  }
0x84: {  	_ =	shalt  }

// kernel: kernel.24.cloned.1.call-start
scs
__scs_entry_jumppad:
0x0: {  	(pc) =	sbr.rel $0x88, $3  }
0x1: {  	(tag) =	ssettag $0x0;
	lr =	simm.s32 $0x1  }
0x2: {  	[smem:$0x3F8E] =	sst lr;
	_ =	strace $0xD0000000  }
0x3: {  	_ = 	snop  }
0x4: {  	_ = 	snop  }
0x5: {  	_ = 	snop  }
0x6: {  	_ = 	snop  }
0x7: {  	_ = 	snop  }
__scs_overlays_trampoline_lowered:
0x8: {  	[smem:$0x3F9D] =	sst s0  }
0x9: {  	[smem:$0x3F9E] =	sst s1  }
0xa: {  	[smem:$0x3F9F] =	sst s2  }
0xb: {  	[smem:$0x3FA0] =	sst s3  }
0xc: {  	[smem:$0x3FA1] =	sst s4  }
0xd: {  	[smem:$0x3FA2] =	sst s5  }
0xe: {  	[smem:$0x3FA3] =	sst s6  }
0xf: {  	[smem:$0x3FA4] =	sst s7  }
0x10: {  	[smem:$0x3FA5] =	sst s8  }
0x11: {  	[smem:$0x3FA6] =	sst s9;
	s0 =	simm.s32 @!p0 $0x0  }
0x12: {  	s1 =	sld [smem:$0x3F8C];
	s0 =	simm.s32 @p0 $0x1  }
0x13: {  	[smem:$0x3FA7] =	sst s0;
	s0 =	simm.s32 @!p1 $0x0  }
0x14: {  	s2 =	sld [smem:$0x3F8B];
	s0 =	simm.s32 @p1 $0x1  }
0x15: {  	[smem:$0x3FA8] =	sst s0;
	s0 =	simm.s32 @!p2 $0x0  }
0x16: {  	s3 =	sld [smem:$0x3FDB];
	s0 =	simm.s32 @p2 $0x1  }
0x17: {  	s4 =	simm.s32 $0x1BF5;
	[smem:$0x3FAA] =	sst s0  }
0x18: {  	s0 =	sld [smem:$0x3F8D];
	_ =	swait.ge [sflag:s4], $0x0  }
0x19: {  	s7 =	sld [smem:$0x3F8E]  }
0x1a: {  	s8 =	sadd.s32 $0xFFFFE003, lr  }
0x1b: {  	s9 =	sadd.s32 $0xFFFFFEF7, lr;
	s5 =	simm.s32 $0xFFFFFFFF;
	p2 =	slt.u32 s8, $0xFFFFF086  }
0x1c: {  	p1 =	slt.u32 s9, $0xF7A;
	s5 =	simm.s32 @!p2 $0x0  }
0x1d: {  	s5 =	simm.s32 @p1 $0x1;
	p0 =	seq.s32 s7, s2  }
0x1e: {  	s7 =	smul.u32 @!p0 $0xF7A, s2;
	p2 =	seq.s32 @!p0 s5, $0x0  }
0x1f: {  	s9 =	smul.u32 $0xF7A, s1;
	s8 =	simm.s32 @!p0 $0x1BF5;
	p2 =	por !p2, p0  }
0x20: {  	[sflag:s8] =	ssyncset.s32 @!p0 $0xFFFFF086;
	s6 =	sadd.s32 @!p0 s3, s7;
	s7 =	simm.s32 @!p0 $0x108  }
0x21: {  	s3 =	sadd.s32 s3, s9;
	s6 =	sadd.s32 @!p0 $0x88, s6;
	s7 =	simm.s32 @p2 $0x1082  }
0x22: {  	[simem:s7], [sflag:s8] =	dma.local @!p0 [hbm:s6], $0xF7A  }
0x23: {  	s9 =	sor.u32 $0xD0000000, s2;
	s6 =	simm.s32 $0x108;
	_ =	swait.ge @!p0 [sflag:s8], $0x0  }
0x24: {  	s3 =	sadd.s32 $0x88, s3;
	s6 =	simm.s32 @!p1 $0x1082;
	[sflag:s4] =	ssyncset.s32 $0xFFFFF086  }
0x25: {  	[simem:s6], [sflag:s4] =	dma.local [hbm:s3], $0xF7A  }
0x26: {  	[smem:$0x3F8E] =	sst s1;
	(tag) =	ssettag s2;
	_ =	strace s9  }
0x27: {  	s1 =	sld [smem:$0x3F9E]  }
0x28: {  	s2 =	sld [smem:$0x3F9F]  }
0x29: {  	s4 =	sld [smem:$0x3FA1]  }
0x2a: {  	p0 =	seq.s32 s5, $0x0;
	s5 =	sld [smem:$0x3FA2]  }
0x2b: {  	s6 =	sld [smem:$0x3FA3]  }
0x2c: {  	s7 =	sld [smem:$0x3FA4]  }
0x2d: {  	s3 =	simm.s32 $0x108;
	s8 =	sld [smem:$0x3FA5]  }
0x2e: {  	s3 =	simm.s32 @!p0 $0x1082;
	s9 =	sld [smem:$0x3FA6]  }
0x2f: {  	lr =	sadd.s32 s0, s3;
	s0 =	sld [smem:$0x3F9D]  }
0x30: {  	s3 =	sld [smem:$0x3FA0]  }
0x31: {  	[smem:$0x3FA9] =	sst s10  }
0x32: {  	s10 =	sld [smem:$0x3FA7];
	_ =	sdelay $0x3  }
0x33: {  	p0 =	seq.s32 s10, $0x1;
	s10 =	sld [smem:$0x3FA9];
	_ =	sdelay $0x3  }
0x34: {  	[smem:$0x3FA9] =	sst s10  }
0x35: {  	s10 =	sld [smem:$0x3FA8];
	_ =	sdelay $0x3  }
0x36: {  	p1 =	seq.s32 s10, $0x1;
	s10 =	sld [smem:$0x3FA9];
	_ =	sdelay $0x3  }
0x37: {  	[smem:$0x3FA9] =	sst s10  }
0x38: {  	s10 =	sld [smem:$0x3FAA]  }
0x39: {  	_ = 	snop;
	(pc) =	sbr.ind lr, $3  }
0x3a: {  	_ = 	snop  }
0x3b: {  	_ = 	snop  }
0x3c: {  	p2 =	seq.s32 s10, $0x1;
	s10 =	sld [smem:$0x3FA9]  }
0x3d: {  	_ =	shalt  }
0x3e: {  	_ =	shalt  }
0x3f: {  	_ =	shalt  }
0x40: {  	_ =	shalt  }
0x41: {  	_ =	shalt  }
0x42: {  	_ =	shalt  }
0x43: {  	_ =	shalt  }
0x44: {  	_ =	shalt  }
0x45: {  	_ =	shalt  }
0x46: {  	_ =	shalt  }
0x47: {  	_ =	shalt  }
0x48: {  	_ =	shalt  }
0x49: {  	_ =	shalt  }
0x4a: {  	_ =	shalt  }
0x4b: {  	_ =	shalt  }
0x4c: {  	_ =	shalt  }
0x4d: {  	_ =	shalt  }
0x4e: {  	_ =	shalt  }
0x4f: {  	_ =	shalt  }
0x50: {  	_ =	shalt  }
0x51: {  	_ =	shalt  }
0x52: {  	_ =	shalt  }
0x53: {  	_ =	shalt  }
0x54: {  	_ =	shalt  }
0x55: {  	_ =	shalt  }
0x56: {  	_ =	shalt  }
0x57: {  	_ =	shalt  }
0x58: {  	_ =	shalt  }
0x59: {  	_ =	shalt  }
0x5a: {  	_ =	shalt  }
0x5b: {  	_ =	shalt  }
0x5c: {  	_ =	shalt  }
0x5d: {  	_ =	shalt  }
0x5e: {  	_ =	shalt  }
0x5f: {  	_ =	shalt  }
0x60: {  	_ =	shalt  }
0x61: {  	_ =	shalt  }
0x62: {  	_ =	shalt  }
0x63: {  	_ =	shalt  }
0x64: {  	_ =	shalt  }
0x65: {  	_ =	shalt  }
0x66: {  	_ =	shalt  }
0x67: {  	_ =	shalt  }
0x68: {  	_ =	shalt  }
0x69: {  	_ =	shalt  }
0x6a: {  	_ =	shalt  }
0x6b: {  	_ =	shalt  }
0x6c: {  	_ =	shalt  }
0x6d: {  	_ =	shalt  }
0x6e: {  	_ =	shalt  }
0x6f: {  	_ =	shalt  }
0x70: {  	_ =	shalt  }
0x71: {  	_ =	shalt  }
0x72: {  	_ =	shalt  }
0x73: {  	_ =	shalt  }
0x74: {  	_ =	shalt  }
0x75: {  	_ =	shalt  }
0x76: {  	_ =	shalt  }
0x77: {  	_ =	shalt  }
0x78: {  	_ =	shalt  }
0x79: {  	_ =	shalt  }
0x7a: {  	_ =	shalt  }
0x7b: {  	_ =	shalt  }
0x7c: {  	_ =	shalt  }
0x7d: {  	_ =	shalt  }
0x7e: {  	_ =	shalt  }
0x7f: {  	_ =	shalt  }
0x80: {  	_ =	shalt  }
0x81: {  	_ =	shalt  }
0x82: {  	_ =	shalt  }
0x83: {  	_ =	shalt  }
0x84: {  	_ =	shalt  }
0x85: {  	_ =	shalt  }
0x86: {  	_ =	shalt  }
0x87: {  	_ =	shalt  }
.Lfunc_end0:
.L_simem_size_0:
called_computation.4_lowered:
.L_overlay_start_0:
0x88: {  	s2 =	sld [smem:$0x3FD9]  }
0x89: {  	s3 =	sld [smem:$0x3FFE];
	_ =	sdelay $0x1  }
0x8a: {  	s1 =	srdreg.scid  }
0x8b: {  	s0 =	sand.u32 $0x1, s1  }
0x8c: {  	s15 =	sshll.u32 s0, $0xA;
	s2 =	sadd.s32 s3, s2  }
0x8d: {  	s2 =	sadd.s32 s2, s15  }
0x8e: {  	[smem:$0x3FB5] =	sst s2  }
0x8f: {  	_ = 	snop  }
0x90: {  	s2 =	sld [smem:$0x3FD0];
	_ =	sdelay $0x2  }
0x91: {  	s16 =	simm.s32 $0xC;
	s4 =	simm.s32 $0x10  }
0x92: {  	[smem:s4], [sflag:s16] =	dma.local [hbm:s2], $0x1  }
0x93: {  	_ =	swait.eq [sflag:s16], $0x1  }
0x94: {  	[sflag:s16] =	ssyncset.done $0x0  }
0x95: {  	[sflag:s16] =	ssyncadd.s32 $0xFFFFFFFF  }
0x96: {  	s17 =	sld [smem:$0x11];
	(tm) =	ssettm $0x1  }
0x97: {  	s18 =	sld [smem:$0x3FFB];
	_ =	sdelay $0x3  }
0x98: {  	_ =	strace s18  }
0x99: {  	s2 =	sld [smem:$0x3FFC];
	_ =	sdelay $0x3  }
0x9a: {  	_ =	strace s2  }
0x9b: {  	s2 =	sld [smem:$0x3FFD];
	_ =	sdelay $0x3  }
0x9c: {  	_ =	strace s2  }
0x9d: {  	_ =	strace $0x8FFFFFFF  }
0x9e: {  	s19 =	sld [smem:$0x3FDB];
	_ =	sdelay $0x1  }
0x9f: {  	s20 =	simm.s32 $_scs_section_size  }
0xa0: {  	s5 =	simm.s32 $_size__tile_overlayer_lowered;
	s6 =	simm.s32 $_tile_overlayer_lowered  }
0xa1: {  	s7 =	simm.s32 $0x1BFF;
	s21 =	sshll.u32 s6, $0x1;
	s4 =	sadd.s32 s20, s19  }
0xa2: {  	s22 =	simm.s32 $0x0;
	s5 =	sshll.u32 s5, $0x1;
	s6 =	sadd.s32 s21, s4  }
0xa3: {  	[timem:s22], [sflag:s7] =	dma.local [hbm:s6], s5  }
0xa4: {  	_ =	swait.ge [sflag:s7], s5  }
0xa5: {  	s5 =	ssub.s32 $0x0, s5;
	[sflag:s7] =	ssyncset.done $0x0  }
0xa6: {  	[sflag:s7] =	ssyncadd.s32 s5;
	_ =	sdelay $0x1  }
0xa7: {  	s23 =	simm.s32 $0x1B8B  }
0xa8: {  	_ =	swait.ge [sflag:s23], $0x1  }
0xa9: {  	[sflag:s23] =	ssyncset.done $0x0  }
0xaa: {  	[sflag:s23] =	ssyncadd.s32 $0xFFFFFFFF  }
0xab: {  	s5 =	sld [smem:$0x0]  }
0xac: {  	s6 =	sand.u32 $0xFFFFFFFE, s1  }
0xad: {  	p0 =	sne.s32 s1, s6  }
0xae: {  	s6 =	sshll.u32 @p0 s6, $0xE  }
0xaf: {  	s6 =	sadd.s32 @p0 $0x11B8D, s6;
	s7 =	sshll.u32 @p0 s5, $0x11  }
0xb0: {  	s6 =	sor.u32 @p0 s7, s6  }
0xb1: {  	[sflag:s6] =	ssyncadd.remote.s32 @p0 $0x1;
	_ =	sdelay $0x1  }
0xb2: {  	s6 =	simm.s32 @p0 $0x1B8D  }
0xb3: {  	_ =	swait.eq @p0 [sflag:s6], $0x1  }
0xb4: {  	[sflag:s6] =	ssyncadd.s32 @p0 $0xFFFFFFFF  }
0xb5: {  	s7 =	sshll.u32 @!p0 s1, $0xE  }
0xb6: {  	s7 =	sor.u32 @!p0 $0x4000, s7;
	s6 =	simm.s32 @!p0 $0x1B8D  }
0xb7: {  	s5 =	sshll.u32 @!p0 s5, $0x11;
	s7 =	sadd.s32 @!p0 $0x11B8D, s7;
	_ =	swait.eq @!p0 [sflag:s6], $0x1  }
0xb8: {  	s5 =	sor.u32 @!p0 s5, s7;
	[sflag:s6] =	ssyncadd.s32 @!p0 $0xFFFFFFFF  }
0xb9: {  	s25 =	simm.s32 $0x1B8E;
	s24 =	sld [smem:$0x3FFE];
	[sflag:s5] =	ssyncadd.remote.s32 @!p0 $0x1  }
0xba: {  	s26 =	simm.s32 $execute0_lowered;
	[smem:$0x3FD2] =	sst s25  }
0xbb: {  	s6 =	sshll.u32 s26, $0x1;
	_ =	strace $0x80000052;
	[dreg:$0x1] =	wrdreg $0xFFFFFFFF  }
0xbc: {  	s28 =	simm.s32 $_size_execute0_lowered;
	s4 =	sadd.s32 s4, s6;
	[dreg:$0x0] =	wrdreg $0x0  }
0xbd: {  	s6 =	sshll.u32 s28, $0x1;
	[dreg:$0x2] =	wrdreg s4  }
0xbe: {  	[dreg:$0x3] =	wrdreg s6  }
0xbf: {  	[dreg:$0x4] =	wrdreg $0xC0  }
0xc0: {  	_ =	task [dreg:s22], $0x5FFFF  }
0xc1: {  	[dreg:$0x1] =	wrdreg $0xFFFFFFFF  }
0xc2: {  	[dreg:$0x0] =	wrdreg $0x60  }
0xc3: {  	[dreg:$0x2] =	wrdreg s17  }
0xc4: {  	[dreg:$0x3] =	wrdreg s24  }
0xc5: {  	[dreg:$0x4] =	wrdreg $0x65000  }
0xc6: {  	[dreg:$0x5] =	wrdreg $0x9  }
0xc7: {  	_ =	task.clear_ibuf [dreg:s22], $0x6FFFF;
	_ =	strace $0x90000052  }
0xc8: {  	s29 =	simm.s32 $0x9;
	_ =	strace $0x80000054  }
0xc9: {  	_ =	swait.ge [sflag:s29], $0x1  }
0xca: {  	[sflag:s29] =	ssyncadd.s32 $0xFFFFFFFF  }
0xcb: {  	_ =	strace $0x90000054  }
0xcc: {  	_ =	sfence  }
0xcd: {  	s30 =	sld [smem:$0x0];
	_ =	sdelay $0x2  }
0xce: {  	s31 =	sshll.u32 s1, $0xD;
	s1 =	sshrl.u32 s1, $0x2  }
0xcf: {  	s4 =	sand.u32 $0x4000, s31;
	s1 =	sadd.s32 s1, s30  }
0xd0: {  	s0 =	sor.u32 s4, s0;
	s1 =	sshll.u32 s1, $0x11  }
0xd1: {  	s0 =	sor.u32 s1, s0  }
0xd2: {  	s0 =	sadd.s32 $0x8F2B, s0  }
0xd3: {  	[sflag:s0] =	ssyncadd.remote.s32 $0x1  }
0xd4: {  	_ =	sfence.sel $0xFFFF  }
0xd5: {  	[dreg:$0x0] =	wrdreg $0xFFFFFFFF;
	(pc) =	sbr.abs _section_cstart, $3  }
0xd6: {  	[dreg:$0x1] =	wrdreg $0xFFFFFFFF  }
0xd7: {  	_ =	task.clear_ibuf [dreg:s22], $0x2FFFF;
	_ =	strace $0x9FFFFFFF  }
0xd8: {  	(tm) =	ssettm $0x7FFFFFFF  }
0xd9: {  	_ =	shalt  }
tec
execute0_lowered:
.L_overlay_start_1:
0x0: {  	(tag) =	ssettag $0x1  }
0x1: {  	s0 =	srdreg.scid  }
0x2: {  	s15 =	rddreg [dreg:$0x0];
	s12 =	sand.u32 $0x1, s0  }
0x3: {  	s0 =	stileid.u32;
	s5 =	smul.u32 $0x13880, s12  }
0x4: {  	s4 =	rddreg [dreg:$0x1];
	s6 =	smul.u32 $0x1388, s0  }
0x5: {  	s2 =	rddreg [dreg:$0x2];
	s26 =	smul.u32 $0x50000, s0  }
0x6: {  	s1 =	rddreg [dreg:$0x3];
	s3 =	simm.s32 $0x0;
	s9 =	smul.u32 $0x14000, s0  }
0x7: {  	s20 =	simm.s32 $0x0;
	[smem:$0x7FF] =	sst s3;
	s17 =	smul.u32 $0x140000, s12  }
0x8: {  	s13 =	sadd.s32 $0xA29C00, s4;
	s28 =	ssub.s32 $0x2, s12;
	s30 =	smul.u32 $0x138800, s12  }
0x9: {  	_ =	strace $0x80000053;
	s31 =	smul.u32 $0x13880, s0;
	s29 =	sshrl.u32 s28, $0x1  }
0xa: {  	s5 =	sadd.s32 s6, s5;
	s6 =	sshrl.u32 s26, $0x2;
	s14 =	ssub.s32 s28, s29  }
0xb: {  	s10 =	sadd.s32 $0x4000, s9;
	s11 =	sadd.s32 $0x8000, s9;
	s18 =	sadd.s32 $0xC000, s9  }
0xc: {  	s19 =	sadd.s32 $0x10000, s9;
	s9 =	sadd.s32 s9, s17;
	s15 =	sadd.s32 s30, s15  }
0xd: {  	s5 =	sshrl.u32 s5, $0x3;
	s7 =	sadd.s32 s18, s2;
	s8 =	sadd.s32 s19, s2  }
0xe: {  	s9 =	sshrl.u32 s9, $0x3;
	s18 =	sadd.s32 s17, s18;
	s14 =	smax.u32 s14, $0x1  }
0xf: {  	s15 =	sadd.s32 s31, s15;
	s16 =	sadd.s32 s5, s4;
	s4 =	sadd.s32 s6, s2  }
0x10: {  	s5 =	sadd.s32 s10, s2;
	s6 =	sadd.s32 s11, s2;
	s10 =	sadd.s32 s17, s10  }
0x11: {  	s11 =	sadd.s32 s17, s11;
	s9 =	sadd.s32 s13, s9;
	s18 =	sshrl.u32 s18, $0x3  }
0x12: {  	s17 =	sadd.s32 s17, s19;
	s19 =	simm.s32 $0xC8;
	s10 =	sshrl.u32 s10, $0x3  }
0x13: {  	s11 =	sshrl.u32 s11, $0x3;
	s12 =	sadd.s32 s13, s18;
	s17 =	sshrl.u32 s17, $0x3  }
0x14: {  	s16 =	sadd.s32 $0xA24C00, s16;
	s18 =	simm.s32 $0x1;
	s10 =	sadd.s32 s13, s10  }
0x15: {  	v0 =	vimm.f32 $0.0e+00;
	s11 =	sadd.s32 s13, s11;
	s13 =	sadd.s32 s13, s17;
	s17 =	simm.s32 $0x100  }
.LBB2_1:
0x16: {  	s21 =	simm.s32 $0x0;
	s22 =	simm.s32 $0x200  }
.LBB2_2:
0x17: {  	p0 =	sne.s32 s22, $0xFE00;
	[tilespmem:s21+$0x170] =	vst v0  }
0x18: {  	[tilespmem:s21+$0x100] =	vst v0  }
0x19: {  	[tilespmem:s21+$0x110] =	vst v0  }
.Ltmp0:
0x1a: {  	[tilespmem:s21+$0x120] =	vst v0;
	(pc) =	sbr.rel @p0 .LBB2_2-.Ltmp0, $4  }
0x1b: {  	[tilespmem:s21+$0x130] =	vst v0  }
0x1c: {  	[tilespmem:s21+$0x140] =	vst v0  }
0x1d: {  	[tilespmem:s21+$0x150] =	vst v0  }
0x1e: {  	[tilespmem:s21+$0x160] =	vst v0;
	s21 =	sshra.s32 s22, $0x2;
	s22 =	sadd.s32 $0x200, s22  }
0x1f: {  	[tilespmem:s21+$0x170] =	vst v0  }
0x20: {  	[tilespmem:s21+$0x100] =	vst v0  }
0x21: {  	[tilespmem:s21+$0x110] =	vst v0  }
0x22: {  	[tilespmem:s21+$0x120] =	vst v0  }
0x23: {  	[tilespmem:s21+$0x130] =	vst v0  }
0x24: {  	[tilespmem:s21+$0x140] =	vst v0  }
0x25: {  	[tilespmem:s21+$0x150] =	vst v0  }
0x26: {  	[tilespmem:s21+$0x160] =	vst v0  }
0x27: {  	[spmem:s4] =	stream.linear.scatter [tilespmem:s17], [sflag:$0x1], $0x4000, $0x38;
	[tilespmem:$0x1A500] =	vst v63  }
0x28: {  	_ =	swait.ge [sflag:s18], $0x4000  }
0x29: {  	[sflag:s18] =	ssyncset.done $0x0  }
0x2a: {  	[sflag:s18] =	ssyncadd.s32 $0xFFFFC000  }
0x2b: {  	[spmem:s5] =	stream.linear.scatter [tilespmem:s17], [sflag:$0x1], $0x4000, $0x38;
	[tilespmem:$0x1A500] =	vst v63  }
0x2c: {  	_ =	swait.ge [sflag:s18], $0x4000  }
0x2d: {  	[sflag:s18] =	ssyncset.done $0x0  }
0x2e: {  	[sflag:s18] =	ssyncadd.s32 $0xFFFFC000  }
0x2f: {  	[spmem:s6] =	stream.linear.scatter [tilespmem:s17], [sflag:$0x1], $0x4000, $0x38;
	[tilespmem:$0x1A500] =	vst v63  }
0x30: {  	_ =	swait.ge [sflag:s18], $0x4000  }
0x31: {  	[sflag:s18] =	ssyncset.done $0x0  }
0x32: {  	[sflag:s18] =	ssyncadd.s32 $0xFFFFC000  }
0x33: {  	[spmem:s7] =	stream.linear.scatter [tilespmem:s17], [sflag:$0x1], $0x4000, $0x38;
	[tilespmem:$0x1A500] =	vst v63  }
0x34: {  	_ =	swait.ge [sflag:s18], $0x4000  }
0x35: {  	[sflag:s18] =	ssyncset.done $0x0  }
0x36: {  	[sflag:s18] =	ssyncadd.s32 $0xFFFFC000  }
0x37: {  	[spmem:s8] =	stream.linear.scatter [tilespmem:s17], [sflag:$0x1], $0x4000, $0x38;
	[tilespmem:$0x1A500] =	vst v63  }
0x38: {  	_ =	swait.ge [sflag:s18], $0x4000  }
0x39: {  	[sflag:s18] =	ssyncset.done $0x0  }
0x3a: {  	[sflag:s18] =	ssyncadd.s32 $0xFFFFC000  }
0x3b: {  	s31 =	sadd.s32 $0x0, s16;
	[bflag:$0x0] =	sbarrier.arrive $0xFFFF  }
0x3c: {  	[tilespmem:s3], [sflag:$0x1] =	stream.linear.gather [hbm4b:s31+s3], $0xC8, $0x38;
	[tilespmem:$0x1A500] =	vst v63  }
0x3d: {  	_ =	swait.ge [sflag:s18], $0xC8  }
0x3e: {  	[sflag:s18] =	ssyncset.done $0x0  }
0x3f: {  	[sflag:s18] =	ssyncadd.s32 $0xFFFFFF38  }
0x40: {  	[tilespmem:s17], [sflag:$0x1] =	stream.linear.gather [hbm4b:s15+s3], $0x6400, $0x38;
	[tilespmem:$0x1A500] =	vst v63  }
0x41: {  	_ =	swait.ge [sflag:s18], $0x6400  }
0x42: {  	[sflag:s18] =	ssyncset.done $0x0  }
0x43: {  	[sflag:s18] =	ssyncadd.s32 $0xFFFF9C00  }
0x44: {  	[spmem:s2] =	stream.indirect.scatter.add.f32 [tilespmem:s17], [sflag:$0x1], $0x80, s3, s19, $0xb8;
	[tilespmem:$0x1A500] =	vst v63  }
0x45: {  	s22 =	simm.s32 $0x19;
	_ =	swait.ge [sflag:s18], $0x6400  }
0x46: {  	s23 =	simm.s32 $0x32;
	s21 =	sadd.s32 $0xC80, s15;
	[sflag:s18] =	ssyncset.done $0x0  }
.LBB2_4:
0x47: {  	s24 =	sadd.s32 s22, s16  }
0x48: {  	[sflag:s18] =	ssyncadd.s32 $0xFFFF9C00;
	s22 =	smov.u32 s23;
	s25 =	sadd.s32 $0x19, s23  }
0x49: {  	[tilespmem:s3], [sflag:$0x1] =	stream.linear.gather [hbm4b:s24+s3], $0xC8, $0x38;
	[tilespmem:$0x1A500] =	vst v63  }
0x4a: {  	p0 =	sne.s32 s23, $0x258;
	_ =	swait.ge [sflag:s18], $0xC8  }
0x4b: {  	[sflag:s18] =	ssyncset.done $0x0  }
0x4c: {  	[sflag:s18] =	ssyncadd.s32 $0xFFFFFF38  }
0x4d: {  	[tilespmem:s17], [sflag:$0x1] =	stream.linear.gather [hbm4b:s21+s3], $0x6400, $0x38;
	[tilespmem:$0x1A500] =	vst v63  }
0x4e: {  	_ =	swait.ge [sflag:s18], $0x6400  }
.Ltmp1:
0x4f: {  	[sflag:s18] =	ssyncset.done $0x0;
	(pc) =	sbr.rel @p0 .LBB2_4-.Ltmp1, $4  }
0x50: {  	[sflag:s18] =	ssyncadd.s32 $0xFFFF9C00  }
0x51: {  	[spmem:s2] =	stream.indirect.scatter.add.f32 [tilespmem:s17], [sflag:$0x1], $0x80, s3, s19, $0xb8;
	[tilespmem:$0x1A500] =	vst v63  }
0x52: {  	_ =	swait.ge [sflag:s18], $0x6400  }
0x53: {  	s23 =	smov.u32 s25;
	s21 =	sadd.s32 $0xC80, s21;
	[sflag:s18] =	ssyncset.done $0x0  }
0x54: {  	s22 =	sadd.s32 s22, s16;
	[sflag:s18] =	ssyncadd.s32 $0xFFFF9C00  }
0x55: {  	[tilespmem:s3], [sflag:$0x1] =	stream.linear.gather [hbm4b:s22+s3], $0xC8, $0x38;
	[tilespmem:$0x1A500] =	vst v63  }
0x56: {  	_ =	swait.ge [sflag:s18], $0xC8  }
0x57: {  	[sflag:s18] =	ssyncset.done $0x0  }
0x58: {  	[sflag:s18] =	ssyncadd.s32 $0xFFFFFF38  }
0x59: {  	[tilespmem:s17], [sflag:$0x1] =	stream.linear.gather [hbm4b:s21+s3], $0x6400, $0x38;
	[tilespmem:$0x1A500] =	vst v63  }
0x5a: {  	_ =	swait.ge [sflag:s18], $0x6400  }
0x5b: {  	[sflag:s18] =	ssyncset.done $0x0  }
0x5c: {  	[sflag:s18] =	ssyncadd.s32 $0xFFFF9C00  }
0x5d: {  	[spmem:s2] =	stream.indirect.scatter.add.f32 [tilespmem:s17], [sflag:$0x1], $0x80, s3, s19, $0xb8;
	[tilespmem:$0x1A500] =	vst v63  }
0x5e: {  	_ =	swait.ge [sflag:s18], $0x6400  }
0x5f: {  	[sflag:s18] =	ssyncset.done $0x0  }
0x60: {  	s25 =	sshll.u32 s0, $0x6;
	[sflag:s18] =	ssyncadd.s32 $0xFFFF9C00  }
0x61: {  	s26 =	sshrl.u32 s4, $0x3;
	s21 =	sor.u32 $0x1C01, s25;
	[bflag:$0x0] =	sbarrier.arrive $0xFFFF  }
0x62: {  	[hbm:s9], [sflag:s21] =	dma.local [spmem:s26], $0x800  }
0x63: {  	_ =	swait.ge [sflag:s18], $0x800  }
0x64: {  	[sflag:s18] =	ssyncset.done $0x0  }
0x65: {  	s28 =	sshrl.u32 s5, $0x3;
	[sflag:s18] =	ssyncadd.s32 $0xFFFFF800  }
0x66: {  	[hbm:s10], [sflag:s21] =	dma.local [spmem:s28], $0x800  }
0x67: {  	_ =	swait.ge [sflag:s18], $0x800  }
0x68: {  	[sflag:s18] =	ssyncset.done $0x0  }
0x69: {  	s29 =	sshrl.u32 s6, $0x3;
	[sflag:s18] =	ssyncadd.s32 $0xFFFFF800  }
0x6a: {  	[hbm:s11], [sflag:s21] =	dma.local [spmem:s29], $0x800  }
0x6b: {  	_ =	swait.ge [sflag:s18], $0x800  }
0x6c: {  	[sflag:s18] =	ssyncset.done $0x0  }
0x6d: {  	s30 =	sshrl.u32 s7, $0x3;
	[sflag:s18] =	ssyncadd.s32 $0xFFFFF800  }
0x6e: {  	[hbm:s12], [sflag:s21] =	dma.local [spmem:s30], $0x800  }
0x6f: {  	s20 =	sadd.s32 $0x1, s20;
	_ =	swait.ge [sflag:s18], $0x800  }
0x70: {  	p0 =	sne.s32 s20, s14;
	[sflag:s18] =	ssyncset.done $0x0  }
.Ltmp2:
0x71: {  	s31 =	sshrl.u32 s8, $0x3;
	[sflag:s18] =	ssyncadd.s32 $0xFFFFF800;
	(pc) =	sbr.rel @p0 .LBB2_1-.Ltmp2, $4  }
0x72: {  	[hbm:s13], [sflag:s21] =	dma.local [spmem:s31], $0x800  }
0x73: {  	_ =	swait.ge [sflag:s18], $0x800  }
0x74: {  	[sflag:s18] =	ssyncset.done $0x0  }
0x75: {  	[sflag:s18] =	ssyncadd.s32 $0xFFFFF800  }
0x76: {  	_ =	sfence.sel $0x180000  }
0x77: {  	[bflag:$0x0] =	sbarrier.arrive $0xFFFF  }
0x78: {  	p0 =	sne.s32 s0, $0x0;
	_ =	strace $0x90000053  }
0x79: {  	s0 =	sadd.s32 @!p0 $0x100000, s1;
	[bflag:$0x2] =	sbarrier.arrive $0xFFFF  }
0x7a: {  	[sflag:s0] =	ssyncadd.tile.s32 @!p0 $0x1;
	_ =	shalt  }
.Lfunc_end2:
_tile_overlayer_lowered:
.L_overlay_start_2:
0x7b: {  	(tag) =	ssettag $0x2  }
0x7c: {  	s0 =	rddreg [dreg:$0x0];
	s2 =	stileid.u32  }
0x7d: {  	s1 =	rddreg [dreg:$0x1];
	p0 =	sne.s32 s2, $0x0  }
0x7e: {  	s3 =	rddreg [dreg:$0x2];
	[bflag:$0x3] =	sbarrier.arrive $0xFFFF;
	s2 =	simm.s32 @!p0 $0x1C01  }
0x7f: {  	[timem:s3], [sflag:s2] =	dma.local @!p0 [hbm:s0], s1  }
0x80: {  	s0 =	simm.s32 @!p0 $0x1  }
0x81: {  	_ =	swait.ge @!p0 [sflag:s0], s1  }
0x82: {  	s1 =	ssub.s32 @!p0 $0x0, s1;
	[sflag:s0] =	ssyncset.done @!p0 $0x0  }
0x83: {  	[sflag:s0] =	ssyncadd.s32 @!p0 s1  }
0x84: {  	[bflag:$0x3] =	sbarrier.arrive $0xFFFF  }
0x85: {  	_ =	shalt  }

</sc_bundles>
